<compile_context>
chip_gen: v7x
topology: tpu7x:2x2x1
jax: 0.10.2.dev20260603
libtpu: 0.0.44.dev20260713+nightly
codegen_flags: <defaults>
</compile_context>

<pallas_src>
import functools
import jax
import jax.numpy as jnp
from jax import lax
from jax.experimental import pallas as pl
from jax.experimental.pallas import tpu as pltpu
from jax.experimental.pallas import tpu_sc as plsc

NC = 2
NS = 16
PADR = 8
KCH = 13


def _p2_body(flow_ref, met_ref, idx_ref, w_ref, *, H, W, BH):
    i = pl.program_id(1)
    fx = flow_ref[0, 0]
    fy = flow_ref[0, 1]
    e = jnp.exp(met_ref[0, 0])
    yb = i * BH
    yi = lax.broadcasted_iota(jnp.int32, (BH, W), 0) + yb
    xi = lax.broadcasted_iota(jnp.int32, (BH, W), 1)
    yf = yi.astype(jnp.float32)
    xf = xi.astype(jnp.float32)
    Xp = xf + fx
    Yp = yf + fy
    x0 = jnp.floor(Xp)
    y0 = jnp.floor(Yp)
    x1 = x0 + 1.0
    y1 = y0 + 1.0
    w_nw = (x1 - Xp) * (y1 - Yp)
    w_ne = (Xp - x0) * (y1 - Yp)
    w_sw = (x1 - Xp) * (Yp - y0)
    w_se = (Xp - x0) * (Yp - y0)
    x0i = x0.astype(jnp.int32)
    y0i = y0.astype(jnp.int32)
    x1i = x0i + 1
    y1i = y0i + 1
    mx0 = ((x0i >= 0) & (x0i < W)).astype(jnp.float32)
    mx1 = ((x1i >= 0) & (x1i < W)).astype(jnp.float32)
    my0 = (y0i >= 0) & (y0i < H)
    my1 = (y1i >= 0) & (y1i < H)
    my0f = my0.astype(jnp.float32)
    my1f = my1.astype(jnp.float32)

    p = yi * W + xi
    dump = (p & 3) + 1

    act_n = my0 & (x0i >= -1) & (x0i <= W - 1)
    act_s = my1 & (x0i >= -1) & (x0i <= W - 1)
    idx_n = jnp.where(act_n, y0i * W + x0i + PADR, dump)
    idx_s = jnp.where(act_s, y1i * W + x0i + PADR, dump)

    idx_ref[0, 0] = idx_n
    idx_ref[0, 1] = idx_n + 1
    idx_ref[0, 2] = idx_s
    idx_ref[0, 3] = idx_s + 1
    w_ref[0, 0] = w_nw * (my0f * mx0) * e
    w_ref[0, 1] = w_ne * (my0f * mx1) * e
    w_ref[0, 2] = w_sw * (my1f * mx0) * e
    w_ref[0, 3] = w_se * (my1f * mx1) * e


def _make_sc_scatter(HW, G):
    R = HW + 2 * PADR
    PPT = HW // NS
    NGRP = PPT // G
    NSUB = G // 128
    ZR = 256
    ZN = (R // NS) // ZR
    ZREM = R // NS - ZN * ZR
    mesh = plsc.VectorSubcoreMesh(core_axis_name="c", subcore_axis_name="s")

    def body(v_hbm, vn_hbm, idx_hbm, w_hbm, z_hbm, out_hbm,
             acc, zbuf, vbuf, wbn, wbs, ibuf, sb,
             sem_in0, sem_in1, sem_sc0, sem_sc1, sem_z):
        c = lax.axis_index("c")
        s = lax.axis_index("s")
        sem_in = (sem_in0, sem_in1)
        sem_sc = (sem_sc0, sem_sc1)
        pltpu.sync_copy(z_hbm, zbuf)

        lanes = lax.iota(jnp.int32, 16)
        wpat = lanes >> 3
        cpat = lanes & 7
        base_p = s * PPT
        ib128 = s * (PPT // 128)

        @pl.loop(0, KCH)
        def _pass(k):
            pid = c * KCH + k

            z0 = s * (R // NS)
            for j in range(ZN):
                pltpu.async_copy(zbuf, acc.at[pl.ds(z0 + j * ZR, ZR), :], sem_z)
            if ZREM:
                pltpu.async_copy(zbuf.at[pl.ds(0, ZREM), :],
                                 acc.at[pl.ds(z0 + ZN * ZR, ZREM), :], sem_z)
            for j in range(ZN):
                pltpu.make_async_copy(zbuf, acc.at[pl.ds(z0 + j * ZR, ZR), :], sem_z).wait()
            if ZREM:
                pltpu.make_async_copy(zbuf.at[pl.ds(0, ZREM), :],
                                      acc.at[pl.ds(z0 + ZN * ZR, ZREM), :], sem_z).wait()
            plsc.subcore_barrier()

            def v_copy(g, st):
                p0 = base_p + g * G
                vpid = c * 12 + jnp.minimum(k, 11)
                return (v_hbm.at[vpid, :, pl.ds(p0, G)], vbuf.at[st])

            def in_copies(g, st):
                p0 = base_p + g * G
                return (
                    (w_hbm.at[c, 0, 0, pl.ds(p0, G)], wbn.at[st, pl.ds(0, G)]),
                    (w_hbm.at[c, 0, 1, pl.ds(p0, G)], wbn.at[st, pl.ds(G, G)]),
                    (w_hbm.at[c, 1, 0, pl.ds(p0, G)], wbs.at[st, pl.ds(0, G)]),
                    (w_hbm.at[c, 1, 1, pl.ds(p0, G)], wbs.at[st, pl.ds(G, G)]),
                )

            def fire_inputs(g, st):
                @pl.when(k < 12)
                def _():
                    src, dst = v_copy(g, st)
                    pltpu.async_copy(src, dst, sem_in[st])

                @pl.when(k == 12)
                def _():
                    p0 = base_p + g * G
                    pltpu.async_copy(vn_hbm.at[:, pl.ds(p0, G)],
                                     vbuf.at[st], sem_in[st])

                for src, dst in in_copies(g, st):
                    pltpu.async_copy(src, dst, sem_in[st])

            def wait_inputs(g, st):
                src, dst = v_copy(g, st)
                pltpu.make_async_copy(src, dst, sem_in[st]).wait()
                for src, dst in in_copies(g, st):
                    pltpu.make_async_copy(src, dst, sem_in[st]).wait()

            def sc_copies(st):
                return tuple(
                    (sb.at[st, cell, pl.ds(j * 128, 128), :],
                     acc.at[ibuf.at[st, cell, j]])
                    for cell in range(4) for j in range(NSUB))

            def fire_scatters(st):
                for src, dst in sc_copies(st):
                    pltpu.async_copy(src, dst, sem_sc[st], add=True)

            def drain_scatters(st):
                for src, dst in sc_copies(st):
                    pltpu.make_async_copy(src, dst, sem_sc[st]).wait()

            fire_inputs(0, 0)
            fire_inputs(1, 1)

            @pl.loop(0, NGRP // 2)
            def _gg(gg):
                for st in (0, 1):
                    g = gg * 2 + st

                    @pl.when(gg > 0)
                    def _():
                        drain_scatters(st)

                    pltpu.sync_copy(
                        idx_hbm.at[c, :, pl.ds(ib128 + g * NSUB, NSUB), :],
                        ibuf.at[st])
                    wait_inputs(g, st)

                    @pl.loop(0, G // 2, unroll=4)
                    def _pair(q):
                        q2 = q * 2
                        wi0 = q2 + wpat
                        v2 = plsc.load_gather(vbuf.at[st], [cpat, wi0])
                        wn0 = plsc.load_gather(wbn.at[st], [wi0])
                        wn1 = plsc.load_gather(wbn.at[st], [wi0 + G])
                        ws0 = plsc.load_gather(wbs.at[st], [wi0])
                        ws1 = plsc.load_gather(wbs.at[st], [wi0 + G])
                        plsc.store_scatter(sb.at[st, 0], [wi0, cpat], v2 * wn0)
                        plsc.store_scatter(sb.at[st, 1], [wi0, cpat], v2 * wn1)
                        plsc.store_scatter(sb.at[st, 2], [wi0, cpat], v2 * ws0)
                        plsc.store_scatter(sb.at[st, 3], [wi0, cpat], v2 * ws1)

                    @pl.when(gg < NGRP // 2 - 1)
                    def _():
                        fire_inputs(g + 2, st)

                    fire_scatters(st)

            drain_scatters(0)
            drain_scatters(1)
            plsc.subcore_barrier()
            orow = s * PPT
            pltpu.sync_copy(acc.at[pl.ds(PADR + orow, PPT), :],
                            out_hbm.at[pid, pl.ds(orow, PPT), :])
            plsc.subcore_barrier()

    return pl.kernel(
        body,
        out_type=jax.ShapeDtypeStruct((NC * KCH, HW, 8), jnp.float32),
        mesh=mesh,
        compiler_params=pltpu.CompilerParams(
            needs_layout_passes=False, use_tc_tiling_on_sc=False),
        scratch_types=[
            pltpu.VMEM_SHARED((R, 8), jnp.float32),
            pltpu.VMEM((256, 8), jnp.float32),
            pltpu.VMEM((2, 8, G), jnp.float32),
            pltpu.VMEM((2, 2 * G), jnp.float32),
            pltpu.VMEM((2, 2 * G), jnp.float32),
            pltpu.VMEM((2, 4, NSUB, 128), jnp.int32),
            pltpu.VMEM((2, 4, G, 8), jnp.float32),
            pltpu.SemaphoreType.DMA,
            pltpu.SemaphoreType.DMA,
            pltpu.SemaphoreType.DMA,
            pltpu.SemaphoreType.DMA,
            pltpu.SemaphoreType.DMA,
        ],
    )


def _p3_body(num_ref, nrm_ref, out_ref):
    nrm = nrm_ref[0, 0, :, 0:1]
    out_ref[...] = num_ref[...] / (nrm[None, None] + 1e-22)


def kernel(tenInput, tenFlow, tenMetric):
    N, C, H, W = tenInput.shape
    HW = H * W
    BP = 512
    BH = 8
    G = 512

    idx, wpl = pl.pallas_call(
        functools.partial(_p2_body, H=H, W=W, BH=BH),
        grid=(N, H // BH),
        in_specs=[
            pl.BlockSpec((1, 2, BH, W), lambda n, i: (n, 0, i, 0)),
            pl.BlockSpec((1, 1, BH, W), lambda n, i: (n, 0, i, 0)),
        ],
        out_specs=[
            pl.BlockSpec((1, 4, BH, W), lambda n, i: (n, 0, i, 0)),
            pl.BlockSpec((1, 4, BH, W), lambda n, i: (n, 0, i, 0)),
        ],
        out_shape=[
            jax.ShapeDtypeStruct((N, 4, H, W), jnp.int32),
            jax.ShapeDtypeStruct((N, 4, H, W), jnp.float32),
        ],
    )(tenFlow, tenMetric)

    v24 = tenInput.reshape(N * 12, 8, HW)
    vnorm = jnp.zeros((8, HW), jnp.float32).at[0, :].set(1.0)

    idx_r = idx.reshape(N, 4, HW // 128, 128)
    wpl_r = wpl.reshape(N, 2, 2, HW)
    zeros = jnp.zeros((256, 8), jnp.float32)

    sc = _make_sc_scatter(HW, G)
    out26 = sc(v24, vnorm, idx_r, wpl_r, zeros)

    o4 = out26.reshape(N, KCH, HW, 8)
    d = pl.pallas_call(
        _p3_body,
        grid=(N, HW // BP),
        in_specs=[
            pl.BlockSpec((1, 12, BP, 8), lambda n, j: (n, 0, j, 0)),
            pl.BlockSpec((1, 1, BP, 8), lambda n, j: (n, 12, j, 0)),
        ],
        out_specs=pl.BlockSpec((1, 12, BP, 8), lambda n, j: (n, 0, j, 0)),
        out_shape=jax.ShapeDtypeStruct((N, 12, HW, 8), jnp.float32),
    )(o4, o4)

    return d.transpose(0, 1, 3, 2).reshape(N, C, H, W)

# --- scband reference (transcript-rebuilt; emitter-appended) ---
"""Pipeline reference for scband-module-softsplat-34041910788554 (READ-ONLY COPY).

The authoritative reference and input builder live on the scoring server;
editing this copy changes nothing except your own understanding.
"""

import jax, jax.numpy as jnp
import numpy as np


def setup_inputs(seed: int = 0) -> dict:
    key = jax.random.key(seed)
    k1, k2, k3 = jax.random.split(key, 3)
    tenInput = jax.random.normal(k1, (2, 96, 384, 384), dtype=jnp.float32)
    tenFlow = jax.random.normal(k2, (2, 2, 384, 384), dtype=jnp.float32)
    tenMetric = jax.random.normal(k3, (2, 1, 384, 384), dtype=jnp.float32)
    return {"tenInput": tenInput, "tenFlow": tenFlow, "tenMetric": tenMetric}


def _softsplat(inp, flow):
    N, C, H, W = inp.shape
    dtype = inp.dtype
    y_grid = jnp.arange(H, dtype=dtype).reshape(1, 1, H, 1)
    x_grid = jnp.arange(W, dtype=dtype).reshape(1, 1, 1, W)
    Xp = x_grid + flow[:, 0:1]  # (N,1,H,W)
    Yp = y_grid + flow[:, 1:2]
    x0 = jnp.floor(Xp)
    y0 = jnp.floor(Yp)
    x1 = x0 + 1.0
    y1 = y0 + 1.0
    w_nw = (x1 - Xp) * (y1 - Yp)
    w_ne = (Xp - x0) * (y1 - Yp)
    w_sw = (x1 - Xp) * (Yp - y0)
    w_se = (Xp - x0) * (Yp - y0)
    x0i = x0.astype(jnp.int32)
    y0i = y0.astype(jnp.int32)
    x1i = x1.astype(jnp.int32)
    y1i = y1.astype(jnp.int32)

    def bounds_mask(yy, xx):
        return ((xx >= 0) & (xx < W) & (yy >= 0) & (yy < H)).astype(dtype)

    n_idx = jnp.arange(N, dtype=jnp.int32).reshape(N, 1, 1, 1)
    c_idx = jnp.arange(C, dtype=jnp.int32).reshape(1, C, 1, 1)

    def flat_idx(yy, xx):
        yyc = jnp.clip(yy, 0, H - 1)
        xxc = jnp.clip(xx, 0, W - 1)
        idx = ((n_idx * C + c_idx) * H + yyc) * W + xxc  # broadcast (N,C,H,W)
        return jnp.broadcast_to(idx, (N, C, H, W)).reshape(-1)

    out = jnp.zeros(N * C * H * W, dtype=dtype)
    for (yy, xx, w) in ((y0i, x0i, w_nw), (y0i, x1i, w_ne), (y1i, x0i, w_sw), (y1i, x1i, w_se)):
        m = bounds_mask(yy, xx)
        vals = (inp * w * m).reshape(-1)
        out = out.at[flat_idx(yy, xx)].add(vals)
    return out.reshape(N, C, H, W)


def reference(tenInput, tenFlow, tenMetric):
    # strType == 'softmax'
    e = jnp.exp(tenMetric)
    inp = jnp.concatenate([tenInput * e, e], axis=1)
    tenOutput = _softsplat(inp, tenFlow)
    tenNormalize = tenOutput[:, -1:, :, :]
    tenOutput = tenOutput[:, :-1, :, :] / (tenNormalize + 1e-22)
    return tenOutput

if __name__ == "__main__":
    import jax
    _d = setup_inputs()
    print(jax.jit(kernel)(*tuple(_d.values())))

</pallas_src>

<mosaic_0001>
#map = affine_map<(d0, d1) -> (0, 0, 0)>
#map1 = affine_map<(d0, d1) -> (0, 0)>
#map2 = affine_map<(d0, d1) -> (0, 0, 0, 0)>
module attributes {stable_mosaic.version = 14 : i64} {
  func.func @body(%arg0: i32, %arg1: i32, %arg2: memref<24x8x147456xf32, #tpu.memory_space<hbm>>, %arg3: memref<8x147456xf32, #tpu.memory_space<hbm>>, %arg4: memref<2x4x1152x128xi32, #tpu.memory_space<hbm>>, %arg5: memref<2x2x2x147456xf32, #tpu.memory_space<hbm>>, %arg6: memref<256x8xf32, #tpu.memory_space<hbm>>, %arg7: memref<26x147456x8xf32, #tpu.memory_space<hbm>>, %arg8: memref<147472x8xf32, #tpu.memory_space<vmem_shared>>, %arg9: memref<256x8xf32, #tpu.memory_space<vmem>>, %arg10: memref<2x8x512xf32, #tpu.memory_space<vmem>>, %arg11: memref<2x1024xf32, #tpu.memory_space<vmem>>, %arg12: memref<2x1024xf32, #tpu.memory_space<vmem>>, %arg13: memref<2x4x4x128xi32, #tpu.memory_space<vmem>>, %arg14: memref<2x4x512x8xf32, #tpu.memory_space<vmem>>, %arg15: memref<!tpu.dma_semaphore, #tpu.memory_space<semaphore_mem>>, %arg16: memref<!tpu.dma_semaphore, #tpu.memory_space<semaphore_mem>>, %arg17: memref<!tpu.dma_semaphore, #tpu.memory_space<semaphore_mem>>, %arg18: memref<!tpu.dma_semaphore, #tpu.memory_space<semaphore_mem>>, %arg19: memref<!tpu.dma_semaphore, #tpu.memory_space<semaphore_mem>>) attributes {dimension_semantics = [#tpu.dimension_semantics<core_parallel>, #tpu.dimension_semantics<subcore_parallel>], iteration_bounds = array<i64: 2, 16>, scalar_prefetch = 0 : i64, scratch_operands = 12 : i64, tpu.core_type = #tpu.core_type<sc_vector_subcore>, window_params = [{transform_indices = #map}, {transform_indices = #map1}, {transform_indices = #map2}, {transform_indices = #map2}, {transform_indices = #map1}, {transform_indices = #map}]} {
    "tpu.region"() ({
      %run_scoped3A = tpu.sem_alloc : memref<!tpu.dma_semaphore, #tpu.memory_space<semaphore_mem>>
      tpu.enqueue_dma source(%arg6 : memref<256x8xf32, #tpu.memory_space<hbm>>) target(%arg9 : memref<256x8xf32, #tpu.memory_space<vmem>>) target_semaphore(%run_scoped3A : memref<!tpu.dma_semaphore, #tpu.memory_space<semaphore_mem>>)
      tpu.wait_dma2 semaphore(%run_scoped3A : memref<!tpu.dma_semaphore, #tpu.memory_space<semaphore_mem>>) src(%arg6 : memref<256x8xf32, #tpu.memory_space<hbm>>) dst(%arg9 : memref<256x8xf32, #tpu.memory_space<vmem>>)
      tpu.yield
    }) : () -> ()
    %iota3A = tpu.iota {dimensions = array<i32: 0>} : vector<16xi32>
    %shift_right_arithmetic3A = arith.constant 3 : i32
    %shift_right_arithmetic3A_0 = vector.broadcast %shift_right_arithmetic3A : i32 to vector<16xi32>
    %shift_right_arithmetic3A_1 = arith.shrsi %iota3A, %shift_right_arithmetic3A_0 : vector<16xi32>
    %and3A = arith.constant 7 : i32
    %and3A_2 = vector.broadcast %and3A : i32 to vector<16xi32>
    %and3A_3 = arith.andi %iota3A, %and3A_2 : vector<16xi32>
    %mul3A = arith.constant 9216 : i32
    %mul3A_4 = arith.muli %arg1, %mul3A : i32
    %mul3A_5 = arith.constant 72 : i32
    %mul3A_6 = arith.muli %arg1, %mul3A_5 : i32
    %scan3A = arith.constant 0 : i32
    %scan3A_7 = arith.constant 13 : i32
    %scan3A_8 = arith.addi %scan3A, %scan3A_7 : i32
    %scan3A_9 = arith.constant 1 : i32
    scf.for %scan3A_11 = %scan3A to %scan3A_8 step %scan3A_9  : i32 {
      %mul3A_12 = arith.constant 1 : i32
      %mul3A_13 = arith.muli %scan3A_11, %mul3A_12 : i32
      %add3A = arith.constant 0 : i32
      %add3A_14 = arith.addi %add3A, %mul3A_13 : i32
      %mul3A_15 = arith.constant 13 : i32
      %mul3A_16 = arith.muli %arg0, %mul3A_15 : i32
      %add3A_17 = arith.addi %mul3A_16, %add3A_14 : i32
      %mul3A_18 = arith.constant 9217 : i32
      %mul3A_19 = arith.muli %arg1, %mul3A_18 : i32
      %add3A_20 = arith.constant 0 : i32
      %add3A_21 = arith.addi %mul3A_19, %add3A_20 : i32
      %dma_start3A = arith.constant 0 : i32
      %dma_start3A_22 = tpu.memref_slice %arg8[%add3A_21, %dma_start3A] : memref<147472x8xf32, #tpu.memory_space<vmem_shared>> -> memref<256x8xf32, #tpu.memory_space<vmem_shared>>
      %dma_start3A_23 = arith.constant 0 : i32
      %dma_start3A_24 = tpu.memref_slice %arg8[%add3A_21, %dma_start3A_23] : memref<147472x8xf32, #tpu.memory_space<vmem_shared>> -> memref<256x8xf32, #tpu.memory_space<vmem_shared>>
      tpu.enqueue_dma source(%arg9 : memref<256x8xf32, #tpu.memory_space<vmem>>) target(%dma_start3A_24 : memref<256x8xf32, #tpu.memory_space<vmem_shared>>) target_semaphore(%arg19 : memref<!tpu.dma_semaphore, #tpu.memory_space<semaphore_mem>>)
      %add3A_25 = arith.constant 256 : i32
      %add3A_26 = arith.addi %mul3A_19, %add3A_25 : i32
      %dma_start3A_27 = arith.constant 0 : i32
      %dma_start3A_28 = tpu.memref_slice %arg8[%add3A_26, %dma_start3A_27] : memref<147472x8xf32, #tpu.memory_space<vmem_shared>> -> memref<256x8xf32, #tpu.memory_space<vmem_shared>>
      %dma_start3A_29 = arith.constant 0 : i32
      %dma_start3A_30 = tpu.memref_slice %arg8[%add3A_26, %dma_start3A_29] : memref<147472x8xf32, #tpu.memory_space<vmem_shared>> -> memref<256x8xf32, #tpu.memory_space<vmem_shared>>
      tpu.enqueue_dma source(%arg9 : memref<256x8xf32, #tpu.memory_space<vmem>>) target(%dma_start3A_30 : memref<256x8xf32, #tpu.memory_space<vmem_shared>>) target_semaphore(%arg19 : memref<!tpu.dma_semaphore, #tpu.memory_space<semaphore_mem>>)
      %add3A_31 = arith.constant 512 : i32
      %add3A_32 = arith.addi %mul3A_19, %add3A_31 : i32
      %dma_start3A_33 = arith.constant 0 : i32
      %dma_start3A_34 = tpu.memref_slice %arg8[%add3A_32, %dma_start3A_33] : memref<147472x8xf32, #tpu.memory_space<vmem_shared>> -> memref<256x8xf32, #tpu.memory_space<vmem_shared>>
      %dma_start3A_35 = arith.constant 0 : i32
      %dma_start3A_36 = tpu.memref_slice %arg8[%add3A_32, %dma_start3A_35] : memref<147472x8xf32, #tpu.memory_space<vmem_shared>> -> memref<256x8xf32, #tpu.memory_space<vmem_shared>>
      tpu.enqueue_dma source(%arg9 : memref<256x8xf32, #tpu.memory_space<vmem>>) target(%dma_start3A_36 : memref<256x8xf32, #tpu.memory_space<vmem_shared>>) target_semaphore(%arg19 : memref<!tpu.dma_semaphore, #tpu.memory_space<semaphore_mem>>)
      %add3A_37 = arith.constant 768 : i32
      %add3A_38 = arith.addi %mul3A_19, %add3A_37 : i32
      %dma_start3A_39 = arith.constant 0 : i32
      %dma_start3A_40 = tpu.memref_slice %arg8[%add3A_38, %dma_start3A_39] : memref<147472x8xf32, #tpu.memory_space<vmem_shared>> -> memref<256x8xf32, #tpu.memory_space<vmem_shared>>
      %dma_start3A_41 = arith.constant 0 : i32
      %dma_start3A_42 = tpu.memref_slice %arg8[%add3A_38, %dma_start3A_41] : memref<147472x8xf32, #tpu.memory_space<vmem_shared>> -> memref<256x8xf32, #tpu.memory_space<vmem_shared>>
      tpu.enqueue_dma source(%arg9 : memref<256x8xf32, #tpu.memory_space<vmem>>) target(%dma_start3A_42 : memref<256x8xf32, #tpu.memory_space<vmem_shared>>) target_semaphore(%arg19 : memref<!tpu.dma_semaphore, #tpu.memory_space<semaphore_mem>>)
      %add3A_43 = arith.constant 1024 : i32
      %add3A_44 = arith.addi %mul3A_19, %add3A_43 : i32
      %dma_start3A_45 = arith.constant 0 : i32
      %dma_start3A_46 = tpu.memref_slice %arg8[%add3A_44, %dma_start3A_45] : memref<147472x8xf32, #tpu.memory_space<vmem_shared>> -> memref<256x8xf32, #tpu.memory_space<vmem_shared>>
      %dma_start3A_47 = arith.constant 0 : i32
      %dma_start3A_48 = tpu.memref_slice %arg8[%add3A_44, %dma_start3A_47] : memref<147472x8xf32, #tpu.memory_space<vmem_shared>> -> memref<256x8xf32, #tpu.memory_space<vmem_shared>>
      tpu.enqueue_dma source(%arg9 : memref<256x8xf32, #tpu.memory_space<vmem>>) target(%dma_start3A_48 : memref<256x8xf32, #tpu.memory_space<vmem_shared>>) target_semaphore(%arg19 : memref<!tpu.dma_semaphore, #tpu.memory_space<semaphore_mem>>)
      %add3A_49 = arith.constant 1280 : i32
      %add3A_50 = arith.addi %mul3A_19, %add3A_49 : i32
      %dma_start3A_51 = arith.constant 0 : i32
      %dma_start3A_52 = tpu.memref_slice %arg8[%add3A_50, %dma_start3A_51] : memref<147472x8xf32, #tpu.memory_space<vmem_shared>> -> memref<256x8xf32, #tpu.memory_space<vmem_shared>>
      %dma_start3A_53 = arith.constant 0 : i32
      %dma_start3A_54 = tpu.memref_slice %arg8[%add3A_50, %dma_start3A_53] : memref<147472x8xf32, #tpu.memory_space<vmem_shared>> -> memref<256x8xf32, #tpu.memory_space<vmem_shared>>
      tpu.enqueue_dma source(%arg9 : memref<256x8xf32, #tpu.memory_space<vmem>>) target(%dma_start3A_54 : memref<256x8xf32, #tpu.memory_space<vmem_shared>>) target_semaphore(%arg19 : memref<!tpu.dma_semaphore, #tpu.memory_space<semaphore_mem>>)
      %add3A_55 = arith.constant 1536 : i32
      %add3A_56 = arith.addi %mul3A_19, %add3A_55 : i32
      %dma_start3A_57 = arith.constant 0 : i32
      %dma_start3A_58 = tpu.memref_slice %arg8[%add3A_56, %dma_start3A_57] : memref<147472x8xf32, #tpu.memory_space<vmem_shared>> -> memref<256x8xf32, #tpu.memory_space<vmem_shared>>
      %dma_start3A_59 = arith.constant 0 : i32
      %dma_start3A_60 = tpu.memref_slice %arg8[%add3A_56, %dma_start3A_59] : memref<147472x8xf32, #tpu.memory_space<vmem_shared>> -> memref<256x8xf32, #tpu.memory_space<vmem_shared>>
      tpu.enqueue_dma source(%arg9 : memref<256x8xf32, #tpu.memory_space<vmem>>) target(%dma_start3A_60 : memref<256x8xf32, #tpu.memory_space<vmem_shared>>) target_semaphore(%arg19 : memref<!tpu.dma_semaphore, #tpu.memory_space<semaphore_mem>>)
      %add3A_61 = arith.constant 1792 : i32
      %add3A_62 = arith.addi %mul3A_19, %add3A_61 : i32
      %dma_start3A_63 = arith.constant 0 : i32
      %dma_start3A_64 = tpu.memref_slice %arg8[%add3A_62, %dma_start3A_63] : memref<147472x8xf32, #tpu.memory_space<vmem_shared>> -> memref<256x8xf32, #tpu.memory_space<vmem_shared>>
      %dma_start3A_65 = arith.constant 0 : i32
      %dma_start3A_66 = tpu.memref_slice %arg8[%add3A_62, %dma_start3A_65] : memref<147472x8xf32, #tpu.memory_space<vmem_shared>> -> memref<256x8xf32, #tpu.memory_space<vmem_shared>>
      tpu.enqueue_dma source(%arg9 : memref<256x8xf32, #tpu.memory_space<vmem>>) target(%dma_start3A_66 : memref<256x8xf32, #tpu.memory_space<vmem_shared>>) target_semaphore(%arg19 : memref<!tpu.dma_semaphore, #tpu.memory_space<semaphore_mem>>)
      %add3A_67 = arith.constant 2048 : i32
      %add3A_68 = arith.addi %mul3A_19, %add3A_67 : i32
      %dma_start3A_69 = arith.constant 0 : i32
      %dma_start3A_70 = tpu.memref_slice %arg8[%add3A_68, %dma_start3A_69] : memref<147472x8xf32, #tpu.memory_space<vmem_shared>> -> memref<256x8xf32, #tpu.memory_space<vmem_shared>>
      %dma_start3A_71 = arith.constant 0 : i32
      %dma_start3A_72 = tpu.memref_slice %arg8[%add3A_68, %dma_start3A_71] : memref<147472x8xf32, #tpu.memory_space<vmem_shared>> -> memref<256x8xf32, #tpu.memory_space<vmem_shared>>
      tpu.enqueue_dma source(%arg9 : memref<256x8xf32, #tpu.memory_space<vmem>>) target(%dma_start3A_72 : memref<256x8xf32, #tpu.memory_space<vmem_shared>>) target_semaphore(%arg19 : memref<!tpu.dma_semaphore, #tpu.memory_space<semaphore_mem>>)
      %add3A_73 = arith.constant 2304 : i32
      %add3A_74 = arith.addi %mul3A_19, %add3A_73 : i32
      %dma_start3A_75 = arith.constant 0 : i32
      %dma_start3A_76 = tpu.memref_slice %arg8[%add3A_74, %dma_start3A_75] : memref<147472x8xf32, #tpu.memory_space<vmem_shared>> -> memref<256x8xf32, #tpu.memory_space<vmem_shared>>
      %dma_start3A_77 = arith.constant 0 : i32
      %dma_start3A_78 = tpu.memref_slice %arg8[%add3A_74, %dma_start3A_77] : memref<147472x8xf32, #tpu.memory_space<vmem_shared>> -> memref<256x8xf32, #tpu.memory_space<vmem_shared>>
      tpu.enqueue_dma source(%arg9 : memref<256x8xf32, #tpu.memory_space<vmem>>) target(%dma_start3A_78 : memref<256x8xf32, #tpu.memory_space<vmem_shared>>) target_semaphore(%arg19 : memref<!tpu.dma_semaphore, #tpu.memory_space<semaphore_mem>>)
      %add3A_79 = arith.constant 2560 : i32
      %add3A_80 = arith.addi %mul3A_19, %add3A_79 : i32
      %dma_start3A_81 = arith.constant 0 : i32
      %dma_start3A_82 = tpu.memref_slice %arg8[%add3A_80, %dma_start3A_81] : memref<147472x8xf32, #tpu.memory_space<vmem_shared>> -> memref<256x8xf32, #tpu.memory_space<vmem_shared>>
      %dma_start3A_83 = arith.constant 0 : i32
      %dma_start3A_84 = tpu.memref_slice %arg8[%add3A_80, %dma_start3A_83] : memref<147472x8xf32, #tpu.memory_space<vmem_shared>> -> memref<256x8xf32, #tpu.memory_space<vmem_shared>>
      tpu.enqueue_dma source(%arg9 : memref<256x8xf32, #tpu.memory_space<vmem>>) target(%dma_start3A_84 : memref<256x8xf32, #tpu.memory_space<vmem_shared>>) target_semaphore(%arg19 : memref<!tpu.dma_semaphore, #tpu.memory_space<semaphore_mem>>)
      %add3A_85 = arith.constant 2816 : i32
      %add3A_86 = arith.addi %mul3A_19, %add3A_85 : i32
      %dma_start3A_87 = arith.constant 0 : i32
      %dma_start3A_88 = tpu.memref_slice %arg8[%add3A_86, %dma_start3A_87] : memref<147472x8xf32, #tpu.memory_space<vmem_shared>> -> memref<256x8xf32, #tpu.memory_space<vmem_shared>>
      %dma_start3A_89 = arith.constant 0 : i32
      %dma_start3A_90 = tpu.memref_slice %arg8[%add3A_86, %dma_start3A_89] : memref<147472x8xf32, #tpu.memory_space<vmem_shared>> -> memref<256x8xf32, #tpu.memory_space<vmem_shared>>
      tpu.enqueue_dma source(%arg9 : memref<256x8xf32, #tpu.memory_space<vmem>>) target(%dma_start3A_90 : memref<256x8xf32, #tpu.memory_space<vmem_shared>>) target_semaphore(%arg19 : memref<!tpu.dma_semaphore, #tpu.memory_space<semaphore_mem>>)
      %add3A_91 = arith.constant 3072 : i32
      %add3A_92 = arith.addi %mul3A_19, %add3A_91 : i32
      %dma_start3A_93 = arith.constant 0 : i32
      %dma_start3A_94 = tpu.memref_slice %arg8[%add3A_92, %dma_start3A_93] : memref<147472x8xf32, #tpu.memory_space<vmem_shared>> -> memref<256x8xf32, #tpu.memory_space<vmem_shared>>
      %dma_start3A_95 = arith.constant 0 : i32
      %dma_start3A_96 = tpu.memref_slice %arg8[%add3A_92, %dma_start3A_95] : memref<147472x8xf32, #tpu.memory_space<vmem_shared>> -> memref<256x8xf32, #tpu.memory_space<vmem_shared>>
      tpu.enqueue_dma source(%arg9 : memref<256x8xf32, #tpu.memory_space<vmem>>) target(%dma_start3A_96 : memref<256x8xf32, #tpu.memory_space<vmem_shared>>) target_semaphore(%arg19 : memref<!tpu.dma_semaphore, #tpu.memory_space<semaphore_mem>>)
      %add3A_97 = arith.constant 3328 : i32
      %add3A_98 = arith.addi %mul3A_19, %add3A_97 : i32
      %dma_start3A_99 = arith.constant 0 : i32
      %dma_start3A_100 = tpu.memref_slice %arg8[%add3A_98, %dma_start3A_99] : memref<147472x8xf32, #tpu.memory_space<vmem_shared>> -> memref<256x8xf32, #tpu.memory_space<vmem_shared>>
      %dma_start3A_101 = arith.constant 0 : i32
      %dma_start3A_102 = tpu.memref_slice %arg8[%add3A_98, %dma_start3A_101] : memref<147472x8xf32, #tpu.memory_space<vmem_shared>> -> memref<256x8xf32, #tpu.memory_space<vmem_shared>>
      tpu.enqueue_dma source(%arg9 : memref<256x8xf32, #tpu.memory_space<vmem>>) target(%dma_start3A_102 : memref<256x8xf32, #tpu.memory_space<vmem_shared>>) target_semaphore(%arg19 : memref<!tpu.dma_semaphore, #tpu.memory_space<semaphore_mem>>)
      %add3A_103 = arith.constant 3584 : i32
      %add3A_104 = arith.addi %mul3A_19, %add3A_103 : i32
      %dma_start3A_105 = arith.constant 0 : i32
      %dma_start3A_106 = tpu.memref_slice %arg8[%add3A_104, %dma_start3A_105] : memref<147472x8xf32, #tpu.memory_space<vmem_shared>> -> memref<256x8xf32, #tpu.memory_space<vmem_shared>>
      %dma_start3A_107 = arith.constant 0 : i32
      %dma_start3A_108 = tpu.memref_slice %arg8[%add3A_104, %dma_start3A_107] : memref<147472x8xf32, #tpu.memory_space<vmem_shared>> -> memref<256x8xf32, #tpu.memory_space<vmem_shared>>
      tpu.enqueue_dma source(%arg9 : memref<256x8xf32, #tpu.memory_space<vmem>>) target(%dma_start3A_108 : memref<256x8xf32, #tpu.memory_space<vmem_shared>>) target_semaphore(%arg19 : memref<!tpu.dma_semaphore, #tpu.memory_space<semaphore_mem>>)
      %add3A_109 = arith.constant 3840 : i32
      %add3A_110 = arith.addi %mul3A_19, %add3A_109 : i32
      %dma_start3A_111 = arith.constant 0 : i32
      %dma_start3A_112 = tpu.memref_slice %arg8[%add3A_110, %dma_start3A_111] : memref<147472x8xf32, #tpu.memory_space<vmem_shared>> -> memref<256x8xf32, #tpu.memory_space<vmem_shared>>
      %dma_start3A_113 = arith.constant 0 : i32
      %dma_start3A_114 = tpu.memref_slice %arg8[%add3A_110, %dma_start3A_113] : memref<147472x8xf32, #tpu.memory_space<vmem_shared>> -> memref<256x8xf32, #tpu.memory_space<vmem_shared>>
      tpu.enqueue_dma source(%arg9 : memref<256x8xf32, #tpu.memory_space<vmem>>) target(%dma_start3A_114 : memref<256x8xf32, #tpu.memory_space<vmem_shared>>) target_semaphore(%arg19 : memref<!tpu.dma_semaphore, #tpu.memory_space<semaphore_mem>>)
      %add3A_115 = arith.constant 4096 : i32
      %add3A_116 = arith.addi %mul3A_19, %add3A_115 : i32
      %dma_start3A_117 = arith.constant 0 : i32
      %dma_start3A_118 = tpu.memref_slice %arg8[%add3A_116, %dma_start3A_117] : memref<147472x8xf32, #tpu.memory_space<vmem_shared>> -> memref<256x8xf32, #tpu.memory_space<vmem_shared>>
      %dma_start3A_119 = arith.constant 0 : i32
      %dma_start3A_120 = tpu.memref_slice %arg8[%add3A_116, %dma_start3A_119] : memref<147472x8xf32, #tpu.memory_space<vmem_shared>> -> memref<256x8xf32, #tpu.memory_space<vmem_shared>>
      tpu.enqueue_dma source(%arg9 : memref<256x8xf32, #tpu.memory_space<vmem>>) target(%dma_start3A_120 : memref<256x8xf32, #tpu.memory_space<vmem_shared>>) target_semaphore(%arg19 : memref<!tpu.dma_semaphore, #tpu.memory_space<semaphore_mem>>)
      %add3A_121 = arith.constant 4352 : i32
      %add3A_122 = arith.addi %mul3A_19, %add3A_121 : i32
      %dma_start3A_123 = arith.constant 0 : i32
      %dma_start3A_124 = tpu.memref_slice %arg8[%add3A_122, %dma_start3A_123] : memref<147472x8xf32, #tpu.memory_space<vmem_shared>> -> memref<256x8xf32, #tpu.memory_space<vmem_shared>>
      %dma_start3A_125 = arith.constant 0 : i32
      %dma_start3A_126 = tpu.memref_slice %arg8[%add3A_122, %dma_start3A_125] : memref<147472x8xf32, #tpu.memory_space<vmem_shared>> -> memref<256x8xf32, #tpu.memory_space<vmem_shared>>
      tpu.enqueue_dma source(%arg9 : memref<256x8xf32, #tpu.memory_space<vmem>>) target(%dma_start3A_126 : memref<256x8xf32, #tpu.memory_space<vmem_shared>>) target_semaphore(%arg19 : memref<!tpu.dma_semaphore, #tpu.memory_space<semaphore_mem>>)
      %add3A_127 = arith.constant 4608 : i32
      %add3A_128 = arith.addi %mul3A_19, %add3A_127 : i32
      %dma_start3A_129 = arith.constant 0 : i32
      %dma_start3A_130 = tpu.memref_slice %arg8[%add3A_128, %dma_start3A_129] : memref<147472x8xf32, #tpu.memory_space<vmem_shared>> -> memref<256x8xf32, #tpu.memory_space<vmem_shared>>
      %dma_start3A_131 = arith.constant 0 : i32
      %dma_start3A_132 = tpu.memref_slice %arg8[%add3A_128, %dma_start3A_131] : memref<147472x8xf32, #tpu.memory_space<vmem_shared>> -> memref<256x8xf32, #tpu.memory_space<vmem_shared>>
      tpu.enqueue_dma source(%arg9 : memref<256x8xf32, #tpu.memory_space<vmem>>) target(%dma_start3A_132 : memref<256x8xf32, #tpu.memory_space<vmem_shared>>) target_semaphore(%arg19 : memref<!tpu.dma_semaphore, #tpu.memory_space<semaphore_mem>>)
      %add3A_133 = arith.constant 4864 : i32
      %add3A_134 = arith.addi %mul3A_19, %add3A_133 : i32
      %dma_start3A_135 = arith.constant 0 : i32
      %dma_start3A_136 = tpu.memref_slice %arg8[%add3A_134, %dma_start3A_135] : memref<147472x8xf32, #tpu.memory_space<vmem_shared>> -> memref<256x8xf32, #tpu.memory_space<vmem_shared>>
      %dma_start3A_137 = arith.constant 0 : i32
      %dma_start3A_138 = tpu.memref_slice %arg8[%add3A_134, %dma_start3A_137] : memref<147472x8xf32, #tpu.memory_space<vmem_shared>> -> memref<256x8xf32, #tpu.memory_space<vmem_shared>>
      tpu.enqueue_dma source(%arg9 : memref<256x8xf32, #tpu.memory_space<vmem>>) target(%dma_start3A_138 : memref<256x8xf32, #tpu.memory_space<vmem_shared>>) target_semaphore(%arg19 : memref<!tpu.dma_semaphore, #tpu.memory_space<semaphore_mem>>)
      %add3A_139 = arith.constant 5120 : i32
      %add3A_140 = arith.addi %mul3A_19, %add3A_139 : i32
      %dma_start3A_141 = arith.constant 0 : i32
      %dma_start3A_142 = tpu.memref_slice %arg8[%add3A_140, %dma_start3A_141] : memref<147472x8xf32, #tpu.memory_space<vmem_shared>> -> memref<256x8xf32, #tpu.memory_space<vmem_shared>>
      %dma_start3A_143 = arith.constant 0 : i32
      %dma_start3A_144 = tpu.memref_slice %arg8[%add3A_140, %dma_start3A_143] : memref<147472x8xf32, #tpu.memory_space<vmem_shared>> -> memref<256x8xf32, #tpu.memory_space<vmem_shared>>
      tpu.enqueue_dma source(%arg9 : memref<256x8xf32, #tpu.memory_space<vmem>>) target(%dma_start3A_144 : memref<256x8xf32, #tpu.memory_space<vmem_shared>>) target_semaphore(%arg19 : memref<!tpu.dma_semaphore, #tpu.memory_space<semaphore_mem>>)
      %add3A_145 = arith.constant 5376 : i32
      %add3A_146 = arith.addi %mul3A_19, %add3A_145 : i32
      %dma_start3A_147 = arith.constant 0 : i32
      %dma_start3A_148 = tpu.memref_slice %arg8[%add3A_146, %dma_start3A_147] : memref<147472x8xf32, #tpu.memory_space<vmem_shared>> -> memref<256x8xf32, #tpu.memory_space<vmem_shared>>
      %dma_start3A_149 = arith.constant 0 : i32
      %dma_start3A_150 = tpu.memref_slice %arg8[%add3A_146, %dma_start3A_149] : memref<147472x8xf32, #tpu.memory_space<vmem_shared>> -> memref<256x8xf32, #tpu.memory_space<vmem_shared>>
      tpu.enqueue_dma source(%arg9 : memref<256x8xf32, #tpu.memory_space<vmem>>) target(%dma_start3A_150 : memref<256x8xf32, #tpu.memory_space<vmem_shared>>) target_semaphore(%arg19 : memref<!tpu.dma_semaphore, #tpu.memory_space<semaphore_mem>>)
      %add3A_151 = arith.constant 5632 : i32
      %add3A_152 = arith.addi %mul3A_19, %add3A_151 : i32
      %dma_start3A_153 = arith.constant 0 : i32
      %dma_start3A_154 = tpu.memref_slice %arg8[%add3A_152, %dma_start3A_153] : memref<147472x8xf32, #tpu.memory_space<vmem_shared>> -> memref<256x8xf32, #tpu.memory_space<vmem_shared>>
      %dma_start3A_155 = arith.constant 0 : i32
      %dma_start3A_156 = tpu.memref_slice %arg8[%add3A_152, %dma_start3A_155] : memref<147472x8xf32, #tpu.memory_space<vmem_shared>> -> memref<256x8xf32, #tpu.memory_space<vmem_shared>>
      tpu.enqueue_dma source(%arg9 : memref<256x8xf32, #tpu.memory_space<vmem>>) target(%dma_start3A_156 : memref<256x8xf32, #tpu.memory_space<vmem_shared>>) target_semaphore(%arg19 : memref<!tpu.dma_semaphore, #tpu.memory_space<semaphore_mem>>)
      %add3A_157 = arith.constant 5888 : i32
      %add3A_158 = arith.addi %mul3A_19, %add3A_157 : i32
      %dma_start3A_159 = arith.constant 0 : i32
      %dma_start3A_160 = tpu.memref_slice %arg8[%add3A_158, %dma_start3A_159] : memref<147472x8xf32, #tpu.memory_space<vmem_shared>> -> memref<256x8xf32, #tpu.memory_space<vmem_shared>>
      %dma_start3A_161 = arith.constant 0 : i32
      %dma_start3A_162 = tpu.memref_slice %arg8[%add3A_158, %dma_start3A_161] : memref<147472x8xf32, #tpu.memory_space<vmem_shared>> -> memref<256x8xf32, #tpu.memory_space<vmem_shared>>
      tpu.enqueue_dma source(%arg9 : memref<256x8xf32, #tpu.memory_space<vmem>>) target(%dma_start3A_162 : memref<256x8xf32, #tpu.memory_space<vmem_shared>>) target_semaphore(%arg19 : memref<!tpu.dma_semaphore, #tpu.memory_space<semaphore_mem>>)
      %add3A_163 = arith.constant 6144 : i32
      %add3A_164 = arith.addi %mul3A_19, %add3A_163 : i32
      %dma_start3A_165 = arith.constant 0 : i32
      %dma_start3A_166 = tpu.memref_slice %arg8[%add3A_164, %dma_start3A_165] : memref<147472x8xf32, #tpu.memory_space<vmem_shared>> -> memref<256x8xf32, #tpu.memory_space<vmem_shared>>
      %dma_start3A_167 = arith.constant 0 : i32
      %dma_start3A_168 = tpu.memref_slice %arg8[%add3A_164, %dma_start3A_167] : memref<147472x8xf32, #tpu.memory_space<vmem_shared>> -> memref<256x8xf32, #tpu.memory_space<vmem_shared>>
      tpu.enqueue_dma source(%arg9 : memref<256x8xf32, #tpu.memory_space<vmem>>) target(%dma_start3A_168 : memref<256x8xf32, #tpu.memory_space<vmem_shared>>) target_semaphore(%arg19 : memref<!tpu.dma_semaphore, #tpu.memory_space<semaphore_mem>>)
      %add3A_169 = arith.constant 6400 : i32
      %add3A_170 = arith.addi %mul3A_19, %add3A_169 : i32
      %dma_start3A_171 = arith.constant 0 : i32
      %dma_start3A_172 = tpu.memref_slice %arg8[%add3A_170, %dma_start3A_171] : memref<147472x8xf32, #tpu.memory_space<vmem_shared>> -> memref<256x8xf32, #tpu.memory_space<vmem_shared>>
      %dma_start3A_173 = arith.constant 0 : i32
      %dma_start3A_174 = tpu.memref_slice %arg8[%add3A_170, %dma_start3A_173] : memref<147472x8xf32, #tpu.memory_space<vmem_shared>> -> memref<256x8xf32, #tpu.memory_space<vmem_shared>>
      tpu.enqueue_dma source(%arg9 : memref<256x8xf32, #tpu.memory_space<vmem>>) target(%dma_start3A_174 : memref<256x8xf32, #tpu.memory_space<vmem_shared>>) target_semaphore(%arg19 : memref<!tpu.dma_semaphore, #tpu.memory_space<semaphore_mem>>)
      %add3A_175 = arith.constant 6656 : i32
      %add3A_176 = arith.addi %mul3A_19, %add3A_175 : i32
      %dma_start3A_177 = arith.constant 0 : i32
      %dma_start3A_178 = tpu.memref_slice %arg8[%add3A_176, %dma_start3A_177] : memref<147472x8xf32, #tpu.memory_space<vmem_shared>> -> memref<256x8xf32, #tpu.memory_space<vmem_shared>>
      %dma_start3A_179 = arith.constant 0 : i32
      %dma_start3A_180 = tpu.memref_slice %arg8[%add3A_176, %dma_start3A_179] : memref<147472x8xf32, #tpu.memory_space<vmem_shared>> -> memref<256x8xf32, #tpu.memory_space<vmem_shared>>
      tpu.enqueue_dma source(%arg9 : memref<256x8xf32, #tpu.memory_space<vmem>>) target(%dma_start3A_180 : memref<256x8xf32, #tpu.memory_space<vmem_shared>>) target_semaphore(%arg19 : memref<!tpu.dma_semaphore, #tpu.memory_space<semaphore_mem>>)
      %add3A_181 = arith.constant 6912 : i32
      %add3A_182 = arith.addi %mul3A_19, %add3A_181 : i32
      %dma_start3A_183 = arith.constant 0 : i32
      %dma_start3A_184 = tpu.memref_slice %arg8[%add3A_182, %dma_start3A_183] : memref<147472x8xf32, #tpu.memory_space<vmem_shared>> -> memref<256x8xf32, #tpu.memory_space<vmem_shared>>
      %dma_start3A_185 = arith.constant 0 : i32
      %dma_start3A_186 = tpu.memref_slice %arg8[%add3A_182, %dma_start3A_185] : memref<147472x8xf32, #tpu.memory_space<vmem_shared>> -> memref<256x8xf32, #tpu.memory_space<vmem_shared>>
      tpu.enqueue_dma source(%arg9 : memref<256x8xf32, #tpu.memory_space<vmem>>) target(%dma_start3A_186 : memref<256x8xf32, #tpu.memory_space<vmem_shared>>) target_semaphore(%arg19 : memref<!tpu.dma_semaphore, #tpu.memory_space<semaphore_mem>>)
      %add3A_187 = arith.constant 7168 : i32
      %add3A_188 = arith.addi %mul3A_19, %add3A_187 : i32
      %dma_start3A_189 = arith.constant 0 : i32
      %dma_start3A_190 = tpu.memref_slice %arg8[%add3A_188, %dma_start3A_189] : memref<147472x8xf32, #tpu.memory_space<vmem_shared>> -> memref<256x8xf32, #tpu.memory_space<vmem_shared>>
      %dma_start3A_191 = arith.constant 0 : i32
      %dma_start3A_192 = tpu.memref_slice %arg8[%add3A_188, %dma_start3A_191] : memref<147472x8xf32, #tpu.memory_space<vmem_shared>> -> memref<256x8xf32, #tpu.memory_space<vmem_shared>>
      tpu.enqueue_dma source(%arg9 : memref<256x8xf32, #tpu.memory_space<vmem>>) target(%dma_start3A_192 : memref<256x8xf32, #tpu.memory_space<vmem_shared>>) target_semaphore(%arg19 : memref<!tpu.dma_semaphore, #tpu.memory_space<semaphore_mem>>)
      %add3A_193 = arith.constant 7424 : i32
      %add3A_194 = arith.addi %mul3A_19, %add3A_193 : i32
      %dma_start3A_195 = arith.constant 0 : i32
      %dma_start3A_196 = tpu.memref_slice %arg8[%add3A_194, %dma_start3A_195] : memref<147472x8xf32, #tpu.memory_space<vmem_shared>> -> memref<256x8xf32, #tpu.memory_space<vmem_shared>>
      %dma_start3A_197 = arith.constant 0 : i32
      %dma_start3A_198 = tpu.memref_slice %arg8[%add3A_194, %dma_start3A_197] : memref<147472x8xf32, #tpu.memory_space<vmem_shared>> -> memref<256x8xf32, #tpu.memory_space<vmem_shared>>
      tpu.enqueue_dma source(%arg9 : memref<256x8xf32, #tpu.memory_space<vmem>>) target(%dma_start3A_198 : memref<256x8xf32, #tpu.memory_space<vmem_shared>>) target_semaphore(%arg19 : memref<!tpu.dma_semaphore, #tpu.memory_space<semaphore_mem>>)
      %add3A_199 = arith.constant 7680 : i32
      %add3A_200 = arith.addi %mul3A_19, %add3A_199 : i32
      %dma_start3A_201 = arith.constant 0 : i32
      %dma_start3A_202 = tpu.memref_slice %arg8[%add3A_200, %dma_start3A_201] : memref<147472x8xf32, #tpu.memory_space<vmem_shared>> -> memref<256x8xf32, #tpu.memory_space<vmem_shared>>
      %dma_start3A_203 = arith.constant 0 : i32
      %dma_start3A_204 = tpu.memref_slice %arg8[%add3A_200, %dma_start3A_203] : memref<147472x8xf32, #tpu.memory_space<vmem_shared>> -> memref<256x8xf32, #tpu.memory_space<vmem_shared>>
      tpu.enqueue_dma source(%arg9 : memref<256x8xf32, #tpu.memory_space<vmem>>) target(%dma_start3A_204 : memref<256x8xf32, #tpu.memory_space<vmem_shared>>) target_semaphore(%arg19 : memref<!tpu.dma_semaphore, #tpu.memory_space<semaphore_mem>>)
      %add3A_205 = arith.constant 7936 : i32
      %add3A_206 = arith.addi %mul3A_19, %add3A_205 : i32
      %dma_start3A_207 = arith.constant 0 : i32
      %dma_start3A_208 = tpu.memref_slice %arg8[%add3A_206, %dma_start3A_207] : memref<147472x8xf32, #tpu.memory_space<vmem_shared>> -> memref<256x8xf32, #tpu.memory_space<vmem_shared>>
      %dma_start3A_209 = arith.constant 0 : i32
      %dma_start3A_210 = tpu.memref_slice %arg8[%add3A_206, %dma_start3A_209] : memref<147472x8xf32, #tpu.memory_space<vmem_shared>> -> memref<256x8xf32, #tpu.memory_space<vmem_shared>>
      tpu.enqueue_dma source(%arg9 : memref<256x8xf32, #tpu.memory_space<vmem>>) target(%dma_start3A_210 : memref<256x8xf32, #tpu.memory_space<vmem_shared>>) target_semaphore(%arg19 : memref<!tpu.dma_semaphore, #tpu.memory_space<semaphore_mem>>)
      %add3A_211 = arith.constant 8192 : i32
      %add3A_212 = arith.addi %mul3A_19, %add3A_211 : i32
      %dma_start3A_213 = arith.constant 0 : i32
      %dma_start3A_214 = tpu.memref_slice %arg8[%add3A_212, %dma_start3A_213] : memref<147472x8xf32, #tpu.memory_space<vmem_shared>> -> memref<256x8xf32, #tpu.memory_space<vmem_shared>>
      %dma_start3A_215 = arith.constant 0 : i32
      %dma_start3A_216 = tpu.memref_slice %arg8[%add3A_212, %dma_start3A_215] : memref<147472x8xf32, #tpu.memory_space<vmem_shared>> -> memref<256x8xf32, #tpu.memory_space<vmem_shared>>
      tpu.enqueue_dma source(%arg9 : memref<256x8xf32, #tpu.memory_space<vmem>>) target(%dma_start3A_216 : memref<256x8xf32, #tpu.memory_space<vmem_shared>>) target_semaphore(%arg19 : memref<!tpu.dma_semaphore, #tpu.memory_space<semaphore_mem>>)
      %add3A_217 = arith.constant 8448 : i32
      %add3A_218 = arith.addi %mul3A_19, %add3A_217 : i32
      %dma_start3A_219 = arith.constant 0 : i32
      %dma_start3A_220 = tpu.memref_slice %arg8[%add3A_218, %dma_start3A_219] : memref<147472x8xf32, #tpu.memory_space<vmem_shared>> -> memref<256x8xf32, #tpu.memory_space<vmem_shared>>
      %dma_start3A_221 = arith.constant 0 : i32
      %dma_start3A_222 = tpu.memref_slice %arg8[%add3A_218, %dma_start3A_221] : memref<147472x8xf32, #tpu.memory_space<vmem_shared>> -> memref<256x8xf32, #tpu.memory_space<vmem_shared>>
      tpu.enqueue_dma source(%arg9 : memref<256x8xf32, #tpu.memory_space<vmem>>) target(%dma_start3A_222 : memref<256x8xf32, #tpu.memory_space<vmem_shared>>) target_semaphore(%arg19 : memref<!tpu.dma_semaphore, #tpu.memory_space<semaphore_mem>>)
      %add3A_223 = arith.constant 8704 : i32
      %add3A_224 = arith.addi %mul3A_19, %add3A_223 : i32
      %dma_start3A_225 = arith.constant 0 : i32
      %dma_start3A_226 = tpu.memref_slice %arg8[%add3A_224, %dma_start3A_225] : memref<147472x8xf32, #tpu.memory_space<vmem_shared>> -> memref<256x8xf32, #tpu.memory_space<vmem_shared>>
      %dma_start3A_227 = arith.constant 0 : i32
      %dma_start3A_228 = tpu.memref_slice %arg8[%add3A_224, %dma_start3A_227] : memref<147472x8xf32, #tpu.memory_space<vmem_shared>> -> memref<256x8xf32, #tpu.memory_space<vmem_shared>>
      tpu.enqueue_dma source(%arg9 : memref<256x8xf32, #tpu.memory_space<vmem>>) target(%dma_start3A_228 : memref<256x8xf32, #tpu.memory_space<vmem_shared>>) target_semaphore(%arg19 : memref<!tpu.dma_semaphore, #tpu.memory_space<semaphore_mem>>)
      %add3A_229 = arith.constant 8960 : i32
      %add3A_230 = arith.addi %mul3A_19, %add3A_229 : i32
      %dma_start3A_231 = arith.constant 0 : i32
      %dma_start3A_232 = tpu.memref_slice %arg8[%add3A_230, %dma_start3A_231] : memref<147472x8xf32, #tpu.memory_space<vmem_shared>> -> memref<256x8xf32, #tpu.memory_space<vmem_shared>>
      %dma_start3A_233 = arith.constant 0 : i32
      %dma_start3A_234 = tpu.memref_slice %arg8[%add3A_230, %dma_start3A_233] : memref<147472x8xf32, #tpu.memory_space<vmem_shared>> -> memref<256x8xf32, #tpu.memory_space<vmem_shared>>
      tpu.enqueue_dma source(%arg9 : memref<256x8xf32, #tpu.memory_space<vmem>>) target(%dma_start3A_234 : memref<256x8xf32, #tpu.memory_space<vmem_shared>>) target_semaphore(%arg19 : memref<!tpu.dma_semaphore, #tpu.memory_space<semaphore_mem>>)
      %add3A_235 = arith.constant 9216 : i32
      %add3A_236 = arith.addi %mul3A_19, %add3A_235 : i32
      %dma_start3A_237 = arith.constant 0 : i32
      %dma_start3A_238 = arith.constant 0 : i32
      %dma_start3A_239 = tpu.memref_slice %arg9[%dma_start3A_237, %dma_start3A_238] : memref<256x8xf32, #tpu.memory_space<vmem>> -> memref<1x8xf32, #tpu.memory_space<vmem>>
      %dma_start3A_240 = arith.constant 0 : i32
      %dma_start3A_241 = tpu.memref_slice %arg8[%add3A_236, %dma_start3A_240] : memref<147472x8xf32, #tpu.memory_space<vmem_shared>> -> memref<1x8xf32, #tpu.memory_space<vmem_shared>>
      %dma_start3A_242 = arith.constant 0 : i32
      %dma_start3A_243 = tpu.memref_slice %arg8[%add3A_236, %dma_start3A_242] : memref<147472x8xf32, #tpu.memory_space<vmem_shared>> -> memref<1x8xf32, #tpu.memory_space<vmem_shared>>
      %dma_start3A_244 = arith.constant 0 : i32
      %dma_start3A_245 = arith.constant 0 : i32
      %dma_start3A_246 = tpu.memref_slice %arg9[%dma_start3A_244, %dma_start3A_245] : memref<256x8xf32, #tpu.memory_space<vmem>> -> memref<1x8xf32, #tpu.memory_space<vmem>>
      tpu.enqueue_dma source(%dma_start3A_246 : memref<1x8xf32, #tpu.memory_space<vmem>>) target(%dma_start3A_243 : memref<1x8xf32, #tpu.memory_space<vmem_shared>>) target_semaphore(%arg19 : memref<!tpu.dma_semaphore, #tpu.memory_space<semaphore_mem>>)
      %add3A_247 = arith.constant 0 : i32
      %add3A_248 = arith.addi %mul3A_19, %add3A_247 : i32
      %dma_wait3A = arith.constant 0 : i32
      %dma_wait3A_249 = tpu.memref_slice %arg8[%add3A_248, %dma_wait3A] : memref<147472x8xf32, #tpu.memory_space<vmem_shared>> -> memref<256x8xf32, #tpu.memory_space<vmem_shared>>
      %dma_wait3A_250 = arith.constant 0 : i32
      %dma_wait3A_251 = tpu.memref_slice %arg8[%add3A_248, %dma_wait3A_250] : memref<147472x8xf32, #tpu.memory_space<vmem_shared>> -> memref<256x8xf32, #tpu.memory_space<vmem_shared>>
      tpu.wait_dma2 semaphore(%arg19 : memref<!tpu.dma_semaphore, #tpu.memory_space<semaphore_mem>>) src(%arg9 : memref<256x8xf32, #tpu.memory_space<vmem>>) dst(%dma_wait3A_251 : memref<256x8xf32, #tpu.memory_space<vmem_shared>>)
      %add3A_252 = arith.constant 256 : i32
      %add3A_253 = arith.addi %mul3A_19, %add3A_252 : i32
      %dma_wait3A_254 = arith.constant 0 : i32
      %dma_wait3A_255 = tpu.memref_slice %arg8[%add3A_253, %dma_wait3A_254] : memref<147472x8xf32, #tpu.memory_space<vmem_shared>> -> memref<256x8xf32, #tpu.memory_space<vmem_shared>>
      %dma_wait3A_256 = arith.constant 0 : i32
      %dma_wait3A_257 = tpu.memref_slice %arg8[%add3A_253, %dma_wait3A_256] : memref<147472x8xf32, #tpu.memory_space<vmem_shared>> -> memref<256x8xf32, #tpu.memory_space<vmem_shared>>
      tpu.wait_dma2 semaphore(%arg19 : memref<!tpu.dma_semaphore, #tpu.memory_space<semaphore_mem>>) src(%arg9 : memref<256x8xf32, #tpu.memory_space<vmem>>) dst(%dma_wait3A_257 : memref<256x8xf32, #tpu.memory_space<vmem_shared>>)
      %add3A_258 = arith.constant 512 : i32
      %add3A_259 = arith.addi %mul3A_19, %add3A_258 : i32
      %dma_wait3A_260 = arith.constant 0 : i32
      %dma_wait3A_261 = tpu.memref_slice %arg8[%add3A_259, %dma_wait3A_260] : memref<147472x8xf32, #tpu.memory_space<vmem_shared>> -> memref<256x8xf32, #tpu.memory_space<vmem_shared>>
      %dma_wait3A_262 = arith.constant 0 : i32
      %dma_wait3A_263 = tpu.memref_slice %arg8[%add3A_259, %dma_wait3A_262] : memref<147472x8xf32, #tpu.memory_space<vmem_shared>> -> memref<256x8xf32, #tpu.memory_space<vmem_shared>>
      tpu.wait_dma2 semaphore(%arg19 : memref<!tpu.dma_semaphore, #tpu.memory_space<semaphore_mem>>) src(%arg9 : memref<256x8xf32, #tpu.memory_space<vmem>>) dst(%dma_wait3A_263 : memref<256x8xf32, #tpu.memory_space<vmem_shared>>)
      %add3A_264 = arith.constant 768 : i32
      %add3A_265 = arith.addi %mul3A_19, %add3A_264 : i32
      %dma_wait3A_266 = arith.constant 0 : i32
      %dma_wait3A_267 = tpu.memref_slice %arg8[%add3A_265, %dma_wait3A_266] : memref<147472x8xf32, #tpu.memory_space<vmem_shared>> -> memref<256x8xf32, #tpu.memory_space<vmem_shared>>
      %dma_wait3A_268 = arith.constant 0 : i32
      %dma_wait3A_269 = tpu.memref_slice %arg8[%add3A_265, %dma_wait3A_268] : memref<147472x8xf32, #tpu.memory_space<vmem_shared>> -> memref<256x8xf32, #tpu.memory_space<vmem_shared>>
      tpu.wait_dma2 semaphore(%arg19 : memref<!tpu.dma_semaphore, #tpu.memory_space<semaphore_mem>>) src(%arg9 : memref<256x8xf32, #tpu.memory_space<vmem>>) dst(%dma_wait3A_269 : memref<256x8xf32, #tpu.memory_space<vmem_shared>>)
      %add3A_270 = arith.constant 1024 : i32
      %add3A_271 = arith.addi %mul3A_19, %add3A_270 : i32
      %dma_wait3A_272 = arith.constant 0 : i32
      %dma_wait3A_273 = tpu.memref_slice %arg8[%add3A_271, %dma_wait3A_272] : memref<147472x8xf32, #tpu.memory_space<vmem_shared>> -> memref<256x8xf32, #tpu.memory_space<vmem_shared>>
      %dma_wait3A_274 = arith.constant 0 : i32
      %dma_wait3A_275 = tpu.memref_slice %arg8[%add3A_271, %dma_wait3A_274] : memref<147472x8xf32, #tpu.memory_space<vmem_shared>> -> memref<256x8xf32, #tpu.memory_space<vmem_shared>>
      tpu.wait_dma2 semaphore(%arg19 : memref<!tpu.dma_semaphore, #tpu.memory_space<semaphore_mem>>) src(%arg9 : memref<256x8xf32, #tpu.memory_space<vmem>>) dst(%dma_wait3A_275 : memref<256x8xf32, #tpu.memory_space<vmem_shared>>)
      %add3A_276 = arith.constant 1280 : i32
      %add3A_277 = arith.addi %mul3A_19, %add3A_276 : i32
      %dma_wait3A_278 = arith.constant 0 : i32
      %dma_wait3A_279 = tpu.memref_slice %arg8[%add3A_277, %dma_wait3A_278] : memref<147472x8xf32, #tpu.memory_space<vmem_shared>> -> memref<256x8xf32, #tpu.memory_space<vmem_shared>>
      %dma_wait3A_280 = arith.constant 0 : i32
      %dma_wait3A_281 = tpu.memref_slice %arg8[%add3A_277, %dma_wait3A_280] : memref<147472x8xf32, #tpu.memory_space<vmem_shared>> -> memref<256x8xf32, #tpu.memory_space<vmem_shared>>
      tpu.wait_dma2 semaphore(%arg19 : memref<!tpu.dma_semaphore, #tpu.memory_space<semaphore_mem>>) src(%arg9 : memref<256x8xf32, #tpu.memory_space<vmem>>) dst(%dma_wait3A_281 : memref<256x8xf32, #tpu.memory_space<vmem_shared>>)
      %add3A_282 = arith.constant 1536 : i32
      %add3A_283 = arith.addi %mul3A_19, %add3A_282 : i32
      %dma_wait3A_284 = arith.constant 0 : i32
      %dma_wait3A_285 = tpu.memref_slice %arg8[%add3A_283, %dma_wait3A_284] : memref<147472x8xf32, #tpu.memory_space<vmem_shared>> -> memref<256x8xf32, #tpu.memory_space<vmem_shared>>
      %dma_wait3A_286 = arith.constant 0 : i32
      %dma_wait3A_287 = tpu.memref_slice %arg8[%add3A_283, %dma_wait3A_286] : memref<147472x8xf32, #tpu.memory_space<vmem_shared>> -> memref<256x8xf32, #tpu.memory_space<vmem_shared>>
      tpu.wait_dma2 semaphore(%arg19 : memref<!tpu.dma_semaphore, #tpu.memory_space<semaphore_mem>>) src(%arg9 : memref<256x8xf32, #tpu.memory_space<vmem>>) dst(%dma_wait3A_287 : memref<256x8xf32, #tpu.memory_space<vmem_shared>>)
      %add3A_288 = arith.constant 1792 : i32
      %add3A_289 = arith.addi %mul3A_19, %add3A_288 : i32
      %dma_wait3A_290 = arith.constant 0 : i32
      %dma_wait3A_291 = tpu.memref_slice %arg8[%add3A_289, %dma_wait3A_290] : memref<147472x8xf32, #tpu.memory_space<vmem_shared>> -> memref<256x8xf32, #tpu.memory_space<vmem_shared>>
      %dma_wait3A_292 = arith.constant 0 : i32
      %dma_wait3A_293 = tpu.memref_slice %arg8[%add3A_289, %dma_wait3A_292] : memref<147472x8xf32, #tpu.memory_space<vmem_shared>> -> memref<256x8xf32, #tpu.memory_space<vmem_shared>>
      tpu.wait_dma2 semaphore(%arg19 : memref<!tpu.dma_semaphore, #tpu.memory_space<semaphore_mem>>) src(%arg9 : memref<256x8xf32, #tpu.memory_space<vmem>>) dst(%dma_wait3A_293 : memref<256x8xf32, #tpu.memory_space<vmem_shared>>)
      %add3A_294 = arith.constant 2048 : i32
      %add3A_295 = arith.addi %mul3A_19, %add3A_294 : i32
      %dma_wait3A_296 = arith.constant 0 : i32
      %dma_wait3A_297 = tpu.memref_slice %arg8[%add3A_295, %dma_wait3A_296] : memref<147472x8xf32, #tpu.memory_space<vmem_shared>> -> memref<256x8xf32, #tpu.memory_space<vmem_shared>>
      %dma_wait3A_298 = arith.constant 0 : i32
      %dma_wait3A_299 = tpu.memref_slice %arg8[%add3A_295, %dma_wait3A_298] : memref<147472x8xf32, #tpu.memory_space<vmem_shared>> -> memref<256x8xf32, #tpu.memory_space<vmem_shared>>
      tpu.wait_dma2 semaphore(%arg19 : memref<!tpu.dma_semaphore, #tpu.memory_space<semaphore_mem>>) src(%arg9 : memref<256x8xf32, #tpu.memory_space<vmem>>) dst(%dma_wait3A_299 : memref<256x8xf32, #tpu.memory_space<vmem_shared>>)
      %add3A_300 = arith.constant 2304 : i32
      %add3A_301 = arith.addi %mul3A_19, %add3A_300 : i32
      %dma_wait3A_302 = arith.constant 0 : i32
      %dma_wait3A_303 = tpu.memref_slice %arg8[%add3A_301, %dma_wait3A_302] : memref<147472x8xf32, #tpu.memory_space<vmem_shared>> -> memref<256x8xf32, #tpu.memory_space<vmem_shared>>
      %dma_wait3A_304 = arith.constant 0 : i32
      %dma_wait3A_305 = tpu.memref_slice %arg8[%add3A_301, %dma_wait3A_304] : memref<147472x8xf32, #tpu.memory_space<vmem_shared>> -> memref<256x8xf32, #tpu.memory_space<vmem_shared>>
      tpu.wait_dma2 semaphore(%arg19 : memref<!tpu.dma_semaphore, #tpu.memory_space<semaphore_mem>>) src(%arg9 : memref<256x8xf32, #tpu.memory_space<vmem>>) dst(%dma_wait3A_305 : memref<256x8xf32, #tpu.memory_space<vmem_shared>>)
      %add3A_306 = arith.constant 2560 : i32
      %add3A_307 = arith.addi %mul3A_19, %add3A_306 : i32
      %dma_wait3A_308 = arith.constant 0 : i32
      %dma_wait3A_309 = tpu.memref_slice %arg8[%add3A_307, %dma_wait3A_308] : memref<147472x8xf32, #tpu.memory_space<vmem_shared>> -> memref<256x8xf32, #tpu.memory_space<vmem_shared>>
      %dma_wait3A_310 = arith.constant 0 : i32
      %dma_wait3A_311 = tpu.memref_slice %arg8[%add3A_307, %dma_wait3A_310] : memref<147472x8xf32, #tpu.memory_space<vmem_shared>> -> memref<256x8xf32, #tpu.memory_space<vmem_shared>>
      tpu.wait_dma2 semaphore(%arg19 : memref<!tpu.dma_semaphore, #tpu.memory_space<semaphore_mem>>) src(%arg9 : memref<256x8xf32, #tpu.memory_space<vmem>>) dst(%dma_wait3A_311 : memref<256x8xf32, #tpu.memory_space<vmem_shared>>)
      %add3A_312 = arith.constant 2816 : i32
      %add3A_313 = arith.addi %mul3A_19, %add3A_312 : i32
      %dma_wait3A_314 = arith.constant 0 : i32
      %dma_wait3A_315 = tpu.memref_slice %arg8[%add3A_313, %dma_wait3A_314] : memref<147472x8xf32, #tpu.memory_space<vmem_shared>> -> memref<256x8xf32, #tpu.memory_space<vmem_shared>>
      %dma_wait3A_316 = arith.constant 0 : i32
      %dma_wait3A_317 = tpu.memref_slice %arg8[%add3A_313, %dma_wait3A_316] : memref<147472x8xf32, #tpu.memory_space<vmem_shared>> -> memref<256x8xf32, #tpu.memory_space<vmem_shared>>
      tpu.wait_dma2 semaphore(%arg19 : memref<!tpu.dma_semaphore, #tpu.memory_space<semaphore_mem>>) src(%arg9 : memref<256x8xf32, #tpu.memory_space<vmem>>) dst(%dma_wait3A_317 : memref<256x8xf32, #tpu.memory_space<vmem_shared>>)
      %add3A_318 = arith.constant 3072 : i32
      %add3A_319 = arith.addi %mul3A_19, %add3A_318 : i32
      %dma_wait3A_320 = arith.constant 0 : i32
      %dma_wait3A_321 = tpu.memref_slice %arg8[%add3A_319, %dma_wait3A_320] : memref<147472x8xf32, #tpu.memory_space<vmem_shared>> -> memref<256x8xf32, #tpu.memory_space<vmem_shared>>
      %dma_wait3A_322 = arith.constant 0 : i32
      %dma_wait3A_323 = tpu.memref_slice %arg8[%add3A_319, %dma_wait3A_322] : memref<147472x8xf32, #tpu.memory_space<vmem_shared>> -> memref<256x8xf32, #tpu.memory_space<vmem_shared>>
      tpu.wait_dma2 semaphore(%arg19 : memref<!tpu.dma_semaphore, #tpu.memory_space<semaphore_mem>>) src(%arg9 : memref<256x8xf32, #tpu.memory_space<vmem>>) dst(%dma_wait3A_323 : memref<256x8xf32, #tpu.memory_space<vmem_shared>>)
      %add3A_324 = arith.constant 3328 : i32
      %add3A_325 = arith.addi %mul3A_19, %add3A_324 : i32
      %dma_wait3A_326 = arith.constant 0 : i32
      %dma_wait3A_327 = tpu.memref_slice %arg8[%add3A_325, %dma_wait3A_326] : memref<147472x8xf32, #tpu.memory_space<vmem_shared>> -> memref<256x8xf32, #tpu.memory_space<vmem_shared>>
      %dma_wait3A_328 = arith.constant 0 : i32
      %dma_wait3A_329 = tpu.memref_slice %arg8[%add3A_325, %dma_wait3A_328] : memref<147472x8xf32, #tpu.memory_space<vmem_shared>> -> memref<256x8xf32, #tpu.memory_space<vmem_shared>>
      tpu.wait_dma2 semaphore(%arg19 : memref<!tpu.dma_semaphore, #tpu.memory_space<semaphore_mem>>) src(%arg9 : memref<256x8xf32, #tpu.memory_space<vmem>>) dst(%dma_wait3A_329 : memref<256x8xf32, #tpu.memory_space<vmem_shared>>)
      %add3A_330 = arith.constant 3584 : i32
      %add3A_331 = arith.addi %mul3A_19, %add3A_330 : i32
      %dma_wait3A_332 = arith.constant 0 : i32
      %dma_wait3A_333 = tpu.memref_slice %arg8[%add3A_331, %dma_wait3A_332] : memref<147472x8xf32, #tpu.memory_space<vmem_shared>> -> memref<256x8xf32, #tpu.memory_space<vmem_shared>>
      %dma_wait3A_334 = arith.constant 0 : i32
      %dma_wait3A_335 = tpu.memref_slice %arg8[%add3A_331, %dma_wait3A_334] : memref<147472x8xf32, #tpu.memory_space<vmem_shared>> -> memref<256x8xf32, #tpu.memory_space<vmem_shared>>
      tpu.wait_dma2 semaphore(%arg19 : memref<!tpu.dma_semaphore, #tpu.memory_space<semaphore_mem>>) src(%arg9 : memref<256x8xf32, #tpu.memory_space<vmem>>) dst(%dma_wait3A_335 : memref<256x8xf32, #tpu.memory_space<vmem_shared>>)
      %add3A_336 = arith.constant 3840 : i32
      %add3A_337 = arith.addi %mul3A_19, %add3A_336 : i32
      %dma_wait3A_338 = arith.constant 0 : i32
      %dma_wait3A_339 = tpu.memref_slice %arg8[%add3A_337, %dma_wait3A_338] : memref<147472x8xf32, #tpu.memory_space<vmem_shared>> -> memref<256x8xf32, #tpu.memory_space<vmem_shared>>
      %dma_wait3A_340 = arith.constant 0 : i32
      %dma_wait3A_341 = tpu.memref_slice %arg8[%add3A_337, %dma_wait3A_340] : memref<147472x8xf32, #tpu.memory_space<vmem_shared>> -> memref<256x8xf32, #tpu.memory_space<vmem_shared>>
      tpu.wait_dma2 semaphore(%arg19 : memref<!tpu.dma_semaphore, #tpu.memory_space<semaphore_mem>>) src(%arg9 : memref<256x8xf32, #tpu.memory_space<vmem>>) dst(%dma_wait3A_341 : memref<256x8xf32, #tpu.memory_space<vmem_shared>>)
      %add3A_342 = arith.constant 4096 : i32
      %add3A_343 = arith.addi %mul3A_19, %add3A_342 : i32
      %dma_wait3A_344 = arith.constant 0 : i32
      %dma_wait3A_345 = tpu.memref_slice %arg8[%add3A_343, %dma_wait3A_344] : memref<147472x8xf32, #tpu.memory_space<vmem_shared>> -> memref<256x8xf32, #tpu.memory_space<vmem_shared>>
      %dma_wait3A_346 = arith.constant 0 : i32
      %dma_wait3A_347 = tpu.memref_slice %arg8[%add3A_343, %dma_wait3A_346] : memref<147472x8xf32, #tpu.memory_space<vmem_shared>> -> memref<256x8xf32, #tpu.memory_space<vmem_shared>>
      tpu.wait_dma2 semaphore(%arg19 : memref<!tpu.dma_semaphore, #tpu.memory_space<semaphore_mem>>) src(%arg9 : memref<256x8xf32, #tpu.memory_space<vmem>>) dst(%dma_wait3A_347 : memref<256x8xf32, #tpu.memory_space<vmem_shared>>)
      %add3A_348 = arith.constant 4352 : i32
      %add3A_349 = arith.addi %mul3A_19, %add3A_348 : i32
      %dma_wait3A_350 = arith.constant 0 : i32
      %dma_wait3A_351 = tpu.memref_slice %arg8[%add3A_349, %dma_wait3A_350] : memref<147472x8xf32, #tpu.memory_space<vmem_shared>> -> memref<256x8xf32, #tpu.memory_space<vmem_shared>>
      %dma_wait3A_352 = arith.constant 0 : i32
      %dma_wait3A_353 = tpu.memref_slice %arg8[%add3A_349, %dma_wait3A_352] : memref<147472x8xf32, #tpu.memory_space<vmem_shared>> -> memref<256x8xf32, #tpu.memory_space<vmem_shared>>
      tpu.wait_dma2 semaphore(%arg19 : memref<!tpu.dma_semaphore, #tpu.memory_space<semaphore_mem>>) src(%arg9 : memref<256x8xf32, #tpu.memory_space<vmem>>) dst(%dma_wait3A_353 : memref<256x8xf32, #tpu.memory_space<vmem_shared>>)
      %add3A_354 = arith.constant 4608 : i32
      %add3A_355 = arith.addi %mul3A_19, %add3A_354 : i32
      %dma_wait3A_356 = arith.constant 0 : i32
      %dma_wait3A_357 = tpu.memref_slice %arg8[%add3A_355, %dma_wait3A_356] : memref<147472x8xf32, #tpu.memory_space<vmem_shared>> -> memref<256x8xf32, #tpu.memory_space<vmem_shared>>
      %dma_wait3A_358 = arith.constant 0 : i32
      %dma_wait3A_359 = tpu.memref_slice %arg8[%add3A_355, %dma_wait3A_358] : memref<147472x8xf32, #tpu.memory_space<vmem_shared>> -> memref<256x8xf32, #tpu.memory_space<vmem_shared>>
      tpu.wait_dma2 semaphore(%arg19 : memref<!tpu.dma_semaphore, #tpu.memory_space<semaphore_mem>>) src(%arg9 : memref<256x8xf32, #tpu.memory_space<vmem>>) dst(%dma_wait3A_359 : memref<256x8xf32, #tpu.memory_space<vmem_shared>>)
      %add3A_360 = arith.constant 4864 : i32
      %add3A_361 = arith.addi %mul3A_19, %add3A_360 : i32
      %dma_wait3A_362 = arith.constant 0 : i32
      %dma_wait3A_363 = tpu.memref_slice %arg8[%add3A_361, %dma_wait3A_362] : memref<147472x8xf32, #tpu.memory_space<vmem_shared>> -> memref<256x8xf32, #tpu.memory_space<vmem_shared>>
      %dma_wait3A_364 = arith.constant 0 : i32
      %dma_wait3A_365 = tpu.memref_slice %arg8[%add3A_361, %dma_wait3A_364] : memref<147472x8xf32, #tpu.memory_space<vmem_shared>> -> memref<256x8xf32, #tpu.memory_space<vmem_shared>>
      tpu.wait_dma2 semaphore(%arg19 : memref<!tpu.dma_semaphore, #tpu.memory_space<semaphore_mem>>) src(%arg9 : memref<256x8xf32, #tpu.memory_space<vmem>>) dst(%dma_wait3A_365 : memref<256x8xf32, #tpu.memory_space<vmem_shared>>)
      %add3A_366 = arith.constant 5120 : i32
      %add3A_367 = arith.addi %mul3A_19, %add3A_366 : i32
      %dma_wait3A_368 = arith.constant 0 : i32
      %dma_wait3A_369 = tpu.memref_slice %arg8[%add3A_367, %dma_wait3A_368] : memref<147472x8xf32, #tpu.memory_space<vmem_shared>> -> memref<256x8xf32, #tpu.memory_space<vmem_shared>>
      %dma_wait3A_370 = arith.constant 0 : i32
      %dma_wait3A_371 = tpu.memref_slice %arg8[%add3A_367, %dma_wait3A_370] : memref<147472x8xf32, #tpu.memory_space<vmem_shared>> -> memref<256x8xf32, #tpu.memory_space<vmem_shared>>
      tpu.wait_dma2 semaphore(%arg19 : memref<!tpu.dma_semaphore, #tpu.memory_space<semaphore_mem>>) src(%arg9 : memref<256x8xf32, #tpu.memory_space<vmem>>) dst(%dma_wait3A_371 : memref<256x8xf32, #tpu.memory_space<vmem_shared>>)
      %add3A_372 = arith.constant 5376 : i32
      %add3A_373 = arith.addi %mul3A_19, %add3A_372 : i32
      %dma_wait3A_374 = arith.constant 0 : i32
      %dma_wait3A_375 = tpu.memref_slice %arg8[%add3A_373, %dma_wait3A_374] : memref<147472x8xf32, #tpu.memory_space<vmem_shared>> -> memref<256x8xf32, #tpu.memory_space<vmem_shared>>
      %dma_wait3A_376 = arith.constant 0 : i32
      %dma_wait3A_377 = tpu.memref_slice %arg8[%add3A_373, %dma_wait3A_376] : memref<147472x8xf32, #tpu.memory_space<vmem_shared>> -> memref<256x8xf32, #tpu.memory_space<vmem_shared>>
      tpu.wait_dma2 semaphore(%arg19 : memref<!tpu.dma_semaphore, #tpu.memory_space<semaphore_mem>>) src(%arg9 : memref<256x8xf32, #tpu.memory_space<vmem>>) dst(%dma_wait3A_377 : memref<256x8xf32, #tpu.memory_space<vmem_shared>>)
      %add3A_378 = arith.constant 5632 : i32
      %add3A_379 = arith.addi %mul3A_19, %add3A_378 : i32
      %dma_wait3A_380 = arith.constant 0 : i32
      %dma_wait3A_381 = tpu.memref_slice %arg8[%add3A_379, %dma_wait3A_380] : memref<147472x8xf32, #tpu.memory_space<vmem_shared>> -> memref<256x8xf32, #tpu.memory_space<vmem_shared>>
      %dma_wait3A_382 = arith.constant 0 : i32
      %dma_wait3A_383 = tpu.memref_slice %arg8[%add3A_379, %dma_wait3A_382] : memref<147472x8xf32, #tpu.memory_space<vmem_shared>> -> memref<256x8xf32, #tpu.memory_space<vmem_shared>>
      tpu.wait_dma2 semaphore(%arg19 : memref<!tpu.dma_semaphore, #tpu.memory_space<semaphore_mem>>) src(%arg9 : memref<256x8xf32, #tpu.memory_space<vmem>>) dst(%dma_wait3A_383 : memref<256x8xf32, #tpu.memory_space<vmem_shared>>)
      %add3A_384 = arith.constant 5888 : i32
      %add3A_385 = arith.addi %mul3A_19, %add3A_384 : i32
      %dma_wait3A_386 = arith.constant 0 : i32
      %dma_wait3A_387 = tpu.memref_slice %arg8[%add3A_385, %dma_wait3A_386] : memref<147472x8xf32, #tpu.memory_space<vmem_shared>> -> memref<256x8xf32, #tpu.memory_space<vmem_shared>>
      %dma_wait3A_388 = arith.constant 0 : i32
      %dma_wait3A_389 = tpu.memref_slice %arg8[%add3A_385, %dma_wait3A_388] : memref<147472x8xf32, #tpu.memory_space<vmem_shared>> -> memref<256x8xf32, #tpu.memory_space<vmem_shared>>
      tpu.wait_dma2 semaphore(%arg19 : memref<!tpu.dma_semaphore, #tpu.memory_space<semaphore_mem>>) src(%arg9 : memref<256x8xf32, #tpu.memory_space<vmem>>) dst(%dma_wait3A_389 : memref<256x8xf32, #tpu.memory_space<vmem_shared>>)
      %add3A_390 = arith.constant 6144 : i32
      %add3A_391 = arith.addi %mul3A_19, %add3A_390 : i32
      %dma_wait3A_392 = arith.constant 0 : i32
      %dma_wait3A_393 = tpu.memref_slice %arg8[%add3A_391, %dma_wait3A_392] : memref<147472x8xf32, #tpu.memory_space<vmem_shared>> -> memref<256x8xf32, #tpu.memory_space<vmem_shared>>
      %dma_wait3A_394 = arith.constant 0 : i32
      %dma_wait3A_395 = tpu.memref_slice %arg8[%add3A_391, %dma_wait3A_394] : memref<147472x8xf32, #tpu.memory_space<vmem_shared>> -> memref<256x8xf32, #tpu.memory_space<vmem_shared>>
      tpu.wait_dma2 semaphore(%arg19 : memref<!tpu.dma_semaphore, #tpu.memory_space<semaphore_mem>>) src(%arg9 : memref<256x8xf32, #tpu.memory_space<vmem>>) dst(%dma_wait3A_395 : memref<256x8xf32, #tpu.memory_space<vmem_shared>>)
      %add3A_396 = arith.constant 6400 : i32
      %add3A_397 = arith.addi %mul3A_19, %add3A_396 : i32
      %dma_wait3A_398 = arith.constant 0 : i32
      %dma_wait3A_399 = tpu.memref_slice %arg8[%add3A_397, %dma_wait3A_398] : memref<147472x8xf32, #tpu.memory_space<vmem_shared>> -> memref<256x8xf32, #tpu.memory_space<vmem_shared>>
      %dma_wait3A_400 = arith.constant 0 : i32
      %dma_wait3A_401 = tpu.memref_slice %arg8[%add3A_397, %dma_wait3A_400] : memref<147472x8xf32, #tpu.memory_space<vmem_shared>> -> memref<256x8xf32, #tpu.memory_space<vmem_shared>>
      tpu.wait_dma2 semaphore(%arg19 : memref<!tpu.dma_semaphore, #tpu.memory_space<semaphore_mem>>) src(%arg9 : memref<256x8xf32, #tpu.memory_space<vmem>>) dst(%dma_wait3A_401 : memref<256x8xf32, #tpu.memory_space<vmem_shared>>)
      %add3A_402 = arith.constant 6656 : i32
      %add3A_403 = arith.addi %mul3A_19, %add3A_402 : i32
      %dma_wait3A_404 = arith.constant 0 : i32
      %dma_wait3A_405 = tpu.memref_slice %arg8[%add3A_403, %dma_wait3A_404] : memref<147472x8xf32, #tpu.memory_space<vmem_shared>> -> memref<256x8xf32, #tpu.memory_space<vmem_shared>>
      %dma_wait3A_406 = arith.constant 0 : i32
      %dma_wait3A_407 = tpu.memref_slice %arg8[%add3A_403, %dma_wait3A_406] : memref<147472x8xf32, #tpu.memory_space<vmem_shared>> -> memref<256x8xf32, #tpu.memory_space<vmem_shared>>
      tpu.wait_dma2 semaphore(%arg19 : memref<!tpu.dma_semaphore, #tpu.memory_space<semaphore_mem>>) src(%arg9 : memref<256x8xf32, #tpu.memory_space<vmem>>) dst(%dma_wait3A_407 : memref<256x8xf32, #tpu.memory_space<vmem_shared>>)
      %add3A_408 = arith.constant 6912 : i32
      %add3A_409 = arith.addi %mul3A_19, %add3A_408 : i32
      %dma_wait3A_410 = arith.constant 0 : i32
      %dma_wait3A_411 = tpu.memref_slice %arg8[%add3A_409, %dma_wait3A_410] : memref<147472x8xf32, #tpu.memory_space<vmem_shared>> -> memref<256x8xf32, #tpu.memory_space<vmem_shared>>
      %dma_wait3A_412 = arith.constant 0 : i32
      %dma_wait3A_413 = tpu.memref_slice %arg8[%add3A_409, %dma_wait3A_412] : memref<147472x8xf32, #tpu.memory_space<vmem_shared>> -> memref<256x8xf32, #tpu.memory_space<vmem_shared>>
      tpu.wait_dma2 semaphore(%arg19 : memref<!tpu.dma_semaphore, #tpu.memory_space<semaphore_mem>>) src(%arg9 : memref<256x8xf32, #tpu.memory_space<vmem>>) dst(%dma_wait3A_413 : memref<256x8xf32, #tpu.memory_space<vmem_shared>>)
      %add3A_414 = arith.constant 7168 : i32
      %add3A_415 = arith.addi %mul3A_19, %add3A_414 : i32
      %dma_wait3A_416 = arith.constant 0 : i32
      %dma_wait3A_417 = tpu.memref_slice %arg8[%add3A_415, %dma_wait3A_416] : memref<147472x8xf32, #tpu.memory_space<vmem_shared>> -> memref<256x8xf32, #tpu.memory_space<vmem_shared>>
      %dma_wait3A_418 = arith.constant 0 : i32
      %dma_wait3A_419 = tpu.memref_slice %arg8[%add3A_415, %dma_wait3A_418] : memref<147472x8xf32, #tpu.memory_space<vmem_shared>> -> memref<256x8xf32, #tpu.memory_space<vmem_shared>>
      tpu.wait_dma2 semaphore(%arg19 : memref<!tpu.dma_semaphore, #tpu.memory_space<semaphore_mem>>) src(%arg9 : memref<256x8xf32, #tpu.memory_space<vmem>>) dst(%dma_wait3A_419 : memref<256x8xf32, #tpu.memory_space<vmem_shared>>)
      %add3A_420 = arith.constant 7424 : i32
      %add3A_421 = arith.addi %mul3A_19, %add3A_420 : i32
      %dma_wait3A_422 = arith.constant 0 : i32
      %dma_wait3A_423 = tpu.memref_slice %arg8[%add3A_421, %dma_wait3A_422] : memref<147472x8xf32, #tpu.memory_space<vmem_shared>> -> memref<256x8xf32, #tpu.memory_space<vmem_shared>>
      %dma_wait3A_424 = arith.constant 0 : i32
      %dma_wait3A_425 = tpu.memref_slice %arg8[%add3A_421, %dma_wait3A_424] : memref<147472x8xf32, #tpu.memory_space<vmem_shared>> -> memref<256x8xf32, #tpu.memory_space<vmem_shared>>
      tpu.wait_dma2 semaphore(%arg19 : memref<!tpu.dma_semaphore, #tpu.memory_space<semaphore_mem>>) src(%arg9 : memref<256x8xf32, #tpu.memory_space<vmem>>) dst(%dma_wait3A_425 : memref<256x8xf32, #tpu.memory_space<vmem_shared>>)
      %add3A_426 = arith.constant 7680 : i32
      %add3A_427 = arith.addi %mul3A_19, %add3A_426 : i32
      %dma_wait3A_428 = arith.constant 0 : i32
      %dma_wait3A_429 = tpu.memref_slice %arg8[%add3A_427, %dma_wait3A_428] : memref<147472x8xf32, #tpu.memory_space<vmem_shared>> -> memref<256x8xf32, #tpu.memory_space<vmem_shared>>
      %dma_wait3A_430 = arith.constant 0 : i32
      %dma_wait3A_431 = tpu.memref_slice %arg8[%add3A_427, %dma_wait3A_430] : memref<147472x8xf32, #tpu.memory_space<vmem_shared>> -> memref<256x8xf32, #tpu.memory_space<vmem_shared>>
      tpu.wait_dma2 semaphore(%arg19 : memref<!tpu.dma_semaphore, #tpu.memory_space<semaphore_mem>>) src(%arg9 : memref<256x8xf32, #tpu.memory_space<vmem>>) dst(%dma_wait3A_431 : memref<256x8xf32, #tpu.memory_space<vmem_shared>>)
      %add3A_432 = arith.constant 7936 : i32
      %add3A_433 = arith.addi %mul3A_19, %add3A_432 : i32
      %dma_wait3A_434 = arith.constant 0 : i32
      %dma_wait3A_435 = tpu.memref_slice %arg8[%add3A_433, %dma_wait3A_434] : memref<147472x8xf32, #tpu.memory_space<vmem_shared>> -> memref<256x8xf32, #tpu.memory_space<vmem_shared>>
      %dma_wait3A_436 = arith.constant 0 : i32
      %dma_wait3A_437 = tpu.memref_slice %arg8[%add3A_433, %dma_wait3A_436] : memref<147472x8xf32, #tpu.memory_space<vmem_shared>> -> memref<256x8xf32, #tpu.memory_space<vmem_shared>>
      tpu.wait_dma2 semaphore(%arg19 : memref<!tpu.dma_semaphore, #tpu.memory_space<semaphore_mem>>) src(%arg9 : memref<256x8xf32, #tpu.memory_space<vmem>>) dst(%dma_wait3A_437 : memref<256x8xf32, #tpu.memory_space<vmem_shared>>)
      %add3A_438 = arith.constant 8192 : i32
      %add3A_439 = arith.addi %mul3A_19, %add3A_438 : i32
      %dma_wait3A_440 = arith.constant 0 : i32
      %dma_wait3A_441 = tpu.memref_slice %arg8[%add3A_439, %dma_wait3A_440] : memref<147472x8xf32, #tpu.memory_space<vmem_shared>> -> memref<256x8xf32, #tpu.memory_space<vmem_shared>>
      %dma_wait3A_442 = arith.constant 0 : i32
      %dma_wait3A_443 = tpu.memref_slice %arg8[%add3A_439, %dma_wait3A_442] : memref<147472x8xf32, #tpu.memory_space<vmem_shared>> -> memref<256x8xf32, #tpu.memory_space<vmem_shared>>
      tpu.wait_dma2 semaphore(%arg19 : memref<!tpu.dma_semaphore, #tpu.memory_space<semaphore_mem>>) src(%arg9 : memref<256x8xf32, #tpu.memory_space<vmem>>) dst(%dma_wait3A_443 : memref<256x8xf32, #tpu.memory_space<vmem_shared>>)
      %add3A_444 = arith.constant 8448 : i32
      %add3A_445 = arith.addi %mul3A_19, %add3A_444 : i32
      %dma_wait3A_446 = arith.constant 0 : i32
      %dma_wait3A_447 = tpu.memref_slice %arg8[%add3A_445, %dma_wait3A_446] : memref<147472x8xf32, #tpu.memory_space<vmem_shared>> -> memref<256x8xf32, #tpu.memory_space<vmem_shared>>
      %dma_wait3A_448 = arith.constant 0 : i32
      %dma_wait3A_449 = tpu.memref_slice %arg8[%add3A_445, %dma_wait3A_448] : memref<147472x8xf32, #tpu.memory_space<vmem_shared>> -> memref<256x8xf32, #tpu.memory_space<vmem_shared>>
      tpu.wait_dma2 semaphore(%arg19 : memref<!tpu.dma_semaphore, #tpu.memory_space<semaphore_mem>>) src(%arg9 : memref<256x8xf32, #tpu.memory_space<vmem>>) dst(%dma_wait3A_449 : memref<256x8xf32, #tpu.memory_space<vmem_shared>>)
      %add3A_450 = arith.constant 8704 : i32
      %add3A_451 = arith.addi %mul3A_19, %add3A_450 : i32
      %dma_wait3A_452 = arith.constant 0 : i32
      %dma_wait3A_453 = tpu.memref_slice %arg8[%add3A_451, %dma_wait3A_452] : memref<147472x8xf32, #tpu.memory_space<vmem_shared>> -> memref<256x8xf32, #tpu.memory_space<vmem_shared>>
      %dma_wait3A_454 = arith.constant 0 : i32
      %dma_wait3A_455 = tpu.memref_slice %arg8[%add3A_451, %dma_wait3A_454] : memref<147472x8xf32, #tpu.memory_space<vmem_shared>> -> memref<256x8xf32, #tpu.memory_space<vmem_shared>>
      tpu.wait_dma2 semaphore(%arg19 : memref<!tpu.dma_semaphore, #tpu.memory_space<semaphore_mem>>) src(%arg9 : memref<256x8xf32, #tpu.memory_space<vmem>>) dst(%dma_wait3A_455 : memref<256x8xf32, #tpu.memory_space<vmem_shared>>)
      %add3A_456 = arith.constant 8960 : i32
      %add3A_457 = arith.addi %mul3A_19, %add3A_456 : i32
      %dma_wait3A_458 = arith.constant 0 : i32
      %dma_wait3A_459 = tpu.memref_slice %arg8[%add3A_457, %dma_wait3A_458] : memref<147472x8xf32, #tpu.memory_space<vmem_shared>> -> memref<256x8xf32, #tpu.memory_space<vmem_shared>>
      %dma_wait3A_460 = arith.constant 0 : i32
      %dma_wait3A_461 = tpu.memref_slice %arg8[%add3A_457, %dma_wait3A_460] : memref<147472x8xf32, #tpu.memory_space<vmem_shared>> -> memref<256x8xf32, #tpu.memory_space<vmem_shared>>
      tpu.wait_dma2 semaphore(%arg19 : memref<!tpu.dma_semaphore, #tpu.memory_space<semaphore_mem>>) src(%arg9 : memref<256x8xf32, #tpu.memory_space<vmem>>) dst(%dma_wait3A_461 : memref<256x8xf32, #tpu.memory_space<vmem_shared>>)
      %add3A_462 = arith.constant 9216 : i32
      %add3A_463 = arith.addi %mul3A_19, %add3A_462 : i32
      %dma_wait3A_464 = arith.constant 0 : i32
      %dma_wait3A_465 = arith.constant 0 : i32
      %dma_wait3A_466 = tpu.memref_slice %arg9[%dma_wait3A_464, %dma_wait3A_465] : memref<256x8xf32, #tpu.memory_space<vmem>> -> memref<1x8xf32, #tpu.memory_space<vmem>>
      %dma_wait3A_467 = arith.constant 0 : i32
      %dma_wait3A_468 = tpu.memref_slice %arg8[%add3A_463, %dma_wait3A_467] : memref<147472x8xf32, #tpu.memory_space<vmem_shared>> -> memref<1x8xf32, #tpu.memory_space<vmem_shared>>
      %dma_wait3A_469 = arith.constant 0 : i32
      %dma_wait3A_470 = tpu.memref_slice %arg8[%add3A_463, %dma_wait3A_469] : memref<147472x8xf32, #tpu.memory_space<vmem_shared>> -> memref<1x8xf32, #tpu.memory_space<vmem_shared>>
      %dma_wait3A_471 = arith.constant 0 : i32
      %dma_wait3A_472 = arith.constant 0 : i32
      %dma_wait3A_473 = tpu.memref_slice %arg9[%dma_wait3A_471, %dma_wait3A_472] : memref<256x8xf32, #tpu.memory_space<vmem>> -> memref<1x8xf32, #tpu.memory_space<vmem>>
      tpu.wait_dma2 semaphore(%arg19 : memref<!tpu.dma_semaphore, #tpu.memory_space<semaphore_mem>>) src(%dma_wait3A_473 : memref<1x8xf32, #tpu.memory_space<vmem>>) dst(%dma_wait3A_470 : memref<1x8xf32, #tpu.memory_space<vmem_shared>>)
      %barrier3A = arith.constant 0 : index
      tpu.barrier barrier_id(%barrier3A)
      %lt3A = arith.constant 12 : i32
      %lt3A_474 = arith.cmpi slt, %add3A_14, %lt3A : i32
      %convert_element_type3A = arith.extui %lt3A_474 : i1 to i32
      %cond3A = arith.constant 0 : i32
      %cond3A_475 = arith.cmpi ne, %convert_element_type3A, %cond3A : i32
      scf.if %cond3A_475 {
        %add3A_1089 = arith.constant 0 : i32
        %add3A_1090 = arith.addi %mul3A_4, %add3A_1089 : i32
        %mul3A_1091 = arith.constant 12 : i32
        %mul3A_1092 = arith.muli %arg0, %mul3A_1091 : i32
        %min3A = arith.constant 11 : i32
        %min3A_1093 = arith.minsi %add3A_14, %min3A : i32
        %add3A_1094 = arith.addi %mul3A_1092, %min3A_1093 : i32
        %dma_start3A_1095 = arith.constant 0 : i32
        %dma_start3A_1096 = arith.constant 0 : i32
        %dma_start3A_1097 = arith.constant 0 : i32
        %dma_start3A_1098 = tpu.memref_slice %arg10[%dma_start3A_1095, %dma_start3A_1096, %dma_start3A_1097] : memref<2x8x512xf32, #tpu.memory_space<vmem>> -> memref<1x8x512xf32, #tpu.memory_space<vmem>>
        %dma_start3A_1099 = tpu.memref_squeeze %dma_start3A_1098 : memref<1x8x512xf32, #tpu.memory_space<vmem>> -> memref<8x512xf32, #tpu.memory_space<vmem>>
        %dma_start3A_1100 = arith.constant 0 : i32
        %dma_start3A_1101 = tpu.memref_slice %arg2[%add3A_1094, %dma_start3A_1100, %add3A_1090] : memref<24x8x147456xf32, #tpu.memory_space<hbm>> -> memref<1x8x512xf32, #tpu.memory_space<hbm>>
        %dma_start3A_1102 = tpu.memref_squeeze %dma_start3A_1101 : memref<1x8x512xf32, #tpu.memory_space<hbm>> -> memref<8x512xf32, #tpu.memory_space<hbm>>
        %dma_start3A_1103 = arith.constant 0 : i32
        %dma_start3A_1104 = arith.constant 0 : i32
        %dma_start3A_1105 = tpu.memref_slice %arg10[%dma_start3A_1095, %dma_start3A_1103, %dma_start3A_1104] : memref<2x8x512xf32, #tpu.memory_space<vmem>> -> memref<1x8x512xf32, #tpu.memory_space<vmem>>
        %dma_start3A_1106 = tpu.memref_squeeze %dma_start3A_1105 : memref<1x8x512xf32, #tpu.memory_space<vmem>> -> memref<8x512xf32, #tpu.memory_space<vmem>>
        %dma_start3A_1107 = arith.constant 0 : i32
        %dma_start3A_1108 = tpu.memref_slice %arg2[%add3A_1094, %dma_start3A_1107, %add3A_1090] : memref<24x8x147456xf32, #tpu.memory_space<hbm>> -> memref<1x8x512xf32, #tpu.memory_space<hbm>>
        %dma_start3A_1109 = tpu.memref_squeeze %dma_start3A_1108 : memref<1x8x512xf32, #tpu.memory_space<hbm>> -> memref<8x512xf32, #tpu.memory_space<hbm>>
        tpu.enqueue_dma source(%dma_start3A_1109 : memref<8x512xf32, #tpu.memory_space<hbm>>) target(%dma_start3A_1106 : memref<8x512xf32, #tpu.memory_space<vmem>>) target_semaphore(%arg15 : memref<!tpu.dma_semaphore, #tpu.memory_space<semaphore_mem>>)
      } else {
      }
      %eq3A = arith.constant 12 : i32
      %eq3A_476 = arith.cmpi eq, %add3A_14, %eq3A : i32
      %convert_element_type3A_477 = arith.extui %eq3A_476 : i1 to i32
      %cond3A_478 = arith.constant 0 : i32
      %cond3A_479 = arith.cmpi ne, %convert_element_type3A_477, %cond3A_478 : i32
      scf.if %cond3A_479 {
        %add3A_1089 = arith.constant 0 : i32
        %add3A_1090 = arith.addi %mul3A_4, %add3A_1089 : i32
        %dma_start3A_1091 = arith.constant 0 : i32
        %dma_start3A_1092 = arith.constant 0 : i32
        %dma_start3A_1093 = arith.constant 0 : i32
        %dma_start3A_1094 = tpu.memref_slice %arg10[%dma_start3A_1091, %dma_start3A_1092, %dma_start3A_1093] : memref<2x8x512xf32, #tpu.memory_space<vmem>> -> memref<1x8x512xf32, #tpu.memory_space<vmem>>
        %dma_start3A_1095 = tpu.memref_squeeze %dma_start3A_1094 : memref<1x8x512xf32, #tpu.memory_space<vmem>> -> memref<8x512xf32, #tpu.memory_space<vmem>>
        %dma_start3A_1096 = arith.constant 0 : i32
        %dma_start3A_1097 = tpu.memref_slice %arg3[%dma_start3A_1096, %add3A_1090] : memref<8x147456xf32, #tpu.memory_space<hbm>> -> memref<8x512xf32, #tpu.memory_space<hbm>>
        %dma_start3A_1098 = arith.constant 0 : i32
        %dma_start3A_1099 = arith.constant 0 : i32
        %dma_start3A_1100 = tpu.memref_slice %arg10[%dma_start3A_1091, %dma_start3A_1098, %dma_start3A_1099] : memref<2x8x512xf32, #tpu.memory_space<vmem>> -> memref<1x8x512xf32, #tpu.memory_space<vmem>>
        %dma_start3A_1101 = tpu.memref_squeeze %dma_start3A_1100 : memref<1x8x512xf32, #tpu.memory_space<vmem>> -> memref<8x512xf32, #tpu.memory_space<vmem>>
        %dma_start3A_1102 = arith.constant 0 : i32
        %dma_start3A_1103 = tpu.memref_slice %arg3[%dma_start3A_1102, %add3A_1090] : memref<8x147456xf32, #tpu.memory_space<hbm>> -> memref<8x512xf32, #tpu.memory_space<hbm>>
        tpu.enqueue_dma source(%dma_start3A_1103 : memref<8x512xf32, #tpu.memory_space<hbm>>) target(%dma_start3A_1101 : memref<8x512xf32, #tpu.memory_space<vmem>>) target_semaphore(%arg15 : memref<!tpu.dma_semaphore, #tpu.memory_space<semaphore_mem>>)
      } else {
      }
      %add3A_480 = arith.constant 0 : i32
      %add3A_481 = arith.addi %mul3A_4, %add3A_480 : i32
      %dma_start3A_482 = arith.constant 0 : i32
      %dma_start3A_483 = arith.constant 0 : i32
      %dma_start3A_484 = arith.constant 0 : i32
      %dma_start3A_485 = arith.constant 0 : i32
      %dma_start3A_486 = tpu.memref_slice %arg11[%dma_start3A_484, %dma_start3A_485] : memref<2x1024xf32, #tpu.memory_space<vmem>> -> memref<1x512xf32, #tpu.memory_space<vmem>>
      %dma_start3A_487 = tpu.memref_squeeze %dma_start3A_486 : memref<1x512xf32, #tpu.memory_space<vmem>> -> memref<512xf32, #tpu.memory_space<vmem>>
      %dma_start3A_488 = tpu.memref_slice %arg5[%arg0, %dma_start3A_482, %dma_start3A_483, %add3A_481] : memref<2x2x2x147456xf32, #tpu.memory_space<hbm>> -> memref<1x1x1x512xf32, #tpu.memory_space<hbm>>
      %dma_start3A_489 = tpu.memref_squeeze %dma_start3A_488 : memref<1x1x1x512xf32, #tpu.memory_space<hbm>> -> memref<512xf32, #tpu.memory_space<hbm>>
      %dma_start3A_490 = arith.constant 0 : i32
      %dma_start3A_491 = tpu.memref_slice %arg11[%dma_start3A_484, %dma_start3A_490] : memref<2x1024xf32, #tpu.memory_space<vmem>> -> memref<1x512xf32, #tpu.memory_space<vmem>>
      %dma_start3A_492 = tpu.memref_squeeze %dma_start3A_491 : memref<1x512xf32, #tpu.memory_space<vmem>> -> memref<512xf32, #tpu.memory_space<vmem>>
      %dma_start3A_493 = tpu.memref_slice %arg5[%arg0, %dma_start3A_482, %dma_start3A_483, %add3A_481] : memref<2x2x2x147456xf32, #tpu.memory_space<hbm>> -> memref<1x1x1x512xf32, #tpu.memory_space<hbm>>
      %dma_start3A_494 = tpu.memref_squeeze %dma_start3A_493 : memref<1x1x1x512xf32, #tpu.memory_space<hbm>> -> memref<512xf32, #tpu.memory_space<hbm>>
      tpu.enqueue_dma source(%dma_start3A_494 : memref<512xf32, #tpu.memory_space<hbm>>) target(%dma_start3A_492 : memref<512xf32, #tpu.memory_space<vmem>>) target_semaphore(%arg15 : memref<!tpu.dma_semaphore, #tpu.memory_space<semaphore_mem>>)
      %dma_start3A_495 = arith.constant 0 : i32
      %dma_start3A_496 = arith.constant 1 : i32
      %dma_start3A_497 = arith.constant 0 : i32
      %dma_start3A_498 = arith.constant 512 : i32
      %dma_start3A_499 = tpu.memref_slice %arg11[%dma_start3A_497, %dma_start3A_498] : memref<2x1024xf32, #tpu.memory_space<vmem>> -> memref<1x512xf32, #tpu.memory_space<vmem>>
      %dma_start3A_500 = tpu.memref_squeeze %dma_start3A_499 : memref<1x512xf32, #tpu.memory_space<vmem>> -> memref<512xf32, #tpu.memory_space<vmem>>
      %dma_start3A_501 = tpu.memref_slice %arg5[%arg0, %dma_start3A_495, %dma_start3A_496, %add3A_481] : memref<2x2x2x147456xf32, #tpu.memory_space<hbm>> -> memref<1x1x1x512xf32, #tpu.memory_space<hbm>>
      %dma_start3A_502 = tpu.memref_squeeze %dma_start3A_501 : memref<1x1x1x512xf32, #tpu.memory_space<hbm>> -> memref<512xf32, #tpu.memory_space<hbm>>
      %dma_start3A_503 = arith.constant 512 : i32
      %dma_start3A_504 = tpu.memref_slice %arg11[%dma_start3A_497, %dma_start3A_503] : memref<2x1024xf32, #tpu.memory_space<vmem>> -> memref<1x512xf32, #tpu.memory_space<vmem>>
      %dma_start3A_505 = tpu.memref_squeeze %dma_start3A_504 : memref<1x512xf32, #tpu.memory_space<vmem>> -> memref<512xf32, #tpu.memory_space<vmem>>
      %dma_start3A_506 = tpu.memref_slice %arg5[%arg0, %dma_start3A_495, %dma_start3A_496, %add3A_481] : memref<2x2x2x147456xf32, #tpu.memory_space<hbm>> -> memref<1x1x1x512xf32, #tpu.memory_space<hbm>>
      %dma_start3A_507 = tpu.memref_squeeze %dma_start3A_506 : memref<1x1x1x512xf32, #tpu.memory_space<hbm>> -> memref<512xf32, #tpu.memory_space<hbm>>
      tpu.enqueue_dma source(%dma_start3A_507 : memref<512xf32, #tpu.memory_space<hbm>>) target(%dma_start3A_505 : memref<512xf32, #tpu.memory_space<vmem>>) target_semaphore(%arg15 : memref<!tpu.dma_semaphore, #tpu.memory_space<semaphore_mem>>)
      %dma_start3A_508 = arith.constant 1 : i32
      %dma_start3A_509 = arith.constant 0 : i32
      %dma_start3A_510 = arith.constant 0 : i32
      %dma_start3A_511 = arith.constant 0 : i32
      %dma_start3A_512 = tpu.memref_slice %arg12[%dma_start3A_510, %dma_start3A_511] : memref<2x1024xf32, #tpu.memory_space<vmem>> -> memref<1x512xf32, #tpu.memory_space<vmem>>
      %dma_start3A_513 = tpu.memref_squeeze %dma_start3A_512 : memref<1x512xf32, #tpu.memory_space<vmem>> -> memref<512xf32, #tpu.memory_space<vmem>>
      %dma_start3A_514 = tpu.memref_slice %arg5[%arg0, %dma_start3A_508, %dma_start3A_509, %add3A_481] : memref<2x2x2x147456xf32, #tpu.memory_space<hbm>> -> memref<1x1x1x512xf32, #tpu.memory_space<hbm>>
      %dma_start3A_515 = tpu.memref_squeeze %dma_start3A_514 : memref<1x1x1x512xf32, #tpu.memory_space<hbm>> -> memref<512xf32, #tpu.memory_space<hbm>>
      %dma_start3A_516 = arith.constant 0 : i32
      %dma_start3A_517 = tpu.memref_slice %arg12[%dma_start3A_510, %dma_start3A_516] : memref<2x1024xf32, #tpu.memory_space<vmem>> -> memref<1x512xf32, #tpu.memory_space<vmem>>
      %dma_start3A_518 = tpu.memref_squeeze %dma_start3A_517 : memref<1x512xf32, #tpu.memory_space<vmem>> -> memref<512xf32, #tpu.memory_space<vmem>>
      %dma_start3A_519 = tpu.memref_slice %arg5[%arg0, %dma_start3A_508, %dma_start3A_509, %add3A_481] : memref<2x2x2x147456xf32, #tpu.memory_space<hbm>> -> memref<1x1x1x512xf32, #tpu.memory_space<hbm>>
      %dma_start3A_520 = tpu.memref_squeeze %dma_start3A_519 : memref<1x1x1x512xf32, #tpu.memory_space<hbm>> -> memref<512xf32, #tpu.memory_space<hbm>>
      tpu.enqueue_dma source(%dma_start3A_520 : memref<512xf32, #tpu.memory_space<hbm>>) target(%dma_start3A_518 : memref<512xf32, #tpu.memory_space<vmem>>) target_semaphore(%arg15 : memref<!tpu.dma_semaphore, #tpu.memory_space<semaphore_mem>>)
      %dma_start3A_521 = arith.constant 1 : i32
      %dma_start3A_522 = arith.constant 1 : i32
      %dma_start3A_523 = arith.constant 0 : i32
      %dma_start3A_524 = arith.constant 512 : i32
      %dma_start3A_525 = tpu.memref_slice %arg12[%dma_start3A_523, %dma_start3A_524] : memref<2x1024xf32, #tpu.memory_space<vmem>> -> memref<1x512xf32, #tpu.memory_space<vmem>>
      %dma_start3A_526 = tpu.memref_squeeze %dma_start3A_525 : memref<1x512xf32, #tpu.memory_space<vmem>> -> memref<512xf32, #tpu.memory_space<vmem>>
      %dma_start3A_527 = tpu.memref_slice %arg5[%arg0, %dma_start3A_521, %dma_start3A_522, %add3A_481] : memref<2x2x2x147456xf32, #tpu.memory_space<hbm>> -> memref<1x1x1x512xf32, #tpu.memory_space<hbm>>
      %dma_start3A_528 = tpu.memref_squeeze %dma_start3A_527 : memref<1x1x1x512xf32, #tpu.memory_space<hbm>> -> memref<512xf32, #tpu.memory_space<hbm>>
      %dma_start3A_529 = arith.constant 512 : i32
      %dma_start3A_530 = tpu.memref_slice %arg12[%dma_start3A_523, %dma_start3A_529] : memref<2x1024xf32, #tpu.memory_space<vmem>> -> memref<1x512xf32, #tpu.memory_space<vmem>>
      %dma_start3A_531 = tpu.memref_squeeze %dma_start3A_530 : memref<1x512xf32, #tpu.memory_space<vmem>> -> memref<512xf32, #tpu.memory_space<vmem>>
      %dma_start3A_532 = tpu.memref_slice %arg5[%arg0, %dma_start3A_521, %dma_start3A_522, %add3A_481] : memref<2x2x2x147456xf32, #tpu.memory_space<hbm>> -> memref<1x1x1x512xf32, #tpu.memory_space<hbm>>
      %dma_start3A_533 = tpu.memref_squeeze %dma_start3A_532 : memref<1x1x1x512xf32, #tpu.memory_space<hbm>> -> memref<512xf32, #tpu.memory_space<hbm>>
      tpu.enqueue_dma source(%dma_start3A_533 : memref<512xf32, #tpu.memory_space<hbm>>) target(%dma_start3A_531 : memref<512xf32, #tpu.memory_space<vmem>>) target_semaphore(%arg15 : memref<!tpu.dma_semaphore, #tpu.memory_space<semaphore_mem>>)
      %lt3A_534 = arith.constant 12 : i32
      %lt3A_535 = arith.cmpi slt, %add3A_14, %lt3A_534 : i32
      %convert_element_type3A_536 = arith.extui %lt3A_535 : i1 to i32
      %cond3A_537 = arith.constant 0 : i32
      %cond3A_538 = arith.cmpi ne, %convert_element_type3A_536, %cond3A_537 : i32
      scf.if %cond3A_538 {
        %add3A_1089 = arith.constant 512 : i32
        %add3A_1090 = arith.addi %mul3A_4, %add3A_1089 : i32
        %mul3A_1091 = arith.constant 12 : i32
        %mul3A_1092 = arith.muli %arg0, %mul3A_1091 : i32
        %min3A = arith.constant 11 : i32
        %min3A_1093 = arith.minsi %add3A_14, %min3A : i32
        %add3A_1094 = arith.addi %mul3A_1092, %min3A_1093 : i32
        %dma_start3A_1095 = arith.constant 1 : i32
        %dma_start3A_1096 = arith.constant 0 : i32
        %dma_start3A_1097 = arith.constant 0 : i32
        %dma_start3A_1098 = tpu.memref_slice %arg10[%dma_start3A_1095, %dma_start3A_1096, %dma_start3A_1097] : memref<2x8x512xf32, #tpu.memory_space<vmem>> -> memref<1x8x512xf32, #tpu.memory_space<vmem>>
        %dma_start3A_1099 = tpu.memref_squeeze %dma_start3A_1098 : memref<1x8x512xf32, #tpu.memory_space<vmem>> -> memref<8x512xf32, #tpu.memory_space<vmem>>
        %dma_start3A_1100 = arith.constant 0 : i32
        %dma_start3A_1101 = tpu.memref_slice %arg2[%add3A_1094, %dma_start3A_1100, %add3A_1090] : memref<24x8x147456xf32, #tpu.memory_space<hbm>> -> memref<1x8x512xf32, #tpu.memory_space<hbm>>
        %dma_start3A_1102 = tpu.memref_squeeze %dma_start3A_1101 : memref<1x8x512xf32, #tpu.memory_space<hbm>> -> memref<8x512xf32, #tpu.memory_space<hbm>>
        %dma_start3A_1103 = arith.constant 0 : i32
        %dma_start3A_1104 = arith.constant 0 : i32
        %dma_start3A_1105 = tpu.memref_slice %arg10[%dma_start3A_1095, %dma_start3A_1103, %dma_start3A_1104] : memref<2x8x512xf32, #tpu.memory_space<vmem>> -> memref<1x8x512xf32, #tpu.memory_space<vmem>>
        %dma_start3A_1106 = tpu.memref_squeeze %dma_start3A_1105 : memref<1x8x512xf32, #tpu.memory_space<vmem>> -> memref<8x512xf32, #tpu.memory_space<vmem>>
        %dma_start3A_1107 = arith.constant 0 : i32
        %dma_start3A_1108 = tpu.memref_slice %arg2[%add3A_1094, %dma_start3A_1107, %add3A_1090] : memref<24x8x147456xf32, #tpu.memory_space<hbm>> -> memref<1x8x512xf32, #tpu.memory_space<hbm>>
        %dma_start3A_1109 = tpu.memref_squeeze %dma_start3A_1108 : memref<1x8x512xf32, #tpu.memory_space<hbm>> -> memref<8x512xf32, #tpu.memory_space<hbm>>
        tpu.enqueue_dma source(%dma_start3A_1109 : memref<8x512xf32, #tpu.memory_space<hbm>>) target(%dma_start3A_1106 : memref<8x512xf32, #tpu.memory_space<vmem>>) target_semaphore(%arg16 : memref<!tpu.dma_semaphore, #tpu.memory_space<semaphore_mem>>)
      } else {
      }
      %eq3A_539 = arith.constant 12 : i32
      %eq3A_540 = arith.cmpi eq, %add3A_14, %eq3A_539 : i32
      %convert_element_type3A_541 = arith.extui %eq3A_540 : i1 to i32
      %cond3A_542 = arith.constant 0 : i32
      %cond3A_543 = arith.cmpi ne, %convert_element_type3A_541, %cond3A_542 : i32
      scf.if %cond3A_543 {
        %add3A_1089 = arith.constant 512 : i32
        %add3A_1090 = arith.addi %mul3A_4, %add3A_1089 : i32
        %dma_start3A_1091 = arith.constant 1 : i32
        %dma_start3A_1092 = arith.constant 0 : i32
        %dma_start3A_1093 = arith.constant 0 : i32
        %dma_start3A_1094 = tpu.memref_slice %arg10[%dma_start3A_1091, %dma_start3A_1092, %dma_start3A_1093] : memref<2x8x512xf32, #tpu.memory_space<vmem>> -> memref<1x8x512xf32, #tpu.memory_space<vmem>>
        %dma_start3A_1095 = tpu.memref_squeeze %dma_start3A_1094 : memref<1x8x512xf32, #tpu.memory_space<vmem>> -> memref<8x512xf32, #tpu.memory_space<vmem>>
        %dma_start3A_1096 = arith.constant 0 : i32
        %dma_start3A_1097 = tpu.memref_slice %arg3[%dma_start3A_1096, %add3A_1090] : memref<8x147456xf32, #tpu.memory_space<hbm>> -> memref<8x512xf32, #tpu.memory_space<hbm>>
        %dma_start3A_1098 = arith.constant 0 : i32
        %dma_start3A_1099 = arith.constant 0 : i32
        %dma_start3A_1100 = tpu.memref_slice %arg10[%dma_start3A_1091, %dma_start3A_1098, %dma_start3A_1099] : memref<2x8x512xf32, #tpu.memory_space<vmem>> -> memref<1x8x512xf32, #tpu.memory_space<vmem>>
        %dma_start3A_1101 = tpu.memref_squeeze %dma_start3A_1100 : memref<1x8x512xf32, #tpu.memory_space<vmem>> -> memref<8x512xf32, #tpu.memory_space<vmem>>
        %dma_start3A_1102 = arith.constant 0 : i32
        %dma_start3A_1103 = tpu.memref_slice %arg3[%dma_start3A_1102, %add3A_1090] : memref<8x147456xf32, #tpu.memory_space<hbm>> -> memref<8x512xf32, #tpu.memory_space<hbm>>
        tpu.enqueue_dma source(%dma_start3A_1103 : memref<8x512xf32, #tpu.memory_space<hbm>>) target(%dma_start3A_1101 : memref<8x512xf32, #tpu.memory_space<vmem>>) target_semaphore(%arg16 : memref<!tpu.dma_semaphore, #tpu.memory_space<semaphore_mem>>)
      } else {
      }
      %add3A_544 = arith.constant 512 : i32
      %add3A_545 = arith.addi %mul3A_4, %add3A_544 : i32
      %dma_start3A_546 = arith.constant 0 : i32
      %dma_start3A_547 = arith.constant 0 : i32
      %dma_start3A_548 = arith.constant 1 : i32
      %dma_start3A_549 = arith.constant 0 : i32
      %dma_start3A_550 = tpu.memref_slice %arg11[%dma_start3A_548, %dma_start3A_549] : memref<2x1024xf32, #tpu.memory_space<vmem>> -> memref<1x512xf32, #tpu.memory_space<vmem>>
      %dma_start3A_551 = tpu.memref_squeeze %dma_start3A_550 : memref<1x512xf32, #tpu.memory_space<vmem>> -> memref<512xf32, #tpu.memory_space<vmem>>
      %dma_start3A_552 = tpu.memref_slice %arg5[%arg0, %dma_start3A_546, %dma_start3A_547, %add3A_545] : memref<2x2x2x147456xf32, #tpu.memory_space<hbm>> -> memref<1x1x1x512xf32, #tpu.memory_space<hbm>>
      %dma_start3A_553 = tpu.memref_squeeze %dma_start3A_552 : memref<1x1x1x512xf32, #tpu.memory_space<hbm>> -> memref<512xf32, #tpu.memory_space<hbm>>
      %dma_start3A_554 = arith.constant 0 : i32
      %dma_start3A_555 = tpu.memref_slice %arg11[%dma_start3A_548, %dma_start3A_554] : memref<2x1024xf32, #tpu.memory_space<vmem>> -> memref<1x512xf32, #tpu.memory_space<vmem>>
      %dma_start3A_556 = tpu.memref_squeeze %dma_start3A_555 : memref<1x512xf32, #tpu.memory_space<vmem>> -> memref<512xf32, #tpu.memory_space<vmem>>
      %dma_start3A_557 = tpu.memref_slice %arg5[%arg0, %dma_start3A_546, %dma_start3A_547, %add3A_545] : memref<2x2x2x147456xf32, #tpu.memory_space<hbm>> -> memref<1x1x1x512xf32, #tpu.memory_space<hbm>>
      %dma_start3A_558 = tpu.memref_squeeze %dma_start3A_557 : memref<1x1x1x512xf32, #tpu.memory_space<hbm>> -> memref<512xf32, #tpu.memory_space<hbm>>
      tpu.enqueue_dma source(%dma_start3A_558 : memref<512xf32, #tpu.memory_space<hbm>>) target(%dma_start3A_556 : memref<512xf32, #tpu.memory_space<vmem>>) target_semaphore(%arg16 : memref<!tpu.dma_semaphore, #tpu.memory_space<semaphore_mem>>)
      %dma_start3A_559 = arith.constant 0 : i32
      %dma_start3A_560 = arith.constant 1 : i32
      %dma_start3A_561 = arith.constant 1 : i32
      %dma_start3A_562 = arith.constant 512 : i32
      %dma_start3A_563 = tpu.memref_slice %arg11[%dma_start3A_561, %dma_start3A_562] : memref<2x1024xf32, #tpu.memory_space<vmem>> -> memref<1x512xf32, #tpu.memory_space<vmem>>
      %dma_start3A_564 = tpu.memref_squeeze %dma_start3A_563 : memref<1x512xf32, #tpu.memory_space<vmem>> -> memref<512xf32, #tpu.memory_space<vmem>>
      %dma_start3A_565 = tpu.memref_slice %arg5[%arg0, %dma_start3A_559, %dma_start3A_560, %add3A_545] : memref<2x2x2x147456xf32, #tpu.memory_space<hbm>> -> memref<1x1x1x512xf32, #tpu.memory_space<hbm>>
      %dma_start3A_566 = tpu.memref_squeeze %dma_start3A_565 : memref<1x1x1x512xf32, #tpu.memory_space<hbm>> -> memref<512xf32, #tpu.memory_space<hbm>>
      %dma_start3A_567 = arith.constant 512 : i32
      %dma_start3A_568 = tpu.memref_slice %arg11[%dma_start3A_561, %dma_start3A_567] : memref<2x1024xf32, #tpu.memory_space<vmem>> -> memref<1x512xf32, #tpu.memory_space<vmem>>
      %dma_start3A_569 = tpu.memref_squeeze %dma_start3A_568 : memref<1x512xf32, #tpu.memory_space<vmem>> -> memref<512xf32, #tpu.memory_space<vmem>>
      %dma_start3A_570 = tpu.memref_slice %arg5[%arg0, %dma_start3A_559, %dma_start3A_560, %add3A_545] : memref<2x2x2x147456xf32, #tpu.memory_space<hbm>> -> memref<1x1x1x512xf32, #tpu.memory_space<hbm>>
      %dma_start3A_571 = tpu.memref_squeeze %dma_start3A_570 : memref<1x1x1x512xf32, #tpu.memory_space<hbm>> -> memref<512xf32, #tpu.memory_space<hbm>>
      tpu.enqueue_dma source(%dma_start3A_571 : memref<512xf32, #tpu.memory_space<hbm>>) target(%dma_start3A_569 : memref<512xf32, #tpu.memory_space<vmem>>) target_semaphore(%arg16 : memref<!tpu.dma_semaphore, #tpu.memory_space<semaphore_mem>>)
      %dma_start3A_572 = arith.constant 1 : i32
      %dma_start3A_573 = arith.constant 0 : i32
      %dma_start3A_574 = arith.constant 1 : i32
      %dma_start3A_575 = arith.constant 0 : i32
      %dma_start3A_576 = tpu.memref_slice %arg12[%dma_start3A_574, %dma_start3A_575] : memref<2x1024xf32, #tpu.memory_space<vmem>> -> memref<1x512xf32, #tpu.memory_space<vmem>>
      %dma_start3A_577 = tpu.memref_squeeze %dma_start3A_576 : memref<1x512xf32, #tpu.memory_space<vmem>> -> memref<512xf32, #tpu.memory_space<vmem>>
      %dma_start3A_578 = tpu.memref_slice %arg5[%arg0, %dma_start3A_572, %dma_start3A_573, %add3A_545] : memref<2x2x2x147456xf32, #tpu.memory_space<hbm>> -> memref<1x1x1x512xf32, #tpu.memory_space<hbm>>
      %dma_start3A_579 = tpu.memref_squeeze %dma_start3A_578 : memref<1x1x1x512xf32, #tpu.memory_space<hbm>> -> memref<512xf32, #tpu.memory_space<hbm>>
      %dma_start3A_580 = arith.constant 0 : i32
      %dma_start3A_581 = tpu.memref_slice %arg12[%dma_start3A_574, %dma_start3A_580] : memref<2x1024xf32, #tpu.memory_space<vmem>> -> memref<1x512xf32, #tpu.memory_space<vmem>>
      %dma_start3A_582 = tpu.memref_squeeze %dma_start3A_581 : memref<1x512xf32, #tpu.memory_space<vmem>> -> memref<512xf32, #tpu.memory_space<vmem>>
      %dma_start3A_583 = tpu.memref_slice %arg5[%arg0, %dma_start3A_572, %dma_start3A_573, %add3A_545] : memref<2x2x2x147456xf32, #tpu.memory_space<hbm>> -> memref<1x1x1x512xf32, #tpu.memory_space<hbm>>
      %dma_start3A_584 = tpu.memref_squeeze %dma_start3A_583 : memref<1x1x1x512xf32, #tpu.memory_space<hbm>> -> memref<512xf32, #tpu.memory_space<hbm>>
      tpu.enqueue_dma source(%dma_start3A_584 : memref<512xf32, #tpu.memory_space<hbm>>) target(%dma_start3A_582 : memref<512xf32, #tpu.memory_space<vmem>>) target_semaphore(%arg16 : memref<!tpu.dma_semaphore, #tpu.memory_space<semaphore_mem>>)
      %dma_start3A_585 = arith.constant 1 : i32
      %dma_start3A_586 = arith.constant 1 : i32
      %dma_start3A_587 = arith.constant 1 : i32
      %dma_start3A_588 = arith.constant 512 : i32
      %dma_start3A_589 = tpu.memref_slice %arg12[%dma_start3A_587, %dma_start3A_588] : memref<2x1024xf32, #tpu.memory_space<vmem>> -> memref<1x512xf32, #tpu.memory_space<vmem>>
      %dma_start3A_590 = tpu.memref_squeeze %dma_start3A_589 : memref<1x512xf32, #tpu.memory_space<vmem>> -> memref<512xf32, #tpu.memory_space<vmem>>
      %dma_start3A_591 = tpu.memref_slice %arg5[%arg0, %dma_start3A_585, %dma_start3A_586, %add3A_545] : memref<2x2x2x147456xf32, #tpu.memory_space<hbm>> -> memref<1x1x1x512xf32, #tpu.memory_space<hbm>>
      %dma_start3A_592 = tpu.memref_squeeze %dma_start3A_591 : memref<1x1x1x512xf32, #tpu.memory_space<hbm>> -> memref<512xf32, #tpu.memory_space<hbm>>
      %dma_start3A_593 = arith.constant 512 : i32
      %dma_start3A_594 = tpu.memref_slice %arg12[%dma_start3A_587, %dma_start3A_593] : memref<2x1024xf32, #tpu.memory_space<vmem>> -> memref<1x512xf32, #tpu.memory_space<vmem>>
      %dma_start3A_595 = tpu.memref_squeeze %dma_start3A_594 : memref<1x512xf32, #tpu.memory_space<vmem>> -> memref<512xf32, #tpu.memory_space<vmem>>
      %dma_start3A_596 = tpu.memref_slice %arg5[%arg0, %dma_start3A_585, %dma_start3A_586, %add3A_545] : memref<2x2x2x147456xf32, #tpu.memory_space<hbm>> -> memref<1x1x1x512xf32, #tpu.memory_space<hbm>>
      %dma_start3A_597 = tpu.memref_squeeze %dma_start3A_596 : memref<1x1x1x512xf32, #tpu.memory_space<hbm>> -> memref<512xf32, #tpu.memory_space<hbm>>
      tpu.enqueue_dma source(%dma_start3A_597 : memref<512xf32, #tpu.memory_space<hbm>>) target(%dma_start3A_595 : memref<512xf32, #tpu.memory_space<vmem>>) target_semaphore(%arg16 : memref<!tpu.dma_semaphore, #tpu.memory_space<semaphore_mem>>)
      %scan3A_598 = arith.constant 0 : i32
      %scan3A_599 = arith.constant 9 : i32
      %scan3A_600 = arith.addi %scan3A_598, %scan3A_599 : i32
      %scan3A_601 = arith.constant 1 : i32
      scf.for %scan3A_1089 = %scan3A_598 to %scan3A_600 step %scan3A_601  : i32 {
        %mul3A_1090 = arith.constant 1 : i32
        %mul3A_1091 = arith.muli %scan3A_1089, %mul3A_1090 : i32
        %add3A_1092 = arith.constant 0 : i32
        %add3A_1093 = arith.addi %add3A_1092, %mul3A_1091 : i32
        %mul3A_1094 = arith.constant 2 : i32
        %mul3A_1095 = arith.muli %add3A_1093, %mul3A_1094 : i32
        %add3A_1096 = arith.constant 0 : i32
        %add3A_1097 = arith.addi %mul3A_1095, %add3A_1096 : i32
        %gt3A = arith.constant 0 : i32
        %gt3A_1098 = arith.cmpi sgt, %add3A_1093, %gt3A : i32
        %convert_element_type3A_1099 = arith.extui %gt3A_1098 : i1 to i32
        %cond3A_1100 = arith.constant 0 : i32
        %cond3A_1101 = arith.cmpi ne, %convert_element_type3A_1099, %cond3A_1100 : i32
        scf.if %cond3A_1101 {
          %dma_wait3A_1773 = arith.constant 0 : i32
          %dma_wait3A_1774 = arith.constant 0 : i32
          %dma_wait3A_1775 = arith.constant 0 : i32
          %dma_wait3A_1776 = arith.constant 0 : i32
          %dma_wait3A_1777 = arith.constant 0 : i32
          %dma_wait3A_1778 = arith.constant 0 : i32
          %dma_wait3A_1779 = arith.constant 0 : i32
          %dma_wait3A_1780 = tpu.memref_slice %arg14[%dma_wait3A_1773, %dma_wait3A_1774, %dma_wait3A_1778, %dma_wait3A_1779] : memref<2x4x512x8xf32, #tpu.memory_space<vmem>> -> memref<1x1x128x8xf32, #tpu.memory_space<vmem>>
          %dma_wait3A_1781 = tpu.memref_squeeze %dma_wait3A_1780 : memref<1x1x128x8xf32, #tpu.memory_space<vmem>> -> memref<128x8xf32, #tpu.memory_space<vmem>>
          %dma_wait3A_1782 = arith.constant 0 : i32
          %dma_wait3A_1783 = tpu.memref_slice %arg13[%dma_wait3A_1775, %dma_wait3A_1776, %dma_wait3A_1777, %dma_wait3A_1782] : memref<2x4x4x128xi32, #tpu.memory_space<vmem>> -> memref<1x1x1x128xi32, #tpu.memory_space<vmem>>
          %dma_wait3A_1784 = tpu.memref_squeeze %dma_wait3A_1783 : memref<1x1x1x128xi32, #tpu.memory_space<vmem>> -> memref<128xi32, #tpu.memory_space<vmem>>
          %dma_wait3A_1785 = arith.constant 0 : i32
          %dma_wait3A_1786 = arith.constant 0 : i32
          %dma_wait3A_1787 = tpu.memref_slice %arg8[%dma_wait3A_1785, %dma_wait3A_1786] : memref<147472x8xf32, #tpu.memory_space<vmem_shared>> -> memref<147472x8xf32, #tpu.memory_space<vmem_shared>>
          tpu.wait_indirect_dma semaphore(%arg17 : memref<!tpu.dma_semaphore, #tpu.memory_space<semaphore_mem>>) src(%dma_wait3A_1781 : memref<128x8xf32, #tpu.memory_space<vmem>>) dst(%dma_wait3A_1787 : memref<147472x8xf32, #tpu.memory_space<vmem_shared>>)
          %dma_wait3A_1788 = arith.constant 0 : i32
          %dma_wait3A_1789 = arith.constant 0 : i32
          %dma_wait3A_1790 = arith.constant 0 : i32
          %dma_wait3A_1791 = arith.constant 0 : i32
          %dma_wait3A_1792 = arith.constant 1 : i32
          %dma_wait3A_1793 = arith.constant 128 : i32
          %dma_wait3A_1794 = arith.constant 0 : i32
          %dma_wait3A_1795 = tpu.memref_slice %arg14[%dma_wait3A_1788, %dma_wait3A_1789, %dma_wait3A_1793, %dma_wait3A_1794] : memref<2x4x512x8xf32, #tpu.memory_space<vmem>> -> memref<1x1x128x8xf32, #tpu.memory_space<vmem>>
          %dma_wait3A_1796 = tpu.memref_squeeze %dma_wait3A_1795 : memref<1x1x128x8xf32, #tpu.memory_space<vmem>> -> memref<128x8xf32, #tpu.memory_space<vmem>>
          %dma_wait3A_1797 = arith.constant 0 : i32
          %dma_wait3A_1798 = tpu.memref_slice %arg13[%dma_wait3A_1790, %dma_wait3A_1791, %dma_wait3A_1792, %dma_wait3A_1797] : memref<2x4x4x128xi32, #tpu.memory_space<vmem>> -> memref<1x1x1x128xi32, #tpu.memory_space<vmem>>
          %dma_wait3A_1799 = tpu.memref_squeeze %dma_wait3A_1798 : memref<1x1x1x128xi32, #tpu.memory_space<vmem>> -> memref<128xi32, #tpu.memory_space<vmem>>
          %dma_wait3A_1800 = arith.constant 0 : i32
          %dma_wait3A_1801 = arith.constant 0 : i32
          %dma_wait3A_1802 = tpu.memref_slice %arg8[%dma_wait3A_1800, %dma_wait3A_1801] : memref<147472x8xf32, #tpu.memory_space<vmem_shared>> -> memref<147472x8xf32, #tpu.memory_space<vmem_shared>>
          tpu.wait_indirect_dma semaphore(%arg17 : memref<!tpu.dma_semaphore, #tpu.memory_space<semaphore_mem>>) src(%dma_wait3A_1796 : memref<128x8xf32, #tpu.memory_space<vmem>>) dst(%dma_wait3A_1802 : memref<147472x8xf32, #tpu.memory_space<vmem_shared>>)
          %dma_wait3A_1803 = arith.constant 0 : i32
          %dma_wait3A_1804 = arith.constant 0 : i32
          %dma_wait3A_1805 = arith.constant 0 : i32
          %dma_wait3A_1806 = arith.constant 0 : i32
          %dma_wait3A_1807 = arith.constant 2 : i32
          %dma_wait3A_1808 = arith.constant 256 : i32
          %dma_wait3A_1809 = arith.constant 0 : i32
          %dma_wait3A_1810 = tpu.memref_slice %arg14[%dma_wait3A_1803, %dma_wait3A_1804, %dma_wait3A_1808, %dma_wait3A_1809] : memref<2x4x512x8xf32, #tpu.memory_space<vmem>> -> memref<1x1x128x8xf32, #tpu.memory_space<vmem>>
          %dma_wait3A_1811 = tpu.memref_squeeze %dma_wait3A_1810 : memref<1x1x128x8xf32, #tpu.memory_space<vmem>> -> memref<128x8xf32, #tpu.memory_space<vmem>>
          %dma_wait3A_1812 = arith.constant 0 : i32
          %dma_wait3A_1813 = tpu.memref_slice %arg13[%dma_wait3A_1805, %dma_wait3A_1806, %dma_wait3A_1807, %dma_wait3A_1812] : memref<2x4x4x128xi32, #tpu.memory_space<vmem>> -> memref<1x1x1x128xi32, #tpu.memory_space<vmem>>
          %dma_wait3A_1814 = tpu.memref_squeeze %dma_wait3A_1813 : memref<1x1x1x128xi32, #tpu.memory_space<vmem>> -> memref<128xi32, #tpu.memory_space<vmem>>
          %dma_wait3A_1815 = arith.constant 0 : i32
          %dma_wait3A_1816 = arith.constant 0 : i32
          %dma_wait3A_1817 = tpu.memref_slice %arg8[%dma_wait3A_1815, %dma_wait3A_1816] : memref<147472x8xf32, #tpu.memory_space<vmem_shared>> -> memref<147472x8xf32, #tpu.memory_space<vmem_shared>>
          tpu.wait_indirect_dma semaphore(%arg17 : memref<!tpu.dma_semaphore, #tpu.memory_space<semaphore_mem>>) src(%dma_wait3A_1811 : memref<128x8xf32, #tpu.memory_space<vmem>>) dst(%dma_wait3A_1817 : memref<147472x8xf32, #tpu.memory_space<vmem_shared>>)
          %dma_wait3A_1818 = arith.constant 0 : i32
          %dma_wait3A_1819 = arith.constant 0 : i32
          %dma_wait3A_1820 = arith.constant 0 : i32
          %dma_wait3A_1821 = arith.constant 0 : i32
          %dma_wait3A_1822 = arith.constant 3 : i32
          %dma_wait3A_1823 = arith.constant 384 : i32
          %dma_wait3A_1824 = arith.constant 0 : i32
          %dma_wait3A_1825 = tpu.memref_slice %arg14[%dma_wait3A_1818, %dma_wait3A_1819, %dma_wait3A_1823, %dma_wait3A_1824] : memref<2x4x512x8xf32, #tpu.memory_space<vmem>> -> memref<1x1x128x8xf32, #tpu.memory_space<vmem>>
          %dma_wait3A_1826 = tpu.memref_squeeze %dma_wait3A_1825 : memref<1x1x128x8xf32, #tpu.memory_space<vmem>> -> memref<128x8xf32, #tpu.memory_space<vmem>>
          %dma_wait3A_1827 = arith.constant 0 : i32
          %dma_wait3A_1828 = tpu.memref_slice %arg13[%dma_wait3A_1820, %dma_wait3A_1821, %dma_wait3A_1822, %dma_wait3A_1827] : memref<2x4x4x128xi32, #tpu.memory_space<vmem>> -> memref<1x1x1x128xi32, #tpu.memory_space<vmem>>
          %dma_wait3A_1829 = tpu.memref_squeeze %dma_wait3A_1828 : memref<1x1x1x128xi32, #tpu.memory_space<vmem>> -> memref<128xi32, #tpu.memory_space<vmem>>
          %dma_wait3A_1830 = arith.constant 0 : i32
          %dma_wait3A_1831 = arith.constant 0 : i32
          %dma_wait3A_1832 = tpu.memref_slice %arg8[%dma_wait3A_1830, %dma_wait3A_1831] : memref<147472x8xf32, #tpu.memory_space<vmem_shared>> -> memref<147472x8xf32, #tpu.memory_space<vmem_shared>>
          tpu.wait_indirect_dma semaphore(%arg17 : memref<!tpu.dma_semaphore, #tpu.memory_space<semaphore_mem>>) src(%dma_wait3A_1826 : memref<128x8xf32, #tpu.memory_space<vmem>>) dst(%dma_wait3A_1832 : memref<147472x8xf32, #tpu.memory_space<vmem_shared>>)
          %dma_wait3A_1833 = arith.constant 0 : i32
          %dma_wait3A_1834 = arith.constant 1 : i32
          %dma_wait3A_1835 = arith.constant 0 : i32
          %dma_wait3A_1836 = arith.constant 1 : i32
          %dma_wait3A_1837 = arith.constant 0 : i32
          %dma_wait3A_1838 = arith.constant 0 : i32
          %dma_wait3A_1839 = arith.constant 0 : i32
          %dma_wait3A_1840 = tpu.memref_slice %arg14[%dma_wait3A_1833, %dma_wait3A_1834, %dma_wait3A_1838, %dma_wait3A_1839] : memref<2x4x512x8xf32, #tpu.memory_space<vmem>> -> memref<1x1x128x8xf32, #tpu.memory_space<vmem>>
          %dma_wait3A_1841 = tpu.memref_squeeze %dma_wait3A_1840 : memref<1x1x128x8xf32, #tpu.memory_space<vmem>> -> memref<128x8xf32, #tpu.memory_space<vmem>>
          %dma_wait3A_1842 = arith.constant 0 : i32
          %dma_wait3A_1843 = tpu.memref_slice %arg13[%dma_wait3A_1835, %dma_wait3A_1836, %dma_wait3A_1837, %dma_wait3A_1842] : memref<2x4x4x128xi32, #tpu.memory_space<vmem>> -> memref<1x1x1x128xi32, #tpu.memory_space<vmem>>
          %dma_wait3A_1844 = tpu.memref_squeeze %dma_wait3A_1843 : memref<1x1x1x128xi32, #tpu.memory_space<vmem>> -> memref<128xi32, #tpu.memory_space<vmem>>
          %dma_wait3A_1845 = arith.constant 0 : i32
          %dma_wait3A_1846 = arith.constant 0 : i32
          %dma_wait3A_1847 = tpu.memref_slice %arg8[%dma_wait3A_1845, %dma_wait3A_1846] : memref<147472x8xf32, #tpu.memory_space<vmem_shared>> -> memref<147472x8xf32, #tpu.memory_space<vmem_shared>>
          tpu.wait_indirect_dma semaphore(%arg17 : memref<!tpu.dma_semaphore, #tpu.memory_space<semaphore_mem>>) src(%dma_wait3A_1841 : memref<128x8xf32, #tpu.memory_space<vmem>>) dst(%dma_wait3A_1847 : memref<147472x8xf32, #tpu.memory_space<vmem_shared>>)
          %dma_wait3A_1848 = arith.constant 0 : i32
          %dma_wait3A_1849 = arith.constant 1 : i32
          %dma_wait3A_1850 = arith.constant 0 : i32
          %dma_wait3A_1851 = arith.constant 1 : i32
          %dma_wait3A_1852 = arith.constant 1 : i32
          %dma_wait3A_1853 = arith.constant 128 : i32
          %dma_wait3A_1854 = arith.constant 0 : i32
          %dma_wait3A_1855 = tpu.memref_slice %arg14[%dma_wait3A_1848, %dma_wait3A_1849, %dma_wait3A_1853, %dma_wait3A_1854] : memref<2x4x512x8xf32, #tpu.memory_space<vmem>> -> memref<1x1x128x8xf32, #tpu.memory_space<vmem>>
          %dma_wait3A_1856 = tpu.memref_squeeze %dma_wait3A_1855 : memref<1x1x128x8xf32, #tpu.memory_space<vmem>> -> memref<128x8xf32, #tpu.memory_space<vmem>>
          %dma_wait3A_1857 = arith.constant 0 : i32
          %dma_wait3A_1858 = tpu.memref_slice %arg13[%dma_wait3A_1850, %dma_wait3A_1851, %dma_wait3A_1852, %dma_wait3A_1857] : memref<2x4x4x128xi32, #tpu.memory_space<vmem>> -> memref<1x1x1x128xi32, #tpu.memory_space<vmem>>
          %dma_wait3A_1859 = tpu.memref_squeeze %dma_wait3A_1858 : memref<1x1x1x128xi32, #tpu.memory_space<vmem>> -> memref<128xi32, #tpu.memory_space<vmem>>
          %dma_wait3A_1860 = arith.constant 0 : i32
          %dma_wait3A_1861 = arith.constant 0 : i32
          %dma_wait3A_1862 = tpu.memref_slice %arg8[%dma_wait3A_1860, %dma_wait3A_1861] : memref<147472x8xf32, #tpu.memory_space<vmem_shared>> -> memref<147472x8xf32, #tpu.memory_space<vmem_shared>>
          tpu.wait_indirect_dma semaphore(%arg17 : memref<!tpu.dma_semaphore, #tpu.memory_space<semaphore_mem>>) src(%dma_wait3A_1856 : memref<128x8xf32, #tpu.memory_space<vmem>>) dst(%dma_wait3A_1862 : memref<147472x8xf32, #tpu.memory_space<vmem_shared>>)
          %dma_wait3A_1863 = arith.constant 0 : i32
          %dma_wait3A_1864 = arith.constant 1 : i32
          %dma_wait3A_1865 = arith.constant 0 : i32
          %dma_wait3A_1866 = arith.constant 1 : i32
          %dma_wait3A_1867 = arith.constant 2 : i32
          %dma_wait3A_1868 = arith.constant 256 : i32
          %dma_wait3A_1869 = arith.constant 0 : i32
          %dma_wait3A_1870 = tpu.memref_slice %arg14[%dma_wait3A_1863, %dma_wait3A_1864, %dma_wait3A_1868, %dma_wait3A_1869] : memref<2x4x512x8xf32, #tpu.memory_space<vmem>> -> memref<1x1x128x8xf32, #tpu.memory_space<vmem>>
          %dma_wait3A_1871 = tpu.memref_squeeze %dma_wait3A_1870 : memref<1x1x128x8xf32, #tpu.memory_space<vmem>> -> memref<128x8xf32, #tpu.memory_space<vmem>>
          %dma_wait3A_1872 = arith.constant 0 : i32
          %dma_wait3A_1873 = tpu.memref_slice %arg13[%dma_wait3A_1865, %dma_wait3A_1866, %dma_wait3A_1867, %dma_wait3A_1872] : memref<2x4x4x128xi32, #tpu.memory_space<vmem>> -> memref<1x1x1x128xi32, #tpu.memory_space<vmem>>
          %dma_wait3A_1874 = tpu.memref_squeeze %dma_wait3A_1873 : memref<1x1x1x128xi32, #tpu.memory_space<vmem>> -> memref<128xi32, #tpu.memory_space<vmem>>
          %dma_wait3A_1875 = arith.constant 0 : i32
          %dma_wait3A_1876 = arith.constant 0 : i32
          %dma_wait3A_1877 = tpu.memref_slice %arg8[%dma_wait3A_1875, %dma_wait3A_1876] : memref<147472x8xf32, #tpu.memory_space<vmem_shared>> -> memref<147472x8xf32, #tpu.memory_space<vmem_shared>>
          tpu.wait_indirect_dma semaphore(%arg17 : memref<!tpu.dma_semaphore, #tpu.memory_space<semaphore_mem>>) src(%dma_wait3A_1871 : memref<128x8xf32, #tpu.memory_space<vmem>>) dst(%dma_wait3A_1877 : memref<147472x8xf32, #tpu.memory_space<vmem_shared>>)
          %dma_wait3A_1878 = arith.constant 0 : i32
          %dma_wait3A_1879 = arith.constant 1 : i32
          %dma_wait3A_1880 = arith.constant 0 : i32
          %dma_wait3A_1881 = arith.constant 1 : i32
          %dma_wait3A_1882 = arith.constant 3 : i32
          %dma_wait3A_1883 = arith.constant 384 : i32
          %dma_wait3A_1884 = arith.constant 0 : i32
          %dma_wait3A_1885 = tpu.memref_slice %arg14[%dma_wait3A_1878, %dma_wait3A_1879, %dma_wait3A_1883, %dma_wait3A_1884] : memref<2x4x512x8xf32, #tpu.memory_space<vmem>> -> memref<1x1x128x8xf32, #tpu.memory_space<vmem>>
          %dma_wait3A_1886 = tpu.memref_squeeze %dma_wait3A_1885 : memref<1x1x128x8xf32, #tpu.memory_space<vmem>> -> memref<128x8xf32, #tpu.memory_space<vmem>>
          %dma_wait3A_1887 = arith.constant 0 : i32
          %dma_wait3A_1888 = tpu.memref_slice %arg13[%dma_wait3A_1880, %dma_wait3A_1881, %dma_wait3A_1882, %dma_wait3A_1887] : memref<2x4x4x128xi32, #tpu.memory_space<vmem>> -> memref<1x1x1x128xi32, #tpu.memory_space<vmem>>
          %dma_wait3A_1889 = tpu.memref_squeeze %dma_wait3A_1888 : memref<1x1x1x128xi32, #tpu.memory_space<vmem>> -> memref<128xi32, #tpu.memory_space<vmem>>
          %dma_wait3A_1890 = arith.constant 0 : i32
          %dma_wait3A_1891 = arith.constant 0 : i32
          %dma_wait3A_1892 = tpu.memref_slice %arg8[%dma_wait3A_1890, %dma_wait3A_1891] : memref<147472x8xf32, #tpu.memory_space<vmem_shared>> -> memref<147472x8xf32, #tpu.memory_space<vmem_shared>>
          tpu.wait_indirect_dma semaphore(%arg17 : memref<!tpu.dma_semaphore, #tpu.memory_space<semaphore_mem>>) src(%dma_wait3A_1886 : memref<128x8xf32, #tpu.memory_space<vmem>>) dst(%dma_wait3A_1892 : memref<147472x8xf32, #tpu.memory_space<vmem_shared>>)
          %dma_wait3A_1893 = arith.constant 0 : i32
          %dma_wait3A_1894 = arith.constant 2 : i32
          %dma_wait3A_1895 = arith.constant 0 : i32
          %dma_wait3A_1896 = arith.constant 2 : i32
          %dma_wait3A_1897 = arith.constant 0 : i32
          %dma_wait3A_1898 = arith.constant 0 : i32
          %dma_wait3A_1899 = arith.constant 0 : i32
          %dma_wait3A_1900 = tpu.memref_slice %arg14[%dma_wait3A_1893, %dma_wait3A_1894, %dma_wait3A_1898, %dma_wait3A_1899] : memref<2x4x512x8xf32, #tpu.memory_space<vmem>> -> memref<1x1x128x8xf32, #tpu.memory_space<vmem>>
          %dma_wait3A_1901 = tpu.memref_squeeze %dma_wait3A_1900 : memref<1x1x128x8xf32, #tpu.memory_space<vmem>> -> memref<128x8xf32, #tpu.memory_space<vmem>>
          %dma_wait3A_1902 = arith.constant 0 : i32
          %dma_wait3A_1903 = tpu.memref_slice %arg13[%dma_wait3A_1895, %dma_wait3A_1896, %dma_wait3A_1897, %dma_wait3A_1902] : memref<2x4x4x128xi32, #tpu.memory_space<vmem>> -> memref<1x1x1x128xi32, #tpu.memory_space<vmem>>
          %dma_wait3A_1904 = tpu.memref_squeeze %dma_wait3A_1903 : memref<1x1x1x128xi32, #tpu.memory_space<vmem>> -> memref<128xi32, #tpu.memory_space<vmem>>
          %dma_wait3A_1905 = arith.constant 0 : i32
          %dma_wait3A_1906 = arith.constant 0 : i32
          %dma_wait3A_1907 = tpu.memref_slice %arg8[%dma_wait3A_1905, %dma_wait3A_1906] : memref<147472x8xf32, #tpu.memory_space<vmem_shared>> -> memref<147472x8xf32, #tpu.memory_space<vmem_shared>>
          tpu.wait_indirect_dma semaphore(%arg17 : memref<!tpu.dma_semaphore, #tpu.memory_space<semaphore_mem>>) src(%dma_wait3A_1901 : memref<128x8xf32, #tpu.memory_space<vmem>>) dst(%dma_wait3A_1907 : memref<147472x8xf32, #tpu.memory_space<vmem_shared>>)
          %dma_wait3A_1908 = arith.constant 0 : i32
          %dma_wait3A_1909 = arith.constant 2 : i32
          %dma_wait3A_1910 = arith.constant 0 : i32
          %dma_wait3A_1911 = arith.constant 2 : i32
          %dma_wait3A_1912 = arith.constant 1 : i32
          %dma_wait3A_1913 = arith.constant 128 : i32
          %dma_wait3A_1914 = arith.constant 0 : i32
          %dma_wait3A_1915 = tpu.memref_slice %arg14[%dma_wait3A_1908, %dma_wait3A_1909, %dma_wait3A_1913, %dma_wait3A_1914] : memref<2x4x512x8xf32, #tpu.memory_space<vmem>> -> memref<1x1x128x8xf32, #tpu.memory_space<vmem>>
          %dma_wait3A_1916 = tpu.memref_squeeze %dma_wait3A_1915 : memref<1x1x128x8xf32, #tpu.memory_space<vmem>> -> memref<128x8xf32, #tpu.memory_space<vmem>>
          %dma_wait3A_1917 = arith.constant 0 : i32
          %dma_wait3A_1918 = tpu.memref_slice %arg13[%dma_wait3A_1910, %dma_wait3A_1911, %dma_wait3A_1912, %dma_wait3A_1917] : memref<2x4x4x128xi32, #tpu.memory_space<vmem>> -> memref<1x1x1x128xi32, #tpu.memory_space<vmem>>
          %dma_wait3A_1919 = tpu.memref_squeeze %dma_wait3A_1918 : memref<1x1x1x128xi32, #tpu.memory_space<vmem>> -> memref<128xi32, #tpu.memory_space<vmem>>
          %dma_wait3A_1920 = arith.constant 0 : i32
          %dma_wait3A_1921 = arith.constant 0 : i32
          %dma_wait3A_1922 = tpu.memref_slice %arg8[%dma_wait3A_1920, %dma_wait3A_1921] : memref<147472x8xf32, #tpu.memory_space<vmem_shared>> -> memref<147472x8xf32, #tpu.memory_space<vmem_shared>>
          tpu.wait_indirect_dma semaphore(%arg17 : memref<!tpu.dma_semaphore, #tpu.memory_space<semaphore_mem>>) src(%dma_wait3A_1916 : memref<128x8xf32, #tpu.memory_space<vmem>>) dst(%dma_wait3A_1922 : memref<147472x8xf32, #tpu.memory_space<vmem_shared>>)
          %dma_wait3A_1923 = arith.constant 0 : i32
          %dma_wait3A_1924 = arith.constant 2 : i32
          %dma_wait3A_1925 = arith.constant 0 : i32
          %dma_wait3A_1926 = arith.constant 2 : i32
          %dma_wait3A_1927 = arith.constant 2 : i32
          %dma_wait3A_1928 = arith.constant 256 : i32
          %dma_wait3A_1929 = arith.constant 0 : i32
          %dma_wait3A_1930 = tpu.memref_slice %arg14[%dma_wait3A_1923, %dma_wait3A_1924, %dma_wait3A_1928, %dma_wait3A_1929] : memref<2x4x512x8xf32, #tpu.memory_space<vmem>> -> memref<1x1x128x8xf32, #tpu.memory_space<vmem>>
          %dma_wait3A_1931 = tpu.memref_squeeze %dma_wait3A_1930 : memref<1x1x128x8xf32, #tpu.memory_space<vmem>> -> memref<128x8xf32, #tpu.memory_space<vmem>>
          %dma_wait3A_1932 = arith.constant 0 : i32
          %dma_wait3A_1933 = tpu.memref_slice %arg13[%dma_wait3A_1925, %dma_wait3A_1926, %dma_wait3A_1927, %dma_wait3A_1932] : memref<2x4x4x128xi32, #tpu.memory_space<vmem>> -> memref<1x1x1x128xi32, #tpu.memory_space<vmem>>
          %dma_wait3A_1934 = tpu.memref_squeeze %dma_wait3A_1933 : memref<1x1x1x128xi32, #tpu.memory_space<vmem>> -> memref<128xi32, #tpu.memory_space<vmem>>
          %dma_wait3A_1935 = arith.constant 0 : i32
          %dma_wait3A_1936 = arith.constant 0 : i32
          %dma_wait3A_1937 = tpu.memref_slice %arg8[%dma_wait3A_1935, %dma_wait3A_1936] : memref<147472x8xf32, #tpu.memory_space<vmem_shared>> -> memref<147472x8xf32, #tpu.memory_space<vmem_shared>>
          tpu.wait_indirect_dma semaphore(%arg17 : memref<!tpu.dma_semaphore, #tpu.memory_space<semaphore_mem>>) src(%dma_wait3A_1931 : memref<128x8xf32, #tpu.memory_space<vmem>>) dst(%dma_wait3A_1937 : memref<147472x8xf32, #tpu.memory_space<vmem_shared>>)
          %dma_wait3A_1938 = arith.constant 0 : i32
          %dma_wait3A_1939 = arith.constant 2 : i32
          %dma_wait3A_1940 = arith.constant 0 : i32
          %dma_wait3A_1941 = arith.constant 2 : i32
          %dma_wait3A_1942 = arith.constant 3 : i32
          %dma_wait3A_1943 = arith.constant 384 : i32
          %dma_wait3A_1944 = arith.constant 0 : i32
          %dma_wait3A_1945 = tpu.memref_slice %arg14[%dma_wait3A_1938, %dma_wait3A_1939, %dma_wait3A_1943, %dma_wait3A_1944] : memref<2x4x512x8xf32, #tpu.memory_space<vmem>> -> memref<1x1x128x8xf32, #tpu.memory_space<vmem>>
          %dma_wait3A_1946 = tpu.memref_squeeze %dma_wait3A_1945 : memref<1x1x128x8xf32, #tpu.memory_space<vmem>> -> memref<128x8xf32, #tpu.memory_space<vmem>>
          %dma_wait3A_1947 = arith.constant 0 : i32
          %dma_wait3A_1948 = tpu.memref_slice %arg13[%dma_wait3A_1940, %dma_wait3A_1941, %dma_wait3A_1942, %dma_wait3A_1947] : memref<2x4x4x128xi32, #tpu.memory_space<vmem>> -> memref<1x1x1x128xi32, #tpu.memory_space<vmem>>
          %dma_wait3A_1949 = tpu.memref_squeeze %dma_wait3A_1948 : memref<1x1x1x128xi32, #tpu.memory_space<vmem>> -> memref<128xi32, #tpu.memory_space<vmem>>
          %dma_wait3A_1950 = arith.constant 0 : i32
          %dma_wait3A_1951 = arith.constant 0 : i32
          %dma_wait3A_1952 = tpu.memref_slice %arg8[%dma_wait3A_1950, %dma_wait3A_1951] : memref<147472x8xf32, #tpu.memory_space<vmem_shared>> -> memref<147472x8xf32, #tpu.memory_space<vmem_shared>>
          tpu.wait_indirect_dma semaphore(%arg17 : memref<!tpu.dma_semaphore, #tpu.memory_space<semaphore_mem>>) src(%dma_wait3A_1946 : memref<128x8xf32, #tpu.memory_space<vmem>>) dst(%dma_wait3A_1952 : memref<147472x8xf32, #tpu.memory_space<vmem_shared>>)
          %dma_wait3A_1953 = arith.constant 0 : i32
          %dma_wait3A_1954 = arith.constant 3 : i32
          %dma_wait3A_1955 = arith.constant 0 : i32
          %dma_wait3A_1956 = arith.constant 3 : i32
          %dma_wait3A_1957 = arith.constant 0 : i32
          %dma_wait3A_1958 = arith.constant 0 : i32
          %dma_wait3A_1959 = arith.constant 0 : i32
          %dma_wait3A_1960 = tpu.memref_slice %arg14[%dma_wait3A_1953, %dma_wait3A_1954, %dma_wait3A_1958, %dma_wait3A_1959] : memref<2x4x512x8xf32, #tpu.memory_space<vmem>> -> memref<1x1x128x8xf32, #tpu.memory_space<vmem>>
          %dma_wait3A_1961 = tpu.memref_squeeze %dma_wait3A_1960 : memref<1x1x128x8xf32, #tpu.memory_space<vmem>> -> memref<128x8xf32, #tpu.memory_space<vmem>>
          %dma_wait3A_1962 = arith.constant 0 : i32
          %dma_wait3A_1963 = tpu.memref_slice %arg13[%dma_wait3A_1955, %dma_wait3A_1956, %dma_wait3A_1957, %dma_wait3A_1962] : memref<2x4x4x128xi32, #tpu.memory_space<vmem>> -> memref<1x1x1x128xi32, #tpu.memory_space<vmem>>
          %dma_wait3A_1964 = tpu.memref_squeeze %dma_wait3A_1963 : memref<1x1x1x128xi32, #tpu.memory_space<vmem>> -> memref<128xi32, #tpu.memory_space<vmem>>
          %dma_wait3A_1965 = arith.constant 0 : i32
          %dma_wait3A_1966 = arith.constant 0 : i32
          %dma_wait3A_1967 = tpu.memref_slice %arg8[%dma_wait3A_1965, %dma_wait3A_1966] : memref<147472x8xf32, #tpu.memory_space<vmem_shared>> -> memref<147472x8xf32, #tpu.memory_space<vmem_shared>>
          tpu.wait_indirect_dma semaphore(%arg17 : memref<!tpu.dma_semaphore, #tpu.memory_space<semaphore_mem>>) src(%dma_wait3A_1961 : memref<128x8xf32, #tpu.memory_space<vmem>>) dst(%dma_wait3A_1967 : memref<147472x8xf32, #tpu.memory_space<vmem_shared>>)
          %dma_wait3A_1968 = arith.constant 0 : i32
          %dma_wait3A_1969 = arith.constant 3 : i32
          %dma_wait3A_1970 = arith.constant 0 : i32
          %dma_wait3A_1971 = arith.constant 3 : i32
          %dma_wait3A_1972 = arith.constant 1 : i32
          %dma_wait3A_1973 = arith.constant 128 : i32
          %dma_wait3A_1974 = arith.constant 0 : i32
          %dma_wait3A_1975 = tpu.memref_slice %arg14[%dma_wait3A_1968, %dma_wait3A_1969, %dma_wait3A_1973, %dma_wait3A_1974] : memref<2x4x512x8xf32, #tpu.memory_space<vmem>> -> memref<1x1x128x8xf32, #tpu.memory_space<vmem>>
          %dma_wait3A_1976 = tpu.memref_squeeze %dma_wait3A_1975 : memref<1x1x128x8xf32, #tpu.memory_space<vmem>> -> memref<128x8xf32, #tpu.memory_space<vmem>>
          %dma_wait3A_1977 = arith.constant 0 : i32
          %dma_wait3A_1978 = tpu.memref_slice %arg13[%dma_wait3A_1970, %dma_wait3A_1971, %dma_wait3A_1972, %dma_wait3A_1977] : memref<2x4x4x128xi32, #tpu.memory_space<vmem>> -> memref<1x1x1x128xi32, #tpu.memory_space<vmem>>
          %dma_wait3A_1979 = tpu.memref_squeeze %dma_wait3A_1978 : memref<1x1x1x128xi32, #tpu.memory_space<vmem>> -> memref<128xi32, #tpu.memory_space<vmem>>
          %dma_wait3A_1980 = arith.constant 0 : i32
          %dma_wait3A_1981 = arith.constant 0 : i32
          %dma_wait3A_1982 = tpu.memref_slice %arg8[%dma_wait3A_1980, %dma_wait3A_1981] : memref<147472x8xf32, #tpu.memory_space<vmem_shared>> -> memref<147472x8xf32, #tpu.memory_space<vmem_shared>>
          tpu.wait_indirect_dma semaphore(%arg17 : memref<!tpu.dma_semaphore, #tpu.memory_space<semaphore_mem>>) src(%dma_wait3A_1976 : memref<128x8xf32, #tpu.memory_space<vmem>>) dst(%dma_wait3A_1982 : memref<147472x8xf32, #tpu.memory_space<vmem_shared>>)
          %dma_wait3A_1983 = arith.constant 0 : i32
          %dma_wait3A_1984 = arith.constant 3 : i32
          %dma_wait3A_1985 = arith.constant 0 : i32
          %dma_wait3A_1986 = arith.constant 3 : i32
          %dma_wait3A_1987 = arith.constant 2 : i32
          %dma_wait3A_1988 = arith.constant 256 : i32
          %dma_wait3A_1989 = arith.constant 0 : i32
          %dma_wait3A_1990 = tpu.memref_slice %arg14[%dma_wait3A_1983, %dma_wait3A_1984, %dma_wait3A_1988, %dma_wait3A_1989] : memref<2x4x512x8xf32, #tpu.memory_space<vmem>> -> memref<1x1x128x8xf32, #tpu.memory_space<vmem>>
          %dma_wait3A_1991 = tpu.memref_squeeze %dma_wait3A_1990 : memref<1x1x128x8xf32, #tpu.memory_space<vmem>> -> memref<128x8xf32, #tpu.memory_space<vmem>>
          %dma_wait3A_1992 = arith.constant 0 : i32
          %dma_wait3A_1993 = tpu.memref_slice %arg13[%dma_wait3A_1985, %dma_wait3A_1986, %dma_wait3A_1987, %dma_wait3A_1992] : memref<2x4x4x128xi32, #tpu.memory_space<vmem>> -> memref<1x1x1x128xi32, #tpu.memory_space<vmem>>
          %dma_wait3A_1994 = tpu.memref_squeeze %dma_wait3A_1993 : memref<1x1x1x128xi32, #tpu.memory_space<vmem>> -> memref<128xi32, #tpu.memory_space<vmem>>
          %dma_wait3A_1995 = arith.constant 0 : i32
          %dma_wait3A_1996 = arith.constant 0 : i32
          %dma_wait3A_1997 = tpu.memref_slice %arg8[%dma_wait3A_1995, %dma_wait3A_1996] : memref<147472x8xf32, #tpu.memory_space<vmem_shared>> -> memref<147472x8xf32, #tpu.memory_space<vmem_shared>>
          tpu.wait_indirect_dma semaphore(%arg17 : memref<!tpu.dma_semaphore, #tpu.memory_space<semaphore_mem>>) src(%dma_wait3A_1991 : memref<128x8xf32, #tpu.memory_space<vmem>>) dst(%dma_wait3A_1997 : memref<147472x8xf32, #tpu.memory_space<vmem_shared>>)
          %dma_wait3A_1998 = arith.constant 0 : i32
          %dma_wait3A_1999 = arith.constant 3 : i32
          %dma_wait3A_2000 = arith.constant 0 : i32
          %dma_wait3A_2001 = arith.constant 3 : i32
          %dma_wait3A_2002 = arith.constant 3 : i32
          %dma_wait3A_2003 = arith.constant 384 : i32
          %dma_wait3A_2004 = arith.constant 0 : i32
          %dma_wait3A_2005 = tpu.memref_slice %arg14[%dma_wait3A_1998, %dma_wait3A_1999, %dma_wait3A_2003, %dma_wait3A_2004] : memref<2x4x512x8xf32, #tpu.memory_space<vmem>> -> memref<1x1x128x8xf32, #tpu.memory_space<vmem>>
          %dma_wait3A_2006 = tpu.memref_squeeze %dma_wait3A_2005 : memref<1x1x128x8xf32, #tpu.memory_space<vmem>> -> memref<128x8xf32, #tpu.memory_space<vmem>>
          %dma_wait3A_2007 = arith.constant 0 : i32
          %dma_wait3A_2008 = tpu.memref_slice %arg13[%dma_wait3A_2000, %dma_wait3A_2001, %dma_wait3A_2002, %dma_wait3A_2007] : memref<2x4x4x128xi32, #tpu.memory_space<vmem>> -> memref<1x1x1x128xi32, #tpu.memory_space<vmem>>
          %dma_wait3A_2009 = tpu.memref_squeeze %dma_wait3A_2008 : memref<1x1x1x128xi32, #tpu.memory_space<vmem>> -> memref<128xi32, #tpu.memory_space<vmem>>
          %dma_wait3A_2010 = arith.constant 0 : i32
          %dma_wait3A_2011 = arith.constant 0 : i32
          %dma_wait3A_2012 = tpu.memref_slice %arg8[%dma_wait3A_2010, %dma_wait3A_2011] : memref<147472x8xf32, #tpu.memory_space<vmem_shared>> -> memref<147472x8xf32, #tpu.memory_space<vmem_shared>>
          tpu.wait_indirect_dma semaphore(%arg17 : memref<!tpu.dma_semaphore, #tpu.memory_space<semaphore_mem>>) src(%dma_wait3A_2006 : memref<128x8xf32, #tpu.memory_space<vmem>>) dst(%dma_wait3A_2012 : memref<147472x8xf32, #tpu.memory_space<vmem_shared>>)
        } else {
        }
        %mul3A_1102 = arith.constant 4 : i32
        %mul3A_1103 = arith.muli %add3A_1097, %mul3A_1102 : i32
        %add3A_1104 = arith.addi %mul3A_6, %mul3A_1103 : i32
        %run_scoped3A = arith.constant 0 : i32
        "tpu.region"() ({
          %run_scoped3A_1773 = tpu.sem_alloc : memref<!tpu.dma_semaphore, #tpu.memory_space<semaphore_mem>>
          %dma_start3A_1774 = arith.constant 0 : i32
          %dma_start3A_1775 = arith.constant 0 : i32
          %dma_start3A_1776 = arith.constant 0 : i32
          %dma_start3A_1777 = tpu.memref_slice %arg13[%run_scoped3A, %dma_start3A_1774, %dma_start3A_1775, %dma_start3A_1776] : memref<2x4x4x128xi32, #tpu.memory_space<vmem>> -> memref<1x4x4x128xi32, #tpu.memory_space<vmem>>
          %dma_start3A_1778 = tpu.memref_squeeze %dma_start3A_1777 : memref<1x4x4x128xi32, #tpu.memory_space<vmem>> -> memref<4x4x128xi32, #tpu.memory_space<vmem>>
          %dma_start3A_1779 = arith.constant 0 : i32
          %dma_start3A_1780 = arith.constant 0 : i32
          %dma_start3A_1781 = tpu.memref_slice %arg4[%arg0, %dma_start3A_1779, %add3A_1104, %dma_start3A_1780] : memref<2x4x1152x128xi32, #tpu.memory_space<hbm>> -> memref<1x4x4x128xi32, #tpu.memory_space<hbm>>
          %dma_start3A_1782 = tpu.memref_squeeze %dma_start3A_1781 : memref<1x4x4x128xi32, #tpu.memory_space<hbm>> -> memref<4x4x128xi32, #tpu.memory_space<hbm>>
          %dma_start3A_1783 = arith.constant 0 : i32
          %dma_start3A_1784 = arith.constant 0 : i32
          %dma_start3A_1785 = arith.constant 0 : i32
          %dma_start3A_1786 = tpu.memref_slice %arg13[%run_scoped3A, %dma_start3A_1783, %dma_start3A_1784, %dma_start3A_1785] : memref<2x4x4x128xi32, #tpu.memory_space<vmem>> -> memref<1x4x4x128xi32, #tpu.memory_space<vmem>>
          %dma_start3A_1787 = tpu.memref_squeeze %dma_start3A_1786 : memref<1x4x4x128xi32, #tpu.memory_space<vmem>> -> memref<4x4x128xi32, #tpu.memory_space<vmem>>
          %dma_start3A_1788 = arith.constant 0 : i32
          %dma_start3A_1789 = arith.constant 0 : i32
          %dma_start3A_1790 = tpu.memref_slice %arg4[%arg0, %dma_start3A_1788, %add3A_1104, %dma_start3A_1789] : memref<2x4x1152x128xi32, #tpu.memory_space<hbm>> -> memref<1x4x4x128xi32, #tpu.memory_space<hbm>>
          %dma_start3A_1791 = tpu.memref_squeeze %dma_start3A_1790 : memref<1x4x4x128xi32, #tpu.memory_space<hbm>> -> memref<4x4x128xi32, #tpu.memory_space<hbm>>
          tpu.enqueue_dma source(%dma_start3A_1791 : memref<4x4x128xi32, #tpu.memory_space<hbm>>) target(%dma_start3A_1787 : memref<4x4x128xi32, #tpu.memory_space<vmem>>) target_semaphore(%run_scoped3A_1773 : memref<!tpu.dma_semaphore, #tpu.memory_space<semaphore_mem>>)
          %dma_wait3A_1792 = arith.constant 0 : i32
          %dma_wait3A_1793 = arith.constant 0 : i32
          %dma_wait3A_1794 = arith.constant 0 : i32
          %dma_wait3A_1795 = tpu.memref_slice %arg13[%run_scoped3A, %dma_wait3A_1792, %dma_wait3A_1793, %dma_wait3A_1794] : memref<2x4x4x128xi32, #tpu.memory_space<vmem>> -> memref<1x4x4x128xi32, #tpu.memory_space<vmem>>
          %dma_wait3A_1796 = tpu.memref_squeeze %dma_wait3A_1795 : memref<1x4x4x128xi32, #tpu.memory_space<vmem>> -> memref<4x4x128xi32, #tpu.memory_space<vmem>>
          %dma_wait3A_1797 = arith.constant 0 : i32
          %dma_wait3A_1798 = arith.constant 0 : i32
          %dma_wait3A_1799 = tpu.memref_slice %arg4[%arg0, %dma_wait3A_1797, %add3A_1104, %dma_wait3A_1798] : memref<2x4x1152x128xi32, #tpu.memory_space<hbm>> -> memref<1x4x4x128xi32, #tpu.memory_space<hbm>>
          %dma_wait3A_1800 = tpu.memref_squeeze %dma_wait3A_1799 : memref<1x4x4x128xi32, #tpu.memory_space<hbm>> -> memref<4x4x128xi32, #tpu.memory_space<hbm>>
          %dma_wait3A_1801 = arith.constant 0 : i32
          %dma_wait3A_1802 = arith.constant 0 : i32
          %dma_wait3A_1803 = arith.constant 0 : i32
          %dma_wait3A_1804 = tpu.memref_slice %arg13[%run_scoped3A, %dma_wait3A_1801, %dma_wait3A_1802, %dma_wait3A_1803] : memref<2x4x4x128xi32, #tpu.memory_space<vmem>> -> memref<1x4x4x128xi32, #tpu.memory_space<vmem>>
          %dma_wait3A_1805 = tpu.memref_squeeze %dma_wait3A_1804 : memref<1x4x4x128xi32, #tpu.memory_space<vmem>> -> memref<4x4x128xi32, #tpu.memory_space<vmem>>
          %dma_wait3A_1806 = arith.constant 0 : i32
          %dma_wait3A_1807 = arith.constant 0 : i32
          %dma_wait3A_1808 = tpu.memref_slice %arg4[%arg0, %dma_wait3A_1806, %add3A_1104, %dma_wait3A_1807] : memref<2x4x1152x128xi32, #tpu.memory_space<hbm>> -> memref<1x4x4x128xi32, #tpu.memory_space<hbm>>
          %dma_wait3A_1809 = tpu.memref_squeeze %dma_wait3A_1808 : memref<1x4x4x128xi32, #tpu.memory_space<hbm>> -> memref<4x4x128xi32, #tpu.memory_space<hbm>>
          tpu.wait_dma2 semaphore(%run_scoped3A_1773 : memref<!tpu.dma_semaphore, #tpu.memory_space<semaphore_mem>>) src(%dma_wait3A_1809 : memref<4x4x128xi32, #tpu.memory_space<hbm>>) dst(%dma_wait3A_1805 : memref<4x4x128xi32, #tpu.memory_space<vmem>>)
          tpu.yield
        }) : () -> ()
        %mul3A_1105 = arith.constant 512 : i32
        %mul3A_1106 = arith.muli %add3A_1097, %mul3A_1105 : i32
        %add3A_1107 = arith.addi %mul3A_4, %mul3A_1106 : i32
        %mul3A_1108 = arith.constant 12 : i32
        %mul3A_1109 = arith.muli %arg0, %mul3A_1108 : i32
        %min3A = arith.constant 11 : i32
        %min3A_1110 = arith.minsi %add3A_14, %min3A : i32
        %add3A_1111 = arith.addi %mul3A_1109, %min3A_1110 : i32
        %dma_wait3A_1112 = arith.constant 0 : i32
        %dma_wait3A_1113 = arith.constant 0 : i32
        %dma_wait3A_1114 = arith.constant 0 : i32
        %dma_wait3A_1115 = tpu.memref_slice %arg10[%dma_wait3A_1112, %dma_wait3A_1113, %dma_wait3A_1114] : memref<2x8x512xf32, #tpu.memory_space<vmem>> -> memref<1x8x512xf32, #tpu.memory_space<vmem>>
        %dma_wait3A_1116 = tpu.memref_squeeze %dma_wait3A_1115 : memref<1x8x512xf32, #tpu.memory_space<vmem>> -> memref<8x512xf32, #tpu.memory_space<vmem>>
        %dma_wait3A_1117 = arith.constant 0 : i32
        %dma_wait3A_1118 = tpu.memref_slice %arg2[%add3A_1111, %dma_wait3A_1117, %add3A_1107] : memref<24x8x147456xf32, #tpu.memory_space<hbm>> -> memref<1x8x512xf32, #tpu.memory_space<hbm>>
        %dma_wait3A_1119 = tpu.memref_squeeze %dma_wait3A_1118 : memref<1x8x512xf32, #tpu.memory_space<hbm>> -> memref<8x512xf32, #tpu.memory_space<hbm>>
        %dma_wait3A_1120 = arith.constant 0 : i32
        %dma_wait3A_1121 = arith.constant 0 : i32
        %dma_wait3A_1122 = tpu.memref_slice %arg10[%dma_wait3A_1112, %dma_wait3A_1120, %dma_wait3A_1121] : memref<2x8x512xf32, #tpu.memory_space<vmem>> -> memref<1x8x512xf32, #tpu.memory_space<vmem>>
        %dma_wait3A_1123 = tpu.memref_squeeze %dma_wait3A_1122 : memref<1x8x512xf32, #tpu.memory_space<vmem>> -> memref<8x512xf32, #tpu.memory_space<vmem>>
        %dma_wait3A_1124 = arith.constant 0 : i32
        %dma_wait3A_1125 = tpu.memref_slice %arg2[%add3A_1111, %dma_wait3A_1124, %add3A_1107] : memref<24x8x147456xf32, #tpu.memory_space<hbm>> -> memref<1x8x512xf32, #tpu.memory_space<hbm>>
        %dma_wait3A_1126 = tpu.memref_squeeze %dma_wait3A_1125 : memref<1x8x512xf32, #tpu.memory_space<hbm>> -> memref<8x512xf32, #tpu.memory_space<hbm>>
        tpu.wait_dma2 semaphore(%arg15 : memref<!tpu.dma_semaphore, #tpu.memory_space<semaphore_mem>>) src(%dma_wait3A_1126 : memref<8x512xf32, #tpu.memory_space<hbm>>) dst(%dma_wait3A_1123 : memref<8x512xf32, #tpu.memory_space<vmem>>)
        %mul3A_1127 = arith.constant 512 : i32
        %mul3A_1128 = arith.muli %add3A_1097, %mul3A_1127 : i32
        %add3A_1129 = arith.addi %mul3A_4, %mul3A_1128 : i32
        %dma_wait3A_1130 = arith.constant 0 : i32
        %dma_wait3A_1131 = arith.constant 0 : i32
        %dma_wait3A_1132 = arith.constant 0 : i32
        %dma_wait3A_1133 = arith.constant 0 : i32
        %dma_wait3A_1134 = tpu.memref_slice %arg11[%dma_wait3A_1132, %dma_wait3A_1133] : memref<2x1024xf32, #tpu.memory_space<vmem>> -> memref<1x512xf32, #tpu.memory_space<vmem>>
        %dma_wait3A_1135 = tpu.memref_squeeze %dma_wait3A_1134 : memref<1x512xf32, #tpu.memory_space<vmem>> -> memref<512xf32, #tpu.memory_space<vmem>>
        %dma_wait3A_1136 = tpu.memref_slice %arg5[%arg0, %dma_wait3A_1130, %dma_wait3A_1131, %add3A_1129] : memref<2x2x2x147456xf32, #tpu.memory_space<hbm>> -> memref<1x1x1x512xf32, #tpu.memory_space<hbm>>
        %dma_wait3A_1137 = tpu.memref_squeeze %dma_wait3A_1136 : memref<1x1x1x512xf32, #tpu.memory_space<hbm>> -> memref<512xf32, #tpu.memory_space<hbm>>
        %dma_wait3A_1138 = arith.constant 0 : i32
        %dma_wait3A_1139 = tpu.memref_slice %arg11[%dma_wait3A_1132, %dma_wait3A_1138] : memref<2x1024xf32, #tpu.memory_space<vmem>> -> memref<1x512xf32, #tpu.memory_space<vmem>>
        %dma_wait3A_1140 = tpu.memref_squeeze %dma_wait3A_1139 : memref<1x512xf32, #tpu.memory_space<vmem>> -> memref<512xf32, #tpu.memory_space<vmem>>
        %dma_wait3A_1141 = tpu.memref_slice %arg5[%arg0, %dma_wait3A_1130, %dma_wait3A_1131, %add3A_1129] : memref<2x2x2x147456xf32, #tpu.memory_space<hbm>> -> memref<1x1x1x512xf32, #tpu.memory_space<hbm>>
        %dma_wait3A_1142 = tpu.memref_squeeze %dma_wait3A_1141 : memref<1x1x1x512xf32, #tpu.memory_space<hbm>> -> memref<512xf32, #tpu.memory_space<hbm>>
        tpu.wait_dma2 semaphore(%arg15 : memref<!tpu.dma_semaphore, #tpu.memory_space<semaphore_mem>>) src(%dma_wait3A_1142 : memref<512xf32, #tpu.memory_space<hbm>>) dst(%dma_wait3A_1140 : memref<512xf32, #tpu.memory_space<vmem>>)
        %dma_wait3A_1143 = arith.constant 0 : i32
        %dma_wait3A_1144 = arith.constant 1 : i32
        %dma_wait3A_1145 = arith.constant 0 : i32
        %dma_wait3A_1146 = arith.constant 512 : i32
        %dma_wait3A_1147 = tpu.memref_slice %arg11[%dma_wait3A_1145, %dma_wait3A_1146] : memref<2x1024xf32, #tpu.memory_space<vmem>> -> memref<1x512xf32, #tpu.memory_space<vmem>>
        %dma_wait3A_1148 = tpu.memref_squeeze %dma_wait3A_1147 : memref<1x512xf32, #tpu.memory_space<vmem>> -> memref<512xf32, #tpu.memory_space<vmem>>
        %dma_wait3A_1149 = tpu.memref_slice %arg5[%arg0, %dma_wait3A_1143, %dma_wait3A_1144, %add3A_1129] : memref<2x2x2x147456xf32, #tpu.memory_space<hbm>> -> memref<1x1x1x512xf32, #tpu.memory_space<hbm>>
        %dma_wait3A_1150 = tpu.memref_squeeze %dma_wait3A_1149 : memref<1x1x1x512xf32, #tpu.memory_space<hbm>> -> memref<512xf32, #tpu.memory_space<hbm>>
        %dma_wait3A_1151 = arith.constant 512 : i32
        %dma_wait3A_1152 = tpu.memref_slice %arg11[%dma_wait3A_1145, %dma_wait3A_1151] : memref<2x1024xf32, #tpu.memory_space<vmem>> -> memref<1x512xf32, #tpu.memory_space<vmem>>
        %dma_wait3A_1153 = tpu.memref_squeeze %dma_wait3A_1152 : memref<1x512xf32, #tpu.memory_space<vmem>> -> memref<512xf32, #tpu.memory_space<vmem>>
        %dma_wait3A_1154 = tpu.memref_slice %arg5[%arg0, %dma_wait3A_1143, %dma_wait3A_1144, %add3A_1129] : memref<2x2x2x147456xf32, #tpu.memory_space<hbm>> -> memref<1x1x1x512xf32, #tpu.memory_space<hbm>>
        %dma_wait3A_1155 = tpu.memref_squeeze %dma_wait3A_1154 : memref<1x1x1x512xf32, #tpu.memory_space<hbm>> -> memref<512xf32, #tpu.memory_space<hbm>>
        tpu.wait_dma2 semaphore(%arg15 : memref<!tpu.dma_semaphore, #tpu.memory_space<semaphore_mem>>) src(%dma_wait3A_1155 : memref<512xf32, #tpu.memory_space<hbm>>) dst(%dma_wait3A_1153 : memref<512xf32, #tpu.memory_space<vmem>>)
        %dma_wait3A_1156 = arith.constant 1 : i32
        %dma_wait3A_1157 = arith.constant 0 : i32
        %dma_wait3A_1158 = arith.constant 0 : i32
        %dma_wait3A_1159 = arith.constant 0 : i32
        %dma_wait3A_1160 = tpu.memref_slice %arg12[%dma_wait3A_1158, %dma_wait3A_1159] : memref<2x1024xf32, #tpu.memory_space<vmem>> -> memref<1x512xf32, #tpu.memory_space<vmem>>
        %dma_wait3A_1161 = tpu.memref_squeeze %dma_wait3A_1160 : memref<1x512xf32, #tpu.memory_space<vmem>> -> memref<512xf32, #tpu.memory_space<vmem>>
        %dma_wait3A_1162 = tpu.memref_slice %arg5[%arg0, %dma_wait3A_1156, %dma_wait3A_1157, %add3A_1129] : memref<2x2x2x147456xf32, #tpu.memory_space<hbm>> -> memref<1x1x1x512xf32, #tpu.memory_space<hbm>>
        %dma_wait3A_1163 = tpu.memref_squeeze %dma_wait3A_1162 : memref<1x1x1x512xf32, #tpu.memory_space<hbm>> -> memref<512xf32, #tpu.memory_space<hbm>>
        %dma_wait3A_1164 = arith.constant 0 : i32
        %dma_wait3A_1165 = tpu.memref_slice %arg12[%dma_wait3A_1158, %dma_wait3A_1164] : memref<2x1024xf32, #tpu.memory_space<vmem>> -> memref<1x512xf32, #tpu.memory_space<vmem>>
        %dma_wait3A_1166 = tpu.memref_squeeze %dma_wait3A_1165 : memref<1x512xf32, #tpu.memory_space<vmem>> -> memref<512xf32, #tpu.memory_space<vmem>>
        %dma_wait3A_1167 = tpu.memref_slice %arg5[%arg0, %dma_wait3A_1156, %dma_wait3A_1157, %add3A_1129] : memref<2x2x2x147456xf32, #tpu.memory_space<hbm>> -> memref<1x1x1x512xf32, #tpu.memory_space<hbm>>
        %dma_wait3A_1168 = tpu.memref_squeeze %dma_wait3A_1167 : memref<1x1x1x512xf32, #tpu.memory_space<hbm>> -> memref<512xf32, #tpu.memory_space<hbm>>
        tpu.wait_dma2 semaphore(%arg15 : memref<!tpu.dma_semaphore, #tpu.memory_space<semaphore_mem>>) src(%dma_wait3A_1168 : memref<512xf32, #tpu.memory_space<hbm>>) dst(%dma_wait3A_1166 : memref<512xf32, #tpu.memory_space<vmem>>)
        %dma_wait3A_1169 = arith.constant 1 : i32
        %dma_wait3A_1170 = arith.constant 1 : i32
        %dma_wait3A_1171 = arith.constant 0 : i32
        %dma_wait3A_1172 = arith.constant 512 : i32
        %dma_wait3A_1173 = tpu.memref_slice %arg12[%dma_wait3A_1171, %dma_wait3A_1172] : memref<2x1024xf32, #tpu.memory_space<vmem>> -> memref<1x512xf32, #tpu.memory_space<vmem>>
        %dma_wait3A_1174 = tpu.memref_squeeze %dma_wait3A_1173 : memref<1x512xf32, #tpu.memory_space<vmem>> -> memref<512xf32, #tpu.memory_space<vmem>>
        %dma_wait3A_1175 = tpu.memref_slice %arg5[%arg0, %dma_wait3A_1169, %dma_wait3A_1170, %add3A_1129] : memref<2x2x2x147456xf32, #tpu.memory_space<hbm>> -> memref<1x1x1x512xf32, #tpu.memory_space<hbm>>
        %dma_wait3A_1176 = tpu.memref_squeeze %dma_wait3A_1175 : memref<1x1x1x512xf32, #tpu.memory_space<hbm>> -> memref<512xf32, #tpu.memory_space<hbm>>
        %dma_wait3A_1177 = arith.constant 512 : i32
        %dma_wait3A_1178 = tpu.memref_slice %arg12[%dma_wait3A_1171, %dma_wait3A_1177] : memref<2x1024xf32, #tpu.memory_space<vmem>> -> memref<1x512xf32, #tpu.memory_space<vmem>>
        %dma_wait3A_1179 = tpu.memref_squeeze %dma_wait3A_1178 : memref<1x512xf32, #tpu.memory_space<vmem>> -> memref<512xf32, #tpu.memory_space<vmem>>
        %dma_wait3A_1180 = tpu.memref_slice %arg5[%arg0, %dma_wait3A_1169, %dma_wait3A_1170, %add3A_1129] : memref<2x2x2x147456xf32, #tpu.memory_space<hbm>> -> memref<1x1x1x512xf32, #tpu.memory_space<hbm>>
        %dma_wait3A_1181 = tpu.memref_squeeze %dma_wait3A_1180 : memref<1x1x1x512xf32, #tpu.memory_space<hbm>> -> memref<512xf32, #tpu.memory_space<hbm>>
        tpu.wait_dma2 semaphore(%arg15 : memref<!tpu.dma_semaphore, #tpu.memory_space<semaphore_mem>>) src(%dma_wait3A_1181 : memref<512xf32, #tpu.memory_space<hbm>>) dst(%dma_wait3A_1179 : memref<512xf32, #tpu.memory_space<vmem>>)
        %scan3A_1182 = arith.constant 0 : i32
        %scan3A_1183 = arith.constant 256 : i32
        %scan3A_1184 = arith.addi %scan3A_1182, %scan3A_1183 : i32
        %scan3A_1185 = arith.constant 4 : i32
        scf.for %scan3A_1773 = %scan3A_1182 to %scan3A_1184 step %scan3A_1185  : i32 {
          %mul3A_1774 = arith.constant 1 : i32
          %mul3A_1775 = arith.muli %scan3A_1773, %mul3A_1774 : i32
          %add3A_1776 = arith.constant 0 : i32
          %add3A_1777 = arith.addi %add3A_1776, %mul3A_1775 : i32
          %mul3A_1778 = arith.constant 2 : i32
          %mul3A_1779 = arith.muli %add3A_1777, %mul3A_1778 : i32
          %add3A_1780 = vector.broadcast %mul3A_1779 : i32 to vector<16xi32>
          %add3A_1781 = arith.addi %add3A_1780, %shift_right_arithmetic3A_1 : vector<16xi32>
          %gather3A = arith.constant 0 : i32
          %gather3A_1782 = arith.constant 0 : i32
          %gather3A_1783 = arith.constant 0 : i32
          %gather3A_1784 = tpu.memref_slice %arg10[%gather3A, %gather3A_1782, %gather3A_1783] : memref<2x8x512xf32, #tpu.memory_space<vmem>> -> memref<1x8x512xf32, #tpu.memory_space<vmem>>
          %gather3A_1785 = tpu.memref_squeeze %gather3A_1784 : memref<1x8x512xf32, #tpu.memory_space<vmem>> -> memref<8x512xf32, #tpu.memory_space<vmem>>
          %gather3A_1786 = tpu.vector_load_idx %gather3A_1785[%and3A_3, %add3A_1781] : memref<8x512xf32, #tpu.memory_space<vmem>>[vector<16xi32>, vector<16xi32>], vector<16xf32>,
          %gather3A_1787 = arith.constant 0 : i32
          %gather3A_1788 = arith.constant 0 : i32
          %gather3A_1789 = tpu.memref_slice %arg11[%gather3A_1787, %gather3A_1788] : memref<2x1024xf32, #tpu.memory_space<vmem>> -> memref<1x1024xf32, #tpu.memory_space<vmem>>
          %gather3A_1790 = tpu.memref_squeeze %gather3A_1789 : memref<1x1024xf32, #tpu.memory_space<vmem>> -> memref<1024xf32, #tpu.memory_space<vmem>>
          %gather3A_1791 = tpu.vector_load_idx %gather3A_1790[%add3A_1781] : memref<1024xf32, #tpu.memory_space<vmem>>[vector<16xi32>], vector<16xf32>,
          %add3A_1792 = arith.constant 512 : i32
          %add3A_1793 = vector.broadcast %add3A_1792 : i32 to vector<16xi32>
          %add3A_1794 = arith.addi %add3A_1781, %add3A_1793 : vector<16xi32>
          %gather3A_1795 = arith.constant 0 : i32
          %gather3A_1796 = arith.constant 0 : i32
          %gather3A_1797 = tpu.memref_slice %arg11[%gather3A_1795, %gather3A_1796] : memref<2x1024xf32, #tpu.memory_space<vmem>> -> memref<1x1024xf32, #tpu.memory_space<vmem>>
          %gather3A_1798 = tpu.memref_squeeze %gather3A_1797 : memref<1x1024xf32, #tpu.memory_space<vmem>> -> memref<1024xf32, #tpu.memory_space<vmem>>
          %gather3A_1799 = tpu.vector_load_idx %gather3A_1798[%add3A_1794] : memref<1024xf32, #tpu.memory_space<vmem>>[vector<16xi32>], vector<16xf32>,
          %gather3A_1800 = arith.constant 0 : i32
          %gather3A_1801 = arith.constant 0 : i32
          %gather3A_1802 = tpu.memref_slice %arg12[%gather3A_1800, %gather3A_1801] : memref<2x1024xf32, #tpu.memory_space<vmem>> -> memref<1x1024xf32, #tpu.memory_space<vmem>>
          %gather3A_1803 = tpu.memref_squeeze %gather3A_1802 : memref<1x1024xf32, #tpu.memory_space<vmem>> -> memref<1024xf32, #tpu.memory_space<vmem>>
          %gather3A_1804 = tpu.vector_load_idx %gather3A_1803[%add3A_1781] : memref<1024xf32, #tpu.memory_space<vmem>>[vector<16xi32>], vector<16xf32>,
          %add3A_1805 = arith.constant 512 : i32
          %add3A_1806 = vector.broadcast %add3A_1805 : i32 to vector<16xi32>
          %add3A_1807 = arith.addi %add3A_1781, %add3A_1806 : vector<16xi32>
          %gather3A_1808 = arith.constant 0 : i32
          %gather3A_1809 = arith.constant 0 : i32
          %gather3A_1810 = tpu.memref_slice %arg12[%gather3A_1808, %gather3A_1809] : memref<2x1024xf32, #tpu.memory_space<vmem>> -> memref<1x1024xf32, #tpu.memory_space<vmem>>
          %gather3A_1811 = tpu.memref_squeeze %gather3A_1810 : memref<1x1024xf32, #tpu.memory_space<vmem>> -> memref<1024xf32, #tpu.memory_space<vmem>>
          %gather3A_1812 = tpu.vector_load_idx %gather3A_1811[%add3A_1807] : memref<1024xf32, #tpu.memory_space<vmem>>[vector<16xi32>], vector<16xf32>,
          %mul3A_1813 = arith.mulf %gather3A_1786, %gather3A_1791 : vector<16xf32>
          %scatter3A = arith.constant 0 : i32
          %scatter3A_1814 = arith.constant 0 : i32
          %scatter3A_1815 = arith.constant 0 : i32
          %scatter3A_1816 = arith.constant 0 : i32
          %scatter3A_1817 = tpu.memref_slice %arg14[%scatter3A, %scatter3A_1814, %scatter3A_1815, %scatter3A_1816] : memref<2x4x512x8xf32, #tpu.memory_space<vmem>> -> memref<1x1x512x8xf32, #tpu.memory_space<vmem>>
          %scatter3A_1818 = tpu.memref_squeeze %scatter3A_1817 : memref<1x1x512x8xf32, #tpu.memory_space<vmem>> -> memref<512x8xf32, #tpu.memory_space<vmem>>
          tpu.vector_store_idx %scatter3A_1818[%add3A_1781, %and3A_3], %mul3A_1813 : memref<512x8xf32, #tpu.memory_space<vmem>>[vector<16xi32>, vector<16xi32>], vector<16xf32>,
          %mul3A_1819 = arith.mulf %gather3A_1786, %gather3A_1799 : vector<16xf32>
          %scatter3A_1820 = arith.constant 0 : i32
          %scatter3A_1821 = arith.constant 1 : i32
          %scatter3A_1822 = arith.constant 0 : i32
          %scatter3A_1823 = arith.constant 0 : i32
          %scatter3A_1824 = tpu.memref_slice %arg14[%scatter3A_1820, %scatter3A_1821, %scatter3A_1822, %scatter3A_1823] : memref<2x4x512x8xf32, #tpu.memory_space<vmem>> -> memref<1x1x512x8xf32, #tpu.memory_space<vmem>>
          %scatter3A_1825 = tpu.memref_squeeze %scatter3A_1824 : memref<1x1x512x8xf32, #tpu.memory_space<vmem>> -> memref<512x8xf32, #tpu.memory_space<vmem>>
          tpu.vector_store_idx %scatter3A_1825[%add3A_1781, %and3A_3], %mul3A_1819 : memref<512x8xf32, #tpu.memory_space<vmem>>[vector<16xi32>, vector<16xi32>], vector<16xf32>,
          %mul3A_1826 = arith.mulf %gather3A_1786, %gather3A_1804 : vector<16xf32>
          %scatter3A_1827 = arith.constant 0 : i32
          %scatter3A_1828 = arith.constant 2 : i32
          %scatter3A_1829 = arith.constant 0 : i32
          %scatter3A_1830 = arith.constant 0 : i32
          %scatter3A_1831 = tpu.memref_slice %arg14[%scatter3A_1827, %scatter3A_1828, %scatter3A_1829, %scatter3A_1830] : memref<2x4x512x8xf32, #tpu.memory_space<vmem>> -> memref<1x1x512x8xf32, #tpu.memory_space<vmem>>
          %scatter3A_1832 = tpu.memref_squeeze %scatter3A_1831 : memref<1x1x512x8xf32, #tpu.memory_space<vmem>> -> memref<512x8xf32, #tpu.memory_space<vmem>>
          tpu.vector_store_idx %scatter3A_1832[%add3A_1781, %and3A_3], %mul3A_1826 : memref<512x8xf32, #tpu.memory_space<vmem>>[vector<16xi32>, vector<16xi32>], vector<16xf32>,
          %mul3A_1833 = arith.mulf %gather3A_1786, %gather3A_1812 : vector<16xf32>
          %scatter3A_1834 = arith.constant 0 : i32
          %scatter3A_1835 = arith.constant 3 : i32
          %scatter3A_1836 = arith.constant 0 : i32
          %scatter3A_1837 = arith.constant 0 : i32
          %scatter3A_1838 = tpu.memref_slice %arg14[%scatter3A_1834, %scatter3A_1835, %scatter3A_1836, %scatter3A_1837] : memref<2x4x512x8xf32, #tpu.memory_space<vmem>> -> memref<1x1x512x8xf32, #tpu.memory_space<vmem>>
          %scatter3A_1839 = tpu.memref_squeeze %scatter3A_1838 : memref<1x1x512x8xf32, #tpu.memory_space<vmem>> -> memref<512x8xf32, #tpu.memory_space<vmem>>
          tpu.vector_store_idx %scatter3A_1839[%add3A_1781, %and3A_3], %mul3A_1833 : memref<512x8xf32, #tpu.memory_space<vmem>>[vector<16xi32>, vector<16xi32>], vector<16xf32>,
          %scan3A_1840 = arith.constant 1 : i32
          %scan3A_1841 = arith.addi %scan3A_1773, %scan3A_1840 : i32
          %mul3A_1842 = arith.constant 1 : i32
          %mul3A_1843 = arith.muli %scan3A_1841, %mul3A_1842 : i32
          %add3A_1844 = arith.constant 0 : i32
          %add3A_1845 = arith.addi %add3A_1844, %mul3A_1843 : i32
          %mul3A_1846 = arith.constant 2 : i32
          %mul3A_1847 = arith.muli %add3A_1845, %mul3A_1846 : i32
          %add3A_1848 = vector.broadcast %mul3A_1847 : i32 to vector<16xi32>
          %add3A_1849 = arith.addi %add3A_1848, %shift_right_arithmetic3A_1 : vector<16xi32>
          %gather3A_1850 = arith.constant 0 : i32
          %gather3A_1851 = arith.constant 0 : i32
          %gather3A_1852 = arith.constant 0 : i32
          %gather3A_1853 = tpu.memref_slice %arg10[%gather3A_1850, %gather3A_1851, %gather3A_1852] : memref<2x8x512xf32, #tpu.memory_space<vmem>> -> memref<1x8x512xf32, #tpu.memory_space<vmem>>
          %gather3A_1854 = tpu.memref_squeeze %gather3A_1853 : memref<1x8x512xf32, #tpu.memory_space<vmem>> -> memref<8x512xf32, #tpu.memory_space<vmem>>
          %gather3A_1855 = tpu.vector_load_idx %gather3A_1854[%and3A_3, %add3A_1849] : memref<8x512xf32, #tpu.memory_space<vmem>>[vector<16xi32>, vector<16xi32>], vector<16xf32>,
          %gather3A_1856 = arith.constant 0 : i32
          %gather3A_1857 = arith.constant 0 : i32
          %gather3A_1858 = tpu.memref_slice %arg11[%gather3A_1856, %gather3A_1857] : memref<2x1024xf32, #tpu.memory_space<vmem>> -> memref<1x1024xf32, #tpu.memory_space<vmem>>
          %gather3A_1859 = tpu.memref_squeeze %gather3A_1858 : memref<1x1024xf32, #tpu.memory_space<vmem>> -> memref<1024xf32, #tpu.memory_space<vmem>>
          %gather3A_1860 = tpu.vector_load_idx %gather3A_1859[%add3A_1849] : memref<1024xf32, #tpu.memory_space<vmem>>[vector<16xi32>], vector<16xf32>,
          %add3A_1861 = arith.constant 512 : i32
          %add3A_1862 = vector.broadcast %add3A_1861 : i32 to vector<16xi32>
          %add3A_1863 = arith.addi %add3A_1849, %add3A_1862 : vector<16xi32>
          %gather3A_1864 = arith.constant 0 : i32
          %gather3A_1865 = arith.constant 0 : i32
          %gather3A_1866 = tpu.memref_slice %arg11[%gather3A_1864, %gather3A_1865] : memref<2x1024xf32, #tpu.memory_space<vmem>> -> memref<1x1024xf32, #tpu.memory_space<vmem>>
          %gather3A_1867 = tpu.memref_squeeze %gather3A_1866 : memref<1x1024xf32, #tpu.memory_space<vmem>> -> memref<1024xf32, #tpu.memory_space<vmem>>
          %gather3A_1868 = tpu.vector_load_idx %gather3A_1867[%add3A_1863] : memref<1024xf32, #tpu.memory_space<vmem>>[vector<16xi32>], vector<16xf32>,
          %gather3A_1869 = arith.constant 0 : i32
          %gather3A_1870 = arith.constant 0 : i32
          %gather3A_1871 = tpu.memref_slice %arg12[%gather3A_1869, %gather3A_1870] : memref<2x1024xf32, #tpu.memory_space<vmem>> -> memref<1x1024xf32, #tpu.memory_space<vmem>>
          %gather3A_1872 = tpu.memref_squeeze %gather3A_1871 : memref<1x1024xf32, #tpu.memory_space<vmem>> -> memref<1024xf32, #tpu.memory_space<vmem>>
          %gather3A_1873 = tpu.vector_load_idx %gather3A_1872[%add3A_1849] : memref<1024xf32, #tpu.memory_space<vmem>>[vector<16xi32>], vector<16xf32>,
          %add3A_1874 = arith.constant 512 : i32
          %add3A_1875 = vector.broadcast %add3A_1874 : i32 to vector<16xi32>
          %add3A_1876 = arith.addi %add3A_1849, %add3A_1875 : vector<16xi32>
          %gather3A_1877 = arith.constant 0 : i32
          %gather3A_1878 = arith.constant 0 : i32
          %gather3A_1879 = tpu.memref_slice %arg12[%gather3A_1877, %gather3A_1878] : memref<2x1024xf32, #tpu.memory_space<vmem>> -> memref<1x1024xf32, #tpu.memory_space<vmem>>
          %gather3A_1880 = tpu.memref_squeeze %gather3A_1879 : memref<1x1024xf32, #tpu.memory_space<vmem>> -> memref<1024xf32, #tpu.memory_space<vmem>>
          %gather3A_1881 = tpu.vector_load_idx %gather3A_1880[%add3A_1876] : memref<1024xf32, #tpu.memory_space<vmem>>[vector<16xi32>], vector<16xf32>,
          %mul3A_1882 = arith.mulf %gather3A_1855, %gather3A_1860 : vector<16xf32>
          %scatter3A_1883 = arith.constant 0 : i32
          %scatter3A_1884 = arith.constant 0 : i32
          %scatter3A_1885 = arith.constant 0 : i32
          %scatter3A_1886 = arith.constant 0 : i32
          %scatter3A_1887 = tpu.memref_slice %arg14[%scatter3A_1883, %scatter3A_1884, %scatter3A_1885, %scatter3A_1886] : memref<2x4x512x8xf32, #tpu.memory_space<vmem>> -> memref<1x1x512x8xf32, #tpu.memory_space<vmem>>
          %scatter3A_1888 = tpu.memref_squeeze %scatter3A_1887 : memref<1x1x512x8xf32, #tpu.memory_space<vmem>> -> memref<512x8xf32, #tpu.memory_space<vmem>>
          tpu.vector_store_idx %scatter3A_1888[%add3A_1849, %and3A_3], %mul3A_1882 : memref<512x8xf32, #tpu.memory_space<vmem>>[vector<16xi32>, vector<16xi32>], vector<16xf32>,
          %mul3A_1889 = arith.mulf %gather3A_1855, %gather3A_1868 : vector<16xf32>
          %scatter3A_1890 = arith.constant 0 : i32
          %scatter3A_1891 = arith.constant 1 : i32
          %scatter3A_1892 = arith.constant 0 : i32
          %scatter3A_1893 = arith.constant 0 : i32
          %scatter3A_1894 = tpu.memref_slice %arg14[%scatter3A_1890, %scatter3A_1891, %scatter3A_1892, %scatter3A_1893] : memref<2x4x512x8xf32, #tpu.memory_space<vmem>> -> memref<1x1x512x8xf32, #tpu.memory_space<vmem>>
          %scatter3A_1895 = tpu.memref_squeeze %scatter3A_1894 : memref<1x1x512x8xf32, #tpu.memory_space<vmem>> -> memref<512x8xf32, #tpu.memory_space<vmem>>
          tpu.vector_store_idx %scatter3A_1895[%add3A_1849, %and3A_3], %mul3A_1889 : memref<512x8xf32, #tpu.memory_space<vmem>>[vector<16xi32>, vector<16xi32>], vector<16xf32>,
          %mul3A_1896 = arith.mulf %gather3A_1855, %gather3A_1873 : vector<16xf32>
          %scatter3A_1897 = arith.constant 0 : i32
          %scatter3A_1898 = arith.constant 2 : i32
          %scatter3A_1899 = arith.constant 0 : i32
          %scatter3A_1900 = arith.constant 0 : i32
          %scatter3A_1901 = tpu.memref_slice %arg14[%scatter3A_1897, %scatter3A_1898, %scatter3A_1899, %scatter3A_1900] : memref<2x4x512x8xf32, #tpu.memory_space<vmem>> -> memref<1x1x512x8xf32, #tpu.memory_space<vmem>>
          %scatter3A_1902 = tpu.memref_squeeze %scatter3A_1901 : memref<1x1x512x8xf32, #tpu.memory_space<vmem>> -> memref<512x8xf32, #tpu.memory_space<vmem>>
          tpu.vector_store_idx %scatter3A_1902[%add3A_1849, %and3A_3], %mul3A_1896 : memref<512x8xf32, #tpu.memory_space<vmem>>[vector<16xi32>, vector<16xi32>], vector<16xf32>,
          %mul3A_1903 = arith.mulf %gather3A_1855, %gather3A_1881 : vector<16xf32>
          %scatter3A_1904 = arith.constant 0 : i32
          %scatter3A_1905 = arith.constant 3 : i32
          %scatter3A_1906 = arith.constant 0 : i32
          %scatter3A_1907 = arith.constant 0 : i32
          %scatter3A_1908 = tpu.memref_slice %arg14[%scatter3A_1904, %scatter3A_1905, %scatter3A_1906, %scatter3A_1907] : memref<2x4x512x8xf32, #tpu.memory_space<vmem>> -> memref<1x1x512x8xf32, #tpu.memory_space<vmem>>
          %scatter3A_1909 = tpu.memref_squeeze %scatter3A_1908 : memref<1x1x512x8xf32, #tpu.memory_space<vmem>> -> memref<512x8xf32, #tpu.memory_space<vmem>>
          tpu.vector_store_idx %scatter3A_1909[%add3A_1849, %and3A_3], %mul3A_1903 : memref<512x8xf32, #tpu.memory_space<vmem>>[vector<16xi32>, vector<16xi32>], vector<16xf32>,
          %scan3A_1910 = arith.constant 2 : i32
          %scan3A_1911 = arith.addi %scan3A_1773, %scan3A_1910 : i32
          %mul3A_1912 = arith.constant 1 : i32
          %mul3A_1913 = arith.muli %scan3A_1911, %mul3A_1912 : i32
          %add3A_1914 = arith.constant 0 : i32
          %add3A_1915 = arith.addi %add3A_1914, %mul3A_1913 : i32
          %mul3A_1916 = arith.constant 2 : i32
          %mul3A_1917 = arith.muli %add3A_1915, %mul3A_1916 : i32
          %add3A_1918 = vector.broadcast %mul3A_1917 : i32 to vector<16xi32>
          %add3A_1919 = arith.addi %add3A_1918, %shift_right_arithmetic3A_1 : vector<16xi32>
          %gather3A_1920 = arith.constant 0 : i32
          %gather3A_1921 = arith.constant 0 : i32
          %gather3A_1922 = arith.constant 0 : i32
          %gather3A_1923 = tpu.memref_slice %arg10[%gather3A_1920, %gather3A_1921, %gather3A_1922] : memref<2x8x512xf32, #tpu.memory_space<vmem>> -> memref<1x8x512xf32, #tpu.memory_space<vmem>>
          %gather3A_1924 = tpu.memref_squeeze %gather3A_1923 : memref<1x8x512xf32, #tpu.memory_space<vmem>> -> memref<8x512xf32, #tpu.memory_space<vmem>>
          %gather3A_1925 = tpu.vector_load_idx %gather3A_1924[%and3A_3, %add3A_1919] : memref<8x512xf32, #tpu.memory_space<vmem>>[vector<16xi32>, vector<16xi32>], vector<16xf32>,
          %gather3A_1926 = arith.constant 0 : i32
          %gather3A_1927 = arith.constant 0 : i32
          %gather3A_1928 = tpu.memref_slice %arg11[%gather3A_1926, %gather3A_1927] : memref<2x1024xf32, #tpu.memory_space<vmem>> -> memref<1x1024xf32, #tpu.memory_space<vmem>>
          %gather3A_1929 = tpu.memref_squeeze %gather3A_1928 : memref<1x1024xf32, #tpu.memory_space<vmem>> -> memref<1024xf32, #tpu.memory_space<vmem>>
          %gather3A_1930 = tpu.vector_load_idx %gather3A_1929[%add3A_1919] : memref<1024xf32, #tpu.memory_space<vmem>>[vector<16xi32>], vector<16xf32>,
          %add3A_1931 = arith.constant 512 : i32
          %add3A_1932 = vector.broadcast %add3A_1931 : i32 to vector<16xi32>
          %add3A_1933 = arith.addi %add3A_1919, %add3A_1932 : vector<16xi32>
          %gather3A_1934 = arith.constant 0 : i32
          %gather3A_1935 = arith.constant 0 : i32
          %gather3A_1936 = tpu.memref_slice %arg11[%gather3A_1934, %gather3A_1935] : memref<2x1024xf32, #tpu.memory_space<vmem>> -> memref<1x1024xf32, #tpu.memory_space<vmem>>
          %gather3A_1937 = tpu.memref_squeeze %gather3A_1936 : memref<1x1024xf32, #tpu.memory_space<vmem>> -> memref<1024xf32, #tpu.memory_space<vmem>>
          %gather3A_1938 = tpu.vector_load_idx %gather3A_1937[%add3A_1933] : memref<1024xf32, #tpu.memory_space<vmem>>[vector<16xi32>], vector<16xf32>,
          %gather3A_1939 = arith.constant 0 : i32
          %gather3A_1940 = arith.constant 0 : i32
          %gather3A_1941 = tpu.memref_slice %arg12[%gather3A_1939, %gather3A_1940] : memref<2x1024xf32, #tpu.memory_space<vmem>> -> memref<1x1024xf32, #tpu.memory_space<vmem>>
          %gather3A_1942 = tpu.memref_squeeze %gather3A_1941 : memref<1x1024xf32, #tpu.memory_space<vmem>> -> memref<1024xf32, #tpu.memory_space<vmem>>
          %gather3A_1943 = tpu.vector_load_idx %gather3A_1942[%add3A_1919] : memref<1024xf32, #tpu.memory_space<vmem>>[vector<16xi32>], vector<16xf32>,
          %add3A_1944 = arith.constant 512 : i32
          %add3A_1945 = vector.broadcast %add3A_1944 : i32 to vector<16xi32>
          %add3A_1946 = arith.addi %add3A_1919, %add3A_1945 : vector<16xi32>
          %gather3A_1947 = arith.constant 0 : i32
          %gather3A_1948 = arith.constant 0 : i32
          %gather3A_1949 = tpu.memref_slice %arg12[%gather3A_1947, %gather3A_1948] : memref<2x1024xf32, #tpu.memory_space<vmem>> -> memref<1x1024xf32, #tpu.memory_space<vmem>>
          %gather3A_1950 = tpu.memref_squeeze %gather3A_1949 : memref<1x1024xf32, #tpu.memory_space<vmem>> -> memref<1024xf32, #tpu.memory_space<vmem>>
          %gather3A_1951 = tpu.vector_load_idx %gather3A_1950[%add3A_1946] : memref<1024xf32, #tpu.memory_space<vmem>>[vector<16xi32>], vector<16xf32>,
          %mul3A_1952 = arith.mulf %gather3A_1925, %gather3A_1930 : vector<16xf32>
          %scatter3A_1953 = arith.constant 0 : i32
          %scatter3A_1954 = arith.constant 0 : i32
          %scatter3A_1955 = arith.constant 0 : i32
          %scatter3A_1956 = arith.constant 0 : i32
          %scatter3A_1957 = tpu.memref_slice %arg14[%scatter3A_1953, %scatter3A_1954, %scatter3A_1955, %scatter3A_1956] : memref<2x4x512x8xf32, #tpu.memory_space<vmem>> -> memref<1x1x512x8xf32, #tpu.memory_space<vmem>>
          %scatter3A_1958 = tpu.memref_squeeze %scatter3A_1957 : memref<1x1x512x8xf32, #tpu.memory_space<vmem>> -> memref<512x8xf32, #tpu.memory_space<vmem>>
          tpu.vector_store_idx %scatter3A_1958[%add3A_1919, %and3A_3], %mul3A_1952 : memref<512x8xf32, #tpu.memory_space<vmem>>[vector<16xi32>, vector<16xi32>], vector<16xf32>,
          %mul3A_1959 = arith.mulf %gather3A_1925, %gather3A_1938 : vector<16xf32>
          %scatter3A_1960 = arith.constant 0 : i32
          %scatter3A_1961 = arith.constant 1 : i32
          %scatter3A_1962 = arith.constant 0 : i32
          %scatter3A_1963 = arith.constant 0 : i32
          %scatter3A_1964 = tpu.memref_slice %arg14[%scatter3A_1960, %scatter3A_1961, %scatter3A_1962, %scatter3A_1963] : memref<2x4x512x8xf32, #tpu.memory_space<vmem>> -> memref<1x1x512x8xf32, #tpu.memory_space<vmem>>
          %scatter3A_1965 = tpu.memref_squeeze %scatter3A_1964 : memref<1x1x512x8xf32, #tpu.memory_space<vmem>> -> memref<512x8xf32, #tpu.memory_space<vmem>>
          tpu.vector_store_idx %scatter3A_1965[%add3A_1919, %and3A_3], %mul3A_1959 : memref<512x8xf32, #tpu.memory_space<vmem>>[vector<16xi32>, vector<16xi32>], vector<16xf32>,
          %mul3A_1966 = arith.mulf %gather3A_1925, %gather3A_1943 : vector<16xf32>
          %scatter3A_1967 = arith.constant 0 : i32
          %scatter3A_1968 = arith.constant 2 : i32
          %scatter3A_1969 = arith.constant 0 : i32
          %scatter3A_1970 = arith.constant 0 : i32
          %scatter3A_1971 = tpu.memref_slice %arg14[%scatter3A_1967, %scatter3A_1968, %scatter3A_1969, %scatter3A_1970] : memref<2x4x512x8xf32, #tpu.memory_space<vmem>> -> memref<1x1x512x8xf32, #tpu.memory_space<vmem>>
          %scatter3A_1972 = tpu.memref_squeeze %scatter3A_1971 : memref<1x1x512x8xf32, #tpu.memory_space<vmem>> -> memref<512x8xf32, #tpu.memory_space<vmem>>
          tpu.vector_store_idx %scatter3A_1972[%add3A_1919, %and3A_3], %mul3A_1966 : memref<512x8xf32, #tpu.memory_space<vmem>>[vector<16xi32>, vector<16xi32>], vector<16xf32>,
          %mul3A_1973 = arith.mulf %gather3A_1925, %gather3A_1951 : vector<16xf32>
          %scatter3A_1974 = arith.constant 0 : i32
          %scatter3A_1975 = arith.constant 3 : i32
          %scatter3A_1976 = arith.constant 0 : i32
          %scatter3A_1977 = arith.constant 0 : i32
          %scatter3A_1978 = tpu.memref_slice %arg14[%scatter3A_1974, %scatter3A_1975, %scatter3A_1976, %scatter3A_1977] : memref<2x4x512x8xf32, #tpu.memory_space<vmem>> -> memref<1x1x512x8xf32, #tpu.memory_space<vmem>>
          %scatter3A_1979 = tpu.memref_squeeze %scatter3A_1978 : memref<1x1x512x8xf32, #tpu.memory_space<vmem>> -> memref<512x8xf32, #tpu.memory_space<vmem>>
          tpu.vector_store_idx %scatter3A_1979[%add3A_1919, %and3A_3], %mul3A_1973 : memref<512x8xf32, #tpu.memory_space<vmem>>[vector<16xi32>, vector<16xi32>], vector<16xf32>,
          %scan3A_1980 = arith.constant 3 : i32
          %scan3A_1981 = arith.addi %scan3A_1773, %scan3A_1980 : i32
          %mul3A_1982 = arith.constant 1 : i32
          %mul3A_1983 = arith.muli %scan3A_1981, %mul3A_1982 : i32
          %add3A_1984 = arith.constant 0 : i32
          %add3A_1985 = arith.addi %add3A_1984, %mul3A_1983 : i32
          %mul3A_1986 = arith.constant 2 : i32
          %mul3A_1987 = arith.muli %add3A_1985, %mul3A_1986 : i32
          %add3A_1988 = vector.broadcast %mul3A_1987 : i32 to vector<16xi32>
          %add3A_1989 = arith.addi %add3A_1988, %shift_right_arithmetic3A_1 : vector<16xi32>
          %gather3A_1990 = arith.constant 0 : i32
          %gather3A_1991 = arith.constant 0 : i32
          %gather3A_1992 = arith.constant 0 : i32
          %gather3A_1993 = tpu.memref_slice %arg10[%gather3A_1990, %gather3A_1991, %gather3A_1992] : memref<2x8x512xf32, #tpu.memory_space<vmem>> -> memref<1x8x512xf32, #tpu.memory_space<vmem>>
          %gather3A_1994 = tpu.memref_squeeze %gather3A_1993 : memref<1x8x512xf32, #tpu.memory_space<vmem>> -> memref<8x512xf32, #tpu.memory_space<vmem>>
          %gather3A_1995 = tpu.vector_load_idx %gather3A_1994[%and3A_3, %add3A_1989] : memref<8x512xf32, #tpu.memory_space<vmem>>[vector<16xi32>, vector<16xi32>], vector<16xf32>,
          %gather3A_1996 = arith.constant 0 : i32
          %gather3A_1997 = arith.constant 0 : i32
          %gather3A_1998 = tpu.memref_slice %arg11[%gather3A_1996, %gather3A_1997] : memref<2x1024xf32, #tpu.memory_space<vmem>> -> memref<1x1024xf32, #tpu.memory_space<vmem>>
          %gather3A_1999 = tpu.memref_squeeze %gather3A_1998 : memref<1x1024xf32, #tpu.memory_space<vmem>> -> memref<1024xf32, #tpu.memory_space<vmem>>
          %gather3A_2000 = tpu.vector_load_idx %gather3A_1999[%add3A_1989] : memref<1024xf32, #tpu.memory_space<vmem>>[vector<16xi32>], vector<16xf32>,
          %add3A_2001 = arith.constant 512 : i32
          %add3A_2002 = vector.broadcast %add3A_2001 : i32 to vector<16xi32>
          %add3A_2003 = arith.addi %add3A_1989, %add3A_2002 : vector<16xi32>
          %gather3A_2004 = arith.constant 0 : i32
          %gather3A_2005 = arith.constant 0 : i32
          %gather3A_2006 = tpu.memref_slice %arg11[%gather3A_2004, %gather3A_2005] : memref<2x1024xf32, #tpu.memory_space<vmem>> -> memref<1x1024xf32, #tpu.memory_space<vmem>>
          %gather3A_2007 = tpu.memref_squeeze %gather3A_2006 : memref<1x1024xf32, #tpu.memory_space<vmem>> -> memref<1024xf32, #tpu.memory_space<vmem>>
          %gather3A_2008 = tpu.vector_load_idx %gather3A_2007[%add3A_2003] : memref<1024xf32, #tpu.memory_space<vmem>>[vector<16xi32>], vector<16xf32>,
          %gather3A_2009 = arith.constant 0 : i32
          %gather3A_2010 = arith.constant 0 : i32
          %gather3A_2011 = tpu.memref_slice %arg12[%gather3A_2009, %gather3A_2010] : memref<2x1024xf32, #tpu.memory_space<vmem>> -> memref<1x1024xf32, #tpu.memory_space<vmem>>
          %gather3A_2012 = tpu.memref_squeeze %gather3A_2011 : memref<1x1024xf32, #tpu.memory_space<vmem>> -> memref<1024xf32, #tpu.memory_space<vmem>>
          %gather3A_2013 = tpu.vector_load_idx %gather3A_2012[%add3A_1989] : memref<1024xf32, #tpu.memory_space<vmem>>[vector<16xi32>], vector<16xf32>,
          %add3A_2014 = arith.constant 512 : i32
          %add3A_2015 = vector.broadcast %add3A_2014 : i32 to vector<16xi32>
          %add3A_2016 = arith.addi %add3A_1989, %add3A_2015 : vector<16xi32>
          %gather3A_2017 = arith.constant 0 : i32
          %gather3A_2018 = arith.constant 0 : i32
          %gather3A_2019 = tpu.memref_slice %arg12[%gather3A_2017, %gather3A_2018] : memref<2x1024xf32, #tpu.memory_space<vmem>> -> memref<1x1024xf32, #tpu.memory_space<vmem>>
          %gather3A_2020 = tpu.memref_squeeze %gather3A_2019 : memref<1x1024xf32, #tpu.memory_space<vmem>> -> memref<1024xf32, #tpu.memory_space<vmem>>
          %gather3A_2021 = tpu.vector_load_idx %gather3A_2020[%add3A_2016] : memref<1024xf32, #tpu.memory_space<vmem>>[vector<16xi32>], vector<16xf32>,
          %mul3A_2022 = arith.mulf %gather3A_1995, %gather3A_2000 : vector<16xf32>
          %scatter3A_2023 = arith.constant 0 : i32
          %scatter3A_2024 = arith.constant 0 : i32
          %scatter3A_2025 = arith.constant 0 : i32
          %scatter3A_2026 = arith.constant 0 : i32
          %scatter3A_2027 = tpu.memref_slice %arg14[%scatter3A_2023, %scatter3A_2024, %scatter3A_2025, %scatter3A_2026] : memref<2x4x512x8xf32, #tpu.memory_space<vmem>> -> memref<1x1x512x8xf32, #tpu.memory_space<vmem>>
          %scatter3A_2028 = tpu.memref_squeeze %scatter3A_2027 : memref<1x1x512x8xf32, #tpu.memory_space<vmem>> -> memref<512x8xf32, #tpu.memory_space<vmem>>
          tpu.vector_store_idx %scatter3A_2028[%add3A_1989, %and3A_3], %mul3A_2022 : memref<512x8xf32, #tpu.memory_space<vmem>>[vector<16xi32>, vector<16xi32>], vector<16xf32>,
          %mul3A_2029 = arith.mulf %gather3A_1995, %gather3A_2008 : vector<16xf32>
          %scatter3A_2030 = arith.constant 0 : i32
          %scatter3A_2031 = arith.constant 1 : i32
          %scatter3A_2032 = arith.constant 0 : i32
          %scatter3A_2033 = arith.constant 0 : i32
          %scatter3A_2034 = tpu.memref_slice %arg14[%scatter3A_2030, %scatter3A_2031, %scatter3A_2032, %scatter3A_2033] : memref<2x4x512x8xf32, #tpu.memory_space<vmem>> -> memref<1x1x512x8xf32, #tpu.memory_space<vmem>>
          %scatter3A_2035 = tpu.memref_squeeze %scatter3A_2034 : memref<1x1x512x8xf32, #tpu.memory_space<vmem>> -> memref<512x8xf32, #tpu.memory_space<vmem>>
          tpu.vector_store_idx %scatter3A_2035[%add3A_1989, %and3A_3], %mul3A_2029 : memref<512x8xf32, #tpu.memory_space<vmem>>[vector<16xi32>, vector<16xi32>], vector<16xf32>,
          %mul3A_2036 = arith.mulf %gather3A_1995, %gather3A_2013 : vector<16xf32>
          %scatter3A_2037 = arith.constant 0 : i32
          %scatter3A_2038 = arith.constant 2 : i32
          %scatter3A_2039 = arith.constant 0 : i32
          %scatter3A_2040 = arith.constant 0 : i32
          %scatter3A_2041 = tpu.memref_slice %arg14[%scatter3A_2037, %scatter3A_2038, %scatter3A_2039, %scatter3A_2040] : memref<2x4x512x8xf32, #tpu.memory_space<vmem>> -> memref<1x1x512x8xf32, #tpu.memory_space<vmem>>
          %scatter3A_2042 = tpu.memref_squeeze %scatter3A_2041 : memref<1x1x512x8xf32, #tpu.memory_space<vmem>> -> memref<512x8xf32, #tpu.memory_space<vmem>>
          tpu.vector_store_idx %scatter3A_2042[%add3A_1989, %and3A_3], %mul3A_2036 : memref<512x8xf32, #tpu.memory_space<vmem>>[vector<16xi32>, vector<16xi32>], vector<16xf32>,
          %mul3A_2043 = arith.mulf %gather3A_1995, %gather3A_2021 : vector<16xf32>
          %scatter3A_2044 = arith.constant 0 : i32
          %scatter3A_2045 = arith.constant 3 : i32
          %scatter3A_2046 = arith.constant 0 : i32
          %scatter3A_2047 = arith.constant 0 : i32
          %scatter3A_2048 = tpu.memref_slice %arg14[%scatter3A_2044, %scatter3A_2045, %scatter3A_2046, %scatter3A_2047] : memref<2x4x512x8xf32, #tpu.memory_space<vmem>> -> memref<1x1x512x8xf32, #tpu.memory_space<vmem>>
          %scatter3A_2049 = tpu.memref_squeeze %scatter3A_2048 : memref<1x1x512x8xf32, #tpu.memory_space<vmem>> -> memref<512x8xf32, #tpu.memory_space<vmem>>
          tpu.vector_store_idx %scatter3A_2049[%add3A_1989, %and3A_3], %mul3A_2043 : memref<512x8xf32, #tpu.memory_space<vmem>>[vector<16xi32>, vector<16xi32>], vector<16xf32>,
        }
        %scan3A_1186 = arith.constant 256 : i32
        %lt3A_1187 = arith.constant 8 : i32
        %lt3A_1188 = arith.cmpi slt, %add3A_1093, %lt3A_1187 : i32
        %convert_element_type3A_1189 = arith.extui %lt3A_1188 : i1 to i32
        %cond3A_1190 = arith.constant 0 : i32
        %cond3A_1191 = arith.cmpi ne, %convert_element_type3A_1189, %cond3A_1190 : i32
        scf.if %cond3A_1191 {
          %add3A_1773 = arith.constant 2 : i32
          %add3A_1774 = arith.addi %add3A_1097, %add3A_1773 : i32
          %lt3A_1775 = arith.constant 12 : i32
          %lt3A_1776 = arith.cmpi slt, %add3A_14, %lt3A_1775 : i32
          %convert_element_type3A_1777 = arith.extui %lt3A_1776 : i1 to i32
          %cond3A_1778 = arith.constant 0 : i32
          %cond3A_1779 = arith.cmpi ne, %convert_element_type3A_1777, %cond3A_1778 : i32
          scf.if %cond3A_1779 {
            %mul3A_1840 = arith.constant 512 : i32
            %mul3A_1841 = arith.muli %add3A_1774, %mul3A_1840 : i32
            %add3A_1842 = arith.addi %mul3A_4, %mul3A_1841 : i32
            %mul3A_1843 = arith.constant 12 : i32
            %mul3A_1844 = arith.muli %arg0, %mul3A_1843 : i32
            %min3A_1845 = arith.constant 11 : i32
            %min3A_1846 = arith.minsi %add3A_14, %min3A_1845 : i32
            %add3A_1847 = arith.addi %mul3A_1844, %min3A_1846 : i32
            %dma_start3A_1848 = arith.constant 0 : i32
            %dma_start3A_1849 = arith.constant 0 : i32
            %dma_start3A_1850 = arith.constant 0 : i32
            %dma_start3A_1851 = tpu.memref_slice %arg10[%dma_start3A_1848, %dma_start3A_1849, %dma_start3A_1850] : memref<2x8x512xf32, #tpu.memory_space<vmem>> -> memref<1x8x512xf32, #tpu.memory_space<vmem>>
            %dma_start3A_1852 = tpu.memref_squeeze %dma_start3A_1851 : memref<1x8x512xf32, #tpu.memory_space<vmem>> -> memref<8x512xf32, #tpu.memory_space<vmem>>
            %dma_start3A_1853 = arith.constant 0 : i32
            %dma_start3A_1854 = tpu.memref_slice %arg2[%add3A_1847, %dma_start3A_1853, %add3A_1842] : memref<24x8x147456xf32, #tpu.memory_space<hbm>> -> memref<1x8x512xf32, #tpu.memory_space<hbm>>
            %dma_start3A_1855 = tpu.memref_squeeze %dma_start3A_1854 : memref<1x8x512xf32, #tpu.memory_space<hbm>> -> memref<8x512xf32, #tpu.memory_space<hbm>>
            %dma_start3A_1856 = arith.constant 0 : i32
            %dma_start3A_1857 = arith.constant 0 : i32
            %dma_start3A_1858 = tpu.memref_slice %arg10[%dma_start3A_1848, %dma_start3A_1856, %dma_start3A_1857] : memref<2x8x512xf32, #tpu.memory_space<vmem>> -> memref<1x8x512xf32, #tpu.memory_space<vmem>>
            %dma_start3A_1859 = tpu.memref_squeeze %dma_start3A_1858 : memref<1x8x512xf32, #tpu.memory_space<vmem>> -> memref<8x512xf32, #tpu.memory_space<vmem>>
            %dma_start3A_1860 = arith.constant 0 : i32
            %dma_start3A_1861 = tpu.memref_slice %arg2[%add3A_1847, %dma_start3A_1860, %add3A_1842] : memref<24x8x147456xf32, #tpu.memory_space<hbm>> -> memref<1x8x512xf32, #tpu.memory_space<hbm>>
            %dma_start3A_1862 = tpu.memref_squeeze %dma_start3A_1861 : memref<1x8x512xf32, #tpu.memory_space<hbm>> -> memref<8x512xf32, #tpu.memory_space<hbm>>
            tpu.enqueue_dma source(%dma_start3A_1862 : memref<8x512xf32, #tpu.memory_space<hbm>>) target(%dma_start3A_1859 : memref<8x512xf32, #tpu.memory_space<vmem>>) target_semaphore(%arg15 : memref<!tpu.dma_semaphore, #tpu.memory_space<semaphore_mem>>)
          } else {
          }
          %eq3A_1780 = arith.constant 12 : i32
          %eq3A_1781 = arith.cmpi eq, %add3A_14, %eq3A_1780 : i32
          %convert_element_type3A_1782 = arith.extui %eq3A_1781 : i1 to i32
          %cond3A_1783 = arith.constant 0 : i32
          %cond3A_1784 = arith.cmpi ne, %convert_element_type3A_1782, %cond3A_1783 : i32
          scf.if %cond3A_1784 {
            %mul3A_1840 = arith.constant 512 : i32
            %mul3A_1841 = arith.muli %add3A_1774, %mul3A_1840 : i32
            %add3A_1842 = arith.addi %mul3A_4, %mul3A_1841 : i32
            %dma_start3A_1843 = arith.constant 0 : i32
            %dma_start3A_1844 = arith.constant 0 : i32
            %dma_start3A_1845 = arith.constant 0 : i32
            %dma_start3A_1846 = tpu.memref_slice %arg10[%dma_start3A_1843, %dma_start3A_1844, %dma_start3A_1845] : memref<2x8x512xf32, #tpu.memory_space<vmem>> -> memref<1x8x512xf32, #tpu.memory_space<vmem>>
            %dma_start3A_1847 = tpu.memref_squeeze %dma_start3A_1846 : memref<1x8x512xf32, #tpu.memory_space<vmem>> -> memref<8x512xf32, #tpu.memory_space<vmem>>
            %dma_start3A_1848 = arith.constant 0 : i32
            %dma_start3A_1849 = tpu.memref_slice %arg3[%dma_start3A_1848, %add3A_1842] : memref<8x147456xf32, #tpu.memory_space<hbm>> -> memref<8x512xf32, #tpu.memory_space<hbm>>
            %dma_start3A_1850 = arith.constant 0 : i32
            %dma_start3A_1851 = arith.constant 0 : i32
            %dma_start3A_1852 = tpu.memref_slice %arg10[%dma_start3A_1843, %dma_start3A_1850, %dma_start3A_1851] : memref<2x8x512xf32, #tpu.memory_space<vmem>> -> memref<1x8x512xf32, #tpu.memory_space<vmem>>
            %dma_start3A_1853 = tpu.memref_squeeze %dma_start3A_1852 : memref<1x8x512xf32, #tpu.memory_space<vmem>> -> memref<8x512xf32, #tpu.memory_space<vmem>>
            %dma_start3A_1854 = arith.constant 0 : i32
            %dma_start3A_1855 = tpu.memref_slice %arg3[%dma_start3A_1854, %add3A_1842] : memref<8x147456xf32, #tpu.memory_space<hbm>> -> memref<8x512xf32, #tpu.memory_space<hbm>>
            tpu.enqueue_dma source(%dma_start3A_1855 : memref<8x512xf32, #tpu.memory_space<hbm>>) target(%dma_start3A_1853 : memref<8x512xf32, #tpu.memory_space<vmem>>) target_semaphore(%arg15 : memref<!tpu.dma_semaphore, #tpu.memory_space<semaphore_mem>>)
          } else {
          }
          %mul3A_1785 = arith.constant 512 : i32
          %mul3A_1786 = arith.muli %add3A_1774, %mul3A_1785 : i32
          %add3A_1787 = arith.addi %mul3A_4, %mul3A_1786 : i32
          %dma_start3A_1788 = arith.constant 0 : i32
          %dma_start3A_1789 = arith.constant 0 : i32
          %dma_start3A_1790 = arith.constant 0 : i32
          %dma_start3A_1791 = arith.constant 0 : i32
          %dma_start3A_1792 = tpu.memref_slice %arg11[%dma_start3A_1790, %dma_start3A_1791] : memref<2x1024xf32, #tpu.memory_space<vmem>> -> memref<1x512xf32, #tpu.memory_space<vmem>>
          %dma_start3A_1793 = tpu.memref_squeeze %dma_start3A_1792 : memref<1x512xf32, #tpu.memory_space<vmem>> -> memref<512xf32, #tpu.memory_space<vmem>>
          %dma_start3A_1794 = tpu.memref_slice %arg5[%arg0, %dma_start3A_1788, %dma_start3A_1789, %add3A_1787] : memref<2x2x2x147456xf32, #tpu.memory_space<hbm>> -> memref<1x1x1x512xf32, #tpu.memory_space<hbm>>
          %dma_start3A_1795 = tpu.memref_squeeze %dma_start3A_1794 : memref<1x1x1x512xf32, #tpu.memory_space<hbm>> -> memref<512xf32, #tpu.memory_space<hbm>>
          %dma_start3A_1796 = arith.constant 0 : i32
          %dma_start3A_1797 = tpu.memref_slice %arg11[%dma_start3A_1790, %dma_start3A_1796] : memref<2x1024xf32, #tpu.memory_space<vmem>> -> memref<1x512xf32, #tpu.memory_space<vmem>>
          %dma_start3A_1798 = tpu.memref_squeeze %dma_start3A_1797 : memref<1x512xf32, #tpu.memory_space<vmem>> -> memref<512xf32, #tpu.memory_space<vmem>>
          %dma_start3A_1799 = tpu.memref_slice %arg5[%arg0, %dma_start3A_1788, %dma_start3A_1789, %add3A_1787] : memref<2x2x2x147456xf32, #tpu.memory_space<hbm>> -> memref<1x1x1x512xf32, #tpu.memory_space<hbm>>
          %dma_start3A_1800 = tpu.memref_squeeze %dma_start3A_1799 : memref<1x1x1x512xf32, #tpu.memory_space<hbm>> -> memref<512xf32, #tpu.memory_space<hbm>>
          tpu.enqueue_dma source(%dma_start3A_1800 : memref<512xf32, #tpu.memory_space<hbm>>) target(%dma_start3A_1798 : memref<512xf32, #tpu.memory_space<vmem>>) target_semaphore(%arg15 : memref<!tpu.dma_semaphore, #tpu.memory_space<semaphore_mem>>)
          %dma_start3A_1801 = arith.constant 0 : i32
          %dma_start3A_1802 = arith.constant 1 : i32
          %dma_start3A_1803 = arith.constant 0 : i32
          %dma_start3A_1804 = arith.constant 512 : i32
          %dma_start3A_1805 = tpu.memref_slice %arg11[%dma_start3A_1803, %dma_start3A_1804] : memref<2x1024xf32, #tpu.memory_space<vmem>> -> memref<1x512xf32, #tpu.memory_space<vmem>>
          %dma_start3A_1806 = tpu.memref_squeeze %dma_start3A_1805 : memref<1x512xf32, #tpu.memory_space<vmem>> -> memref<512xf32, #tpu.memory_space<vmem>>
          %dma_start3A_1807 = tpu.memref_slice %arg5[%arg0, %dma_start3A_1801, %dma_start3A_1802, %add3A_1787] : memref<2x2x2x147456xf32, #tpu.memory_space<hbm>> -> memref<1x1x1x512xf32, #tpu.memory_space<hbm>>
          %dma_start3A_1808 = tpu.memref_squeeze %dma_start3A_1807 : memref<1x1x1x512xf32, #tpu.memory_space<hbm>> -> memref<512xf32, #tpu.memory_space<hbm>>
          %dma_start3A_1809 = arith.constant 512 : i32
          %dma_start3A_1810 = tpu.memref_slice %arg11[%dma_start3A_1803, %dma_start3A_1809] : memref<2x1024xf32, #tpu.memory_space<vmem>> -> memref<1x512xf32, #tpu.memory_space<vmem>>
          %dma_start3A_1811 = tpu.memref_squeeze %dma_start3A_1810 : memref<1x512xf32, #tpu.memory_space<vmem>> -> memref<512xf32, #tpu.memory_space<vmem>>
          %dma_start3A_1812 = tpu.memref_slice %arg5[%arg0, %dma_start3A_1801, %dma_start3A_1802, %add3A_1787] : memref<2x2x2x147456xf32, #tpu.memory_space<hbm>> -> memref<1x1x1x512xf32, #tpu.memory_space<hbm>>
          %dma_start3A_1813 = tpu.memref_squeeze %dma_start3A_1812 : memref<1x1x1x512xf32, #tpu.memory_space<hbm>> -> memref<512xf32, #tpu.memory_space<hbm>>
          tpu.enqueue_dma source(%dma_start3A_1813 : memref<512xf32, #tpu.memory_space<hbm>>) target(%dma_start3A_1811 : memref<512xf32, #tpu.memory_space<vmem>>) target_semaphore(%arg15 : memref<!tpu.dma_semaphore, #tpu.memory_space<semaphore_mem>>)
          %dma_start3A_1814 = arith.constant 1 : i32
          %dma_start3A_1815 = arith.constant 0 : i32
          %dma_start3A_1816 = arith.constant 0 : i32
          %dma_start3A_1817 = arith.constant 0 : i32
          %dma_start3A_1818 = tpu.memref_slice %arg12[%dma_start3A_1816, %dma_start3A_1817] : memref<2x1024xf32, #tpu.memory_space<vmem>> -> memref<1x512xf32, #tpu.memory_space<vmem>>
          %dma_start3A_1819 = tpu.memref_squeeze %dma_start3A_1818 : memref<1x512xf32, #tpu.memory_space<vmem>> -> memref<512xf32, #tpu.memory_space<vmem>>
          %dma_start3A_1820 = tpu.memref_slice %arg5[%arg0, %dma_start3A_1814, %dma_start3A_1815, %add3A_1787] : memref<2x2x2x147456xf32, #tpu.memory_space<hbm>> -> memref<1x1x1x512xf32, #tpu.memory_space<hbm>>
          %dma_start3A_1821 = tpu.memref_squeeze %dma_start3A_1820 : memref<1x1x1x512xf32, #tpu.memory_space<hbm>> -> memref<512xf32, #tpu.memory_space<hbm>>
          %dma_start3A_1822 = arith.constant 0 : i32
          %dma_start3A_1823 = tpu.memref_slice %arg12[%dma_start3A_1816, %dma_start3A_1822] : memref<2x1024xf32, #tpu.memory_space<vmem>> -> memref<1x512xf32, #tpu.memory_space<vmem>>
          %dma_start3A_1824 = tpu.memref_squeeze %dma_start3A_1823 : memref<1x512xf32, #tpu.memory_space<vmem>> -> memref<512xf32, #tpu.memory_space<vmem>>
          %dma_start3A_1825 = tpu.memref_slice %arg5[%arg0, %dma_start3A_1814, %dma_start3A_1815, %add3A_1787] : memref<2x2x2x147456xf32, #tpu.memory_space<hbm>> -> memref<1x1x1x512xf32, #tpu.memory_space<hbm>>
          %dma_start3A_1826 = tpu.memref_squeeze %dma_start3A_1825 : memref<1x1x1x512xf32, #tpu.memory_space<hbm>> -> memref<512xf32, #tpu.memory_space<hbm>>
          tpu.enqueue_dma source(%dma_start3A_1826 : memref<512xf32, #tpu.memory_space<hbm>>) target(%dma_start3A_1824 : memref<512xf32, #tpu.memory_space<vmem>>) target_semaphore(%arg15 : memref<!tpu.dma_semaphore, #tpu.memory_space<semaphore_mem>>)
          %dma_start3A_1827 = arith.constant 1 : i32
          %dma_start3A_1828 = arith.constant 1 : i32
          %dma_start3A_1829 = arith.constant 0 : i32
          %dma_start3A_1830 = arith.constant 512 : i32
          %dma_start3A_1831 = tpu.memref_slice %arg12[%dma_start3A_1829, %dma_start3A_1830] : memref<2x1024xf32, #tpu.memory_space<vmem>> -> memref<1x512xf32, #tpu.memory_space<vmem>>
          %dma_start3A_1832 = tpu.memref_squeeze %dma_start3A_1831 : memref<1x512xf32, #tpu.memory_space<vmem>> -> memref<512xf32, #tpu.memory_space<vmem>>
          %dma_start3A_1833 = tpu.memref_slice %arg5[%arg0, %dma_start3A_1827, %dma_start3A_1828, %add3A_1787] : memref<2x2x2x147456xf32, #tpu.memory_space<hbm>> -> memref<1x1x1x512xf32, #tpu.memory_space<hbm>>
          %dma_start3A_1834 = tpu.memref_squeeze %dma_start3A_1833 : memref<1x1x1x512xf32, #tpu.memory_space<hbm>> -> memref<512xf32, #tpu.memory_space<hbm>>
          %dma_start3A_1835 = arith.constant 512 : i32
          %dma_start3A_1836 = tpu.memref_slice %arg12[%dma_start3A_1829, %dma_start3A_1835] : memref<2x1024xf32, #tpu.memory_space<vmem>> -> memref<1x512xf32, #tpu.memory_space<vmem>>
          %dma_start3A_1837 = tpu.memref_squeeze %dma_start3A_1836 : memref<1x512xf32, #tpu.memory_space<vmem>> -> memref<512xf32, #tpu.memory_space<vmem>>
          %dma_start3A_1838 = tpu.memref_slice %arg5[%arg0, %dma_start3A_1827, %dma_start3A_1828, %add3A_1787] : memref<2x2x2x147456xf32, #tpu.memory_space<hbm>> -> memref<1x1x1x512xf32, #tpu.memory_space<hbm>>
          %dma_start3A_1839 = tpu.memref_squeeze %dma_start3A_1838 : memref<1x1x1x512xf32, #tpu.memory_space<hbm>> -> memref<512xf32, #tpu.memory_space<hbm>>
          tpu.enqueue_dma source(%dma_start3A_1839 : memref<512xf32, #tpu.memory_space<hbm>>) target(%dma_start3A_1837 : memref<512xf32, #tpu.memory_space<vmem>>) target_semaphore(%arg15 : memref<!tpu.dma_semaphore, #tpu.memory_space<semaphore_mem>>)
        } else {
        }
        %dma_start3A_1192 = arith.constant 0 : i32
        %dma_start3A_1193 = arith.constant 0 : i32
        %dma_start3A_1194 = arith.constant 0 : i32
        %dma_start3A_1195 = arith.constant 0 : i32
        %dma_start3A_1196 = arith.constant 0 : i32
        %dma_start3A_1197 = arith.constant 0 : i32
        %dma_start3A_1198 = arith.constant 0 : i32
        %dma_start3A_1199 = tpu.memref_slice %arg14[%dma_start3A_1192, %dma_start3A_1193, %dma_start3A_1197, %dma_start3A_1198] : memref<2x4x512x8xf32, #tpu.memory_space<vmem>> -> memref<1x1x128x8xf32, #tpu.memory_space<vmem>>
        %dma_start3A_1200 = tpu.memref_squeeze %dma_start3A_1199 : memref<1x1x128x8xf32, #tpu.memory_space<vmem>> -> memref<128x8xf32, #tpu.memory_space<vmem>>
        %dma_start3A_1201 = arith.constant 0 : i32
        %dma_start3A_1202 = tpu.memref_slice %arg13[%dma_start3A_1194, %dma_start3A_1195, %dma_start3A_1196, %dma_start3A_1201] : memref<2x4x4x128xi32, #tpu.memory_space<vmem>> -> memref<1x1x1x128xi32, #tpu.memory_space<vmem>>
        %dma_start3A_1203 = tpu.memref_squeeze %dma_start3A_1202 : memref<1x1x1x128xi32, #tpu.memory_space<vmem>> -> memref<128xi32, #tpu.memory_space<vmem>>
        %dma_start3A_1204 = arith.constant 0 : i32
        %dma_start3A_1205 = arith.constant 0 : i32
        %dma_start3A_1206 = tpu.memref_slice %arg8[%dma_start3A_1204, %dma_start3A_1205] : memref<147472x8xf32, #tpu.memory_space<vmem_shared>> -> memref<147472x8xf32, #tpu.memory_space<vmem_shared>>
        tpu.enqueue_indirect_dma source(%dma_start3A_1200 : memref<128x8xf32, #tpu.memory_space<vmem>>) target(%dma_start3A_1206 : memref<147472x8xf32, #tpu.memory_space<vmem_shared>>) offsets(%dma_start3A_1203 : memref<128xi32, #tpu.memory_space<vmem>>) semaphore(%arg17 : memref<!tpu.dma_semaphore, #tpu.memory_space<semaphore_mem>>) {add = true}
        %dma_start3A_1207 = arith.constant 0 : i32
        %dma_start3A_1208 = arith.constant 0 : i32
        %dma_start3A_1209 = arith.constant 0 : i32
        %dma_start3A_1210 = arith.constant 0 : i32
        %dma_start3A_1211 = arith.constant 1 : i32
        %dma_start3A_1212 = arith.constant 128 : i32
        %dma_start3A_1213 = arith.constant 0 : i32
        %dma_start3A_1214 = tpu.memref_slice %arg14[%dma_start3A_1207, %dma_start3A_1208, %dma_start3A_1212, %dma_start3A_1213] : memref<2x4x512x8xf32, #tpu.memory_space<vmem>> -> memref<1x1x128x8xf32, #tpu.memory_space<vmem>>
        %dma_start3A_1215 = tpu.memref_squeeze %dma_start3A_1214 : memref<1x1x128x8xf32, #tpu.memory_space<vmem>> -> memref<128x8xf32, #tpu.memory_space<vmem>>
        %dma_start3A_1216 = arith.constant 0 : i32
        %dma_start3A_1217 = tpu.memref_slice %arg13[%dma_start3A_1209, %dma_start3A_1210, %dma_start3A_1211, %dma_start3A_1216] : memref<2x4x4x128xi32, #tpu.memory_space<vmem>> -> memref<1x1x1x128xi32, #tpu.memory_space<vmem>>
        %dma_start3A_1218 = tpu.memref_squeeze %dma_start3A_1217 : memref<1x1x1x128xi32, #tpu.memory_space<vmem>> -> memref<128xi32, #tpu.memory_space<vmem>>
        %dma_start3A_1219 = arith.constant 0 : i32
        %dma_start3A_1220 = arith.constant 0 : i32
        %dma_start3A_1221 = tpu.memref_slice %arg8[%dma_start3A_1219, %dma_start3A_1220] : memref<147472x8xf32, #tpu.memory_space<vmem_shared>> -> memref<147472x8xf32, #tpu.memory_space<vmem_shared>>
        tpu.enqueue_indirect_dma source(%dma_start3A_1215 : memref<128x8xf32, #tpu.memory_space<vmem>>) target(%dma_start3A_1221 : memref<147472x8xf32, #tpu.memory_space<vmem_shared>>) offsets(%dma_start3A_1218 : memref<128xi32, #tpu.memory_space<vmem>>) semaphore(%arg17 : memref<!tpu.dma_semaphore, #tpu.memory_space<semaphore_mem>>) {add = true}
        %dma_start3A_1222 = arith.constant 0 : i32
        %dma_start3A_1223 = arith.constant 0 : i32
        %dma_start3A_1224 = arith.constant 0 : i32
        %dma_start3A_1225 = arith.constant 0 : i32
        %dma_start3A_1226 = arith.constant 2 : i32
        %dma_start3A_1227 = arith.constant 256 : i32
        %dma_start3A_1228 = arith.constant 0 : i32
        %dma_start3A_1229 = tpu.memref_slice %arg14[%dma_start3A_1222, %dma_start3A_1223, %dma_start3A_1227, %dma_start3A_1228] : memref<2x4x512x8xf32, #tpu.memory_space<vmem>> -> memref<1x1x128x8xf32, #tpu.memory_space<vmem>>
        %dma_start3A_1230 = tpu.memref_squeeze %dma_start3A_1229 : memref<1x1x128x8xf32, #tpu.memory_space<vmem>> -> memref<128x8xf32, #tpu.memory_space<vmem>>
        %dma_start3A_1231 = arith.constant 0 : i32
        %dma_start3A_1232 = tpu.memref_slice %arg13[%dma_start3A_1224, %dma_start3A_1225, %dma_start3A_1226, %dma_start3A_1231] : memref<2x4x4x128xi32, #tpu.memory_space<vmem>> -> memref<1x1x1x128xi32, #tpu.memory_space<vmem>>
        %dma_start3A_1233 = tpu.memref_squeeze %dma_start3A_1232 : memref<1x1x1x128xi32, #tpu.memory_space<vmem>> -> memref<128xi32, #tpu.memory_space<vmem>>
        %dma_start3A_1234 = arith.constant 0 : i32
        %dma_start3A_1235 = arith.constant 0 : i32
        %dma_start3A_1236 = tpu.memref_slice %arg8[%dma_start3A_1234, %dma_start3A_1235] : memref<147472x8xf32, #tpu.memory_space<vmem_shared>> -> memref<147472x8xf32, #tpu.memory_space<vmem_shared>>
        tpu.enqueue_indirect_dma source(%dma_start3A_1230 : memref<128x8xf32, #tpu.memory_space<vmem>>) target(%dma_start3A_1236 : memref<147472x8xf32, #tpu.memory_space<vmem_shared>>) offsets(%dma_start3A_1233 : memref<128xi32, #tpu.memory_space<vmem>>) semaphore(%arg17 : memref<!tpu.dma_semaphore, #tpu.memory_space<semaphore_mem>>) {add = true}
        %dma_start3A_1237 = arith.constant 0 : i32
        %dma_start3A_1238 = arith.constant 0 : i32
        %dma_start3A_1239 = arith.constant 0 : i32
        %dma_start3A_1240 = arith.constant 0 : i32
        %dma_start3A_1241 = arith.constant 3 : i32
        %dma_start3A_1242 = arith.constant 384 : i32
        %dma_start3A_1243 = arith.constant 0 : i32
        %dma_start3A_1244 = tpu.memref_slice %arg14[%dma_start3A_1237, %dma_start3A_1238, %dma_start3A_1242, %dma_start3A_1243] : memref<2x4x512x8xf32, #tpu.memory_space<vmem>> -> memref<1x1x128x8xf32, #tpu.memory_space<vmem>>
        %dma_start3A_1245 = tpu.memref_squeeze %dma_start3A_1244 : memref<1x1x128x8xf32, #tpu.memory_space<vmem>> -> memref<128x8xf32, #tpu.memory_space<vmem>>
        %dma_start3A_1246 = arith.constant 0 : i32
        %dma_start3A_1247 = tpu.memref_slice %arg13[%dma_start3A_1239, %dma_start3A_1240, %dma_start3A_1241, %dma_start3A_1246] : memref<2x4x4x128xi32, #tpu.memory_space<vmem>> -> memref<1x1x1x128xi32, #tpu.memory_space<vmem>>
        %dma_start3A_1248 = tpu.memref_squeeze %dma_start3A_1247 : memref<1x1x1x128xi32, #tpu.memory_space<vmem>> -> memref<128xi32, #tpu.memory_space<vmem>>
        %dma_start3A_1249 = arith.constant 0 : i32
        %dma_start3A_1250 = arith.constant 0 : i32
        %dma_start3A_1251 = tpu.memref_slice %arg8[%dma_start3A_1249, %dma_start3A_1250] : memref<147472x8xf32, #tpu.memory_space<vmem_shared>> -> memref<147472x8xf32, #tpu.memory_space<vmem_shared>>
        tpu.enqueue_indirect_dma source(%dma_start3A_1245 : memref<128x8xf32, #tpu.memory_space<vmem>>) target(%dma_start3A_1251 : memref<147472x8xf32, #tpu.memory_space<vmem_shared>>) offsets(%dma_start3A_1248 : memref<128xi32, #tpu.memory_space<vmem>>) semaphore(%arg17 : memref<!tpu.dma_semaphore, #tpu.memory_space<semaphore_mem>>) {add = true}
        %dma_start3A_1252 = arith.constant 0 : i32
        %dma_start3A_1253 = arith.constant 1 : i32
        %dma_start3A_1254 = arith.constant 0 : i32
        %dma_start3A_1255 = arith.constant 1 : i32
        %dma_start3A_1256 = arith.constant 0 : i32
        %dma_start3A_1257 = arith.constant 0 : i32
        %dma_start3A_1258 = arith.constant 0 : i32
        %dma_start3A_1259 = tpu.memref_slice %arg14[%dma_start3A_1252, %dma_start3A_1253, %dma_start3A_1257, %dma_start3A_1258] : memref<2x4x512x8xf32, #tpu.memory_space<vmem>> -> memref<1x1x128x8xf32, #tpu.memory_space<vmem>>
        %dma_start3A_1260 = tpu.memref_squeeze %dma_start3A_1259 : memref<1x1x128x8xf32, #tpu.memory_space<vmem>> -> memref<128x8xf32, #tpu.memory_space<vmem>>
        %dma_start3A_1261 = arith.constant 0 : i32
        %dma_start3A_1262 = tpu.memref_slice %arg13[%dma_start3A_1254, %dma_start3A_1255, %dma_start3A_1256, %dma_start3A_1261] : memref<2x4x4x128xi32, #tpu.memory_space<vmem>> -> memref<1x1x1x128xi32, #tpu.memory_space<vmem>>
        %dma_start3A_1263 = tpu.memref_squeeze %dma_start3A_1262 : memref<1x1x1x128xi32, #tpu.memory_space<vmem>> -> memref<128xi32, #tpu.memory_space<vmem>>
        %dma_start3A_1264 = arith.constant 0 : i32
        %dma_start3A_1265 = arith.constant 0 : i32
        %dma_start3A_1266 = tpu.memref_slice %arg8[%dma_start3A_1264, %dma_start3A_1265] : memref<147472x8xf32, #tpu.memory_space<vmem_shared>> -> memref<147472x8xf32, #tpu.memory_space<vmem_shared>>
        tpu.enqueue_indirect_dma source(%dma_start3A_1260 : memref<128x8xf32, #tpu.memory_space<vmem>>) target(%dma_start3A_1266 : memref<147472x8xf32, #tpu.memory_space<vmem_shared>>) offsets(%dma_start3A_1263 : memref<128xi32, #tpu.memory_space<vmem>>) semaphore(%arg17 : memref<!tpu.dma_semaphore, #tpu.memory_space<semaphore_mem>>) {add = true}
        %dma_start3A_1267 = arith.constant 0 : i32
        %dma_start3A_1268 = arith.constant 1 : i32
        %dma_start3A_1269 = arith.constant 0 : i32
        %dma_start3A_1270 = arith.constant 1 : i32
        %dma_start3A_1271 = arith.constant 1 : i32
        %dma_start3A_1272 = arith.constant 128 : i32
        %dma_start3A_1273 = arith.constant 0 : i32
        %dma_start3A_1274 = tpu.memref_slice %arg14[%dma_start3A_1267, %dma_start3A_1268, %dma_start3A_1272, %dma_start3A_1273] : memref<2x4x512x8xf32, #tpu.memory_space<vmem>> -> memref<1x1x128x8xf32, #tpu.memory_space<vmem>>
        %dma_start3A_1275 = tpu.memref_squeeze %dma_start3A_1274 : memref<1x1x128x8xf32, #tpu.memory_space<vmem>> -> memref<128x8xf32, #tpu.memory_space<vmem>>
        %dma_start3A_1276 = arith.constant 0 : i32
        %dma_start3A_1277 = tpu.memref_slice %arg13[%dma_start3A_1269, %dma_start3A_1270, %dma_start3A_1271, %dma_start3A_1276] : memref<2x4x4x128xi32, #tpu.memory_space<vmem>> -> memref<1x1x1x128xi32, #tpu.memory_space<vmem>>
        %dma_start3A_1278 = tpu.memref_squeeze %dma_start3A_1277 : memref<1x1x1x128xi32, #tpu.memory_space<vmem>> -> memref<128xi32, #tpu.memory_space<vmem>>
        %dma_start3A_1279 = arith.constant 0 : i32
        %dma_start3A_1280 = arith.constant 0 : i32
        %dma_start3A_1281 = tpu.memref_slice %arg8[%dma_start3A_1279, %dma_start3A_1280] : memref<147472x8xf32, #tpu.memory_space<vmem_shared>> -> memref<147472x8xf32, #tpu.memory_space<vmem_shared>>
        tpu.enqueue_indirect_dma source(%dma_start3A_1275 : memref<128x8xf32, #tpu.memory_space<vmem>>) target(%dma_start3A_1281 : memref<147472x8xf32, #tpu.memory_space<vmem_shared>>) offsets(%dma_start3A_1278 : memref<128xi32, #tpu.memory_space<vmem>>) semaphore(%arg17 : memref<!tpu.dma_semaphore, #tpu.memory_space<semaphore_mem>>) {add = true}
        %dma_start3A_1282 = arith.constant 0 : i32
        %dma_start3A_1283 = arith.constant 1 : i32
        %dma_start3A_1284 = arith.constant 0 : i32
        %dma_start3A_1285 = arith.constant 1 : i32
        %dma_start3A_1286 = arith.constant 2 : i32
        %dma_start3A_1287 = arith.constant 256 : i32
        %dma_start3A_1288 = arith.constant 0 : i32
        %dma_start3A_1289 = tpu.memref_slice %arg14[%dma_start3A_1282, %dma_start3A_1283, %dma_start3A_1287, %dma_start3A_1288] : memref<2x4x512x8xf32, #tpu.memory_space<vmem>> -> memref<1x1x128x8xf32, #tpu.memory_space<vmem>>
        %dma_start3A_1290 = tpu.memref_squeeze %dma_start3A_1289 : memref<1x1x128x8xf32, #tpu.memory_space<vmem>> -> memref<128x8xf32, #tpu.memory_space<vmem>>
        %dma_start3A_1291 = arith.constant 0 : i32
        %dma_start3A_1292 = tpu.memref_slice %arg13[%dma_start3A_1284, %dma_start3A_1285, %dma_start3A_1286, %dma_start3A_1291] : memref<2x4x4x128xi32, #tpu.memory_space<vmem>> -> memref<1x1x1x128xi32, #tpu.memory_space<vmem>>
        %dma_start3A_1293 = tpu.memref_squeeze %dma_start3A_1292 : memref<1x1x1x128xi32, #tpu.memory_space<vmem>> -> memref<128xi32, #tpu.memory_space<vmem>>
        %dma_start3A_1294 = arith.constant 0 : i32
        %dma_start3A_1295 = arith.constant 0 : i32
        %dma_start3A_1296 = tpu.memref_slice %arg8[%dma_start3A_1294, %dma_start3A_1295] : memref<147472x8xf32, #tpu.memory_space<vmem_shared>> -> memref<147472x8xf32, #tpu.memory_space<vmem_shared>>
        tpu.enqueue_indirect_dma source(%dma_start3A_1290 : memref<128x8xf32, #tpu.memory_space<vmem>>) target(%dma_start3A_1296 : memref<147472x8xf32, #tpu.memory_space<vmem_shared>>) offsets(%dma_start3A_1293 : memref<128xi32, #tpu.memory_space<vmem>>) semaphore(%arg17 : memref<!tpu.dma_semaphore, #tpu.memory_space<semaphore_mem>>) {add = true}
        %dma_start3A_1297 = arith.constant 0 : i32
        %dma_start3A_1298 = arith.constant 1 : i32
        %dma_start3A_1299 = arith.constant 0 : i32
        %dma_start3A_1300 = arith.constant 1 : i32
        %dma_start3A_1301 = arith.constant 3 : i32
        %dma_start3A_1302 = arith.constant 384 : i32
        %dma_start3A_1303 = arith.constant 0 : i32
        %dma_start3A_1304 = tpu.memref_slice %arg14[%dma_start3A_1297, %dma_start3A_1298, %dma_start3A_1302, %dma_start3A_1303] : memref<2x4x512x8xf32, #tpu.memory_space<vmem>> -> memref<1x1x128x8xf32, #tpu.memory_space<vmem>>
        %dma_start3A_1305 = tpu.memref_squeeze %dma_start3A_1304 : memref<1x1x128x8xf32, #tpu.memory_space<vmem>> -> memref<128x8xf32, #tpu.memory_space<vmem>>
        %dma_start3A_1306 = arith.constant 0 : i32
        %dma_start3A_1307 = tpu.memref_slice %arg13[%dma_start3A_1299, %dma_start3A_1300, %dma_start3A_1301, %dma_start3A_1306] : memref<2x4x4x128xi32, #tpu.memory_space<vmem>> -> memref<1x1x1x128xi32, #tpu.memory_space<vmem>>
        %dma_start3A_1308 = tpu.memref_squeeze %dma_start3A_1307 : memref<1x1x1x128xi32, #tpu.memory_space<vmem>> -> memref<128xi32, #tpu.memory_space<vmem>>
        %dma_start3A_1309 = arith.constant 0 : i32
        %dma_start3A_1310 = arith.constant 0 : i32
        %dma_start3A_1311 = tpu.memref_slice %arg8[%dma_start3A_1309, %dma_start3A_1310] : memref<147472x8xf32, #tpu.memory_space<vmem_shared>> -> memref<147472x8xf32, #tpu.memory_space<vmem_shared>>
        tpu.enqueue_indirect_dma source(%dma_start3A_1305 : memref<128x8xf32, #tpu.memory_space<vmem>>) target(%dma_start3A_1311 : memref<147472x8xf32, #tpu.memory_space<vmem_shared>>) offsets(%dma_start3A_1308 : memref<128xi32, #tpu.memory_space<vmem>>) semaphore(%arg17 : memref<!tpu.dma_semaphore, #tpu.memory_space<semaphore_mem>>) {add = true}
        %dma_start3A_1312 = arith.constant 0 : i32
        %dma_start3A_1313 = arith.constant 2 : i32
        %dma_start3A_1314 = arith.constant 0 : i32
        %dma_start3A_1315 = arith.constant 2 : i32
        %dma_start3A_1316 = arith.constant 0 : i32
        %dma_start3A_1317 = arith.constant 0 : i32
        %dma_start3A_1318 = arith.constant 0 : i32
        %dma_start3A_1319 = tpu.memref_slice %arg14[%dma_start3A_1312, %dma_start3A_1313, %dma_start3A_1317, %dma_start3A_1318] : memref<2x4x512x8xf32, #tpu.memory_space<vmem>> -> memref<1x1x128x8xf32, #tpu.memory_space<vmem>>
        %dma_start3A_1320 = tpu.memref_squeeze %dma_start3A_1319 : memref<1x1x128x8xf32, #tpu.memory_space<vmem>> -> memref<128x8xf32, #tpu.memory_space<vmem>>
        %dma_start3A_1321 = arith.constant 0 : i32
        %dma_start3A_1322 = tpu.memref_slice %arg13[%dma_start3A_1314, %dma_start3A_1315, %dma_start3A_1316, %dma_start3A_1321] : memref<2x4x4x128xi32, #tpu.memory_space<vmem>> -> memref<1x1x1x128xi32, #tpu.memory_space<vmem>>
        %dma_start3A_1323 = tpu.memref_squeeze %dma_start3A_1322 : memref<1x1x1x128xi32, #tpu.memory_space<vmem>> -> memref<128xi32, #tpu.memory_space<vmem>>
        %dma_start3A_1324 = arith.constant 0 : i32
        %dma_start3A_1325 = arith.constant 0 : i32
        %dma_start3A_1326 = tpu.memref_slice %arg8[%dma_start3A_1324, %dma_start3A_1325] : memref<147472x8xf32, #tpu.memory_space<vmem_shared>> -> memref<147472x8xf32, #tpu.memory_space<vmem_shared>>
        tpu.enqueue_indirect_dma source(%dma_start3A_1320 : memref<128x8xf32, #tpu.memory_space<vmem>>) target(%dma_start3A_1326 : memref<147472x8xf32, #tpu.memory_space<vmem_shared>>) offsets(%dma_start3A_1323 : memref<128xi32, #tpu.memory_space<vmem>>) semaphore(%arg17 : memref<!tpu.dma_semaphore, #tpu.memory_space<semaphore_mem>>) {add = true}
        %dma_start3A_1327 = arith.constant 0 : i32
        %dma_start3A_1328 = arith.constant 2 : i32
        %dma_start3A_1329 = arith.constant 0 : i32
        %dma_start3A_1330 = arith.constant 2 : i32
        %dma_start3A_1331 = arith.constant 1 : i32
        %dma_start3A_1332 = arith.constant 128 : i32
        %dma_start3A_1333 = arith.constant 0 : i32
        %dma_start3A_1334 = tpu.memref_slice %arg14[%dma_start3A_1327, %dma_start3A_1328, %dma_start3A_1332, %dma_start3A_1333] : memref<2x4x512x8xf32, #tpu.memory_space<vmem>> -> memref<1x1x128x8xf32, #tpu.memory_space<vmem>>
        %dma_start3A_1335 = tpu.memref_squeeze %dma_start3A_1334 : memref<1x1x128x8xf32, #tpu.memory_space<vmem>> -> memref<128x8xf32, #tpu.memory_space<vmem>>
        %dma_start3A_1336 = arith.constant 0 : i32
        %dma_start3A_1337 = tpu.memref_slice %arg13[%dma_start3A_1329, %dma_start3A_1330, %dma_start3A_1331, %dma_start3A_1336] : memref<2x4x4x128xi32, #tpu.memory_space<vmem>> -> memref<1x1x1x128xi32, #tpu.memory_space<vmem>>
        %dma_start3A_1338 = tpu.memref_squeeze %dma_start3A_1337 : memref<1x1x1x128xi32, #tpu.memory_space<vmem>> -> memref<128xi32, #tpu.memory_space<vmem>>
        %dma_start3A_1339 = arith.constant 0 : i32
        %dma_start3A_1340 = arith.constant 0 : i32
        %dma_start3A_1341 = tpu.memref_slice %arg8[%dma_start3A_1339, %dma_start3A_1340] : memref<147472x8xf32, #tpu.memory_space<vmem_shared>> -> memref<147472x8xf32, #tpu.memory_space<vmem_shared>>
        tpu.enqueue_indirect_dma source(%dma_start3A_1335 : memref<128x8xf32, #tpu.memory_space<vmem>>) target(%dma_start3A_1341 : memref<147472x8xf32, #tpu.memory_space<vmem_shared>>) offsets(%dma_start3A_1338 : memref<128xi32, #tpu.memory_space<vmem>>) semaphore(%arg17 : memref<!tpu.dma_semaphore, #tpu.memory_space<semaphore_mem>>) {add = true}
        %dma_start3A_1342 = arith.constant 0 : i32
        %dma_start3A_1343 = arith.constant 2 : i32
        %dma_start3A_1344 = arith.constant 0 : i32
        %dma_start3A_1345 = arith.constant 2 : i32
        %dma_start3A_1346 = arith.constant 2 : i32
        %dma_start3A_1347 = arith.constant 256 : i32
        %dma_start3A_1348 = arith.constant 0 : i32
        %dma_start3A_1349 = tpu.memref_slice %arg14[%dma_start3A_1342, %dma_start3A_1343, %dma_start3A_1347, %dma_start3A_1348] : memref<2x4x512x8xf32, #tpu.memory_space<vmem>> -> memref<1x1x128x8xf32, #tpu.memory_space<vmem>>
        %dma_start3A_1350 = tpu.memref_squeeze %dma_start3A_1349 : memref<1x1x128x8xf32, #tpu.memory_space<vmem>> -> memref<128x8xf32, #tpu.memory_space<vmem>>
        %dma_start3A_1351 = arith.constant 0 : i32
        %dma_start3A_1352 = tpu.memref_slice %arg13[%dma_start3A_1344, %dma_start3A_1345, %dma_start3A_1346, %dma_start3A_1351] : memref<2x4x4x128xi32, #tpu.memory_space<vmem>> -> memref<1x1x1x128xi32, #tpu.memory_space<vmem>>
        %dma_start3A_1353 = tpu.memref_squeeze %dma_start3A_1352 : memref<1x1x1x128xi32, #tpu.memory_space<vmem>> -> memref<128xi32, #tpu.memory_space<vmem>>
        %dma_start3A_1354 = arith.constant 0 : i32
        %dma_start3A_1355 = arith.constant 0 : i32
        %dma_start3A_1356 = tpu.memref_slice %arg8[%dma_start3A_1354, %dma_start3A_1355] : memref<147472x8xf32, #tpu.memory_space<vmem_shared>> -> memref<147472x8xf32, #tpu.memory_space<vmem_shared>>
        tpu.enqueue_indirect_dma source(%dma_start3A_1350 : memref<128x8xf32, #tpu.memory_space<vmem>>) target(%dma_start3A_1356 : memref<147472x8xf32, #tpu.memory_space<vmem_shared>>) offsets(%dma_start3A_1353 : memref<128xi32, #tpu.memory_space<vmem>>) semaphore(%arg17 : memref<!tpu.dma_semaphore, #tpu.memory_space<semaphore_mem>>) {add = true}
        %dma_start3A_1357 = arith.constant 0 : i32
        %dma_start3A_1358 = arith.constant 2 : i32
        %dma_start3A_1359 = arith.constant 0 : i32
        %dma_start3A_1360 = arith.constant 2 : i32
        %dma_start3A_1361 = arith.constant 3 : i32
        %dma_start3A_1362 = arith.constant 384 : i32
        %dma_start3A_1363 = arith.constant 0 : i32
        %dma_start3A_1364 = tpu.memref_slice %arg14[%dma_start3A_1357, %dma_start3A_1358, %dma_start3A_1362, %dma_start3A_1363] : memref<2x4x512x8xf32, #tpu.memory_space<vmem>> -> memref<1x1x128x8xf32, #tpu.memory_space<vmem>>
        %dma_start3A_1365 = tpu.memref_squeeze %dma_start3A_1364 : memref<1x1x128x8xf32, #tpu.memory_space<vmem>> -> memref<128x8xf32, #tpu.memory_space<vmem>>
        %dma_start3A_1366 = arith.constant 0 : i32
        %dma_start3A_1367 = tpu.memref_slice %arg13[%dma_start3A_1359, %dma_start3A_1360, %dma_start3A_1361, %dma_start3A_1366] : memref<2x4x4x128xi32, #tpu.memory_space<vmem>> -> memref<1x1x1x128xi32, #tpu.memory_space<vmem>>
        %dma_start3A_1368 = tpu.memref_squeeze %dma_start3A_1367 : memref<1x1x1x128xi32, #tpu.memory_space<vmem>> -> memref<128xi32, #tpu.memory_space<vmem>>
        %dma_start3A_1369 = arith.constant 0 : i32
        %dma_start3A_1370 = arith.constant 0 : i32
        %dma_start3A_1371 = tpu.memref_slice %arg8[%dma_start3A_1369, %dma_start3A_1370] : memref<147472x8xf32, #tpu.memory_space<vmem_shared>> -> memref<147472x8xf32, #tpu.memory_space<vmem_shared>>
        tpu.enqueue_indirect_dma source(%dma_start3A_1365 : memref<128x8xf32, #tpu.memory_space<vmem>>) target(%dma_start3A_1371 : memref<147472x8xf32, #tpu.memory_space<vmem_shared>>) offsets(%dma_start3A_1368 : memref<128xi32, #tpu.memory_space<vmem>>) semaphore(%arg17 : memref<!tpu.dma_semaphore, #tpu.memory_space<semaphore_mem>>) {add = true}
        %dma_start3A_1372 = arith.constant 0 : i32
        %dma_start3A_1373 = arith.constant 3 : i32
        %dma_start3A_1374 = arith.constant 0 : i32
        %dma_start3A_1375 = arith.constant 3 : i32
        %dma_start3A_1376 = arith.constant 0 : i32
        %dma_start3A_1377 = arith.constant 0 : i32
        %dma_start3A_1378 = arith.constant 0 : i32
        %dma_start3A_1379 = tpu.memref_slice %arg14[%dma_start3A_1372, %dma_start3A_1373, %dma_start3A_1377, %dma_start3A_1378] : memref<2x4x512x8xf32, #tpu.memory_space<vmem>> -> memref<1x1x128x8xf32, #tpu.memory_space<vmem>>
        %dma_start3A_1380 = tpu.memref_squeeze %dma_start3A_1379 : memref<1x1x128x8xf32, #tpu.memory_space<vmem>> -> memref<128x8xf32, #tpu.memory_space<vmem>>
        %dma_start3A_1381 = arith.constant 0 : i32
        %dma_start3A_1382 = tpu.memref_slice %arg13[%dma_start3A_1374, %dma_start3A_1375, %dma_start3A_1376, %dma_start3A_1381] : memref<2x4x4x128xi32, #tpu.memory_space<vmem>> -> memref<1x1x1x128xi32, #tpu.memory_space<vmem>>
        %dma_start3A_1383 = tpu.memref_squeeze %dma_start3A_1382 : memref<1x1x1x128xi32, #tpu.memory_space<vmem>> -> memref<128xi32, #tpu.memory_space<vmem>>
        %dma_start3A_1384 = arith.constant 0 : i32
        %dma_start3A_1385 = arith.constant 0 : i32
        %dma_start3A_1386 = tpu.memref_slice %arg8[%dma_start3A_1384, %dma_start3A_1385] : memref<147472x8xf32, #tpu.memory_space<vmem_shared>> -> memref<147472x8xf32, #tpu.memory_space<vmem_shared>>
        tpu.enqueue_indirect_dma source(%dma_start3A_1380 : memref<128x8xf32, #tpu.memory_space<vmem>>) target(%dma_start3A_1386 : memref<147472x8xf32, #tpu.memory_space<vmem_shared>>) offsets(%dma_start3A_1383 : memref<128xi32, #tpu.memory_space<vmem>>) semaphore(%arg17 : memref<!tpu.dma_semaphore, #tpu.memory_space<semaphore_mem>>) {add = true}
        %dma_start3A_1387 = arith.constant 0 : i32
        %dma_start3A_1388 = arith.constant 3 : i32
        %dma_start3A_1389 = arith.constant 0 : i32
        %dma_start3A_1390 = arith.constant 3 : i32
        %dma_start3A_1391 = arith.constant 1 : i32
        %dma_start3A_1392 = arith.constant 128 : i32
        %dma_start3A_1393 = arith.constant 0 : i32
        %dma_start3A_1394 = tpu.memref_slice %arg14[%dma_start3A_1387, %dma_start3A_1388, %dma_start3A_1392, %dma_start3A_1393] : memref<2x4x512x8xf32, #tpu.memory_space<vmem>> -> memref<1x1x128x8xf32, #tpu.memory_space<vmem>>
        %dma_start3A_1395 = tpu.memref_squeeze %dma_start3A_1394 : memref<1x1x128x8xf32, #tpu.memory_space<vmem>> -> memref<128x8xf32, #tpu.memory_space<vmem>>
        %dma_start3A_1396 = arith.constant 0 : i32
        %dma_start3A_1397 = tpu.memref_slice %arg13[%dma_start3A_1389, %dma_start3A_1390, %dma_start3A_1391, %dma_start3A_1396] : memref<2x4x4x128xi32, #tpu.memory_space<vmem>> -> memref<1x1x1x128xi32, #tpu.memory_space<vmem>>
        %dma_start3A_1398 = tpu.memref_squeeze %dma_start3A_1397 : memref<1x1x1x128xi32, #tpu.memory_space<vmem>> -> memref<128xi32, #tpu.memory_space<vmem>>
        %dma_start3A_1399 = arith.constant 0 : i32
        %dma_start3A_1400 = arith.constant 0 : i32
        %dma_start3A_1401 = tpu.memref_slice %arg8[%dma_start3A_1399, %dma_start3A_1400] : memref<147472x8xf32, #tpu.memory_space<vmem_shared>> -> memref<147472x8xf32, #tpu.memory_space<vmem_shared>>
        tpu.enqueue_indirect_dma source(%dma_start3A_1395 : memref<128x8xf32, #tpu.memory_space<vmem>>) target(%dma_start3A_1401 : memref<147472x8xf32, #tpu.memory_space<vmem_shared>>) offsets(%dma_start3A_1398 : memref<128xi32, #tpu.memory_space<vmem>>) semaphore(%arg17 : memref<!tpu.dma_semaphore, #tpu.memory_space<semaphore_mem>>) {add = true}
        %dma_start3A_1402 = arith.constant 0 : i32
        %dma_start3A_1403 = arith.constant 3 : i32
        %dma_start3A_1404 = arith.constant 0 : i32
        %dma_start3A_1405 = arith.constant 3 : i32
        %dma_start3A_1406 = arith.constant 2 : i32
        %dma_start3A_1407 = arith.constant 256 : i32
        %dma_start3A_1408 = arith.constant 0 : i32
        %dma_start3A_1409 = tpu.memref_slice %arg14[%dma_start3A_1402, %dma_start3A_1403, %dma_start3A_1407, %dma_start3A_1408] : memref<2x4x512x8xf32, #tpu.memory_space<vmem>> -> memref<1x1x128x8xf32, #tpu.memory_space<vmem>>
        %dma_start3A_1410 = tpu.memref_squeeze %dma_start3A_1409 : memref<1x1x128x8xf32, #tpu.memory_space<vmem>> -> memref<128x8xf32, #tpu.memory_space<vmem>>
        %dma_start3A_1411 = arith.constant 0 : i32
        %dma_start3A_1412 = tpu.memref_slice %arg13[%dma_start3A_1404, %dma_start3A_1405, %dma_start3A_1406, %dma_start3A_1411] : memref<2x4x4x128xi32, #tpu.memory_space<vmem>> -> memref<1x1x1x128xi32, #tpu.memory_space<vmem>>
        %dma_start3A_1413 = tpu.memref_squeeze %dma_start3A_1412 : memref<1x1x1x128xi32, #tpu.memory_space<vmem>> -> memref<128xi32, #tpu.memory_space<vmem>>
        %dma_start3A_1414 = arith.constant 0 : i32
        %dma_start3A_1415 = arith.constant 0 : i32
        %dma_start3A_1416 = tpu.memref_slice %arg8[%dma_start3A_1414, %dma_start3A_1415] : memref<147472x8xf32, #tpu.memory_space<vmem_shared>> -> memref<147472x8xf32, #tpu.memory_space<vmem_shared>>
        tpu.enqueue_indirect_dma source(%dma_start3A_1410 : memref<128x8xf32, #tpu.memory_space<vmem>>) target(%dma_start3A_1416 : memref<147472x8xf32, #tpu.memory_space<vmem_shared>>) offsets(%dma_start3A_1413 : memref<128xi32, #tpu.memory_space<vmem>>) semaphore(%arg17 : memref<!tpu.dma_semaphore, #tpu.memory_space<semaphore_mem>>) {add = true}
        %dma_start3A_1417 = arith.constant 0 : i32
        %dma_start3A_1418 = arith.constant 3 : i32
        %dma_start3A_1419 = arith.constant 0 : i32
        %dma_start3A_1420 = arith.constant 3 : i32
        %dma_start3A_1421 = arith.constant 3 : i32
        %dma_start3A_1422 = arith.constant 384 : i32
        %dma_start3A_1423 = arith.constant 0 : i32
        %dma_start3A_1424 = tpu.memref_slice %arg14[%dma_start3A_1417, %dma_start3A_1418, %dma_start3A_1422, %dma_start3A_1423] : memref<2x4x512x8xf32, #tpu.memory_space<vmem>> -> memref<1x1x128x8xf32, #tpu.memory_space<vmem>>
        %dma_start3A_1425 = tpu.memref_squeeze %dma_start3A_1424 : memref<1x1x128x8xf32, #tpu.memory_space<vmem>> -> memref<128x8xf32, #tpu.memory_space<vmem>>
        %dma_start3A_1426 = arith.constant 0 : i32
        %dma_start3A_1427 = tpu.memref_slice %arg13[%dma_start3A_1419, %dma_start3A_1420, %dma_start3A_1421, %dma_start3A_1426] : memref<2x4x4x128xi32, #tpu.memory_space<vmem>> -> memref<1x1x1x128xi32, #tpu.memory_space<vmem>>
        %dma_start3A_1428 = tpu.memref_squeeze %dma_start3A_1427 : memref<1x1x1x128xi32, #tpu.memory_space<vmem>> -> memref<128xi32, #tpu.memory_space<vmem>>
        %dma_start3A_1429 = arith.constant 0 : i32
        %dma_start3A_1430 = arith.constant 0 : i32
        %dma_start3A_1431 = tpu.memref_slice %arg8[%dma_start3A_1429, %dma_start3A_1430] : memref<147472x8xf32, #tpu.memory_space<vmem_shared>> -> memref<147472x8xf32, #tpu.memory_space<vmem_shared>>
        tpu.enqueue_indirect_dma source(%dma_start3A_1425 : memref<128x8xf32, #tpu.memory_space<vmem>>) target(%dma_start3A_1431 : memref<147472x8xf32, #tpu.memory_space<vmem_shared>>) offsets(%dma_start3A_1428 : memref<128xi32, #tpu.memory_space<vmem>>) semaphore(%arg17 : memref<!tpu.dma_semaphore, #tpu.memory_space<semaphore_mem>>) {add = true}
        %mul3A_1432 = arith.constant 2 : i32
        %mul3A_1433 = arith.muli %add3A_1093, %mul3A_1432 : i32
        %add3A_1434 = arith.constant 1 : i32
        %add3A_1435 = arith.addi %mul3A_1433, %add3A_1434 : i32
        %gt3A_1436 = arith.constant 0 : i32
        %gt3A_1437 = arith.cmpi sgt, %add3A_1093, %gt3A_1436 : i32
        %convert_element_type3A_1438 = arith.extui %gt3A_1437 : i1 to i32
        %cond3A_1439 = arith.constant 0 : i32
        %cond3A_1440 = arith.cmpi ne, %convert_element_type3A_1438, %cond3A_1439 : i32
        scf.if %cond3A_1440 {
          %dma_wait3A_1773 = arith.constant 1 : i32
          %dma_wait3A_1774 = arith.constant 0 : i32
          %dma_wait3A_1775 = arith.constant 1 : i32
          %dma_wait3A_1776 = arith.constant 0 : i32
          %dma_wait3A_1777 = arith.constant 0 : i32
          %dma_wait3A_1778 = arith.constant 0 : i32
          %dma_wait3A_1779 = arith.constant 0 : i32
          %dma_wait3A_1780 = tpu.memref_slice %arg14[%dma_wait3A_1773, %dma_wait3A_1774, %dma_wait3A_1778, %dma_wait3A_1779] : memref<2x4x512x8xf32, #tpu.memory_space<vmem>> -> memref<1x1x128x8xf32, #tpu.memory_space<vmem>>
          %dma_wait3A_1781 = tpu.memref_squeeze %dma_wait3A_1780 : memref<1x1x128x8xf32, #tpu.memory_space<vmem>> -> memref<128x8xf32, #tpu.memory_space<vmem>>
          %dma_wait3A_1782 = arith.constant 0 : i32
          %dma_wait3A_1783 = tpu.memref_slice %arg13[%dma_wait3A_1775, %dma_wait3A_1776, %dma_wait3A_1777, %dma_wait3A_1782] : memref<2x4x4x128xi32, #tpu.memory_space<vmem>> -> memref<1x1x1x128xi32, #tpu.memory_space<vmem>>
          %dma_wait3A_1784 = tpu.memref_squeeze %dma_wait3A_1783 : memref<1x1x1x128xi32, #tpu.memory_space<vmem>> -> memref<128xi32, #tpu.memory_space<vmem>>
          %dma_wait3A_1785 = arith.constant 0 : i32
          %dma_wait3A_1786 = arith.constant 0 : i32
          %dma_wait3A_1787 = tpu.memref_slice %arg8[%dma_wait3A_1785, %dma_wait3A_1786] : memref<147472x8xf32, #tpu.memory_space<vmem_shared>> -> memref<147472x8xf32, #tpu.memory_space<vmem_shared>>
          tpu.wait_indirect_dma semaphore(%arg18 : memref<!tpu.dma_semaphore, #tpu.memory_space<semaphore_mem>>) src(%dma_wait3A_1781 : memref<128x8xf32, #tpu.memory_space<vmem>>) dst(%dma_wait3A_1787 : memref<147472x8xf32, #tpu.memory_space<vmem_shared>>)
          %dma_wait3A_1788 = arith.constant 1 : i32
          %dma_wait3A_1789 = arith.constant 0 : i32
          %dma_wait3A_1790 = arith.constant 1 : i32
          %dma_wait3A_1791 = arith.constant 0 : i32
          %dma_wait3A_1792 = arith.constant 1 : i32
          %dma_wait3A_1793 = arith.constant 128 : i32
          %dma_wait3A_1794 = arith.constant 0 : i32
          %dma_wait3A_1795 = tpu.memref_slice %arg14[%dma_wait3A_1788, %dma_wait3A_1789, %dma_wait3A_1793, %dma_wait3A_1794] : memref<2x4x512x8xf32, #tpu.memory_space<vmem>> -> memref<1x1x128x8xf32, #tpu.memory_space<vmem>>
          %dma_wait3A_1796 = tpu.memref_squeeze %dma_wait3A_1795 : memref<1x1x128x8xf32, #tpu.memory_space<vmem>> -> memref<128x8xf32, #tpu.memory_space<vmem>>
          %dma_wait3A_1797 = arith.constant 0 : i32
          %dma_wait3A_1798 = tpu.memref_slice %arg13[%dma_wait3A_1790, %dma_wait3A_1791, %dma_wait3A_1792, %dma_wait3A_1797] : memref<2x4x4x128xi32, #tpu.memory_space<vmem>> -> memref<1x1x1x128xi32, #tpu.memory_space<vmem>>
          %dma_wait3A_1799 = tpu.memref_squeeze %dma_wait3A_1798 : memref<1x1x1x128xi32, #tpu.memory_space<vmem>> -> memref<128xi32, #tpu.memory_space<vmem>>
          %dma_wait3A_1800 = arith.constant 0 : i32
          %dma_wait3A_1801 = arith.constant 0 : i32
          %dma_wait3A_1802 = tpu.memref_slice %arg8[%dma_wait3A_1800, %dma_wait3A_1801] : memref<147472x8xf32, #tpu.memory_space<vmem_shared>> -> memref<147472x8xf32, #tpu.memory_space<vmem_shared>>
          tpu.wait_indirect_dma semaphore(%arg18 : memref<!tpu.dma_semaphore, #tpu.memory_space<semaphore_mem>>) src(%dma_wait3A_1796 : memref<128x8xf32, #tpu.memory_space<vmem>>) dst(%dma_wait3A_1802 : memref<147472x8xf32, #tpu.memory_space<vmem_shared>>)
          %dma_wait3A_1803 = arith.constant 1 : i32
          %dma_wait3A_1804 = arith.constant 0 : i32
          %dma_wait3A_1805 = arith.constant 1 : i32
          %dma_wait3A_1806 = arith.constant 0 : i32
          %dma_wait3A_1807 = arith.constant 2 : i32
          %dma_wait3A_1808 = arith.constant 256 : i32
          %dma_wait3A_1809 = arith.constant 0 : i32
          %dma_wait3A_1810 = tpu.memref_slice %arg14[%dma_wait3A_1803, %dma_wait3A_1804, %dma_wait3A_1808, %dma_wait3A_1809] : memref<2x4x512x8xf32, #tpu.memory_space<vmem>> -> memref<1x1x128x8xf32, #tpu.memory_space<vmem>>
          %dma_wait3A_1811 = tpu.memref_squeeze %dma_wait3A_1810 : memref<1x1x128x8xf32, #tpu.memory_space<vmem>> -> memref<128x8xf32, #tpu.memory_space<vmem>>
          %dma_wait3A_1812 = arith.constant 0 : i32
          %dma_wait3A_1813 = tpu.memref_slice %arg13[%dma_wait3A_1805, %dma_wait3A_1806, %dma_wait3A_1807, %dma_wait3A_1812] : memref<2x4x4x128xi32, #tpu.memory_space<vmem>> -> memref<1x1x1x128xi32, #tpu.memory_space<vmem>>
          %dma_wait3A_1814 = tpu.memref_squeeze %dma_wait3A_1813 : memref<1x1x1x128xi32, #tpu.memory_space<vmem>> -> memref<128xi32, #tpu.memory_space<vmem>>
          %dma_wait3A_1815 = arith.constant 0 : i32
          %dma_wait3A_1816 = arith.constant 0 : i32
          %dma_wait3A_1817 = tpu.memref_slice %arg8[%dma_wait3A_1815, %dma_wait3A_1816] : memref<147472x8xf32, #tpu.memory_space<vmem_shared>> -> memref<147472x8xf32, #tpu.memory_space<vmem_shared>>
          tpu.wait_indirect_dma semaphore(%arg18 : memref<!tpu.dma_semaphore, #tpu.memory_space<semaphore_mem>>) src(%dma_wait3A_1811 : memref<128x8xf32, #tpu.memory_space<vmem>>) dst(%dma_wait3A_1817 : memref<147472x8xf32, #tpu.memory_space<vmem_shared>>)
          %dma_wait3A_1818 = arith.constant 1 : i32
          %dma_wait3A_1819 = arith.constant 0 : i32
          %dma_wait3A_1820 = arith.constant 1 : i32
          %dma_wait3A_1821 = arith.constant 0 : i32
          %dma_wait3A_1822 = arith.constant 3 : i32
          %dma_wait3A_1823 = arith.constant 384 : i32
          %dma_wait3A_1824 = arith.constant 0 : i32
          %dma_wait3A_1825 = tpu.memref_slice %arg14[%dma_wait3A_1818, %dma_wait3A_1819, %dma_wait3A_1823, %dma_wait3A_1824] : memref<2x4x512x8xf32, #tpu.memory_space<vmem>> -> memref<1x1x128x8xf32, #tpu.memory_space<vmem>>
          %dma_wait3A_1826 = tpu.memref_squeeze %dma_wait3A_1825 : memref<1x1x128x8xf32, #tpu.memory_space<vmem>> -> memref<128x8xf32, #tpu.memory_space<vmem>>
          %dma_wait3A_1827 = arith.constant 0 : i32
          %dma_wait3A_1828 = tpu.memref_slice %arg13[%dma_wait3A_1820, %dma_wait3A_1821, %dma_wait3A_1822, %dma_wait3A_1827] : memref<2x4x4x128xi32, #tpu.memory_space<vmem>> -> memref<1x1x1x128xi32, #tpu.memory_space<vmem>>
          %dma_wait3A_1829 = tpu.memref_squeeze %dma_wait3A_1828 : memref<1x1x1x128xi32, #tpu.memory_space<vmem>> -> memref<128xi32, #tpu.memory_space<vmem>>
          %dma_wait3A_1830 = arith.constant 0 : i32
          %dma_wait3A_1831 = arith.constant 0 : i32
          %dma_wait3A_1832 = tpu.memref_slice %arg8[%dma_wait3A_1830, %dma_wait3A_1831] : memref<147472x8xf32, #tpu.memory_space<vmem_shared>> -> memref<147472x8xf32, #tpu.memory_space<vmem_shared>>
          tpu.wait_indirect_dma semaphore(%arg18 : memref<!tpu.dma_semaphore, #tpu.memory_space<semaphore_mem>>) src(%dma_wait3A_1826 : memref<128x8xf32, #tpu.memory_space<vmem>>) dst(%dma_wait3A_1832 : memref<147472x8xf32, #tpu.memory_space<vmem_shared>>)
          %dma_wait3A_1833 = arith.constant 1 : i32
          %dma_wait3A_1834 = arith.constant 1 : i32
          %dma_wait3A_1835 = arith.constant 1 : i32
          %dma_wait3A_1836 = arith.constant 1 : i32
          %dma_wait3A_1837 = arith.constant 0 : i32
          %dma_wait3A_1838 = arith.constant 0 : i32
          %dma_wait3A_1839 = arith.constant 0 : i32
          %dma_wait3A_1840 = tpu.memref_slice %arg14[%dma_wait3A_1833, %dma_wait3A_1834, %dma_wait3A_1838, %dma_wait3A_1839] : memref<2x4x512x8xf32, #tpu.memory_space<vmem>> -> memref<1x1x128x8xf32, #tpu.memory_space<vmem>>
          %dma_wait3A_1841 = tpu.memref_squeeze %dma_wait3A_1840 : memref<1x1x128x8xf32, #tpu.memory_space<vmem>> -> memref<128x8xf32, #tpu.memory_space<vmem>>
          %dma_wait3A_1842 = arith.constant 0 : i32
          %dma_wait3A_1843 = tpu.memref_slice %arg13[%dma_wait3A_1835, %dma_wait3A_1836, %dma_wait3A_1837, %dma_wait3A_1842] : memref<2x4x4x128xi32, #tpu.memory_space<vmem>> -> memref<1x1x1x128xi32, #tpu.memory_space<vmem>>
          %dma_wait3A_1844 = tpu.memref_squeeze %dma_wait3A_1843 : memref<1x1x1x128xi32, #tpu.memory_space<vmem>> -> memref<128xi32, #tpu.memory_space<vmem>>
          %dma_wait3A_1845 = arith.constant 0 : i32
          %dma_wait3A_1846 = arith.constant 0 : i32
          %dma_wait3A_1847 = tpu.memref_slice %arg8[%dma_wait3A_1845, %dma_wait3A_1846] : memref<147472x8xf32, #tpu.memory_space<vmem_shared>> -> memref<147472x8xf32, #tpu.memory_space<vmem_shared>>
          tpu.wait_indirect_dma semaphore(%arg18 : memref<!tpu.dma_semaphore, #tpu.memory_space<semaphore_mem>>) src(%dma_wait3A_1841 : memref<128x8xf32, #tpu.memory_space<vmem>>) dst(%dma_wait3A_1847 : memref<147472x8xf32, #tpu.memory_space<vmem_shared>>)
          %dma_wait3A_1848 = arith.constant 1 : i32
          %dma_wait3A_1849 = arith.constant 1 : i32
          %dma_wait3A_1850 = arith.constant 1 : i32
          %dma_wait3A_1851 = arith.constant 1 : i32
          %dma_wait3A_1852 = arith.constant 1 : i32
          %dma_wait3A_1853 = arith.constant 128 : i32
          %dma_wait3A_1854 = arith.constant 0 : i32
          %dma_wait3A_1855 = tpu.memref_slice %arg14[%dma_wait3A_1848, %dma_wait3A_1849, %dma_wait3A_1853, %dma_wait3A_1854] : memref<2x4x512x8xf32, #tpu.memory_space<vmem>> -> memref<1x1x128x8xf32, #tpu.memory_space<vmem>>
          %dma_wait3A_1856 = tpu.memref_squeeze %dma_wait3A_1855 : memref<1x1x128x8xf32, #tpu.memory_space<vmem>> -> memref<128x8xf32, #tpu.memory_space<vmem>>
          %dma_wait3A_1857 = arith.constant 0 : i32
          %dma_wait3A_1858 = tpu.memref_slice %arg13[%dma_wait3A_1850, %dma_wait3A_1851, %dma_wait3A_1852, %dma_wait3A_1857] : memref<2x4x4x128xi32, #tpu.memory_space<vmem>> -> memref<1x1x1x128xi32, #tpu.memory_space<vmem>>
          %dma_wait3A_1859 = tpu.memref_squeeze %dma_wait3A_1858 : memref<1x1x1x128xi32, #tpu.memory_space<vmem>> -> memref<128xi32, #tpu.memory_space<vmem>>
          %dma_wait3A_1860 = arith.constant 0 : i32
          %dma_wait3A_1861 = arith.constant 0 : i32
          %dma_wait3A_1862 = tpu.memref_slice %arg8[%dma_wait3A_1860, %dma_wait3A_1861] : memref<147472x8xf32, #tpu.memory_space<vmem_shared>> -> memref<147472x8xf32, #tpu.memory_space<vmem_shared>>
          tpu.wait_indirect_dma semaphore(%arg18 : memref<!tpu.dma_semaphore, #tpu.memory_space<semaphore_mem>>) src(%dma_wait3A_1856 : memref<128x8xf32, #tpu.memory_space<vmem>>) dst(%dma_wait3A_1862 : memref<147472x8xf32, #tpu.memory_space<vmem_shared>>)
          %dma_wait3A_1863 = arith.constant 1 : i32
          %dma_wait3A_1864 = arith.constant 1 : i32
          %dma_wait3A_1865 = arith.constant 1 : i32
          %dma_wait3A_1866 = arith.constant 1 : i32
          %dma_wait3A_1867 = arith.constant 2 : i32
          %dma_wait3A_1868 = arith.constant 256 : i32
          %dma_wait3A_1869 = arith.constant 0 : i32
          %dma_wait3A_1870 = tpu.memref_slice %arg14[%dma_wait3A_1863, %dma_wait3A_1864, %dma_wait3A_1868, %dma_wait3A_1869] : memref<2x4x512x8xf32, #tpu.memory_space<vmem>> -> memref<1x1x128x8xf32, #tpu.memory_space<vmem>>
          %dma_wait3A_1871 = tpu.memref_squeeze %dma_wait3A_1870 : memref<1x1x128x8xf32, #tpu.memory_space<vmem>> -> memref<128x8xf32, #tpu.memory_space<vmem>>
          %dma_wait3A_1872 = arith.constant 0 : i32
          %dma_wait3A_1873 = tpu.memref_slice %arg13[%dma_wait3A_1865, %dma_wait3A_1866, %dma_wait3A_1867, %dma_wait3A_1872] : memref<2x4x4x128xi32, #tpu.memory_space<vmem>> -> memref<1x1x1x128xi32, #tpu.memory_space<vmem>>
          %dma_wait3A_1874 = tpu.memref_squeeze %dma_wait3A_1873 : memref<1x1x1x128xi32, #tpu.memory_space<vmem>> -> memref<128xi32, #tpu.memory_space<vmem>>
          %dma_wait3A_1875 = arith.constant 0 : i32
          %dma_wait3A_1876 = arith.constant 0 : i32
          %dma_wait3A_1877 = tpu.memref_slice %arg8[%dma_wait3A_1875, %dma_wait3A_1876] : memref<147472x8xf32, #tpu.memory_space<vmem_shared>> -> memref<147472x8xf32, #tpu.memory_space<vmem_shared>>
          tpu.wait_indirect_dma semaphore(%arg18 : memref<!tpu.dma_semaphore, #tpu.memory_space<semaphore_mem>>) src(%dma_wait3A_1871 : memref<128x8xf32, #tpu.memory_space<vmem>>) dst(%dma_wait3A_1877 : memref<147472x8xf32, #tpu.memory_space<vmem_shared>>)
          %dma_wait3A_1878 = arith.constant 1 : i32
          %dma_wait3A_1879 = arith.constant 1 : i32
          %dma_wait3A_1880 = arith.constant 1 : i32
          %dma_wait3A_1881 = arith.constant 1 : i32
          %dma_wait3A_1882 = arith.constant 3 : i32
          %dma_wait3A_1883 = arith.constant 384 : i32
          %dma_wait3A_1884 = arith.constant 0 : i32
          %dma_wait3A_1885 = tpu.memref_slice %arg14[%dma_wait3A_1878, %dma_wait3A_1879, %dma_wait3A_1883, %dma_wait3A_1884] : memref<2x4x512x8xf32, #tpu.memory_space<vmem>> -> memref<1x1x128x8xf32, #tpu.memory_space<vmem>>
          %dma_wait3A_1886 = tpu.memref_squeeze %dma_wait3A_1885 : memref<1x1x128x8xf32, #tpu.memory_space<vmem>> -> memref<128x8xf32, #tpu.memory_space<vmem>>
          %dma_wait3A_1887 = arith.constant 0 : i32
          %dma_wait3A_1888 = tpu.memref_slice %arg13[%dma_wait3A_1880, %dma_wait3A_1881, %dma_wait3A_1882, %dma_wait3A_1887] : memref<2x4x4x128xi32, #tpu.memory_space<vmem>> -> memref<1x1x1x128xi32, #tpu.memory_space<vmem>>
          %dma_wait3A_1889 = tpu.memref_squeeze %dma_wait3A_1888 : memref<1x1x1x128xi32, #tpu.memory_space<vmem>> -> memref<128xi32, #tpu.memory_space<vmem>>
          %dma_wait3A_1890 = arith.constant 0 : i32
          %dma_wait3A_1891 = arith.constant 0 : i32
          %dma_wait3A_1892 = tpu.memref_slice %arg8[%dma_wait3A_1890, %dma_wait3A_1891] : memref<147472x8xf32, #tpu.memory_space<vmem_shared>> -> memref<147472x8xf32, #tpu.memory_space<vmem_shared>>
          tpu.wait_indirect_dma semaphore(%arg18 : memref<!tpu.dma_semaphore, #tpu.memory_space<semaphore_mem>>) src(%dma_wait3A_1886 : memref<128x8xf32, #tpu.memory_space<vmem>>) dst(%dma_wait3A_1892 : memref<147472x8xf32, #tpu.memory_space<vmem_shared>>)
          %dma_wait3A_1893 = arith.constant 1 : i32
          %dma_wait3A_1894 = arith.constant 2 : i32
          %dma_wait3A_1895 = arith.constant 1 : i32
          %dma_wait3A_1896 = arith.constant 2 : i32
          %dma_wait3A_1897 = arith.constant 0 : i32
          %dma_wait3A_1898 = arith.constant 0 : i32
          %dma_wait3A_1899 = arith.constant 0 : i32
          %dma_wait3A_1900 = tpu.memref_slice %arg14[%dma_wait3A_1893, %dma_wait3A_1894, %dma_wait3A_1898, %dma_wait3A_1899] : memref<2x4x512x8xf32, #tpu.memory_space<vmem>> -> memref<1x1x128x8xf32, #tpu.memory_space<vmem>>
          %dma_wait3A_1901 = tpu.memref_squeeze %dma_wait3A_1900 : memref<1x1x128x8xf32, #tpu.memory_space<vmem>> -> memref<128x8xf32, #tpu.memory_space<vmem>>
          %dma_wait3A_1902 = arith.constant 0 : i32
          %dma_wait3A_1903 = tpu.memref_slice %arg13[%dma_wait3A_1895, %dma_wait3A_1896, %dma_wait3A_1897, %dma_wait3A_1902] : memref<2x4x4x128xi32, #tpu.memory_space<vmem>> -> memref<1x1x1x128xi32, #tpu.memory_space<vmem>>
          %dma_wait3A_1904 = tpu.memref_squeeze %dma_wait3A_1903 : memref<1x1x1x128xi32, #tpu.memory_space<vmem>> -> memref<128xi32, #tpu.memory_space<vmem>>
          %dma_wait3A_1905 = arith.constant 0 : i32
          %dma_wait3A_1906 = arith.constant 0 : i32
          %dma_wait3A_1907 = tpu.memref_slice %arg8[%dma_wait3A_1905, %dma_wait3A_1906] : memref<147472x8xf32, #tpu.memory_space<vmem_shared>> -> memref<147472x8xf32, #tpu.memory_space<vmem_shared>>
          tpu.wait_indirect_dma semaphore(%arg18 : memref<!tpu.dma_semaphore, #tpu.memory_space<semaphore_mem>>) src(%dma_wait3A_1901 : memref<128x8xf32, #tpu.memory_space<vmem>>) dst(%dma_wait3A_1907 : memref<147472x8xf32, #tpu.memory_space<vmem_shared>>)
          %dma_wait3A_1908 = arith.constant 1 : i32
          %dma_wait3A_1909 = arith.constant 2 : i32
          %dma_wait3A_1910 = arith.constant 1 : i32
          %dma_wait3A_1911 = arith.constant 2 : i32
          %dma_wait3A_1912 = arith.constant 1 : i32
          %dma_wait3A_1913 = arith.constant 128 : i32
          %dma_wait3A_1914 = arith.constant 0 : i32
          %dma_wait3A_1915 = tpu.memref_slice %arg14[%dma_wait3A_1908, %dma_wait3A_1909, %dma_wait3A_1913, %dma_wait3A_1914] : memref<2x4x512x8xf32, #tpu.memory_space<vmem>> -> memref<1x1x128x8xf32, #tpu.memory_space<vmem>>
          %dma_wait3A_1916 = tpu.memref_squeeze %dma_wait3A_1915 : memref<1x1x128x8xf32, #tpu.memory_space<vmem>> -> memref<128x8xf32, #tpu.memory_space<vmem>>
          %dma_wait3A_1917 = arith.constant 0 : i32
          %dma_wait3A_1918 = tpu.memref_slice %arg13[%dma_wait3A_1910, %dma_wait3A_1911, %dma_wait3A_1912, %dma_wait3A_1917] : memref<2x4x4x128xi32, #tpu.memory_space<vmem>> -> memref<1x1x1x128xi32, #tpu.memory_space<vmem>>
          %dma_wait3A_1919 = tpu.memref_squeeze %dma_wait3A_1918 : memref<1x1x1x128xi32, #tpu.memory_space<vmem>> -> memref<128xi32, #tpu.memory_space<vmem>>
          %dma_wait3A_1920 = arith.constant 0 : i32
          %dma_wait3A_1921 = arith.constant 0 : i32
          %dma_wait3A_1922 = tpu.memref_slice %arg8[%dma_wait3A_1920, %dma_wait3A_1921] : memref<147472x8xf32, #tpu.memory_space<vmem_shared>> -> memref<147472x8xf32, #tpu.memory_space<vmem_shared>>
          tpu.wait_indirect_dma semaphore(%arg18 : memref<!tpu.dma_semaphore, #tpu.memory_space<semaphore_mem>>) src(%dma_wait3A_1916 : memref<128x8xf32, #tpu.memory_space<vmem>>) dst(%dma_wait3A_1922 : memref<147472x8xf32, #tpu.memory_space<vmem_shared>>)
          %dma_wait3A_1923 = arith.constant 1 : i32
          %dma_wait3A_1924 = arith.constant 2 : i32
          %dma_wait3A_1925 = arith.constant 1 : i32
          %dma_wait3A_1926 = arith.constant 2 : i32
          %dma_wait3A_1927 = arith.constant 2 : i32
          %dma_wait3A_1928 = arith.constant 256 : i32
          %dma_wait3A_1929 = arith.constant 0 : i32
          %dma_wait3A_1930 = tpu.memref_slice %arg14[%dma_wait3A_1923, %dma_wait3A_1924, %dma_wait3A_1928, %dma_wait3A_1929] : memref<2x4x512x8xf32, #tpu.memory_space<vmem>> -> memref<1x1x128x8xf32, #tpu.memory_space<vmem>>
          %dma_wait3A_1931 = tpu.memref_squeeze %dma_wait3A_1930 : memref<1x1x128x8xf32, #tpu.memory_space<vmem>> -> memref<128x8xf32, #tpu.memory_space<vmem>>
          %dma_wait3A_1932 = arith.constant 0 : i32
          %dma_wait3A_1933 = tpu.memref_slice %arg13[%dma_wait3A_1925, %dma_wait3A_1926, %dma_wait3A_1927, %dma_wait3A_1932] : memref<2x4x4x128xi32, #tpu.memory_space<vmem>> -> memref<1x1x1x128xi32, #tpu.memory_space<vmem>>
          %dma_wait3A_1934 = tpu.memref_squeeze %dma_wait3A_1933 : memref<1x1x1x128xi32, #tpu.memory_space<vmem>> -> memref<128xi32, #tpu.memory_space<vmem>>
          %dma_wait3A_1935 = arith.constant 0 : i32
          %dma_wait3A_1936 = arith.constant 0 : i32
          %dma_wait3A_1937 = tpu.memref_slice %arg8[%dma_wait3A_1935, %dma_wait3A_1936] : memref<147472x8xf32, #tpu.memory_space<vmem_shared>> -> memref<147472x8xf32, #tpu.memory_space<vmem_shared>>
          tpu.wait_indirect_dma semaphore(%arg18 : memref<!tpu.dma_semaphore, #tpu.memory_space<semaphore_mem>>) src(%dma_wait3A_1931 : memref<128x8xf32, #tpu.memory_space<vmem>>) dst(%dma_wait3A_1937 : memref<147472x8xf32, #tpu.memory_space<vmem_shared>>)
          %dma_wait3A_1938 = arith.constant 1 : i32
          %dma_wait3A_1939 = arith.constant 2 : i32
          %dma_wait3A_1940 = arith.constant 1 : i32
          %dma_wait3A_1941 = arith.constant 2 : i32
          %dma_wait3A_1942 = arith.constant 3 : i32
          %dma_wait3A_1943 = arith.constant 384 : i32
          %dma_wait3A_1944 = arith.constant 0 : i32
          %dma_wait3A_1945 = tpu.memref_slice %arg14[%dma_wait3A_1938, %dma_wait3A_1939, %dma_wait3A_1943, %dma_wait3A_1944] : memref<2x4x512x8xf32, #tpu.memory_space<vmem>> -> memref<1x1x128x8xf32, #tpu.memory_space<vmem>>
          %dma_wait3A_1946 = tpu.memref_squeeze %dma_wait3A_1945 : memref<1x1x128x8xf32, #tpu.memory_space<vmem>> -> memref<128x8xf32, #tpu.memory_space<vmem>>
          %dma_wait3A_1947 = arith.constant 0 : i32
          %dma_wait3A_1948 = tpu.memref_slice %arg13[%dma_wait3A_1940, %dma_wait3A_1941, %dma_wait3A_1942, %dma_wait3A_1947] : memref<2x4x4x128xi32, #tpu.memory_space<vmem>> -> memref<1x1x1x128xi32, #tpu.memory_space<vmem>>
          %dma_wait3A_1949 = tpu.memref_squeeze %dma_wait3A_1948 : memref<1x1x1x128xi32, #tpu.memory_space<vmem>> -> memref<128xi32, #tpu.memory_space<vmem>>
          %dma_wait3A_1950 = arith.constant 0 : i32
          %dma_wait3A_1951 = arith.constant 0 : i32
          %dma_wait3A_1952 = tpu.memref_slice %arg8[%dma_wait3A_1950, %dma_wait3A_1951] : memref<147472x8xf32, #tpu.memory_space<vmem_shared>> -> memref<147472x8xf32, #tpu.memory_space<vmem_shared>>
          tpu.wait_indirect_dma semaphore(%arg18 : memref<!tpu.dma_semaphore, #tpu.memory_space<semaphore_mem>>) src(%dma_wait3A_1946 : memref<128x8xf32, #tpu.memory_space<vmem>>) dst(%dma_wait3A_1952 : memref<147472x8xf32, #tpu.memory_space<vmem_shared>>)
          %dma_wait3A_1953 = arith.constant 1 : i32
          %dma_wait3A_1954 = arith.constant 3 : i32
          %dma_wait3A_1955 = arith.constant 1 : i32
          %dma_wait3A_1956 = arith.constant 3 : i32
          %dma_wait3A_1957 = arith.constant 0 : i32
          %dma_wait3A_1958 = arith.constant 0 : i32
          %dma_wait3A_1959 = arith.constant 0 : i32
          %dma_wait3A_1960 = tpu.memref_slice %arg14[%dma_wait3A_1953, %dma_wait3A_1954, %dma_wait3A_1958, %dma_wait3A_1959] : memref<2x4x512x8xf32, #tpu.memory_space<vmem>> -> memref<1x1x128x8xf32, #tpu.memory_space<vmem>>
          %dma_wait3A_1961 = tpu.memref_squeeze %dma_wait3A_1960 : memref<1x1x128x8xf32, #tpu.memory_space<vmem>> -> memref<128x8xf32, #tpu.memory_space<vmem>>
          %dma_wait3A_1962 = arith.constant 0 : i32
          %dma_wait3A_1963 = tpu.memref_slice %arg13[%dma_wait3A_1955, %dma_wait3A_1956, %dma_wait3A_1957, %dma_wait3A_1962] : memref<2x4x4x128xi32, #tpu.memory_space<vmem>> -> memref<1x1x1x128xi32, #tpu.memory_space<vmem>>
          %dma_wait3A_1964 = tpu.memref_squeeze %dma_wait3A_1963 : memref<1x1x1x128xi32, #tpu.memory_space<vmem>> -> memref<128xi32, #tpu.memory_space<vmem>>
          %dma_wait3A_1965 = arith.constant 0 : i32
          %dma_wait3A_1966 = arith.constant 0 : i32
          %dma_wait3A_1967 = tpu.memref_slice %arg8[%dma_wait3A_1965, %dma_wait3A_1966] : memref<147472x8xf32, #tpu.memory_space<vmem_shared>> -> memref<147472x8xf32, #tpu.memory_space<vmem_shared>>
          tpu.wait_indirect_dma semaphore(%arg18 : memref<!tpu.dma_semaphore, #tpu.memory_space<semaphore_mem>>) src(%dma_wait3A_1961 : memref<128x8xf32, #tpu.memory_space<vmem>>) dst(%dma_wait3A_1967 : memref<147472x8xf32, #tpu.memory_space<vmem_shared>>)
          %dma_wait3A_1968 = arith.constant 1 : i32
          %dma_wait3A_1969 = arith.constant 3 : i32
          %dma_wait3A_1970 = arith.constant 1 : i32
          %dma_wait3A_1971 = arith.constant 3 : i32
          %dma_wait3A_1972 = arith.constant 1 : i32
          %dma_wait3A_1973 = arith.constant 128 : i32
          %dma_wait3A_1974 = arith.constant 0 : i32
          %dma_wait3A_1975 = tpu.memref_slice %arg14[%dma_wait3A_1968, %dma_wait3A_1969, %dma_wait3A_1973, %dma_wait3A_1974] : memref<2x4x512x8xf32, #tpu.memory_space<vmem>> -> memref<1x1x128x8xf32, #tpu.memory_space<vmem>>
          %dma_wait3A_1976 = tpu.memref_squeeze %dma_wait3A_1975 : memref<1x1x128x8xf32, #tpu.memory_space<vmem>> -> memref<128x8xf32, #tpu.memory_space<vmem>>
          %dma_wait3A_1977 = arith.constant 0 : i32
          %dma_wait3A_1978 = tpu.memref_slice %arg13[%dma_wait3A_1970, %dma_wait3A_1971, %dma_wait3A_1972, %dma_wait3A_1977] : memref<2x4x4x128xi32, #tpu.memory_space<vmem>> -> memref<1x1x1x128xi32, #tpu.memory_space<vmem>>
          %dma_wait3A_1979 = tpu.memref_squeeze %dma_wait3A_1978 : memref<1x1x1x128xi32, #tpu.memory_space<vmem>> -> memref<128xi32, #tpu.memory_space<vmem>>
          %dma_wait3A_1980 = arith.constant 0 : i32
          %dma_wait3A_1981 = arith.constant 0 : i32
          %dma_wait3A_1982 = tpu.memref_slice %arg8[%dma_wait3A_1980, %dma_wait3A_1981] : memref<147472x8xf32, #tpu.memory_space<vmem_shared>> -> memref<147472x8xf32, #tpu.memory_space<vmem_shared>>
          tpu.wait_indirect_dma semaphore(%arg18 : memref<!tpu.dma_semaphore, #tpu.memory_space<semaphore_mem>>) src(%dma_wait3A_1976 : memref<128x8xf32, #tpu.memory_space<vmem>>) dst(%dma_wait3A_1982 : memref<147472x8xf32, #tpu.memory_space<vmem_shared>>)
          %dma_wait3A_1983 = arith.constant 1 : i32
          %dma_wait3A_1984 = arith.constant 3 : i32
          %dma_wait3A_1985 = arith.constant 1 : i32
          %dma_wait3A_1986 = arith.constant 3 : i32
          %dma_wait3A_1987 = arith.constant 2 : i32
          %dma_wait3A_1988 = arith.constant 256 : i32
          %dma_wait3A_1989 = arith.constant 0 : i32
          %dma_wait3A_1990 = tpu.memref_slice %arg14[%dma_wait3A_1983, %dma_wait3A_1984, %dma_wait3A_1988, %dma_wait3A_1989] : memref<2x4x512x8xf32, #tpu.memory_space<vmem>> -> memref<1x1x128x8xf32, #tpu.memory_space<vmem>>
          %dma_wait3A_1991 = tpu.memref_squeeze %dma_wait3A_1990 : memref<1x1x128x8xf32, #tpu.memory_space<vmem>> -> memref<128x8xf32, #tpu.memory_space<vmem>>
          %dma_wait3A_1992 = arith.constant 0 : i32
          %dma_wait3A_1993 = tpu.memref_slice %arg13[%dma_wait3A_1985, %dma_wait3A_1986, %dma_wait3A_1987, %dma_wait3A_1992] : memref<2x4x4x128xi32, #tpu.memory_space<vmem>> -> memref<1x1x1x128xi32, #tpu.memory_space<vmem>>
          %dma_wait3A_1994 = tpu.memref_squeeze %dma_wait3A_1993 : memref<1x1x1x128xi32, #tpu.memory_space<vmem>> -> memref<128xi32, #tpu.memory_space<vmem>>
          %dma_wait3A_1995 = arith.constant 0 : i32
          %dma_wait3A_1996 = arith.constant 0 : i32
          %dma_wait3A_1997 = tpu.memref_slice %arg8[%dma_wait3A_1995, %dma_wait3A_1996] : memref<147472x8xf32, #tpu.memory_space<vmem_shared>> -> memref<147472x8xf32, #tpu.memory_space<vmem_shared>>
          tpu.wait_indirect_dma semaphore(%arg18 : memref<!tpu.dma_semaphore, #tpu.memory_space<semaphore_mem>>) src(%dma_wait3A_1991 : memref<128x8xf32, #tpu.memory_space<vmem>>) dst(%dma_wait3A_1997 : memref<147472x8xf32, #tpu.memory_space<vmem_shared>>)
          %dma_wait3A_1998 = arith.constant 1 : i32
          %dma_wait3A_1999 = arith.constant 3 : i32
          %dma_wait3A_2000 = arith.constant 1 : i32
          %dma_wait3A_2001 = arith.constant 3 : i32
          %dma_wait3A_2002 = arith.constant 3 : i32
          %dma_wait3A_2003 = arith.constant 384 : i32
          %dma_wait3A_2004 = arith.constant 0 : i32
          %dma_wait3A_2005 = tpu.memref_slice %arg14[%dma_wait3A_1998, %dma_wait3A_1999, %dma_wait3A_2003, %dma_wait3A_2004] : memref<2x4x512x8xf32, #tpu.memory_space<vmem>> -> memref<1x1x128x8xf32, #tpu.memory_space<vmem>>
          %dma_wait3A_2006 = tpu.memref_squeeze %dma_wait3A_2005 : memref<1x1x128x8xf32, #tpu.memory_space<vmem>> -> memref<128x8xf32, #tpu.memory_space<vmem>>
          %dma_wait3A_2007 = arith.constant 0 : i32
          %dma_wait3A_2008 = tpu.memref_slice %arg13[%dma_wait3A_2000, %dma_wait3A_2001, %dma_wait3A_2002, %dma_wait3A_2007] : memref<2x4x4x128xi32, #tpu.memory_space<vmem>> -> memref<1x1x1x128xi32, #tpu.memory_space<vmem>>
          %dma_wait3A_2009 = tpu.memref_squeeze %dma_wait3A_2008 : memref<1x1x1x128xi32, #tpu.memory_space<vmem>> -> memref<128xi32, #tpu.memory_space<vmem>>
          %dma_wait3A_2010 = arith.constant 0 : i32
          %dma_wait3A_2011 = arith.constant 0 : i32
          %dma_wait3A_2012 = tpu.memref_slice %arg8[%dma_wait3A_2010, %dma_wait3A_2011] : memref<147472x8xf32, #tpu.memory_space<vmem_shared>> -> memref<147472x8xf32, #tpu.memory_space<vmem_shared>>
          tpu.wait_indirect_dma semaphore(%arg18 : memref<!tpu.dma_semaphore, #tpu.memory_space<semaphore_mem>>) src(%dma_wait3A_2006 : memref<128x8xf32, #tpu.memory_space<vmem>>) dst(%dma_wait3A_2012 : memref<147472x8xf32, #tpu.memory_space<vmem_shared>>)
        } else {
        }
        %mul3A_1441 = arith.constant 4 : i32
        %mul3A_1442 = arith.muli %add3A_1435, %mul3A_1441 : i32
        %add3A_1443 = arith.addi %mul3A_6, %mul3A_1442 : i32
        %run_scoped3A_1444 = arith.constant 1 : i32
        "tpu.region"() ({
          %run_scoped3A_1773 = tpu.sem_alloc : memref<!tpu.dma_semaphore, #tpu.memory_space<semaphore_mem>>
          %dma_start3A_1774 = arith.constant 0 : i32
          %dma_start3A_1775 = arith.constant 0 : i32
          %dma_start3A_1776 = arith.constant 0 : i32
          %dma_start3A_1777 = tpu.memref_slice %arg13[%run_scoped3A_1444, %dma_start3A_1774, %dma_start3A_1775, %dma_start3A_1776] : memref<2x4x4x128xi32, #tpu.memory_space<vmem>> -> memref<1x4x4x128xi32, #tpu.memory_space<vmem>>
          %dma_start3A_1778 = tpu.memref_squeeze %dma_start3A_1777 : memref<1x4x4x128xi32, #tpu.memory_space<vmem>> -> memref<4x4x128xi32, #tpu.memory_space<vmem>>
          %dma_start3A_1779 = arith.constant 0 : i32
          %dma_start3A_1780 = arith.constant 0 : i32
          %dma_start3A_1781 = tpu.memref_slice %arg4[%arg0, %dma_start3A_1779, %add3A_1443, %dma_start3A_1780] : memref<2x4x1152x128xi32, #tpu.memory_space<hbm>> -> memref<1x4x4x128xi32, #tpu.memory_space<hbm>>
          %dma_start3A_1782 = tpu.memref_squeeze %dma_start3A_1781 : memref<1x4x4x128xi32, #tpu.memory_space<hbm>> -> memref<4x4x128xi32, #tpu.memory_space<hbm>>
          %dma_start3A_1783 = arith.constant 0 : i32
          %dma_start3A_1784 = arith.constant 0 : i32
          %dma_start3A_1785 = arith.constant 0 : i32
          %dma_start3A_1786 = tpu.memref_slice %arg13[%run_scoped3A_1444, %dma_start3A_1783, %dma_start3A_1784, %dma_start3A_1785] : memref<2x4x4x128xi32, #tpu.memory_space<vmem>> -> memref<1x4x4x128xi32, #tpu.memory_space<vmem>>
          %dma_start3A_1787 = tpu.memref_squeeze %dma_start3A_1786 : memref<1x4x4x128xi32, #tpu.memory_space<vmem>> -> memref<4x4x128xi32, #tpu.memory_space<vmem>>
          %dma_start3A_1788 = arith.constant 0 : i32
          %dma_start3A_1789 = arith.constant 0 : i32
          %dma_start3A_1790 = tpu.memref_slice %arg4[%arg0, %dma_start3A_1788, %add3A_1443, %dma_start3A_1789] : memref<2x4x1152x128xi32, #tpu.memory_space<hbm>> -> memref<1x4x4x128xi32, #tpu.memory_space<hbm>>
          %dma_start3A_1791 = tpu.memref_squeeze %dma_start3A_1790 : memref<1x4x4x128xi32, #tpu.memory_space<hbm>> -> memref<4x4x128xi32, #tpu.memory_space<hbm>>
          tpu.enqueue_dma source(%dma_start3A_1791 : memref<4x4x128xi32, #tpu.memory_space<hbm>>) target(%dma_start3A_1787 : memref<4x4x128xi32, #tpu.memory_space<vmem>>) target_semaphore(%run_scoped3A_1773 : memref<!tpu.dma_semaphore, #tpu.memory_space<semaphore_mem>>)
          %dma_wait3A_1792 = arith.constant 0 : i32
          %dma_wait3A_1793 = arith.constant 0 : i32
          %dma_wait3A_1794 = arith.constant 0 : i32
          %dma_wait3A_1795 = tpu.memref_slice %arg13[%run_scoped3A_1444, %dma_wait3A_1792, %dma_wait3A_1793, %dma_wait3A_1794] : memref<2x4x4x128xi32, #tpu.memory_space<vmem>> -> memref<1x4x4x128xi32, #tpu.memory_space<vmem>>
          %dma_wait3A_1796 = tpu.memref_squeeze %dma_wait3A_1795 : memref<1x4x4x128xi32, #tpu.memory_space<vmem>> -> memref<4x4x128xi32, #tpu.memory_space<vmem>>
          %dma_wait3A_1797 = arith.constant 0 : i32
          %dma_wait3A_1798 = arith.constant 0 : i32
          %dma_wait3A_1799 = tpu.memref_slice %arg4[%arg0, %dma_wait3A_1797, %add3A_1443, %dma_wait3A_1798] : memref<2x4x1152x128xi32, #tpu.memory_space<hbm>> -> memref<1x4x4x128xi32, #tpu.memory_space<hbm>>
          %dma_wait3A_1800 = tpu.memref_squeeze %dma_wait3A_1799 : memref<1x4x4x128xi32, #tpu.memory_space<hbm>> -> memref<4x4x128xi32, #tpu.memory_space<hbm>>
          %dma_wait3A_1801 = arith.constant 0 : i32
          %dma_wait3A_1802 = arith.constant 0 : i32
          %dma_wait3A_1803 = arith.constant 0 : i32
          %dma_wait3A_1804 = tpu.memref_slice %arg13[%run_scoped3A_1444, %dma_wait3A_1801, %dma_wait3A_1802, %dma_wait3A_1803] : memref<2x4x4x128xi32, #tpu.memory_space<vmem>> -> memref<1x4x4x128xi32, #tpu.memory_space<vmem>>
          %dma_wait3A_1805 = tpu.memref_squeeze %dma_wait3A_1804 : memref<1x4x4x128xi32, #tpu.memory_space<vmem>> -> memref<4x4x128xi32, #tpu.memory_space<vmem>>
          %dma_wait3A_1806 = arith.constant 0 : i32
          %dma_wait3A_1807 = arith.constant 0 : i32
          %dma_wait3A_1808 = tpu.memref_slice %arg4[%arg0, %dma_wait3A_1806, %add3A_1443, %dma_wait3A_1807] : memref<2x4x1152x128xi32, #tpu.memory_space<hbm>> -> memref<1x4x4x128xi32, #tpu.memory_space<hbm>>
          %dma_wait3A_1809 = tpu.memref_squeeze %dma_wait3A_1808 : memref<1x4x4x128xi32, #tpu.memory_space<hbm>> -> memref<4x4x128xi32, #tpu.memory_space<hbm>>
          tpu.wait_dma2 semaphore(%run_scoped3A_1773 : memref<!tpu.dma_semaphore, #tpu.memory_space<semaphore_mem>>) src(%dma_wait3A_1809 : memref<4x4x128xi32, #tpu.memory_space<hbm>>) dst(%dma_wait3A_1805 : memref<4x4x128xi32, #tpu.memory_space<vmem>>)
          tpu.yield
        }) : () -> ()
        %mul3A_1445 = arith.constant 512 : i32
        %mul3A_1446 = arith.muli %add3A_1435, %mul3A_1445 : i32
        %add3A_1447 = arith.addi %mul3A_4, %mul3A_1446 : i32
        %mul3A_1448 = arith.constant 12 : i32
        %mul3A_1449 = arith.muli %arg0, %mul3A_1448 : i32
        %min3A_1450 = arith.constant 11 : i32
        %min3A_1451 = arith.minsi %add3A_14, %min3A_1450 : i32
        %add3A_1452 = arith.addi %mul3A_1449, %min3A_1451 : i32
        %dma_wait3A_1453 = arith.constant 1 : i32
        %dma_wait3A_1454 = arith.constant 0 : i32
        %dma_wait3A_1455 = arith.constant 0 : i32
        %dma_wait3A_1456 = tpu.memref_slice %arg10[%dma_wait3A_1453, %dma_wait3A_1454, %dma_wait3A_1455] : memref<2x8x512xf32, #tpu.memory_space<vmem>> -> memref<1x8x512xf32, #tpu.memory_space<vmem>>
        %dma_wait3A_1457 = tpu.memref_squeeze %dma_wait3A_1456 : memref<1x8x512xf32, #tpu.memory_space<vmem>> -> memref<8x512xf32, #tpu.memory_space<vmem>>
        %dma_wait3A_1458 = arith.constant 0 : i32
        %dma_wait3A_1459 = tpu.memref_slice %arg2[%add3A_1452, %dma_wait3A_1458, %add3A_1447] : memref<24x8x147456xf32, #tpu.memory_space<hbm>> -> memref<1x8x512xf32, #tpu.memory_space<hbm>>
        %dma_wait3A_1460 = tpu.memref_squeeze %dma_wait3A_1459 : memref<1x8x512xf32, #tpu.memory_space<hbm>> -> memref<8x512xf32, #tpu.memory_space<hbm>>
        %dma_wait3A_1461 = arith.constant 0 : i32
        %dma_wait3A_1462 = arith.constant 0 : i32
        %dma_wait3A_1463 = tpu.memref_slice %arg10[%dma_wait3A_1453, %dma_wait3A_1461, %dma_wait3A_1462] : memref<2x8x512xf32, #tpu.memory_space<vmem>> -> memref<1x8x512xf32, #tpu.memory_space<vmem>>
        %dma_wait3A_1464 = tpu.memref_squeeze %dma_wait3A_1463 : memref<1x8x512xf32, #tpu.memory_space<vmem>> -> memref<8x512xf32, #tpu.memory_space<vmem>>
        %dma_wait3A_1465 = arith.constant 0 : i32
        %dma_wait3A_1466 = tpu.memref_slice %arg2[%add3A_1452, %dma_wait3A_1465, %add3A_1447] : memref<24x8x147456xf32, #tpu.memory_space<hbm>> -> memref<1x8x512xf32, #tpu.memory_space<hbm>>
        %dma_wait3A_1467 = tpu.memref_squeeze %dma_wait3A_1466 : memref<1x8x512xf32, #tpu.memory_space<hbm>> -> memref<8x512xf32, #tpu.memory_space<hbm>>
        tpu.wait_dma2 semaphore(%arg16 : memref<!tpu.dma_semaphore, #tpu.memory_space<semaphore_mem>>) src(%dma_wait3A_1467 : memref<8x512xf32, #tpu.memory_space<hbm>>) dst(%dma_wait3A_1464 : memref<8x512xf32, #tpu.memory_space<vmem>>)
        %mul3A_1468 = arith.constant 512 : i32
        %mul3A_1469 = arith.muli %add3A_1435, %mul3A_1468 : i32
        %add3A_1470 = arith.addi %mul3A_4, %mul3A_1469 : i32
        %dma_wait3A_1471 = arith.constant 0 : i32
        %dma_wait3A_1472 = arith.constant 0 : i32
        %dma_wait3A_1473 = arith.constant 1 : i32
        %dma_wait3A_1474 = arith.constant 0 : i32
        %dma_wait3A_1475 = tpu.memref_slice %arg11[%dma_wait3A_1473, %dma_wait3A_1474] : memref<2x1024xf32, #tpu.memory_space<vmem>> -> memref<1x512xf32, #tpu.memory_space<vmem>>
        %dma_wait3A_1476 = tpu.memref_squeeze %dma_wait3A_1475 : memref<1x512xf32, #tpu.memory_space<vmem>> -> memref<512xf32, #tpu.memory_space<vmem>>
        %dma_wait3A_1477 = tpu.memref_slice %arg5[%arg0, %dma_wait3A_1471, %dma_wait3A_1472, %add3A_1470] : memref<2x2x2x147456xf32, #tpu.memory_space<hbm>> -> memref<1x1x1x512xf32, #tpu.memory_space<hbm>>
        %dma_wait3A_1478 = tpu.memref_squeeze %dma_wait3A_1477 : memref<1x1x1x512xf32, #tpu.memory_space<hbm>> -> memref<512xf32, #tpu.memory_space<hbm>>
        %dma_wait3A_1479 = arith.constant 0 : i32
        %dma_wait3A_1480 = tpu.memref_slice %arg11[%dma_wait3A_1473, %dma_wait3A_1479] : memref<2x1024xf32, #tpu.memory_space<vmem>> -> memref<1x512xf32, #tpu.memory_space<vmem>>
        %dma_wait3A_1481 = tpu.memref_squeeze %dma_wait3A_1480 : memref<1x512xf32, #tpu.memory_space<vmem>> -> memref<512xf32, #tpu.memory_space<vmem>>
        %dma_wait3A_1482 = tpu.memref_slice %arg5[%arg0, %dma_wait3A_1471, %dma_wait3A_1472, %add3A_1470] : memref<2x2x2x147456xf32, #tpu.memory_space<hbm>> -> memref<1x1x1x512xf32, #tpu.memory_space<hbm>>
        %dma_wait3A_1483 = tpu.memref_squeeze %dma_wait3A_1482 : memref<1x1x1x512xf32, #tpu.memory_space<hbm>> -> memref<512xf32, #tpu.memory_space<hbm>>
        tpu.wait_dma2 semaphore(%arg16 : memref<!tpu.dma_semaphore, #tpu.memory_space<semaphore_mem>>) src(%dma_wait3A_1483 : memref<512xf32, #tpu.memory_space<hbm>>) dst(%dma_wait3A_1481 : memref<512xf32, #tpu.memory_space<vmem>>)
        %dma_wait3A_1484 = arith.constant 0 : i32
        %dma_wait3A_1485 = arith.constant 1 : i32
        %dma_wait3A_1486 = arith.constant 1 : i32
        %dma_wait3A_1487 = arith.constant 512 : i32
        %dma_wait3A_1488 = tpu.memref_slice %arg11[%dma_wait3A_1486, %dma_wait3A_1487] : memref<2x1024xf32, #tpu.memory_space<vmem>> -> memref<1x512xf32, #tpu.memory_space<vmem>>
        %dma_wait3A_1489 = tpu.memref_squeeze %dma_wait3A_1488 : memref<1x512xf32, #tpu.memory_space<vmem>> -> memref<512xf32, #tpu.memory_space<vmem>>
        %dma_wait3A_1490 = tpu.memref_slice %arg5[%arg0, %dma_wait3A_1484, %dma_wait3A_1485, %add3A_1470] : memref<2x2x2x147456xf32, #tpu.memory_space<hbm>> -> memref<1x1x1x512xf32, #tpu.memory_space<hbm>>
        %dma_wait3A_1491 = tpu.memref_squeeze %dma_wait3A_1490 : memref<1x1x1x512xf32, #tpu.memory_space<hbm>> -> memref<512xf32, #tpu.memory_space<hbm>>
        %dma_wait3A_1492 = arith.constant 512 : i32
        %dma_wait3A_1493 = tpu.memref_slice %arg11[%dma_wait3A_1486, %dma_wait3A_1492] : memref<2x1024xf32, #tpu.memory_space<vmem>> -> memref<1x512xf32, #tpu.memory_space<vmem>>
        %dma_wait3A_1494 = tpu.memref_squeeze %dma_wait3A_1493 : memref<1x512xf32, #tpu.memory_space<vmem>> -> memref<512xf32, #tpu.memory_space<vmem>>
        %dma_wait3A_1495 = tpu.memref_slice %arg5[%arg0, %dma_wait3A_1484, %dma_wait3A_1485, %add3A_1470] : memref<2x2x2x147456xf32, #tpu.memory_space<hbm>> -> memref<1x1x1x512xf32, #tpu.memory_space<hbm>>
        %dma_wait3A_1496 = tpu.memref_squeeze %dma_wait3A_1495 : memref<1x1x1x512xf32, #tpu.memory_space<hbm>> -> memref<512xf32, #tpu.memory_space<hbm>>
        tpu.wait_dma2 semaphore(%arg16 : memref<!tpu.dma_semaphore, #tpu.memory_space<semaphore_mem>>) src(%dma_wait3A_1496 : memref<512xf32, #tpu.memory_space<hbm>>) dst(%dma_wait3A_1494 : memref<512xf32, #tpu.memory_space<vmem>>)
        %dma_wait3A_1497 = arith.constant 1 : i32
        %dma_wait3A_1498 = arith.constant 0 : i32
        %dma_wait3A_1499 = arith.constant 1 : i32
        %dma_wait3A_1500 = arith.constant 0 : i32
        %dma_wait3A_1501 = tpu.memref_slice %arg12[%dma_wait3A_1499, %dma_wait3A_1500] : memref<2x1024xf32, #tpu.memory_space<vmem>> -> memref<1x512xf32, #tpu.memory_space<vmem>>
        %dma_wait3A_1502 = tpu.memref_squeeze %dma_wait3A_1501 : memref<1x512xf32, #tpu.memory_space<vmem>> -> memref<512xf32, #tpu.memory_space<vmem>>
        %dma_wait3A_1503 = tpu.memref_slice %arg5[%arg0, %dma_wait3A_1497, %dma_wait3A_1498, %add3A_1470] : memref<2x2x2x147456xf32, #tpu.memory_space<hbm>> -> memref<1x1x1x512xf32, #tpu.memory_space<hbm>>
        %dma_wait3A_1504 = tpu.memref_squeeze %dma_wait3A_1503 : memref<1x1x1x512xf32, #tpu.memory_space<hbm>> -> memref<512xf32, #tpu.memory_space<hbm>>
        %dma_wait3A_1505 = arith.constant 0 : i32
        %dma_wait3A_1506 = tpu.memref_slice %arg12[%dma_wait3A_1499, %dma_wait3A_1505] : memref<2x1024xf32, #tpu.memory_space<vmem>> -> memref<1x512xf32, #tpu.memory_space<vmem>>
        %dma_wait3A_1507 = tpu.memref_squeeze %dma_wait3A_1506 : memref<1x512xf32, #tpu.memory_space<vmem>> -> memref<512xf32, #tpu.memory_space<vmem>>
        %dma_wait3A_1508 = tpu.memref_slice %arg5[%arg0, %dma_wait3A_1497, %dma_wait3A_1498, %add3A_1470] : memref<2x2x2x147456xf32, #tpu.memory_space<hbm>> -> memref<1x1x1x512xf32, #tpu.memory_space<hbm>>
        %dma_wait3A_1509 = tpu.memref_squeeze %dma_wait3A_1508 : memref<1x1x1x512xf32, #tpu.memory_space<hbm>> -> memref<512xf32, #tpu.memory_space<hbm>>
        tpu.wait_dma2 semaphore(%arg16 : memref<!tpu.dma_semaphore, #tpu.memory_space<semaphore_mem>>) src(%dma_wait3A_1509 : memref<512xf32, #tpu.memory_space<hbm>>) dst(%dma_wait3A_1507 : memref<512xf32, #tpu.memory_space<vmem>>)
        %dma_wait3A_1510 = arith.constant 1 : i32
        %dma_wait3A_1511 = arith.constant 1 : i32
        %dma_wait3A_1512 = arith.constant 1 : i32
        %dma_wait3A_1513 = arith.constant 512 : i32
        %dma_wait3A_1514 = tpu.memref_slice %arg12[%dma_wait3A_1512, %dma_wait3A_1513] : memref<2x1024xf32, #tpu.memory_space<vmem>> -> memref<1x512xf32, #tpu.memory_space<vmem>>
        %dma_wait3A_1515 = tpu.memref_squeeze %dma_wait3A_1514 : memref<1x512xf32, #tpu.memory_space<vmem>> -> memref<512xf32, #tpu.memory_space<vmem>>
        %dma_wait3A_1516 = tpu.memref_slice %arg5[%arg0, %dma_wait3A_1510, %dma_wait3A_1511, %add3A_1470] : memref<2x2x2x147456xf32, #tpu.memory_space<hbm>> -> memref<1x1x1x512xf32, #tpu.memory_space<hbm>>
        %dma_wait3A_1517 = tpu.memref_squeeze %dma_wait3A_1516 : memref<1x1x1x512xf32, #tpu.memory_space<hbm>> -> memref<512xf32, #tpu.memory_space<hbm>>
        %dma_wait3A_1518 = arith.constant 512 : i32
        %dma_wait3A_1519 = tpu.memref_slice %arg12[%dma_wait3A_1512, %dma_wait3A_1518] : memref<2x1024xf32, #tpu.memory_space<vmem>> -> memref<1x512xf32, #tpu.memory_space<vmem>>
        %dma_wait3A_1520 = tpu.memref_squeeze %dma_wait3A_1519 : memref<1x512xf32, #tpu.memory_space<vmem>> -> memref<512xf32, #tpu.memory_space<vmem>>
        %dma_wait3A_1521 = tpu.memref_slice %arg5[%arg0, %dma_wait3A_1510, %dma_wait3A_1511, %add3A_1470] : memref<2x2x2x147456xf32, #tpu.memory_space<hbm>> -> memref<1x1x1x512xf32, #tpu.memory_space<hbm>>
        %dma_wait3A_1522 = tpu.memref_squeeze %dma_wait3A_1521 : memref<1x1x1x512xf32, #tpu.memory_space<hbm>> -> memref<512xf32, #tpu.memory_space<hbm>>
        tpu.wait_dma2 semaphore(%arg16 : memref<!tpu.dma_semaphore, #tpu.memory_space<semaphore_mem>>) src(%dma_wait3A_1522 : memref<512xf32, #tpu.memory_space<hbm>>) dst(%dma_wait3A_1520 : memref<512xf32, #tpu.memory_space<vmem>>)
        %scan3A_1523 = arith.constant 0 : i32
        %scan3A_1524 = arith.constant 256 : i32
        %scan3A_1525 = arith.addi %scan3A_1523, %scan3A_1524 : i32
        %scan3A_1526 = arith.constant 4 : i32
        scf.for %scan3A_1773 = %scan3A_1523 to %scan3A_1525 step %scan3A_1526  : i32 {
          %mul3A_1774 = arith.constant 1 : i32
          %mul3A_1775 = arith.muli %scan3A_1773, %mul3A_1774 : i32
          %add3A_1776 = arith.constant 0 : i32
          %add3A_1777 = arith.addi %add3A_1776, %mul3A_1775 : i32
          %mul3A_1778 = arith.constant 2 : i32
          %mul3A_1779 = arith.muli %add3A_1777, %mul3A_1778 : i32
          %add3A_1780 = vector.broadcast %mul3A_1779 : i32 to vector<16xi32>
          %add3A_1781 = arith.addi %add3A_1780, %shift_right_arithmetic3A_1 : vector<16xi32>
          %gather3A = arith.constant 1 : i32
          %gather3A_1782 = arith.constant 0 : i32
          %gather3A_1783 = arith.constant 0 : i32
          %gather3A_1784 = tpu.memref_slice %arg10[%gather3A, %gather3A_1782, %gather3A_1783] : memref<2x8x512xf32, #tpu.memory_space<vmem>> -> memref<1x8x512xf32, #tpu.memory_space<vmem>>
          %gather3A_1785 = tpu.memref_squeeze %gather3A_1784 : memref<1x8x512xf32, #tpu.memory_space<vmem>> -> memref<8x512xf32, #tpu.memory_space<vmem>>
          %gather3A_1786 = tpu.vector_load_idx %gather3A_1785[%and3A_3, %add3A_1781] : memref<8x512xf32, #tpu.memory_space<vmem>>[vector<16xi32>, vector<16xi32>], vector<16xf32>,
          %gather3A_1787 = arith.constant 1 : i32
          %gather3A_1788 = arith.constant 0 : i32
          %gather3A_1789 = tpu.memref_slice %arg11[%gather3A_1787, %gather3A_1788] : memref<2x1024xf32, #tpu.memory_space<vmem>> -> memref<1x1024xf32, #tpu.memory_space<vmem>>
          %gather3A_1790 = tpu.memref_squeeze %gather3A_1789 : memref<1x1024xf32, #tpu.memory_space<vmem>> -> memref<1024xf32, #tpu.memory_space<vmem>>
          %gather3A_1791 = tpu.vector_load_idx %gather3A_1790[%add3A_1781] : memref<1024xf32, #tpu.memory_space<vmem>>[vector<16xi32>], vector<16xf32>,
          %add3A_1792 = arith.constant 512 : i32
          %add3A_1793 = vector.broadcast %add3A_1792 : i32 to vector<16xi32>
          %add3A_1794 = arith.addi %add3A_1781, %add3A_1793 : vector<16xi32>
          %gather3A_1795 = arith.constant 1 : i32
          %gather3A_1796 = arith.constant 0 : i32
          %gather3A_1797 = tpu.memref_slice %arg11[%gather3A_1795, %gather3A_1796] : memref<2x1024xf32, #tpu.memory_space<vmem>> -> memref<1x1024xf32, #tpu.memory_space<vmem>>
          %gather3A_1798 = tpu.memref_squeeze %gather3A_1797 : memref<1x1024xf32, #tpu.memory_space<vmem>> -> memref<1024xf32, #tpu.memory_space<vmem>>
          %gather3A_1799 = tpu.vector_load_idx %gather3A_1798[%add3A_1794] : memref<1024xf32, #tpu.memory_space<vmem>>[vector<16xi32>], vector<16xf32>,
          %gather3A_1800 = arith.constant 1 : i32
          %gather3A_1801 = arith.constant 0 : i32
          %gather3A_1802 = tpu.memref_slice %arg12[%gather3A_1800, %gather3A_1801] : memref<2x1024xf32, #tpu.memory_space<vmem>> -> memref<1x1024xf32, #tpu.memory_space<vmem>>
          %gather3A_1803 = tpu.memref_squeeze %gather3A_1802 : memref<1x1024xf32, #tpu.memory_space<vmem>> -> memref<1024xf32, #tpu.memory_space<vmem>>
          %gather3A_1804 = tpu.vector_load_idx %gather3A_1803[%add3A_1781] : memref<1024xf32, #tpu.memory_space<vmem>>[vector<16xi32>], vector<16xf32>,
          %add3A_1805 = arith.constant 512 : i32
          %add3A_1806 = vector.broadcast %add3A_1805 : i32 to vector<16xi32>
          %add3A_1807 = arith.addi %add3A_1781, %add3A_1806 : vector<16xi32>
          %gather3A_1808 = arith.constant 1 : i32
          %gather3A_1809 = arith.constant 0 : i32
          %gather3A_1810 = tpu.memref_slice %arg12[%gather3A_1808, %gather3A_1809] : memref<2x1024xf32, #tpu.memory_space<vmem>> -> memref<1x1024xf32, #tpu.memory_space<vmem>>
          %gather3A_1811 = tpu.memref_squeeze %gather3A_1810 : memref<1x1024xf32, #tpu.memory_space<vmem>> -> memref<1024xf32, #tpu.memory_space<vmem>>
          %gather3A_1812 = tpu.vector_load_idx %gather3A_1811[%add3A_1807] : memref<1024xf32, #tpu.memory_space<vmem>>[vector<16xi32>], vector<16xf32>,
          %mul3A_1813 = arith.mulf %gather3A_1786, %gather3A_1791 : vector<16xf32>
          %scatter3A = arith.constant 1 : i32
          %scatter3A_1814 = arith.constant 0 : i32
          %scatter3A_1815 = arith.constant 0 : i32
          %scatter3A_1816 = arith.constant 0 : i32
          %scatter3A_1817 = tpu.memref_slice %arg14[%scatter3A, %scatter3A_1814, %scatter3A_1815, %scatter3A_1816] : memref<2x4x512x8xf32, #tpu.memory_space<vmem>> -> memref<1x1x512x8xf32, #tpu.memory_space<vmem>>
          %scatter3A_1818 = tpu.memref_squeeze %scatter3A_1817 : memref<1x1x512x8xf32, #tpu.memory_space<vmem>> -> memref<512x8xf32, #tpu.memory_space<vmem>>
          tpu.vector_store_idx %scatter3A_1818[%add3A_1781, %and3A_3], %mul3A_1813 : memref<512x8xf32, #tpu.memory_space<vmem>>[vector<16xi32>, vector<16xi32>], vector<16xf32>,
          %mul3A_1819 = arith.mulf %gather3A_1786, %gather3A_1799 : vector<16xf32>
          %scatter3A_1820 = arith.constant 1 : i32
          %scatter3A_1821 = arith.constant 1 : i32
          %scatter3A_1822 = arith.constant 0 : i32
          %scatter3A_1823 = arith.constant 0 : i32
          %scatter3A_1824 = tpu.memref_slice %arg14[%scatter3A_1820, %scatter3A_1821, %scatter3A_1822, %scatter3A_1823] : memref<2x4x512x8xf32, #tpu.memory_space<vmem>> -> memref<1x1x512x8xf32, #tpu.memory_space<vmem>>
          %scatter3A_1825 = tpu.memref_squeeze %scatter3A_1824 : memref<1x1x512x8xf32, #tpu.memory_space<vmem>> -> memref<512x8xf32, #tpu.memory_space<vmem>>
          tpu.vector_store_idx %scatter3A_1825[%add3A_1781, %and3A_3], %mul3A_1819 : memref<512x8xf32, #tpu.memory_space<vmem>>[vector<16xi32>, vector<16xi32>], vector<16xf32>,
          %mul3A_1826 = arith.mulf %gather3A_1786, %gather3A_1804 : vector<16xf32>
          %scatter3A_1827 = arith.constant 1 : i32
          %scatter3A_1828 = arith.constant 2 : i32
          %scatter3A_1829 = arith.constant 0 : i32
          %scatter3A_1830 = arith.constant 0 : i32
          %scatter3A_1831 = tpu.memref_slice %arg14[%scatter3A_1827, %scatter3A_1828, %scatter3A_1829, %scatter3A_1830] : memref<2x4x512x8xf32, #tpu.memory_space<vmem>> -> memref<1x1x512x8xf32, #tpu.memory_space<vmem>>
          %scatter3A_1832 = tpu.memref_squeeze %scatter3A_1831 : memref<1x1x512x8xf32, #tpu.memory_space<vmem>> -> memref<512x8xf32, #tpu.memory_space<vmem>>
          tpu.vector_store_idx %scatter3A_1832[%add3A_1781, %and3A_3], %mul3A_1826 : memref<512x8xf32, #tpu.memory_space<vmem>>[vector<16xi32>, vector<16xi32>], vector<16xf32>,
          %mul3A_1833 = arith.mulf %gather3A_1786, %gather3A_1812 : vector<16xf32>
          %scatter3A_1834 = arith.constant 1 : i32
          %scatter3A_1835 = arith.constant 3 : i32
          %scatter3A_1836 = arith.constant 0 : i32
          %scatter3A_1837 = arith.constant 0 : i32
          %scatter3A_1838 = tpu.memref_slice %arg14[%scatter3A_1834, %scatter3A_1835, %scatter3A_1836, %scatter3A_1837] : memref<2x4x512x8xf32, #tpu.memory_space<vmem>> -> memref<1x1x512x8xf32, #tpu.memory_space<vmem>>
          %scatter3A_1839 = tpu.memref_squeeze %scatter3A_1838 : memref<1x1x512x8xf32, #tpu.memory_space<vmem>> -> memref<512x8xf32, #tpu.memory_space<vmem>>
          tpu.vector_store_idx %scatter3A_1839[%add3A_1781, %and3A_3], %mul3A_1833 : memref<512x8xf32, #tpu.memory_space<vmem>>[vector<16xi32>, vector<16xi32>], vector<16xf32>,
          %scan3A_1840 = arith.constant 1 : i32
          %scan3A_1841 = arith.addi %scan3A_1773, %scan3A_1840 : i32
          %mul3A_1842 = arith.constant 1 : i32
          %mul3A_1843 = arith.muli %scan3A_1841, %mul3A_1842 : i32
          %add3A_1844 = arith.constant 0 : i32
          %add3A_1845 = arith.addi %add3A_1844, %mul3A_1843 : i32
          %mul3A_1846 = arith.constant 2 : i32
          %mul3A_1847 = arith.muli %add3A_1845, %mul3A_1846 : i32
          %add3A_1848 = vector.broadcast %mul3A_1847 : i32 to vector<16xi32>
          %add3A_1849 = arith.addi %add3A_1848, %shift_right_arithmetic3A_1 : vector<16xi32>
          %gather3A_1850 = arith.constant 1 : i32
          %gather3A_1851 = arith.constant 0 : i32
          %gather3A_1852 = arith.constant 0 : i32
          %gather3A_1853 = tpu.memref_slice %arg10[%gather3A_1850, %gather3A_1851, %gather3A_1852] : memref<2x8x512xf32, #tpu.memory_space<vmem>> -> memref<1x8x512xf32, #tpu.memory_space<vmem>>
          %gather3A_1854 = tpu.memref_squeeze %gather3A_1853 : memref<1x8x512xf32, #tpu.memory_space<vmem>> -> memref<8x512xf32, #tpu.memory_space<vmem>>
          %gather3A_1855 = tpu.vector_load_idx %gather3A_1854[%and3A_3, %add3A_1849] : memref<8x512xf32, #tpu.memory_space<vmem>>[vector<16xi32>, vector<16xi32>], vector<16xf32>,
          %gather3A_1856 = arith.constant 1 : i32
          %gather3A_1857 = arith.constant 0 : i32
          %gather3A_1858 = tpu.memref_slice %arg11[%gather3A_1856, %gather3A_1857] : memref<2x1024xf32, #tpu.memory_space<vmem>> -> memref<1x1024xf32, #tpu.memory_space<vmem>>
          %gather3A_1859 = tpu.memref_squeeze %gather3A_1858 : memref<1x1024xf32, #tpu.memory_space<vmem>> -> memref<1024xf32, #tpu.memory_space<vmem>>
          %gather3A_1860 = tpu.vector_load_idx %gather3A_1859[%add3A_1849] : memref<1024xf32, #tpu.memory_space<vmem>>[vector<16xi32>], vector<16xf32>,
          %add3A_1861 = arith.constant 512 : i32
          %add3A_1862 = vector.broadcast %add3A_1861 : i32 to vector<16xi32>
          %add3A_1863 = arith.addi %add3A_1849, %add3A_1862 : vector<16xi32>
          %gather3A_1864 = arith.constant 1 : i32
          %gather3A_1865 = arith.constant 0 : i32
          %gather3A_1866 = tpu.memref_slice %arg11[%gather3A_1864, %gather3A_1865] : memref<2x1024xf32, #tpu.memory_space<vmem>> -> memref<1x1024xf32, #tpu.memory_space<vmem>>
          %gather3A_1867 = tpu.memref_squeeze %gather3A_1866 : memref<1x1024xf32, #tpu.memory_space<vmem>> -> memref<1024xf32, #tpu.memory_space<vmem>>
          %gather3A_1868 = tpu.vector_load_idx %gather3A_1867[%add3A_1863] : memref<1024xf32, #tpu.memory_space<vmem>>[vector<16xi32>], vector<16xf32>,
          %gather3A_1869 = arith.constant 1 : i32
          %gather3A_1870 = arith.constant 0 : i32
          %gather3A_1871 = tpu.memref_slice %arg12[%gather3A_1869, %gather3A_1870] : memref<2x1024xf32, #tpu.memory_space<vmem>> -> memref<1x1024xf32, #tpu.memory_space<vmem>>
          %gather3A_1872 = tpu.memref_squeeze %gather3A_1871 : memref<1x1024xf32, #tpu.memory_space<vmem>> -> memref<1024xf32, #tpu.memory_space<vmem>>
          %gather3A_1873 = tpu.vector_load_idx %gather3A_1872[%add3A_1849] : memref<1024xf32, #tpu.memory_space<vmem>>[vector<16xi32>], vector<16xf32>,
          %add3A_1874 = arith.constant 512 : i32
          %add3A_1875 = vector.broadcast %add3A_1874 : i32 to vector<16xi32>
          %add3A_1876 = arith.addi %add3A_1849, %add3A_1875 : vector<16xi32>
          %gather3A_1877 = arith.constant 1 : i32
          %gather3A_1878 = arith.constant 0 : i32
          %gather3A_1879 = tpu.memref_slice %arg12[%gather3A_1877, %gather3A_1878] : memref<2x1024xf32, #tpu.memory_space<vmem>> -> memref<1x1024xf32, #tpu.memory_space<vmem>>
          %gather3A_1880 = tpu.memref_squeeze %gather3A_1879 : memref<1x1024xf32, #tpu.memory_space<vmem>> -> memref<1024xf32, #tpu.memory_space<vmem>>
          %gather3A_1881 = tpu.vector_load_idx %gather3A_1880[%add3A_1876] : memref<1024xf32, #tpu.memory_space<vmem>>[vector<16xi32>], vector<16xf32>,
          %mul3A_1882 = arith.mulf %gather3A_1855, %gather3A_1860 : vector<16xf32>
          %scatter3A_1883 = arith.constant 1 : i32
          %scatter3A_1884 = arith.constant 0 : i32
          %scatter3A_1885 = arith.constant 0 : i32
          %scatter3A_1886 = arith.constant 0 : i32
          %scatter3A_1887 = tpu.memref_slice %arg14[%scatter3A_1883, %scatter3A_1884, %scatter3A_1885, %scatter3A_1886] : memref<2x4x512x8xf32, #tpu.memory_space<vmem>> -> memref<1x1x512x8xf32, #tpu.memory_space<vmem>>
          %scatter3A_1888 = tpu.memref_squeeze %scatter3A_1887 : memref<1x1x512x8xf32, #tpu.memory_space<vmem>> -> memref<512x8xf32, #tpu.memory_space<vmem>>
          tpu.vector_store_idx %scatter3A_1888[%add3A_1849, %and3A_3], %mul3A_1882 : memref<512x8xf32, #tpu.memory_space<vmem>>[vector<16xi32>, vector<16xi32>], vector<16xf32>,
          %mul3A_1889 = arith.mulf %gather3A_1855, %gather3A_1868 : vector<16xf32>
          %scatter3A_1890 = arith.constant 1 : i32
          %scatter3A_1891 = arith.constant 1 : i32
          %scatter3A_1892 = arith.constant 0 : i32
          %scatter3A_1893 = arith.constant 0 : i32
          %scatter3A_1894 = tpu.memref_slice %arg14[%scatter3A_1890, %scatter3A_1891, %scatter3A_1892, %scatter3A_1893] : memref<2x4x512x8xf32, #tpu.memory_space<vmem>> -> memref<1x1x512x8xf32, #tpu.memory_space<vmem>>
          %scatter3A_1895 = tpu.memref_squeeze %scatter3A_1894 : memref<1x1x512x8xf32, #tpu.memory_space<vmem>> -> memref<512x8xf32, #tpu.memory_space<vmem>>
          tpu.vector_store_idx %scatter3A_1895[%add3A_1849, %and3A_3], %mul3A_1889 : memref<512x8xf32, #tpu.memory_space<vmem>>[vector<16xi32>, vector<16xi32>], vector<16xf32>,
          %mul3A_1896 = arith.mulf %gather3A_1855, %gather3A_1873 : vector<16xf32>
          %scatter3A_1897 = arith.constant 1 : i32
          %scatter3A_1898 = arith.constant 2 : i32
          %scatter3A_1899 = arith.constant 0 : i32
          %scatter3A_1900 = arith.constant 0 : i32
          %scatter3A_1901 = tpu.memref_slice %arg14[%scatter3A_1897, %scatter3A_1898, %scatter3A_1899, %scatter3A_1900] : memref<2x4x512x8xf32, #tpu.memory_space<vmem>> -> memref<1x1x512x8xf32, #tpu.memory_space<vmem>>
          %scatter3A_1902 = tpu.memref_squeeze %scatter3A_1901 : memref<1x1x512x8xf32, #tpu.memory_space<vmem>> -> memref<512x8xf32, #tpu.memory_space<vmem>>
          tpu.vector_store_idx %scatter3A_1902[%add3A_1849, %and3A_3], %mul3A_1896 : memref<512x8xf32, #tpu.memory_space<vmem>>[vector<16xi32>, vector<16xi32>], vector<16xf32>,
          %mul3A_1903 = arith.mulf %gather3A_1855, %gather3A_1881 : vector<16xf32>
          %scatter3A_1904 = arith.constant 1 : i32
          %scatter3A_1905 = arith.constant 3 : i32
          %scatter3A_1906 = arith.constant 0 : i32
          %scatter3A_1907 = arith.constant 0 : i32
          %scatter3A_1908 = tpu.memref_slice %arg14[%scatter3A_1904, %scatter3A_1905, %scatter3A_1906, %scatter3A_1907] : memref<2x4x512x8xf32, #tpu.memory_space<vmem>> -> memref<1x1x512x8xf32, #tpu.memory_space<vmem>>
          %scatter3A_1909 = tpu.memref_squeeze %scatter3A_1908 : memref<1x1x512x8xf32, #tpu.memory_space<vmem>> -> memref<512x8xf32, #tpu.memory_space<vmem>>
          tpu.vector_store_idx %scatter3A_1909[%add3A_1849, %and3A_3], %mul3A_1903 : memref<512x8xf32, #tpu.memory_space<vmem>>[vector<16xi32>, vector<16xi32>], vector<16xf32>,
          %scan3A_1910 = arith.constant 2 : i32
          %scan3A_1911 = arith.addi %scan3A_1773, %scan3A_1910 : i32
          %mul3A_1912 = arith.constant 1 : i32
          %mul3A_1913 = arith.muli %scan3A_1911, %mul3A_1912 : i32
          %add3A_1914 = arith.constant 0 : i32
          %add3A_1915 = arith.addi %add3A_1914, %mul3A_1913 : i32
          %mul3A_1916 = arith.constant 2 : i32
          %mul3A_1917 = arith.muli %add3A_1915, %mul3A_1916 : i32
          %add3A_1918 = vector.broadcast %mul3A_1917 : i32 to vector<16xi32>
          %add3A_1919 = arith.addi %add3A_1918, %shift_right_arithmetic3A_1 : vector<16xi32>
          %gather3A_1920 = arith.constant 1 : i32
          %gather3A_1921 = arith.constant 0 : i32
          %gather3A_1922 = arith.constant 0 : i32
          %gather3A_1923 = tpu.memref_slice %arg10[%gather3A_1920, %gather3A_1921, %gather3A_1922] : memref<2x8x512xf32, #tpu.memory_space<vmem>> -> memref<1x8x512xf32, #tpu.memory_space<vmem>>
          %gather3A_1924 = tpu.memref_squeeze %gather3A_1923 : memref<1x8x512xf32, #tpu.memory_space<vmem>> -> memref<8x512xf32, #tpu.memory_space<vmem>>
          %gather3A_1925 = tpu.vector_load_idx %gather3A_1924[%and3A_3, %add3A_1919] : memref<8x512xf32, #tpu.memory_space<vmem>>[vector<16xi32>, vector<16xi32>], vector<16xf32>,
          %gather3A_1926 = arith.constant 1 : i32
          %gather3A_1927 = arith.constant 0 : i32
          %gather3A_1928 = tpu.memref_slice %arg11[%gather3A_1926, %gather3A_1927] : memref<2x1024xf32, #tpu.memory_space<vmem>> -> memref<1x1024xf32, #tpu.memory_space<vmem>>
          %gather3A_1929 = tpu.memref_squeeze %gather3A_1928 : memref<1x1024xf32, #tpu.memory_space<vmem>> -> memref<1024xf32, #tpu.memory_space<vmem>>
          %gather3A_1930 = tpu.vector_load_idx %gather3A_1929[%add3A_1919] : memref<1024xf32, #tpu.memory_space<vmem>>[vector<16xi32>], vector<16xf32>,
          %add3A_1931 = arith.constant 512 : i32
          %add3A_1932 = vector.broadcast %add3A_1931 : i32 to vector<16xi32>
          %add3A_1933 = arith.addi %add3A_1919, %add3A_1932 : vector<16xi32>
          %gather3A_1934 = arith.constant 1 : i32
          %gather3A_1935 = arith.constant 0 : i32
          %gather3A_1936 = tpu.memref_slice %arg11[%gather3A_1934, %gather3A_1935] : memref<2x1024xf32, #tpu.memory_space<vmem>> -> memref<1x1024xf32, #tpu.memory_space<vmem>>
          %gather3A_1937 = tpu.memref_squeeze %gather3A_1936 : memref<1x1024xf32, #tpu.memory_space<vmem>> -> memref<1024xf32, #tpu.memory_space<vmem>>
          %gather3A_1938 = tpu.vector_load_idx %gather3A_1937[%add3A_1933] : memref<1024xf32, #tpu.memory_space<vmem>>[vector<16xi32>], vector<16xf32>,
          %gather3A_1939 = arith.constant 1 : i32
          %gather3A_1940 = arith.constant 0 : i32
          %gather3A_1941 = tpu.memref_slice %arg12[%gather3A_1939, %gather3A_1940] : memref<2x1024xf32, #tpu.memory_space<vmem>> -> memref<1x1024xf32, #tpu.memory_space<vmem>>
          %gather3A_1942 = tpu.memref_squeeze %gather3A_1941 : memref<1x1024xf32, #tpu.memory_space<vmem>> -> memref<1024xf32, #tpu.memory_space<vmem>>
          %gather3A_1943 = tpu.vector_load_idx %gather3A_1942[%add3A_1919] : memref<1024xf32, #tpu.memory_space<vmem>>[vector<16xi32>], vector<16xf32>,
          %add3A_1944 = arith.constant 512 : i32
          %add3A_1945 = vector.broadcast %add3A_1944 : i32 to vector<16xi32>
          %add3A_1946 = arith.addi %add3A_1919, %add3A_1945 : vector<16xi32>
          %gather3A_1947 = arith.constant 1 : i32
          %gather3A_1948 = arith.constant 0 : i32
          %gather3A_1949 = tpu.memref_slice %arg12[%gather3A_1947, %gather3A_1948] : memref<2x1024xf32, #tpu.memory_space<vmem>> -> memref<1x1024xf32, #tpu.memory_space<vmem>>
          %gather3A_1950 = tpu.memref_squeeze %gather3A_1949 : memref<1x1024xf32, #tpu.memory_space<vmem>> -> memref<1024xf32, #tpu.memory_space<vmem>>
          %gather3A_1951 = tpu.vector_load_idx %gather3A_1950[%add3A_1946] : memref<1024xf32, #tpu.memory_space<vmem>>[vector<16xi32>], vector<16xf32>,
          %mul3A_1952 = arith.mulf %gather3A_1925, %gather3A_1930 : vector<16xf32>
          %scatter3A_1953 = arith.constant 1 : i32
          %scatter3A_1954 = arith.constant 0 : i32
          %scatter3A_1955 = arith.constant 0 : i32
          %scatter3A_1956 = arith.constant 0 : i32
          %scatter3A_1957 = tpu.memref_slice %arg14[%scatter3A_1953, %scatter3A_1954, %scatter3A_1955, %scatter3A_1956] : memref<2x4x512x8xf32, #tpu.memory_space<vmem>> -> memref<1x1x512x8xf32, #tpu.memory_space<vmem>>
          %scatter3A_1958 = tpu.memref_squeeze %scatter3A_1957 : memref<1x1x512x8xf32, #tpu.memory_space<vmem>> -> memref<512x8xf32, #tpu.memory_space<vmem>>
          tpu.vector_store_idx %scatter3A_1958[%add3A_1919, %and3A_3], %mul3A_1952 : memref<512x8xf32, #tpu.memory_space<vmem>>[vector<16xi32>, vector<16xi32>], vector<16xf32>,
          %mul3A_1959 = arith.mulf %gather3A_1925, %gather3A_1938 : vector<16xf32>
          %scatter3A_1960 = arith.constant 1 : i32
          %scatter3A_1961 = arith.constant 1 : i32
          %scatter3A_1962 = arith.constant 0 : i32
          %scatter3A_1963 = arith.constant 0 : i32
          %scatter3A_1964 = tpu.memref_slice %arg14[%scatter3A_1960, %scatter3A_1961, %scatter3A_1962, %scatter3A_1963] : memref<2x4x512x8xf32, #tpu.memory_space<vmem>> -> memref<1x1x512x8xf32, #tpu.memory_space<vmem>>
          %scatter3A_1965 = tpu.memref_squeeze %scatter3A_1964 : memref<1x1x512x8xf32, #tpu.memory_space<vmem>> -> memref<512x8xf32, #tpu.memory_space<vmem>>
          tpu.vector_store_idx %scatter3A_1965[%add3A_1919, %and3A_3], %mul3A_1959 : memref<512x8xf32, #tpu.memory_space<vmem>>[vector<16xi32>, vector<16xi32>], vector<16xf32>,
          %mul3A_1966 = arith.mulf %gather3A_1925, %gather3A_1943 : vector<16xf32>
          %scatter3A_1967 = arith.constant 1 : i32
          %scatter3A_1968 = arith.constant 2 : i32
          %scatter3A_1969 = arith.constant 0 : i32
          %scatter3A_1970 = arith.constant 0 : i32
          %scatter3A_1971 = tpu.memref_slice %arg14[%scatter3A_1967, %scatter3A_1968, %scatter3A_1969, %scatter3A_1970] : memref<2x4x512x8xf32, #tpu.memory_space<vmem>> -> memref<1x1x512x8xf32, #tpu.memory_space<vmem>>
          %scatter3A_1972 = tpu.memref_squeeze %scatter3A_1971 : memref<1x1x512x8xf32, #tpu.memory_space<vmem>> -> memref<512x8xf32, #tpu.memory_space<vmem>>
          tpu.vector_store_idx %scatter3A_1972[%add3A_1919, %and3A_3], %mul3A_1966 : memref<512x8xf32, #tpu.memory_space<vmem>>[vector<16xi32>, vector<16xi32>], vector<16xf32>,
          %mul3A_1973 = arith.mulf %gather3A_1925, %gather3A_1951 : vector<16xf32>
          %scatter3A_1974 = arith.constant 1 : i32
          %scatter3A_1975 = arith.constant 3 : i32
          %scatter3A_1976 = arith.constant 0 : i32
          %scatter3A_1977 = arith.constant 0 : i32
          %scatter3A_1978 = tpu.memref_slice %arg14[%scatter3A_1974, %scatter3A_1975, %scatter3A_1976, %scatter3A_1977] : memref<2x4x512x8xf32, #tpu.memory_space<vmem>> -> memref<1x1x512x8xf32, #tpu.memory_space<vmem>>
          %scatter3A_1979 = tpu.memref_squeeze %scatter3A_1978 : memref<1x1x512x8xf32, #tpu.memory_space<vmem>> -> memref<512x8xf32, #tpu.memory_space<vmem>>
          tpu.vector_store_idx %scatter3A_1979[%add3A_1919, %and3A_3], %mul3A_1973 : memref<512x8xf32, #tpu.memory_space<vmem>>[vector<16xi32>, vector<16xi32>], vector<16xf32>,
          %scan3A_1980 = arith.constant 3 : i32
          %scan3A_1981 = arith.addi %scan3A_1773, %scan3A_1980 : i32
          %mul3A_1982 = arith.constant 1 : i32
          %mul3A_1983 = arith.muli %scan3A_1981, %mul3A_1982 : i32
          %add3A_1984 = arith.constant 0 : i32
          %add3A_1985 = arith.addi %add3A_1984, %mul3A_1983 : i32
          %mul3A_1986 = arith.constant 2 : i32
          %mul3A_1987 = arith.muli %add3A_1985, %mul3A_1986 : i32
          %add3A_1988 = vector.broadcast %mul3A_1987 : i32 to vector<16xi32>
          %add3A_1989 = arith.addi %add3A_1988, %shift_right_arithmetic3A_1 : vector<16xi32>
          %gather3A_1990 = arith.constant 1 : i32
          %gather3A_1991 = arith.constant 0 : i32
          %gather3A_1992 = arith.constant 0 : i32
          %gather3A_1993 = tpu.memref_slice %arg10[%gather3A_1990, %gather3A_1991, %gather3A_1992] : memref<2x8x512xf32, #tpu.memory_space<vmem>> -> memref<1x8x512xf32, #tpu.memory_space<vmem>>
          %gather3A_1994 = tpu.memref_squeeze %gather3A_1993 : memref<1x8x512xf32, #tpu.memory_space<vmem>> -> memref<8x512xf32, #tpu.memory_space<vmem>>
          %gather3A_1995 = tpu.vector_load_idx %gather3A_1994[%and3A_3, %add3A_1989] : memref<8x512xf32, #tpu.memory_space<vmem>>[vector<16xi32>, vector<16xi32>], vector<16xf32>,
          %gather3A_1996 = arith.constant 1 : i32
          %gather3A_1997 = arith.constant 0 : i32
          %gather3A_1998 = tpu.memref_slice %arg11[%gather3A_1996, %gather3A_1997] : memref<2x1024xf32, #tpu.memory_space<vmem>> -> memref<1x1024xf32, #tpu.memory_space<vmem>>
          %gather3A_1999 = tpu.memref_squeeze %gather3A_1998 : memref<1x1024xf32, #tpu.memory_space<vmem>> -> memref<1024xf32, #tpu.memory_space<vmem>>
          %gather3A_2000 = tpu.vector_load_idx %gather3A_1999[%add3A_1989] : memref<1024xf32, #tpu.memory_space<vmem>>[vector<16xi32>], vector<16xf32>,
          %add3A_2001 = arith.constant 512 : i32
          %add3A_2002 = vector.broadcast %add3A_2001 : i32 to vector<16xi32>
          %add3A_2003 = arith.addi %add3A_1989, %add3A_2002 : vector<16xi32>
          %gather3A_2004 = arith.constant 1 : i32
          %gather3A_2005 = arith.constant 0 : i32
          %gather3A_2006 = tpu.memref_slice %arg11[%gather3A_2004, %gather3A_2005] : memref<2x1024xf32, #tpu.memory_space<vmem>> -> memref<1x1024xf32, #tpu.memory_space<vmem>>
          %gather3A_2007 = tpu.memref_squeeze %gather3A_2006 : memref<1x1024xf32, #tpu.memory_space<vmem>> -> memref<1024xf32, #tpu.memory_space<vmem>>
          %gather3A_2008 = tpu.vector_load_idx %gather3A_2007[%add3A_2003] : memref<1024xf32, #tpu.memory_space<vmem>>[vector<16xi32>], vector<16xf32>,
          %gather3A_2009 = arith.constant 1 : i32
          %gather3A_2010 = arith.constant 0 : i32
          %gather3A_2011 = tpu.memref_slice %arg12[%gather3A_2009, %gather3A_2010] : memref<2x1024xf32, #tpu.memory_space<vmem>> -> memref<1x1024xf32, #tpu.memory_space<vmem>>
          %gather3A_2012 = tpu.memref_squeeze %gather3A_2011 : memref<1x1024xf32, #tpu.memory_space<vmem>> -> memref<1024xf32, #tpu.memory_space<vmem>>
          %gather3A_2013 = tpu.vector_load_idx %gather3A_2012[%add3A_1989] : memref<1024xf32, #tpu.memory_space<vmem>>[vector<16xi32>], vector<16xf32>,
          %add3A_2014 = arith.constant 512 : i32
          %add3A_2015 = vector.broadcast %add3A_2014 : i32 to vector<16xi32>
          %add3A_2016 = arith.addi %add3A_1989, %add3A_2015 : vector<16xi32>
          %gather3A_2017 = arith.constant 1 : i32
          %gather3A_2018 = arith.constant 0 : i32
          %gather3A_2019 = tpu.memref_slice %arg12[%gather3A_2017, %gather3A_2018] : memref<2x1024xf32, #tpu.memory_space<vmem>> -> memref<1x1024xf32, #tpu.memory_space<vmem>>
          %gather3A_2020 = tpu.memref_squeeze %gather3A_2019 : memref<1x1024xf32, #tpu.memory_space<vmem>> -> memref<1024xf32, #tpu.memory_space<vmem>>
          %gather3A_2021 = tpu.vector_load_idx %gather3A_2020[%add3A_2016] : memref<1024xf32, #tpu.memory_space<vmem>>[vector<16xi32>], vector<16xf32>,
          %mul3A_2022 = arith.mulf %gather3A_1995, %gather3A_2000 : vector<16xf32>
          %scatter3A_2023 = arith.constant 1 : i32
          %scatter3A_2024 = arith.constant 0 : i32
          %scatter3A_2025 = arith.constant 0 : i32
          %scatter3A_2026 = arith.constant 0 : i32
          %scatter3A_2027 = tpu.memref_slice %arg14[%scatter3A_2023, %scatter3A_2024, %scatter3A_2025, %scatter3A_2026] : memref<2x4x512x8xf32, #tpu.memory_space<vmem>> -> memref<1x1x512x8xf32, #tpu.memory_space<vmem>>
          %scatter3A_2028 = tpu.memref_squeeze %scatter3A_2027 : memref<1x1x512x8xf32, #tpu.memory_space<vmem>> -> memref<512x8xf32, #tpu.memory_space<vmem>>
          tpu.vector_store_idx %scatter3A_2028[%add3A_1989, %and3A_3], %mul3A_2022 : memref<512x8xf32, #tpu.memory_space<vmem>>[vector<16xi32>, vector<16xi32>], vector<16xf32>,
          %mul3A_2029 = arith.mulf %gather3A_1995, %gather3A_2008 : vector<16xf32>
          %scatter3A_2030 = arith.constant 1 : i32
          %scatter3A_2031 = arith.constant 1 : i32
          %scatter3A_2032 = arith.constant 0 : i32
          %scatter3A_2033 = arith.constant 0 : i32
          %scatter3A_2034 = tpu.memref_slice %arg14[%scatter3A_2030, %scatter3A_2031, %scatter3A_2032, %scatter3A_2033] : memref<2x4x512x8xf32, #tpu.memory_space<vmem>> -> memref<1x1x512x8xf32, #tpu.memory_space<vmem>>
          %scatter3A_2035 = tpu.memref_squeeze %scatter3A_2034 : memref<1x1x512x8xf32, #tpu.memory_space<vmem>> -> memref<512x8xf32, #tpu.memory_space<vmem>>
          tpu.vector_store_idx %scatter3A_2035[%add3A_1989, %and3A_3], %mul3A_2029 : memref<512x8xf32, #tpu.memory_space<vmem>>[vector<16xi32>, vector<16xi32>], vector<16xf32>,
          %mul3A_2036 = arith.mulf %gather3A_1995, %gather3A_2013 : vector<16xf32>
          %scatter3A_2037 = arith.constant 1 : i32
          %scatter3A_2038 = arith.constant 2 : i32
          %scatter3A_2039 = arith.constant 0 : i32
          %scatter3A_2040 = arith.constant 0 : i32
          %scatter3A_2041 = tpu.memref_slice %arg14[%scatter3A_2037, %scatter3A_2038, %scatter3A_2039, %scatter3A_2040] : memref<2x4x512x8xf32, #tpu.memory_space<vmem>> -> memref<1x1x512x8xf32, #tpu.memory_space<vmem>>
          %scatter3A_2042 = tpu.memref_squeeze %scatter3A_2041 : memref<1x1x512x8xf32, #tpu.memory_space<vmem>> -> memref<512x8xf32, #tpu.memory_space<vmem>>
          tpu.vector_store_idx %scatter3A_2042[%add3A_1989, %and3A_3], %mul3A_2036 : memref<512x8xf32, #tpu.memory_space<vmem>>[vector<16xi32>, vector<16xi32>], vector<16xf32>,
          %mul3A_2043 = arith.mulf %gather3A_1995, %gather3A_2021 : vector<16xf32>
          %scatter3A_2044 = arith.constant 1 : i32
          %scatter3A_2045 = arith.constant 3 : i32
          %scatter3A_2046 = arith.constant 0 : i32
          %scatter3A_2047 = arith.constant 0 : i32
          %scatter3A_2048 = tpu.memref_slice %arg14[%scatter3A_2044, %scatter3A_2045, %scatter3A_2046, %scatter3A_2047] : memref<2x4x512x8xf32, #tpu.memory_space<vmem>> -> memref<1x1x512x8xf32, #tpu.memory_space<vmem>>
          %scatter3A_2049 = tpu.memref_squeeze %scatter3A_2048 : memref<1x1x512x8xf32, #tpu.memory_space<vmem>> -> memref<512x8xf32, #tpu.memory_space<vmem>>
          tpu.vector_store_idx %scatter3A_2049[%add3A_1989, %and3A_3], %mul3A_2043 : memref<512x8xf32, #tpu.memory_space<vmem>>[vector<16xi32>, vector<16xi32>], vector<16xf32>,
        }
        %scan3A_1527 = arith.constant 256 : i32
        %lt3A_1528 = arith.constant 8 : i32
        %lt3A_1529 = arith.cmpi slt, %add3A_1093, %lt3A_1528 : i32
        %convert_element_type3A_1530 = arith.extui %lt3A_1529 : i1 to i32
        %cond3A_1531 = arith.constant 0 : i32
        %cond3A_1532 = arith.cmpi ne, %convert_element_type3A_1530, %cond3A_1531 : i32
        scf.if %cond3A_1532 {
          %add3A_1773 = arith.constant 2 : i32
          %add3A_1774 = arith.addi %add3A_1435, %add3A_1773 : i32
          %lt3A_1775 = arith.constant 12 : i32
          %lt3A_1776 = arith.cmpi slt, %add3A_14, %lt3A_1775 : i32
          %convert_element_type3A_1777 = arith.extui %lt3A_1776 : i1 to i32
          %cond3A_1778 = arith.constant 0 : i32
          %cond3A_1779 = arith.cmpi ne, %convert_element_type3A_1777, %cond3A_1778 : i32
          scf.if %cond3A_1779 {
            %mul3A_1840 = arith.constant 512 : i32
            %mul3A_1841 = arith.muli %add3A_1774, %mul3A_1840 : i32
            %add3A_1842 = arith.addi %mul3A_4, %mul3A_1841 : i32
            %mul3A_1843 = arith.constant 12 : i32
            %mul3A_1844 = arith.muli %arg0, %mul3A_1843 : i32
            %min3A_1845 = arith.constant 11 : i32
            %min3A_1846 = arith.minsi %add3A_14, %min3A_1845 : i32
            %add3A_1847 = arith.addi %mul3A_1844, %min3A_1846 : i32
            %dma_start3A_1848 = arith.constant 1 : i32
            %dma_start3A_1849 = arith.constant 0 : i32
            %dma_start3A_1850 = arith.constant 0 : i32
            %dma_start3A_1851 = tpu.memref_slice %arg10[%dma_start3A_1848, %dma_start3A_1849, %dma_start3A_1850] : memref<2x8x512xf32, #tpu.memory_space<vmem>> -> memref<1x8x512xf32, #tpu.memory_space<vmem>>
            %dma_start3A_1852 = tpu.memref_squeeze %dma_start3A_1851 : memref<1x8x512xf32, #tpu.memory_space<vmem>> -> memref<8x512xf32, #tpu.memory_space<vmem>>
            %dma_start3A_1853 = arith.constant 0 : i32
            %dma_start3A_1854 = tpu.memref_slice %arg2[%add3A_1847, %dma_start3A_1853, %add3A_1842] : memref<24x8x147456xf32, #tpu.memory_space<hbm>> -> memref<1x8x512xf32, #tpu.memory_space<hbm>>
            %dma_start3A_1855 = tpu.memref_squeeze %dma_start3A_1854 : memref<1x8x512xf32, #tpu.memory_space<hbm>> -> memref<8x512xf32, #tpu.memory_space<hbm>>
            %dma_start3A_1856 = arith.constant 0 : i32
            %dma_start3A_1857 = arith.constant 0 : i32
            %dma_start3A_1858 = tpu.memref_slice %arg10[%dma_start3A_1848, %dma_start3A_1856, %dma_start3A_1857] : memref<2x8x512xf32, #tpu.memory_space<vmem>> -> memref<1x8x512xf32, #tpu.memory_space<vmem>>
            %dma_start3A_1859 = tpu.memref_squeeze %dma_start3A_1858 : memref<1x8x512xf32, #tpu.memory_space<vmem>> -> memref<8x512xf32, #tpu.memory_space<vmem>>
            %dma_start3A_1860 = arith.constant 0 : i32
            %dma_start3A_1861 = tpu.memref_slice %arg2[%add3A_1847, %dma_start3A_1860, %add3A_1842] : memref<24x8x147456xf32, #tpu.memory_space<hbm>> -> memref<1x8x512xf32, #tpu.memory_space<hbm>>
            %dma_start3A_1862 = tpu.memref_squeeze %dma_start3A_1861 : memref<1x8x512xf32, #tpu.memory_space<hbm>> -> memref<8x512xf32, #tpu.memory_space<hbm>>
            tpu.enqueue_dma source(%dma_start3A_1862 : memref<8x512xf32, #tpu.memory_space<hbm>>) target(%dma_start3A_1859 : memref<8x512xf32, #tpu.memory_space<vmem>>) target_semaphore(%arg16 : memref<!tpu.dma_semaphore, #tpu.memory_space<semaphore_mem>>)
          } else {
          }
          %eq3A_1780 = arith.constant 12 : i32
          %eq3A_1781 = arith.cmpi eq, %add3A_14, %eq3A_1780 : i32
          %convert_element_type3A_1782 = arith.extui %eq3A_1781 : i1 to i32
          %cond3A_1783 = arith.constant 0 : i32
          %cond3A_1784 = arith.cmpi ne, %convert_element_type3A_1782, %cond3A_1783 : i32
          scf.if %cond3A_1784 {
            %mul3A_1840 = arith.constant 512 : i32
            %mul3A_1841 = arith.muli %add3A_1774, %mul3A_1840 : i32
            %add3A_1842 = arith.addi %mul3A_4, %mul3A_1841 : i32
            %dma_start3A_1843 = arith.constant 1 : i32
            %dma_start3A_1844 = arith.constant 0 : i32
            %dma_start3A_1845 = arith.constant 0 : i32
            %dma_start3A_1846 = tpu.memref_slice %arg10[%dma_start3A_1843, %dma_start3A_1844, %dma_start3A_1845] : memref<2x8x512xf32, #tpu.memory_space<vmem>> -> memref<1x8x512xf32, #tpu.memory_space<vmem>>
            %dma_start3A_1847 = tpu.memref_squeeze %dma_start3A_1846 : memref<1x8x512xf32, #tpu.memory_space<vmem>> -> memref<8x512xf32, #tpu.memory_space<vmem>>
            %dma_start3A_1848 = arith.constant 0 : i32
            %dma_start3A_1849 = tpu.memref_slice %arg3[%dma_start3A_1848, %add3A_1842] : memref<8x147456xf32, #tpu.memory_space<hbm>> -> memref<8x512xf32, #tpu.memory_space<hbm>>
            %dma_start3A_1850 = arith.constant 0 : i32
            %dma_start3A_1851 = arith.constant 0 : i32
            %dma_start3A_1852 = tpu.memref_slice %arg10[%dma_start3A_1843, %dma_start3A_1850, %dma_start3A_1851] : memref<2x8x512xf32, #tpu.memory_space<vmem>> -> memref<1x8x512xf32, #tpu.memory_space<vmem>>
            %dma_start3A_1853 = tpu.memref_squeeze %dma_start3A_1852 : memref<1x8x512xf32, #tpu.memory_space<vmem>> -> memref<8x512xf32, #tpu.memory_space<vmem>>
            %dma_start3A_1854 = arith.constant 0 : i32
            %dma_start3A_1855 = tpu.memref_slice %arg3[%dma_start3A_1854, %add3A_1842] : memref<8x147456xf32, #tpu.memory_space<hbm>> -> memref<8x512xf32, #tpu.memory_space<hbm>>
            tpu.enqueue_dma source(%dma_start3A_1855 : memref<8x512xf32, #tpu.memory_space<hbm>>) target(%dma_start3A_1853 : memref<8x512xf32, #tpu.memory_space<vmem>>) target_semaphore(%arg16 : memref<!tpu.dma_semaphore, #tpu.memory_space<semaphore_mem>>)
          } else {
          }
          %mul3A_1785 = arith.constant 512 : i32
          %mul3A_1786 = arith.muli %add3A_1774, %mul3A_1785 : i32
          %add3A_1787 = arith.addi %mul3A_4, %mul3A_1786 : i32
          %dma_start3A_1788 = arith.constant 0 : i32
          %dma_start3A_1789 = arith.constant 0 : i32
          %dma_start3A_1790 = arith.constant 1 : i32
          %dma_start3A_1791 = arith.constant 0 : i32
          %dma_start3A_1792 = tpu.memref_slice %arg11[%dma_start3A_1790, %dma_start3A_1791] : memref<2x1024xf32, #tpu.memory_space<vmem>> -> memref<1x512xf32, #tpu.memory_space<vmem>>
          %dma_start3A_1793 = tpu.memref_squeeze %dma_start3A_1792 : memref<1x512xf32, #tpu.memory_space<vmem>> -> memref<512xf32, #tpu.memory_space<vmem>>
          %dma_start3A_1794 = tpu.memref_slice %arg5[%arg0, %dma_start3A_1788, %dma_start3A_1789, %add3A_1787] : memref<2x2x2x147456xf32, #tpu.memory_space<hbm>> -> memref<1x1x1x512xf32, #tpu.memory_space<hbm>>
          %dma_start3A_1795 = tpu.memref_squeeze %dma_start3A_1794 : memref<1x1x1x512xf32, #tpu.memory_space<hbm>> -> memref<512xf32, #tpu.memory_space<hbm>>
          %dma_start3A_1796 = arith.constant 0 : i32
          %dma_start3A_1797 = tpu.memref_slice %arg11[%dma_start3A_1790, %dma_start3A_1796] : memref<2x1024xf32, #tpu.memory_space<vmem>> -> memref<1x512xf32, #tpu.memory_space<vmem>>
          %dma_start3A_1798 = tpu.memref_squeeze %dma_start3A_1797 : memref<1x512xf32, #tpu.memory_space<vmem>> -> memref<512xf32, #tpu.memory_space<vmem>>
          %dma_start3A_1799 = tpu.memref_slice %arg5[%arg0, %dma_start3A_1788, %dma_start3A_1789, %add3A_1787] : memref<2x2x2x147456xf32, #tpu.memory_space<hbm>> -> memref<1x1x1x512xf32, #tpu.memory_space<hbm>>
          %dma_start3A_1800 = tpu.memref_squeeze %dma_start3A_1799 : memref<1x1x1x512xf32, #tpu.memory_space<hbm>> -> memref<512xf32, #tpu.memory_space<hbm>>
          tpu.enqueue_dma source(%dma_start3A_1800 : memref<512xf32, #tpu.memory_space<hbm>>) target(%dma_start3A_1798 : memref<512xf32, #tpu.memory_space<vmem>>) target_semaphore(%arg16 : memref<!tpu.dma_semaphore, #tpu.memory_space<semaphore_mem>>)
          %dma_start3A_1801 = arith.constant 0 : i32
          %dma_start3A_1802 = arith.constant 1 : i32
          %dma_start3A_1803 = arith.constant 1 : i32
          %dma_start3A_1804 = arith.constant 512 : i32
          %dma_start3A_1805 = tpu.memref_slice %arg11[%dma_start3A_1803, %dma_start3A_1804] : memref<2x1024xf32, #tpu.memory_space<vmem>> -> memref<1x512xf32, #tpu.memory_space<vmem>>
          %dma_start3A_1806 = tpu.memref_squeeze %dma_start3A_1805 : memref<1x512xf32, #tpu.memory_space<vmem>> -> memref<512xf32, #tpu.memory_space<vmem>>
          %dma_start3A_1807 = tpu.memref_slice %arg5[%arg0, %dma_start3A_1801, %dma_start3A_1802, %add3A_1787] : memref<2x2x2x147456xf32, #tpu.memory_space<hbm>> -> memref<1x1x1x512xf32, #tpu.memory_space<hbm>>
          %dma_start3A_1808 = tpu.memref_squeeze %dma_start3A_1807 : memref<1x1x1x512xf32, #tpu.memory_space<hbm>> -> memref<512xf32, #tpu.memory_space<hbm>>
          %dma_start3A_1809 = arith.constant 512 : i32
          %dma_start3A_1810 = tpu.memref_slice %arg11[%dma_start3A_1803, %dma_start3A_1809] : memref<2x1024xf32, #tpu.memory_space<vmem>> -> memref<1x512xf32, #tpu.memory_space<vmem>>
          %dma_start3A_1811 = tpu.memref_squeeze %dma_start3A_1810 : memref<1x512xf32, #tpu.memory_space<vmem>> -> memref<512xf32, #tpu.memory_space<vmem>>
          %dma_start3A_1812 = tpu.memref_slice %arg5[%arg0, %dma_start3A_1801, %dma_start3A_1802, %add3A_1787] : memref<2x2x2x147456xf32, #tpu.memory_space<hbm>> -> memref<1x1x1x512xf32, #tpu.memory_space<hbm>>
          %dma_start3A_1813 = tpu.memref_squeeze %dma_start3A_1812 : memref<1x1x1x512xf32, #tpu.memory_space<hbm>> -> memref<512xf32, #tpu.memory_space<hbm>>
          tpu.enqueue_dma source(%dma_start3A_1813 : memref<512xf32, #tpu.memory_space<hbm>>) target(%dma_start3A_1811 : memref<512xf32, #tpu.memory_space<vmem>>) target_semaphore(%arg16 : memref<!tpu.dma_semaphore, #tpu.memory_space<semaphore_mem>>)
          %dma_start3A_1814 = arith.constant 1 : i32
          %dma_start3A_1815 = arith.constant 0 : i32
          %dma_start3A_1816 = arith.constant 1 : i32
          %dma_start3A_1817 = arith.constant 0 : i32
          %dma_start3A_1818 = tpu.memref_slice %arg12[%dma_start3A_1816, %dma_start3A_1817] : memref<2x1024xf32, #tpu.memory_space<vmem>> -> memref<1x512xf32, #tpu.memory_space<vmem>>
          %dma_start3A_1819 = tpu.memref_squeeze %dma_start3A_1818 : memref<1x512xf32, #tpu.memory_space<vmem>> -> memref<512xf32, #tpu.memory_space<vmem>>
          %dma_start3A_1820 = tpu.memref_slice %arg5[%arg0, %dma_start3A_1814, %dma_start3A_1815, %add3A_1787] : memref<2x2x2x147456xf32, #tpu.memory_space<hbm>> -> memref<1x1x1x512xf32, #tpu.memory_space<hbm>>
          %dma_start3A_1821 = tpu.memref_squeeze %dma_start3A_1820 : memref<1x1x1x512xf32, #tpu.memory_space<hbm>> -> memref<512xf32, #tpu.memory_space<hbm>>
          %dma_start3A_1822 = arith.constant 0 : i32
          %dma_start3A_1823 = tpu.memref_slice %arg12[%dma_start3A_1816, %dma_start3A_1822] : memref<2x1024xf32, #tpu.memory_space<vmem>> -> memref<1x512xf32, #tpu.memory_space<vmem>>
          %dma_start3A_1824 = tpu.memref_squeeze %dma_start3A_1823 : memref<1x512xf32, #tpu.memory_space<vmem>> -> memref<512xf32, #tpu.memory_space<vmem>>
          %dma_start3A_1825 = tpu.memref_slice %arg5[%arg0, %dma_start3A_1814, %dma_start3A_1815, %add3A_1787] : memref<2x2x2x147456xf32, #tpu.memory_space<hbm>> -> memref<1x1x1x512xf32, #tpu.memory_space<hbm>>
          %dma_start3A_1826 = tpu.memref_squeeze %dma_start3A_1825 : memref<1x1x1x512xf32, #tpu.memory_space<hbm>> -> memref<512xf32, #tpu.memory_space<hbm>>
          tpu.enqueue_dma source(%dma_start3A_1826 : memref<512xf32, #tpu.memory_space<hbm>>) target(%dma_start3A_1824 : memref<512xf32, #tpu.memory_space<vmem>>) target_semaphore(%arg16 : memref<!tpu.dma_semaphore, #tpu.memory_space<semaphore_mem>>)
          %dma_start3A_1827 = arith.constant 1 : i32
          %dma_start3A_1828 = arith.constant 1 : i32
          %dma_start3A_1829 = arith.constant 1 : i32
          %dma_start3A_1830 = arith.constant 512 : i32
          %dma_start3A_1831 = tpu.memref_slice %arg12[%dma_start3A_1829, %dma_start3A_1830] : memref<2x1024xf32, #tpu.memory_space<vmem>> -> memref<1x512xf32, #tpu.memory_space<vmem>>
          %dma_start3A_1832 = tpu.memref_squeeze %dma_start3A_1831 : memref<1x512xf32, #tpu.memory_space<vmem>> -> memref<512xf32, #tpu.memory_space<vmem>>
          %dma_start3A_1833 = tpu.memref_slice %arg5[%arg0, %dma_start3A_1827, %dma_start3A_1828, %add3A_1787] : memref<2x2x2x147456xf32, #tpu.memory_space<hbm>> -> memref<1x1x1x512xf32, #tpu.memory_space<hbm>>
          %dma_start3A_1834 = tpu.memref_squeeze %dma_start3A_1833 : memref<1x1x1x512xf32, #tpu.memory_space<hbm>> -> memref<512xf32, #tpu.memory_space<hbm>>
          %dma_start3A_1835 = arith.constant 512 : i32
          %dma_start3A_1836 = tpu.memref_slice %arg12[%dma_start3A_1829, %dma_start3A_1835] : memref<2x1024xf32, #tpu.memory_space<vmem>> -> memref<1x512xf32, #tpu.memory_space<vmem>>
          %dma_start3A_1837 = tpu.memref_squeeze %dma_start3A_1836 : memref<1x512xf32, #tpu.memory_space<vmem>> -> memref<512xf32, #tpu.memory_space<vmem>>
          %dma_start3A_1838 = tpu.memref_slice %arg5[%arg0, %dma_start3A_1827, %dma_start3A_1828, %add3A_1787] : memref<2x2x2x147456xf32, #tpu.memory_space<hbm>> -> memref<1x1x1x512xf32, #tpu.memory_space<hbm>>
          %dma_start3A_1839 = tpu.memref_squeeze %dma_start3A_1838 : memref<1x1x1x512xf32, #tpu.memory_space<hbm>> -> memref<512xf32, #tpu.memory_space<hbm>>
          tpu.enqueue_dma source(%dma_start3A_1839 : memref<512xf32, #tpu.memory_space<hbm>>) target(%dma_start3A_1837 : memref<512xf32, #tpu.memory_space<vmem>>) target_semaphore(%arg16 : memref<!tpu.dma_semaphore, #tpu.memory_space<semaphore_mem>>)
        } else {
        }
        %dma_start3A_1533 = arith.constant 1 : i32
        %dma_start3A_1534 = arith.constant 0 : i32
        %dma_start3A_1535 = arith.constant 1 : i32
        %dma_start3A_1536 = arith.constant 0 : i32
        %dma_start3A_1537 = arith.constant 0 : i32
        %dma_start3A_1538 = arith.constant 0 : i32
        %dma_start3A_1539 = arith.constant 0 : i32
        %dma_start3A_1540 = tpu.memref_slice %arg14[%dma_start3A_1533, %dma_start3A_1534, %dma_start3A_1538, %dma_start3A_1539] : memref<2x4x512x8xf32, #tpu.memory_space<vmem>> -> memref<1x1x128x8xf32, #tpu.memory_space<vmem>>
        %dma_start3A_1541 = tpu.memref_squeeze %dma_start3A_1540 : memref<1x1x128x8xf32, #tpu.memory_space<vmem>> -> memref<128x8xf32, #tpu.memory_space<vmem>>
        %dma_start3A_1542 = arith.constant 0 : i32
        %dma_start3A_1543 = tpu.memref_slice %arg13[%dma_start3A_1535, %dma_start3A_1536, %dma_start3A_1537, %dma_start3A_1542] : memref<2x4x4x128xi32, #tpu.memory_space<vmem>> -> memref<1x1x1x128xi32, #tpu.memory_space<vmem>>
        %dma_start3A_1544 = tpu.memref_squeeze %dma_start3A_1543 : memref<1x1x1x128xi32, #tpu.memory_space<vmem>> -> memref<128xi32, #tpu.memory_space<vmem>>
        %dma_start3A_1545 = arith.constant 0 : i32
        %dma_start3A_1546 = arith.constant 0 : i32
        %dma_start3A_1547 = tpu.memref_slice %arg8[%dma_start3A_1545, %dma_start3A_1546] : memref<147472x8xf32, #tpu.memory_space<vmem_shared>> -> memref<147472x8xf32, #tpu.memory_space<vmem_shared>>
        tpu.enqueue_indirect_dma source(%dma_start3A_1541 : memref<128x8xf32, #tpu.memory_space<vmem>>) target(%dma_start3A_1547 : memref<147472x8xf32, #tpu.memory_space<vmem_shared>>) offsets(%dma_start3A_1544 : memref<128xi32, #tpu.memory_space<vmem>>) semaphore(%arg18 : memref<!tpu.dma_semaphore, #tpu.memory_space<semaphore_mem>>) {add = true}
        %dma_start3A_1548 = arith.constant 1 : i32
        %dma_start3A_1549 = arith.constant 0 : i32
        %dma_start3A_1550 = arith.constant 1 : i32
        %dma_start3A_1551 = arith.constant 0 : i32
        %dma_start3A_1552 = arith.constant 1 : i32
        %dma_start3A_1553 = arith.constant 128 : i32
        %dma_start3A_1554 = arith.constant 0 : i32
        %dma_start3A_1555 = tpu.memref_slice %arg14[%dma_start3A_1548, %dma_start3A_1549, %dma_start3A_1553, %dma_start3A_1554] : memref<2x4x512x8xf32, #tpu.memory_space<vmem>> -> memref<1x1x128x8xf32, #tpu.memory_space<vmem>>
        %dma_start3A_1556 = tpu.memref_squeeze %dma_start3A_1555 : memref<1x1x128x8xf32, #tpu.memory_space<vmem>> -> memref<128x8xf32, #tpu.memory_space<vmem>>
        %dma_start3A_1557 = arith.constant 0 : i32
        %dma_start3A_1558 = tpu.memref_slice %arg13[%dma_start3A_1550, %dma_start3A_1551, %dma_start3A_1552, %dma_start3A_1557] : memref<2x4x4x128xi32, #tpu.memory_space<vmem>> -> memref<1x1x1x128xi32, #tpu.memory_space<vmem>>
        %dma_start3A_1559 = tpu.memref_squeeze %dma_start3A_1558 : memref<1x1x1x128xi32, #tpu.memory_space<vmem>> -> memref<128xi32, #tpu.memory_space<vmem>>
        %dma_start3A_1560 = arith.constant 0 : i32
        %dma_start3A_1561 = arith.constant 0 : i32
        %dma_start3A_1562 = tpu.memref_slice %arg8[%dma_start3A_1560, %dma_start3A_1561] : memref<147472x8xf32, #tpu.memory_space<vmem_shared>> -> memref<147472x8xf32, #tpu.memory_space<vmem_shared>>
        tpu.enqueue_indirect_dma source(%dma_start3A_1556 : memref<128x8xf32, #tpu.memory_space<vmem>>) target(%dma_start3A_1562 : memref<147472x8xf32, #tpu.memory_space<vmem_shared>>) offsets(%dma_start3A_1559 : memref<128xi32, #tpu.memory_space<vmem>>) semaphore(%arg18 : memref<!tpu.dma_semaphore, #tpu.memory_space<semaphore_mem>>) {add = true}
        %dma_start3A_1563 = arith.constant 1 : i32
        %dma_start3A_1564 = arith.constant 0 : i32
        %dma_start3A_1565 = arith.constant 1 : i32
        %dma_start3A_1566 = arith.constant 0 : i32
        %dma_start3A_1567 = arith.constant 2 : i32
        %dma_start3A_1568 = arith.constant 256 : i32
        %dma_start3A_1569 = arith.constant 0 : i32
        %dma_start3A_1570 = tpu.memref_slice %arg14[%dma_start3A_1563, %dma_start3A_1564, %dma_start3A_1568, %dma_start3A_1569] : memref<2x4x512x8xf32, #tpu.memory_space<vmem>> -> memref<1x1x128x8xf32, #tpu.memory_space<vmem>>
        %dma_start3A_1571 = tpu.memref_squeeze %dma_start3A_1570 : memref<1x1x128x8xf32, #tpu.memory_space<vmem>> -> memref<128x8xf32, #tpu.memory_space<vmem>>
        %dma_start3A_1572 = arith.constant 0 : i32
        %dma_start3A_1573 = tpu.memref_slice %arg13[%dma_start3A_1565, %dma_start3A_1566, %dma_start3A_1567, %dma_start3A_1572] : memref<2x4x4x128xi32, #tpu.memory_space<vmem>> -> memref<1x1x1x128xi32, #tpu.memory_space<vmem>>
        %dma_start3A_1574 = tpu.memref_squeeze %dma_start3A_1573 : memref<1x1x1x128xi32, #tpu.memory_space<vmem>> -> memref<128xi32, #tpu.memory_space<vmem>>
        %dma_start3A_1575 = arith.constant 0 : i32
        %dma_start3A_1576 = arith.constant 0 : i32
        %dma_start3A_1577 = tpu.memref_slice %arg8[%dma_start3A_1575, %dma_start3A_1576] : memref<147472x8xf32, #tpu.memory_space<vmem_shared>> -> memref<147472x8xf32, #tpu.memory_space<vmem_shared>>
        tpu.enqueue_indirect_dma source(%dma_start3A_1571 : memref<128x8xf32, #tpu.memory_space<vmem>>) target(%dma_start3A_1577 : memref<147472x8xf32, #tpu.memory_space<vmem_shared>>) offsets(%dma_start3A_1574 : memref<128xi32, #tpu.memory_space<vmem>>) semaphore(%arg18 : memref<!tpu.dma_semaphore, #tpu.memory_space<semaphore_mem>>) {add = true}
        %dma_start3A_1578 = arith.constant 1 : i32
        %dma_start3A_1579 = arith.constant 0 : i32
        %dma_start3A_1580 = arith.constant 1 : i32
        %dma_start3A_1581 = arith.constant 0 : i32
        %dma_start3A_1582 = arith.constant 3 : i32
        %dma_start3A_1583 = arith.constant 384 : i32
        %dma_start3A_1584 = arith.constant 0 : i32
        %dma_start3A_1585 = tpu.memref_slice %arg14[%dma_start3A_1578, %dma_start3A_1579, %dma_start3A_1583, %dma_start3A_1584] : memref<2x4x512x8xf32, #tpu.memory_space<vmem>> -> memref<1x1x128x8xf32, #tpu.memory_space<vmem>>
        %dma_start3A_1586 = tpu.memref_squeeze %dma_start3A_1585 : memref<1x1x128x8xf32, #tpu.memory_space<vmem>> -> memref<128x8xf32, #tpu.memory_space<vmem>>
        %dma_start3A_1587 = arith.constant 0 : i32
        %dma_start3A_1588 = tpu.memref_slice %arg13[%dma_start3A_1580, %dma_start3A_1581, %dma_start3A_1582, %dma_start3A_1587] : memref<2x4x4x128xi32, #tpu.memory_space<vmem>> -> memref<1x1x1x128xi32, #tpu.memory_space<vmem>>
        %dma_start3A_1589 = tpu.memref_squeeze %dma_start3A_1588 : memref<1x1x1x128xi32, #tpu.memory_space<vmem>> -> memref<128xi32, #tpu.memory_space<vmem>>
        %dma_start3A_1590 = arith.constant 0 : i32
        %dma_start3A_1591 = arith.constant 0 : i32
        %dma_start3A_1592 = tpu.memref_slice %arg8[%dma_start3A_1590, %dma_start3A_1591] : memref<147472x8xf32, #tpu.memory_space<vmem_shared>> -> memref<147472x8xf32, #tpu.memory_space<vmem_shared>>
        tpu.enqueue_indirect_dma source(%dma_start3A_1586 : memref<128x8xf32, #tpu.memory_space<vmem>>) target(%dma_start3A_1592 : memref<147472x8xf32, #tpu.memory_space<vmem_shared>>) offsets(%dma_start3A_1589 : memref<128xi32, #tpu.memory_space<vmem>>) semaphore(%arg18 : memref<!tpu.dma_semaphore, #tpu.memory_space<semaphore_mem>>) {add = true}
        %dma_start3A_1593 = arith.constant 1 : i32
        %dma_start3A_1594 = arith.constant 1 : i32
        %dma_start3A_1595 = arith.constant 1 : i32
        %dma_start3A_1596 = arith.constant 1 : i32
        %dma_start3A_1597 = arith.constant 0 : i32
        %dma_start3A_1598 = arith.constant 0 : i32
        %dma_start3A_1599 = arith.constant 0 : i32
        %dma_start3A_1600 = tpu.memref_slice %arg14[%dma_start3A_1593, %dma_start3A_1594, %dma_start3A_1598, %dma_start3A_1599] : memref<2x4x512x8xf32, #tpu.memory_space<vmem>> -> memref<1x1x128x8xf32, #tpu.memory_space<vmem>>
        %dma_start3A_1601 = tpu.memref_squeeze %dma_start3A_1600 : memref<1x1x128x8xf32, #tpu.memory_space<vmem>> -> memref<128x8xf32, #tpu.memory_space<vmem>>
        %dma_start3A_1602 = arith.constant 0 : i32
        %dma_start3A_1603 = tpu.memref_slice %arg13[%dma_start3A_1595, %dma_start3A_1596, %dma_start3A_1597, %dma_start3A_1602] : memref<2x4x4x128xi32, #tpu.memory_space<vmem>> -> memref<1x1x1x128xi32, #tpu.memory_space<vmem>>
        %dma_start3A_1604 = tpu.memref_squeeze %dma_start3A_1603 : memref<1x1x1x128xi32, #tpu.memory_space<vmem>> -> memref<128xi32, #tpu.memory_space<vmem>>
        %dma_start3A_1605 = arith.constant 0 : i32
        %dma_start3A_1606 = arith.constant 0 : i32
        %dma_start3A_1607 = tpu.memref_slice %arg8[%dma_start3A_1605, %dma_start3A_1606] : memref<147472x8xf32, #tpu.memory_space<vmem_shared>> -> memref<147472x8xf32, #tpu.memory_space<vmem_shared>>
        tpu.enqueue_indirect_dma source(%dma_start3A_1601 : memref<128x8xf32, #tpu.memory_space<vmem>>) target(%dma_start3A_1607 : memref<147472x8xf32, #tpu.memory_space<vmem_shared>>) offsets(%dma_start3A_1604 : memref<128xi32, #tpu.memory_space<vmem>>) semaphore(%arg18 : memref<!tpu.dma_semaphore, #tpu.memory_space<semaphore_mem>>) {add = true}
        %dma_start3A_1608 = arith.constant 1 : i32
        %dma_start3A_1609 = arith.constant 1 : i32
        %dma_start3A_1610 = arith.constant 1 : i32
        %dma_start3A_1611 = arith.constant 1 : i32
        %dma_start3A_1612 = arith.constant 1 : i32
        %dma_start3A_1613 = arith.constant 128 : i32
        %dma_start3A_1614 = arith.constant 0 : i32
        %dma_start3A_1615 = tpu.memref_slice %arg14[%dma_start3A_1608, %dma_start3A_1609, %dma_start3A_1613, %dma_start3A_1614] : memref<2x4x512x8xf32, #tpu.memory_space<vmem>> -> memref<1x1x128x8xf32, #tpu.memory_space<vmem>>
        %dma_start3A_1616 = tpu.memref_squeeze %dma_start3A_1615 : memref<1x1x128x8xf32, #tpu.memory_space<vmem>> -> memref<128x8xf32, #tpu.memory_space<vmem>>
        %dma_start3A_1617 = arith.constant 0 : i32
        %dma_start3A_1618 = tpu.memref_slice %arg13[%dma_start3A_1610, %dma_start3A_1611, %dma_start3A_1612, %dma_start3A_1617] : memref<2x4x4x128xi32, #tpu.memory_space<vmem>> -> memref<1x1x1x128xi32, #tpu.memory_space<vmem>>
        %dma_start3A_1619 = tpu.memref_squeeze %dma_start3A_1618 : memref<1x1x1x128xi32, #tpu.memory_space<vmem>> -> memref<128xi32, #tpu.memory_space<vmem>>
        %dma_start3A_1620 = arith.constant 0 : i32
        %dma_start3A_1621 = arith.constant 0 : i32
        %dma_start3A_1622 = tpu.memref_slice %arg8[%dma_start3A_1620, %dma_start3A_1621] : memref<147472x8xf32, #tpu.memory_space<vmem_shared>> -> memref<147472x8xf32, #tpu.memory_space<vmem_shared>>
        tpu.enqueue_indirect_dma source(%dma_start3A_1616 : memref<128x8xf32, #tpu.memory_space<vmem>>) target(%dma_start3A_1622 : memref<147472x8xf32, #tpu.memory_space<vmem_shared>>) offsets(%dma_start3A_1619 : memref<128xi32, #tpu.memory_space<vmem>>) semaphore(%arg18 : memref<!tpu.dma_semaphore, #tpu.memory_space<semaphore_mem>>) {add = true}
        %dma_start3A_1623 = arith.constant 1 : i32
        %dma_start3A_1624 = arith.constant 1 : i32
        %dma_start3A_1625 = arith.constant 1 : i32
        %dma_start3A_1626 = arith.constant 1 : i32
        %dma_start3A_1627 = arith.constant 2 : i32
        %dma_start3A_1628 = arith.constant 256 : i32
        %dma_start3A_1629 = arith.constant 0 : i32
        %dma_start3A_1630 = tpu.memref_slice %arg14[%dma_start3A_1623, %dma_start3A_1624, %dma_start3A_1628, %dma_start3A_1629] : memref<2x4x512x8xf32, #tpu.memory_space<vmem>> -> memref<1x1x128x8xf32, #tpu.memory_space<vmem>>
        %dma_start3A_1631 = tpu.memref_squeeze %dma_start3A_1630 : memref<1x1x128x8xf32, #tpu.memory_space<vmem>> -> memref<128x8xf32, #tpu.memory_space<vmem>>
        %dma_start3A_1632 = arith.constant 0 : i32
        %dma_start3A_1633 = tpu.memref_slice %arg13[%dma_start3A_1625, %dma_start3A_1626, %dma_start3A_1627, %dma_start3A_1632] : memref<2x4x4x128xi32, #tpu.memory_space<vmem>> -> memref<1x1x1x128xi32, #tpu.memory_space<vmem>>
        %dma_start3A_1634 = tpu.memref_squeeze %dma_start3A_1633 : memref<1x1x1x128xi32, #tpu.memory_space<vmem>> -> memref<128xi32, #tpu.memory_space<vmem>>
        %dma_start3A_1635 = arith.constant 0 : i32
        %dma_start3A_1636 = arith.constant 0 : i32
        %dma_start3A_1637 = tpu.memref_slice %arg8[%dma_start3A_1635, %dma_start3A_1636] : memref<147472x8xf32, #tpu.memory_space<vmem_shared>> -> memref<147472x8xf32, #tpu.memory_space<vmem_shared>>
        tpu.enqueue_indirect_dma source(%dma_start3A_1631 : memref<128x8xf32, #tpu.memory_space<vmem>>) target(%dma_start3A_1637 : memref<147472x8xf32, #tpu.memory_space<vmem_shared>>) offsets(%dma_start3A_1634 : memref<128xi32, #tpu.memory_space<vmem>>) semaphore(%arg18 : memref<!tpu.dma_semaphore, #tpu.memory_space<semaphore_mem>>) {add = true}
        %dma_start3A_1638 = arith.constant 1 : i32
        %dma_start3A_1639 = arith.constant 1 : i32
        %dma_start3A_1640 = arith.constant 1 : i32
        %dma_start3A_1641 = arith.constant 1 : i32
        %dma_start3A_1642 = arith.constant 3 : i32
        %dma_start3A_1643 = arith.constant 384 : i32
        %dma_start3A_1644 = arith.constant 0 : i32
        %dma_start3A_1645 = tpu.memref_slice %arg14[%dma_start3A_1638, %dma_start3A_1639, %dma_start3A_1643, %dma_start3A_1644] : memref<2x4x512x8xf32, #tpu.memory_space<vmem>> -> memref<1x1x128x8xf32, #tpu.memory_space<vmem>>
        %dma_start3A_1646 = tpu.memref_squeeze %dma_start3A_1645 : memref<1x1x128x8xf32, #tpu.memory_space<vmem>> -> memref<128x8xf32, #tpu.memory_space<vmem>>
        %dma_start3A_1647 = arith.constant 0 : i32
        %dma_start3A_1648 = tpu.memref_slice %arg13[%dma_start3A_1640, %dma_start3A_1641, %dma_start3A_1642, %dma_start3A_1647] : memref<2x4x4x128xi32, #tpu.memory_space<vmem>> -> memref<1x1x1x128xi32, #tpu.memory_space<vmem>>
        %dma_start3A_1649 = tpu.memref_squeeze %dma_start3A_1648 : memref<1x1x1x128xi32, #tpu.memory_space<vmem>> -> memref<128xi32, #tpu.memory_space<vmem>>
        %dma_start3A_1650 = arith.constant 0 : i32
        %dma_start3A_1651 = arith.constant 0 : i32
        %dma_start3A_1652 = tpu.memref_slice %arg8[%dma_start3A_1650, %dma_start3A_1651] : memref<147472x8xf32, #tpu.memory_space<vmem_shared>> -> memref<147472x8xf32, #tpu.memory_space<vmem_shared>>
        tpu.enqueue_indirect_dma source(%dma_start3A_1646 : memref<128x8xf32, #tpu.memory_space<vmem>>) target(%dma_start3A_1652 : memref<147472x8xf32, #tpu.memory_space<vmem_shared>>) offsets(%dma_start3A_1649 : memref<128xi32, #tpu.memory_space<vmem>>) semaphore(%arg18 : memref<!tpu.dma_semaphore, #tpu.memory_space<semaphore_mem>>) {add = true}
        %dma_start3A_1653 = arith.constant 1 : i32
        %dma_start3A_1654 = arith.constant 2 : i32
        %dma_start3A_1655 = arith.constant 1 : i32
        %dma_start3A_1656 = arith.constant 2 : i32
        %dma_start3A_1657 = arith.constant 0 : i32
        %dma_start3A_1658 = arith.constant 0 : i32
        %dma_start3A_1659 = arith.constant 0 : i32
        %dma_start3A_1660 = tpu.memref_slice %arg14[%dma_start3A_1653, %dma_start3A_1654, %dma_start3A_1658, %dma_start3A_1659] : memref<2x4x512x8xf32, #tpu.memory_space<vmem>> -> memref<1x1x128x8xf32, #tpu.memory_space<vmem>>
        %dma_start3A_1661 = tpu.memref_squeeze %dma_start3A_1660 : memref<1x1x128x8xf32, #tpu.memory_space<vmem>> -> memref<128x8xf32, #tpu.memory_space<vmem>>
        %dma_start3A_1662 = arith.constant 0 : i32
        %dma_start3A_1663 = tpu.memref_slice %arg13[%dma_start3A_1655, %dma_start3A_1656, %dma_start3A_1657, %dma_start3A_1662] : memref<2x4x4x128xi32, #tpu.memory_space<vmem>> -> memref<1x1x1x128xi32, #tpu.memory_space<vmem>>
        %dma_start3A_1664 = tpu.memref_squeeze %dma_start3A_1663 : memref<1x1x1x128xi32, #tpu.memory_space<vmem>> -> memref<128xi32, #tpu.memory_space<vmem>>
        %dma_start3A_1665 = arith.constant 0 : i32
        %dma_start3A_1666 = arith.constant 0 : i32
        %dma_start3A_1667 = tpu.memref_slice %arg8[%dma_start3A_1665, %dma_start3A_1666] : memref<147472x8xf32, #tpu.memory_space<vmem_shared>> -> memref<147472x8xf32, #tpu.memory_space<vmem_shared>>
        tpu.enqueue_indirect_dma source(%dma_start3A_1661 : memref<128x8xf32, #tpu.memory_space<vmem>>) target(%dma_start3A_1667 : memref<147472x8xf32, #tpu.memory_space<vmem_shared>>) offsets(%dma_start3A_1664 : memref<128xi32, #tpu.memory_space<vmem>>) semaphore(%arg18 : memref<!tpu.dma_semaphore, #tpu.memory_space<semaphore_mem>>) {add = true}
        %dma_start3A_1668 = arith.constant 1 : i32
        %dma_start3A_1669 = arith.constant 2 : i32
        %dma_start3A_1670 = arith.constant 1 : i32
        %dma_start3A_1671 = arith.constant 2 : i32
        %dma_start3A_1672 = arith.constant 1 : i32
        %dma_start3A_1673 = arith.constant 128 : i32
        %dma_start3A_1674 = arith.constant 0 : i32
        %dma_start3A_1675 = tpu.memref_slice %arg14[%dma_start3A_1668, %dma_start3A_1669, %dma_start3A_1673, %dma_start3A_1674] : memref<2x4x512x8xf32, #tpu.memory_space<vmem>> -> memref<1x1x128x8xf32, #tpu.memory_space<vmem>>
        %dma_start3A_1676 = tpu.memref_squeeze %dma_start3A_1675 : memref<1x1x128x8xf32, #tpu.memory_space<vmem>> -> memref<128x8xf32, #tpu.memory_space<vmem>>
        %dma_start3A_1677 = arith.constant 0 : i32
        %dma_start3A_1678 = tpu.memref_slice %arg13[%dma_start3A_1670, %dma_start3A_1671, %dma_start3A_1672, %dma_start3A_1677] : memref<2x4x4x128xi32, #tpu.memory_space<vmem>> -> memref<1x1x1x128xi32, #tpu.memory_space<vmem>>
        %dma_start3A_1679 = tpu.memref_squeeze %dma_start3A_1678 : memref<1x1x1x128xi32, #tpu.memory_space<vmem>> -> memref<128xi32, #tpu.memory_space<vmem>>
        %dma_start3A_1680 = arith.constant 0 : i32
        %dma_start3A_1681 = arith.constant 0 : i32
        %dma_start3A_1682 = tpu.memref_slice %arg8[%dma_start3A_1680, %dma_start3A_1681] : memref<147472x8xf32, #tpu.memory_space<vmem_shared>> -> memref<147472x8xf32, #tpu.memory_space<vmem_shared>>
        tpu.enqueue_indirect_dma source(%dma_start3A_1676 : memref<128x8xf32, #tpu.memory_space<vmem>>) target(%dma_start3A_1682 : memref<147472x8xf32, #tpu.memory_space<vmem_shared>>) offsets(%dma_start3A_1679 : memref<128xi32, #tpu.memory_space<vmem>>) semaphore(%arg18 : memref<!tpu.dma_semaphore, #tpu.memory_space<semaphore_mem>>) {add = true}
        %dma_start3A_1683 = arith.constant 1 : i32
        %dma_start3A_1684 = arith.constant 2 : i32
        %dma_start3A_1685 = arith.constant 1 : i32
        %dma_start3A_1686 = arith.constant 2 : i32
        %dma_start3A_1687 = arith.constant 2 : i32
        %dma_start3A_1688 = arith.constant 256 : i32
        %dma_start3A_1689 = arith.constant 0 : i32
        %dma_start3A_1690 = tpu.memref_slice %arg14[%dma_start3A_1683, %dma_start3A_1684, %dma_start3A_1688, %dma_start3A_1689] : memref<2x4x512x8xf32, #tpu.memory_space<vmem>> -> memref<1x1x128x8xf32, #tpu.memory_space<vmem>>
        %dma_start3A_1691 = tpu.memref_squeeze %dma_start3A_1690 : memref<1x1x128x8xf32, #tpu.memory_space<vmem>> -> memref<128x8xf32, #tpu.memory_space<vmem>>
        %dma_start3A_1692 = arith.constant 0 : i32
        %dma_start3A_1693 = tpu.memref_slice %arg13[%dma_start3A_1685, %dma_start3A_1686, %dma_start3A_1687, %dma_start3A_1692] : memref<2x4x4x128xi32, #tpu.memory_space<vmem>> -> memref<1x1x1x128xi32, #tpu.memory_space<vmem>>
        %dma_start3A_1694 = tpu.memref_squeeze %dma_start3A_1693 : memref<1x1x1x128xi32, #tpu.memory_space<vmem>> -> memref<128xi32, #tpu.memory_space<vmem>>
        %dma_start3A_1695 = arith.constant 0 : i32
        %dma_start3A_1696 = arith.constant 0 : i32
        %dma_start3A_1697 = tpu.memref_slice %arg8[%dma_start3A_1695, %dma_start3A_1696] : memref<147472x8xf32, #tpu.memory_space<vmem_shared>> -> memref<147472x8xf32, #tpu.memory_space<vmem_shared>>
        tpu.enqueue_indirect_dma source(%dma_start3A_1691 : memref<128x8xf32, #tpu.memory_space<vmem>>) target(%dma_start3A_1697 : memref<147472x8xf32, #tpu.memory_space<vmem_shared>>) offsets(%dma_start3A_1694 : memref<128xi32, #tpu.memory_space<vmem>>) semaphore(%arg18 : memref<!tpu.dma_semaphore, #tpu.memory_space<semaphore_mem>>) {add = true}
        %dma_start3A_1698 = arith.constant 1 : i32
        %dma_start3A_1699 = arith.constant 2 : i32
        %dma_start3A_1700 = arith.constant 1 : i32
        %dma_start3A_1701 = arith.constant 2 : i32
        %dma_start3A_1702 = arith.constant 3 : i32
        %dma_start3A_1703 = arith.constant 384 : i32
        %dma_start3A_1704 = arith.constant 0 : i32
        %dma_start3A_1705 = tpu.memref_slice %arg14[%dma_start3A_1698, %dma_start3A_1699, %dma_start3A_1703, %dma_start3A_1704] : memref<2x4x512x8xf32, #tpu.memory_space<vmem>> -> memref<1x1x128x8xf32, #tpu.memory_space<vmem>>
        %dma_start3A_1706 = tpu.memref_squeeze %dma_start3A_1705 : memref<1x1x128x8xf32, #tpu.memory_space<vmem>> -> memref<128x8xf32, #tpu.memory_space<vmem>>
        %dma_start3A_1707 = arith.constant 0 : i32
        %dma_start3A_1708 = tpu.memref_slice %arg13[%dma_start3A_1700, %dma_start3A_1701, %dma_start3A_1702, %dma_start3A_1707] : memref<2x4x4x128xi32, #tpu.memory_space<vmem>> -> memref<1x1x1x128xi32, #tpu.memory_space<vmem>>
        %dma_start3A_1709 = tpu.memref_squeeze %dma_start3A_1708 : memref<1x1x1x128xi32, #tpu.memory_space<vmem>> -> memref<128xi32, #tpu.memory_space<vmem>>
        %dma_start3A_1710 = arith.constant 0 : i32
        %dma_start3A_1711 = arith.constant 0 : i32
        %dma_start3A_1712 = tpu.memref_slice %arg8[%dma_start3A_1710, %dma_start3A_1711] : memref<147472x8xf32, #tpu.memory_space<vmem_shared>> -> memref<147472x8xf32, #tpu.memory_space<vmem_shared>>
        tpu.enqueue_indirect_dma source(%dma_start3A_1706 : memref<128x8xf32, #tpu.memory_space<vmem>>) target(%dma_start3A_1712 : memref<147472x8xf32, #tpu.memory_space<vmem_shared>>) offsets(%dma_start3A_1709 : memref<128xi32, #tpu.memory_space<vmem>>) semaphore(%arg18 : memref<!tpu.dma_semaphore, #tpu.memory_space<semaphore_mem>>) {add = true}
        %dma_start3A_1713 = arith.constant 1 : i32
        %dma_start3A_1714 = arith.constant 3 : i32
        %dma_start3A_1715 = arith.constant 1 : i32
        %dma_start3A_1716 = arith.constant 3 : i32
        %dma_start3A_1717 = arith.constant 0 : i32
        %dma_start3A_1718 = arith.constant 0 : i32
        %dma_start3A_1719 = arith.constant 0 : i32
        %dma_start3A_1720 = tpu.memref_slice %arg14[%dma_start3A_1713, %dma_start3A_1714, %dma_start3A_1718, %dma_start3A_1719] : memref<2x4x512x8xf32, #tpu.memory_space<vmem>> -> memref<1x1x128x8xf32, #tpu.memory_space<vmem>>
        %dma_start3A_1721 = tpu.memref_squeeze %dma_start3A_1720 : memref<1x1x128x8xf32, #tpu.memory_space<vmem>> -> memref<128x8xf32, #tpu.memory_space<vmem>>
        %dma_start3A_1722 = arith.constant 0 : i32
        %dma_start3A_1723 = tpu.memref_slice %arg13[%dma_start3A_1715, %dma_start3A_1716, %dma_start3A_1717, %dma_start3A_1722] : memref<2x4x4x128xi32, #tpu.memory_space<vmem>> -> memref<1x1x1x128xi32, #tpu.memory_space<vmem>>
        %dma_start3A_1724 = tpu.memref_squeeze %dma_start3A_1723 : memref<1x1x1x128xi32, #tpu.memory_space<vmem>> -> memref<128xi32, #tpu.memory_space<vmem>>
        %dma_start3A_1725 = arith.constant 0 : i32
        %dma_start3A_1726 = arith.constant 0 : i32
        %dma_start3A_1727 = tpu.memref_slice %arg8[%dma_start3A_1725, %dma_start3A_1726] : memref<147472x8xf32, #tpu.memory_space<vmem_shared>> -> memref<147472x8xf32, #tpu.memory_space<vmem_shared>>
        tpu.enqueue_indirect_dma source(%dma_start3A_1721 : memref<128x8xf32, #tpu.memory_space<vmem>>) target(%dma_start3A_1727 : memref<147472x8xf32, #tpu.memory_space<vmem_shared>>) offsets(%dma_start3A_1724 : memref<128xi32, #tpu.memory_space<vmem>>) semaphore(%arg18 : memref<!tpu.dma_semaphore, #tpu.memory_space<semaphore_mem>>) {add = true}
        %dma_start3A_1728 = arith.constant 1 : i32
        %dma_start3A_1729 = arith.constant 3 : i32
        %dma_start3A_1730 = arith.constant 1 : i32
        %dma_start3A_1731 = arith.constant 3 : i32
        %dma_start3A_1732 = arith.constant 1 : i32
        %dma_start3A_1733 = arith.constant 128 : i32
        %dma_start3A_1734 = arith.constant 0 : i32
        %dma_start3A_1735 = tpu.memref_slice %arg14[%dma_start3A_1728, %dma_start3A_1729, %dma_start3A_1733, %dma_start3A_1734] : memref<2x4x512x8xf32, #tpu.memory_space<vmem>> -> memref<1x1x128x8xf32, #tpu.memory_space<vmem>>
        %dma_start3A_1736 = tpu.memref_squeeze %dma_start3A_1735 : memref<1x1x128x8xf32, #tpu.memory_space<vmem>> -> memref<128x8xf32, #tpu.memory_space<vmem>>
        %dma_start3A_1737 = arith.constant 0 : i32
        %dma_start3A_1738 = tpu.memref_slice %arg13[%dma_start3A_1730, %dma_start3A_1731, %dma_start3A_1732, %dma_start3A_1737] : memref<2x4x4x128xi32, #tpu.memory_space<vmem>> -> memref<1x1x1x128xi32, #tpu.memory_space<vmem>>
        %dma_start3A_1739 = tpu.memref_squeeze %dma_start3A_1738 : memref<1x1x1x128xi32, #tpu.memory_space<vmem>> -> memref<128xi32, #tpu.memory_space<vmem>>
        %dma_start3A_1740 = arith.constant 0 : i32
        %dma_start3A_1741 = arith.constant 0 : i32
        %dma_start3A_1742 = tpu.memref_slice %arg8[%dma_start3A_1740, %dma_start3A_1741] : memref<147472x8xf32, #tpu.memory_space<vmem_shared>> -> memref<147472x8xf32, #tpu.memory_space<vmem_shared>>
        tpu.enqueue_indirect_dma source(%dma_start3A_1736 : memref<128x8xf32, #tpu.memory_space<vmem>>) target(%dma_start3A_1742 : memref<147472x8xf32, #tpu.memory_space<vmem_shared>>) offsets(%dma_start3A_1739 : memref<128xi32, #tpu.memory_space<vmem>>) semaphore(%arg18 : memref<!tpu.dma_semaphore, #tpu.memory_space<semaphore_mem>>) {add = true}
        %dma_start3A_1743 = arith.constant 1 : i32
        %dma_start3A_1744 = arith.constant 3 : i32
        %dma_start3A_1745 = arith.constant 1 : i32
        %dma_start3A_1746 = arith.constant 3 : i32
        %dma_start3A_1747 = arith.constant 2 : i32
        %dma_start3A_1748 = arith.constant 256 : i32
        %dma_start3A_1749 = arith.constant 0 : i32
        %dma_start3A_1750 = tpu.memref_slice %arg14[%dma_start3A_1743, %dma_start3A_1744, %dma_start3A_1748, %dma_start3A_1749] : memref<2x4x512x8xf32, #tpu.memory_space<vmem>> -> memref<1x1x128x8xf32, #tpu.memory_space<vmem>>
        %dma_start3A_1751 = tpu.memref_squeeze %dma_start3A_1750 : memref<1x1x128x8xf32, #tpu.memory_space<vmem>> -> memref<128x8xf32, #tpu.memory_space<vmem>>
        %dma_start3A_1752 = arith.constant 0 : i32
        %dma_start3A_1753 = tpu.memref_slice %arg13[%dma_start3A_1745, %dma_start3A_1746, %dma_start3A_1747, %dma_start3A_1752] : memref<2x4x4x128xi32, #tpu.memory_space<vmem>> -> memref<1x1x1x128xi32, #tpu.memory_space<vmem>>
        %dma_start3A_1754 = tpu.memref_squeeze %dma_start3A_1753 : memref<1x1x1x128xi32, #tpu.memory_space<vmem>> -> memref<128xi32, #tpu.memory_space<vmem>>
        %dma_start3A_1755 = arith.constant 0 : i32
        %dma_start3A_1756 = arith.constant 0 : i32
        %dma_start3A_1757 = tpu.memref_slice %arg8[%dma_start3A_1755, %dma_start3A_1756] : memref<147472x8xf32, #tpu.memory_space<vmem_shared>> -> memref<147472x8xf32, #tpu.memory_space<vmem_shared>>
        tpu.enqueue_indirect_dma source(%dma_start3A_1751 : memref<128x8xf32, #tpu.memory_space<vmem>>) target(%dma_start3A_1757 : memref<147472x8xf32, #tpu.memory_space<vmem_shared>>) offsets(%dma_start3A_1754 : memref<128xi32, #tpu.memory_space<vmem>>) semaphore(%arg18 : memref<!tpu.dma_semaphore, #tpu.memory_space<semaphore_mem>>) {add = true}
        %dma_start3A_1758 = arith.constant 1 : i32
        %dma_start3A_1759 = arith.constant 3 : i32
        %dma_start3A_1760 = arith.constant 1 : i32
        %dma_start3A_1761 = arith.constant 3 : i32
        %dma_start3A_1762 = arith.constant 3 : i32
        %dma_start3A_1763 = arith.constant 384 : i32
        %dma_start3A_1764 = arith.constant 0 : i32
        %dma_start3A_1765 = tpu.memref_slice %arg14[%dma_start3A_1758, %dma_start3A_1759, %dma_start3A_1763, %dma_start3A_1764] : memref<2x4x512x8xf32, #tpu.memory_space<vmem>> -> memref<1x1x128x8xf32, #tpu.memory_space<vmem>>
        %dma_start3A_1766 = tpu.memref_squeeze %dma_start3A_1765 : memref<1x1x128x8xf32, #tpu.memory_space<vmem>> -> memref<128x8xf32, #tpu.memory_space<vmem>>
        %dma_start3A_1767 = arith.constant 0 : i32
        %dma_start3A_1768 = tpu.memref_slice %arg13[%dma_start3A_1760, %dma_start3A_1761, %dma_start3A_1762, %dma_start3A_1767] : memref<2x4x4x128xi32, #tpu.memory_space<vmem>> -> memref<1x1x1x128xi32, #tpu.memory_space<vmem>>
        %dma_start3A_1769 = tpu.memref_squeeze %dma_start3A_1768 : memref<1x1x1x128xi32, #tpu.memory_space<vmem>> -> memref<128xi32, #tpu.memory_space<vmem>>
        %dma_start3A_1770 = arith.constant 0 : i32
        %dma_start3A_1771 = arith.constant 0 : i32
        %dma_start3A_1772 = tpu.memref_slice %arg8[%dma_start3A_1770, %dma_start3A_1771] : memref<147472x8xf32, #tpu.memory_space<vmem_shared>> -> memref<147472x8xf32, #tpu.memory_space<vmem_shared>>
        tpu.enqueue_indirect_dma source(%dma_start3A_1766 : memref<128x8xf32, #tpu.memory_space<vmem>>) target(%dma_start3A_1772 : memref<147472x8xf32, #tpu.memory_space<vmem_shared>>) offsets(%dma_start3A_1769 : memref<128xi32, #tpu.memory_space<vmem>>) semaphore(%arg18 : memref<!tpu.dma_semaphore, #tpu.memory_space<semaphore_mem>>) {add = true}
      }
      %scan3A_602 = arith.constant 9 : i32
      %dma_wait3A_603 = arith.constant 0 : i32
      %dma_wait3A_604 = arith.constant 0 : i32
      %dma_wait3A_605 = arith.constant 0 : i32
      %dma_wait3A_606 = arith.constant 0 : i32
      %dma_wait3A_607 = arith.constant 0 : i32
      %dma_wait3A_608 = arith.constant 0 : i32
      %dma_wait3A_609 = arith.constant 0 : i32
      %dma_wait3A_610 = tpu.memref_slice %arg14[%dma_wait3A_603, %dma_wait3A_604, %dma_wait3A_608, %dma_wait3A_609] : memref<2x4x512x8xf32, #tpu.memory_space<vmem>> -> memref<1x1x128x8xf32, #tpu.memory_space<vmem>>
      %dma_wait3A_611 = tpu.memref_squeeze %dma_wait3A_610 : memref<1x1x128x8xf32, #tpu.memory_space<vmem>> -> memref<128x8xf32, #tpu.memory_space<vmem>>
      %dma_wait3A_612 = arith.constant 0 : i32
      %dma_wait3A_613 = tpu.memref_slice %arg13[%dma_wait3A_605, %dma_wait3A_606, %dma_wait3A_607, %dma_wait3A_612] : memref<2x4x4x128xi32, #tpu.memory_space<vmem>> -> memref<1x1x1x128xi32, #tpu.memory_space<vmem>>
      %dma_wait3A_614 = tpu.memref_squeeze %dma_wait3A_613 : memref<1x1x1x128xi32, #tpu.memory_space<vmem>> -> memref<128xi32, #tpu.memory_space<vmem>>
      %dma_wait3A_615 = arith.constant 0 : i32
      %dma_wait3A_616 = arith.constant 0 : i32
      %dma_wait3A_617 = tpu.memref_slice %arg8[%dma_wait3A_615, %dma_wait3A_616] : memref<147472x8xf32, #tpu.memory_space<vmem_shared>> -> memref<147472x8xf32, #tpu.memory_space<vmem_shared>>
      tpu.wait_indirect_dma semaphore(%arg17 : memref<!tpu.dma_semaphore, #tpu.memory_space<semaphore_mem>>) src(%dma_wait3A_611 : memref<128x8xf32, #tpu.memory_space<vmem>>) dst(%dma_wait3A_617 : memref<147472x8xf32, #tpu.memory_space<vmem_shared>>)
      %dma_wait3A_618 = arith.constant 0 : i32
      %dma_wait3A_619 = arith.constant 0 : i32
      %dma_wait3A_620 = arith.constant 0 : i32
      %dma_wait3A_621 = arith.constant 0 : i32
      %dma_wait3A_622 = arith.constant 1 : i32
      %dma_wait3A_623 = arith.constant 128 : i32
      %dma_wait3A_624 = arith.constant 0 : i32
      %dma_wait3A_625 = tpu.memref_slice %arg14[%dma_wait3A_618, %dma_wait3A_619, %dma_wait3A_623, %dma_wait3A_624] : memref<2x4x512x8xf32, #tpu.memory_space<vmem>> -> memref<1x1x128x8xf32, #tpu.memory_space<vmem>>
      %dma_wait3A_626 = tpu.memref_squeeze %dma_wait3A_625 : memref<1x1x128x8xf32, #tpu.memory_space<vmem>> -> memref<128x8xf32, #tpu.memory_space<vmem>>
      %dma_wait3A_627 = arith.constant 0 : i32
      %dma_wait3A_628 = tpu.memref_slice %arg13[%dma_wait3A_620, %dma_wait3A_621, %dma_wait3A_622, %dma_wait3A_627] : memref<2x4x4x128xi32, #tpu.memory_space<vmem>> -> memref<1x1x1x128xi32, #tpu.memory_space<vmem>>
      %dma_wait3A_629 = tpu.memref_squeeze %dma_wait3A_628 : memref<1x1x1x128xi32, #tpu.memory_space<vmem>> -> memref<128xi32, #tpu.memory_space<vmem>>
      %dma_wait3A_630 = arith.constant 0 : i32
      %dma_wait3A_631 = arith.constant 0 : i32
      %dma_wait3A_632 = tpu.memref_slice %arg8[%dma_wait3A_630, %dma_wait3A_631] : memref<147472x8xf32, #tpu.memory_space<vmem_shared>> -> memref<147472x8xf32, #tpu.memory_space<vmem_shared>>
      tpu.wait_indirect_dma semaphore(%arg17 : memref<!tpu.dma_semaphore, #tpu.memory_space<semaphore_mem>>) src(%dma_wait3A_626 : memref<128x8xf32, #tpu.memory_space<vmem>>) dst(%dma_wait3A_632 : memref<147472x8xf32, #tpu.memory_space<vmem_shared>>)
      %dma_wait3A_633 = arith.constant 0 : i32
      %dma_wait3A_634 = arith.constant 0 : i32
      %dma_wait3A_635 = arith.constant 0 : i32
      %dma_wait3A_636 = arith.constant 0 : i32
      %dma_wait3A_637 = arith.constant 2 : i32
      %dma_wait3A_638 = arith.constant 256 : i32
      %dma_wait3A_639 = arith.constant 0 : i32
      %dma_wait3A_640 = tpu.memref_slice %arg14[%dma_wait3A_633, %dma_wait3A_634, %dma_wait3A_638, %dma_wait3A_639] : memref<2x4x512x8xf32, #tpu.memory_space<vmem>> -> memref<1x1x128x8xf32, #tpu.memory_space<vmem>>
      %dma_wait3A_641 = tpu.memref_squeeze %dma_wait3A_640 : memref<1x1x128x8xf32, #tpu.memory_space<vmem>> -> memref<128x8xf32, #tpu.memory_space<vmem>>
      %dma_wait3A_642 = arith.constant 0 : i32
      %dma_wait3A_643 = tpu.memref_slice %arg13[%dma_wait3A_635, %dma_wait3A_636, %dma_wait3A_637, %dma_wait3A_642] : memref<2x4x4x128xi32, #tpu.memory_space<vmem>> -> memref<1x1x1x128xi32, #tpu.memory_space<vmem>>
      %dma_wait3A_644 = tpu.memref_squeeze %dma_wait3A_643 : memref<1x1x1x128xi32, #tpu.memory_space<vmem>> -> memref<128xi32, #tpu.memory_space<vmem>>
      %dma_wait3A_645 = arith.constant 0 : i32
      %dma_wait3A_646 = arith.constant 0 : i32
      %dma_wait3A_647 = tpu.memref_slice %arg8[%dma_wait3A_645, %dma_wait3A_646] : memref<147472x8xf32, #tpu.memory_space<vmem_shared>> -> memref<147472x8xf32, #tpu.memory_space<vmem_shared>>
      tpu.wait_indirect_dma semaphore(%arg17 : memref<!tpu.dma_semaphore, #tpu.memory_space<semaphore_mem>>) src(%dma_wait3A_641 : memref<128x8xf32, #tpu.memory_space<vmem>>) dst(%dma_wait3A_647 : memref<147472x8xf32, #tpu.memory_space<vmem_shared>>)
      %dma_wait3A_648 = arith.constant 0 : i32
      %dma_wait3A_649 = arith.constant 0 : i32
      %dma_wait3A_650 = arith.constant 0 : i32
      %dma_wait3A_651 = arith.constant 0 : i32
      %dma_wait3A_652 = arith.constant 3 : i32
      %dma_wait3A_653 = arith.constant 384 : i32
      %dma_wait3A_654 = arith.constant 0 : i32
      %dma_wait3A_655 = tpu.memref_slice %arg14[%dma_wait3A_648, %dma_wait3A_649, %dma_wait3A_653, %dma_wait3A_654] : memref<2x4x512x8xf32, #tpu.memory_space<vmem>> -> memref<1x1x128x8xf32, #tpu.memory_space<vmem>>
      %dma_wait3A_656 = tpu.memref_squeeze %dma_wait3A_655 : memref<1x1x128x8xf32, #tpu.memory_space<vmem>> -> memref<128x8xf32, #tpu.memory_space<vmem>>
      %dma_wait3A_657 = arith.constant 0 : i32
      %dma_wait3A_658 = tpu.memref_slice %arg13[%dma_wait3A_650, %dma_wait3A_651, %dma_wait3A_652, %dma_wait3A_657] : memref<2x4x4x128xi32, #tpu.memory_space<vmem>> -> memref<1x1x1x128xi32, #tpu.memory_space<vmem>>
      %dma_wait3A_659 = tpu.memref_squeeze %dma_wait3A_658 : memref<1x1x1x128xi32, #tpu.memory_space<vmem>> -> memref<128xi32, #tpu.memory_space<vmem>>
      %dma_wait3A_660 = arith.constant 0 : i32
      %dma_wait3A_661 = arith.constant 0 : i32
      %dma_wait3A_662 = tpu.memref_slice %arg8[%dma_wait3A_660, %dma_wait3A_661] : memref<147472x8xf32, #tpu.memory_space<vmem_shared>> -> memref<147472x8xf32, #tpu.memory_space<vmem_shared>>
      tpu.wait_indirect_dma semaphore(%arg17 : memref<!tpu.dma_semaphore, #tpu.memory_space<semaphore_mem>>) src(%dma_wait3A_656 : memref<128x8xf32, #tpu.memory_space<vmem>>) dst(%dma_wait3A_662 : memref<147472x8xf32, #tpu.memory_space<vmem_shared>>)
      %dma_wait3A_663 = arith.constant 0 : i32
      %dma_wait3A_664 = arith.constant 1 : i32
      %dma_wait3A_665 = arith.constant 0 : i32
      %dma_wait3A_666 = arith.constant 1 : i32
      %dma_wait3A_667 = arith.constant 0 : i32
      %dma_wait3A_668 = arith.constant 0 : i32
      %dma_wait3A_669 = arith.constant 0 : i32
      %dma_wait3A_670 = tpu.memref_slice %arg14[%dma_wait3A_663, %dma_wait3A_664, %dma_wait3A_668, %dma_wait3A_669] : memref<2x4x512x8xf32, #tpu.memory_space<vmem>> -> memref<1x1x128x8xf32, #tpu.memory_space<vmem>>
      %dma_wait3A_671 = tpu.memref_squeeze %dma_wait3A_670 : memref<1x1x128x8xf32, #tpu.memory_space<vmem>> -> memref<128x8xf32, #tpu.memory_space<vmem>>
      %dma_wait3A_672 = arith.constant 0 : i32
      %dma_wait3A_673 = tpu.memref_slice %arg13[%dma_wait3A_665, %dma_wait3A_666, %dma_wait3A_667, %dma_wait3A_672] : memref<2x4x4x128xi32, #tpu.memory_space<vmem>> -> memref<1x1x1x128xi32, #tpu.memory_space<vmem>>
      %dma_wait3A_674 = tpu.memref_squeeze %dma_wait3A_673 : memref<1x1x1x128xi32, #tpu.memory_space<vmem>> -> memref<128xi32, #tpu.memory_space<vmem>>
      %dma_wait3A_675 = arith.constant 0 : i32
      %dma_wait3A_676 = arith.constant 0 : i32
      %dma_wait3A_677 = tpu.memref_slice %arg8[%dma_wait3A_675, %dma_wait3A_676] : memref<147472x8xf32, #tpu.memory_space<vmem_shared>> -> memref<147472x8xf32, #tpu.memory_space<vmem_shared>>
      tpu.wait_indirect_dma semaphore(%arg17 : memref<!tpu.dma_semaphore, #tpu.memory_space<semaphore_mem>>) src(%dma_wait3A_671 : memref<128x8xf32, #tpu.memory_space<vmem>>) dst(%dma_wait3A_677 : memref<147472x8xf32, #tpu.memory_space<vmem_shared>>)
      %dma_wait3A_678 = arith.constant 0 : i32
      %dma_wait3A_679 = arith.constant 1 : i32
      %dma_wait3A_680 = arith.constant 0 : i32
      %dma_wait3A_681 = arith.constant 1 : i32
      %dma_wait3A_682 = arith.constant 1 : i32
      %dma_wait3A_683 = arith.constant 128 : i32
      %dma_wait3A_684 = arith.constant 0 : i32
      %dma_wait3A_685 = tpu.memref_slice %arg14[%dma_wait3A_678, %dma_wait3A_679, %dma_wait3A_683, %dma_wait3A_684] : memref<2x4x512x8xf32, #tpu.memory_space<vmem>> -> memref<1x1x128x8xf32, #tpu.memory_space<vmem>>
      %dma_wait3A_686 = tpu.memref_squeeze %dma_wait3A_685 : memref<1x1x128x8xf32, #tpu.memory_space<vmem>> -> memref<128x8xf32, #tpu.memory_space<vmem>>
      %dma_wait3A_687 = arith.constant 0 : i32
      %dma_wait3A_688 = tpu.memref_slice %arg13[%dma_wait3A_680, %dma_wait3A_681, %dma_wait3A_682, %dma_wait3A_687] : memref<2x4x4x128xi32, #tpu.memory_space<vmem>> -> memref<1x1x1x128xi32, #tpu.memory_space<vmem>>
      %dma_wait3A_689 = tpu.memref_squeeze %dma_wait3A_688 : memref<1x1x1x128xi32, #tpu.memory_space<vmem>> -> memref<128xi32, #tpu.memory_space<vmem>>
      %dma_wait3A_690 = arith.constant 0 : i32
      %dma_wait3A_691 = arith.constant 0 : i32
      %dma_wait3A_692 = tpu.memref_slice %arg8[%dma_wait3A_690, %dma_wait3A_691] : memref<147472x8xf32, #tpu.memory_space<vmem_shared>> -> memref<147472x8xf32, #tpu.memory_space<vmem_shared>>
      tpu.wait_indirect_dma semaphore(%arg17 : memref<!tpu.dma_semaphore, #tpu.memory_space<semaphore_mem>>) src(%dma_wait3A_686 : memref<128x8xf32, #tpu.memory_space<vmem>>) dst(%dma_wait3A_692 : memref<147472x8xf32, #tpu.memory_space<vmem_shared>>)
      %dma_wait3A_693 = arith.constant 0 : i32
      %dma_wait3A_694 = arith.constant 1 : i32
      %dma_wait3A_695 = arith.constant 0 : i32
      %dma_wait3A_696 = arith.constant 1 : i32
      %dma_wait3A_697 = arith.constant 2 : i32
      %dma_wait3A_698 = arith.constant 256 : i32
      %dma_wait3A_699 = arith.constant 0 : i32
      %dma_wait3A_700 = tpu.memref_slice %arg14[%dma_wait3A_693, %dma_wait3A_694, %dma_wait3A_698, %dma_wait3A_699] : memref<2x4x512x8xf32, #tpu.memory_space<vmem>> -> memref<1x1x128x8xf32, #tpu.memory_space<vmem>>
      %dma_wait3A_701 = tpu.memref_squeeze %dma_wait3A_700 : memref<1x1x128x8xf32, #tpu.memory_space<vmem>> -> memref<128x8xf32, #tpu.memory_space<vmem>>
      %dma_wait3A_702 = arith.constant 0 : i32
      %dma_wait3A_703 = tpu.memref_slice %arg13[%dma_wait3A_695, %dma_wait3A_696, %dma_wait3A_697, %dma_wait3A_702] : memref<2x4x4x128xi32, #tpu.memory_space<vmem>> -> memref<1x1x1x128xi32, #tpu.memory_space<vmem>>
      %dma_wait3A_704 = tpu.memref_squeeze %dma_wait3A_703 : memref<1x1x1x128xi32, #tpu.memory_space<vmem>> -> memref<128xi32, #tpu.memory_space<vmem>>
      %dma_wait3A_705 = arith.constant 0 : i32
      %dma_wait3A_706 = arith.constant 0 : i32
      %dma_wait3A_707 = tpu.memref_slice %arg8[%dma_wait3A_705, %dma_wait3A_706] : memref<147472x8xf32, #tpu.memory_space<vmem_shared>> -> memref<147472x8xf32, #tpu.memory_space<vmem_shared>>
      tpu.wait_indirect_dma semaphore(%arg17 : memref<!tpu.dma_semaphore, #tpu.memory_space<semaphore_mem>>) src(%dma_wait3A_701 : memref<128x8xf32, #tpu.memory_space<vmem>>) dst(%dma_wait3A_707 : memref<147472x8xf32, #tpu.memory_space<vmem_shared>>)
      %dma_wait3A_708 = arith.constant 0 : i32
      %dma_wait3A_709 = arith.constant 1 : i32
      %dma_wait3A_710 = arith.constant 0 : i32
      %dma_wait3A_711 = arith.constant 1 : i32
      %dma_wait3A_712 = arith.constant 3 : i32
      %dma_wait3A_713 = arith.constant 384 : i32
      %dma_wait3A_714 = arith.constant 0 : i32
      %dma_wait3A_715 = tpu.memref_slice %arg14[%dma_wait3A_708, %dma_wait3A_709, %dma_wait3A_713, %dma_wait3A_714] : memref<2x4x512x8xf32, #tpu.memory_space<vmem>> -> memref<1x1x128x8xf32, #tpu.memory_space<vmem>>
      %dma_wait3A_716 = tpu.memref_squeeze %dma_wait3A_715 : memref<1x1x128x8xf32, #tpu.memory_space<vmem>> -> memref<128x8xf32, #tpu.memory_space<vmem>>
      %dma_wait3A_717 = arith.constant 0 : i32
      %dma_wait3A_718 = tpu.memref_slice %arg13[%dma_wait3A_710, %dma_wait3A_711, %dma_wait3A_712, %dma_wait3A_717] : memref<2x4x4x128xi32, #tpu.memory_space<vmem>> -> memref<1x1x1x128xi32, #tpu.memory_space<vmem>>
      %dma_wait3A_719 = tpu.memref_squeeze %dma_wait3A_718 : memref<1x1x1x128xi32, #tpu.memory_space<vmem>> -> memref<128xi32, #tpu.memory_space<vmem>>
      %dma_wait3A_720 = arith.constant 0 : i32
      %dma_wait3A_721 = arith.constant 0 : i32
      %dma_wait3A_722 = tpu.memref_slice %arg8[%dma_wait3A_720, %dma_wait3A_721] : memref<147472x8xf32, #tpu.memory_space<vmem_shared>> -> memref<147472x8xf32, #tpu.memory_space<vmem_shared>>
      tpu.wait_indirect_dma semaphore(%arg17 : memref<!tpu.dma_semaphore, #tpu.memory_space<semaphore_mem>>) src(%dma_wait3A_716 : memref<128x8xf32, #tpu.memory_space<vmem>>) dst(%dma_wait3A_722 : memref<147472x8xf32, #tpu.memory_space<vmem_shared>>)
      %dma_wait3A_723 = arith.constant 0 : i32
      %dma_wait3A_724 = arith.constant 2 : i32
      %dma_wait3A_725 = arith.constant 0 : i32
      %dma_wait3A_726 = arith.constant 2 : i32
      %dma_wait3A_727 = arith.constant 0 : i32
      %dma_wait3A_728 = arith.constant 0 : i32
      %dma_wait3A_729 = arith.constant 0 : i32
      %dma_wait3A_730 = tpu.memref_slice %arg14[%dma_wait3A_723, %dma_wait3A_724, %dma_wait3A_728, %dma_wait3A_729] : memref<2x4x512x8xf32, #tpu.memory_space<vmem>> -> memref<1x1x128x8xf32, #tpu.memory_space<vmem>>
      %dma_wait3A_731 = tpu.memref_squeeze %dma_wait3A_730 : memref<1x1x128x8xf32, #tpu.memory_space<vmem>> -> memref<128x8xf32, #tpu.memory_space<vmem>>
      %dma_wait3A_732 = arith.constant 0 : i32
      %dma_wait3A_733 = tpu.memref_slice %arg13[%dma_wait3A_725, %dma_wait3A_726, %dma_wait3A_727, %dma_wait3A_732] : memref<2x4x4x128xi32, #tpu.memory_space<vmem>> -> memref<1x1x1x128xi32, #tpu.memory_space<vmem>>
      %dma_wait3A_734 = tpu.memref_squeeze %dma_wait3A_733 : memref<1x1x1x128xi32, #tpu.memory_space<vmem>> -> memref<128xi32, #tpu.memory_space<vmem>>
      %dma_wait3A_735 = arith.constant 0 : i32
      %dma_wait3A_736 = arith.constant 0 : i32
      %dma_wait3A_737 = tpu.memref_slice %arg8[%dma_wait3A_735, %dma_wait3A_736] : memref<147472x8xf32, #tpu.memory_space<vmem_shared>> -> memref<147472x8xf32, #tpu.memory_space<vmem_shared>>
      tpu.wait_indirect_dma semaphore(%arg17 : memref<!tpu.dma_semaphore, #tpu.memory_space<semaphore_mem>>) src(%dma_wait3A_731 : memref<128x8xf32, #tpu.memory_space<vmem>>) dst(%dma_wait3A_737 : memref<147472x8xf32, #tpu.memory_space<vmem_shared>>)
      %dma_wait3A_738 = arith.constant 0 : i32
      %dma_wait3A_739 = arith.constant 2 : i32
      %dma_wait3A_740 = arith.constant 0 : i32
      %dma_wait3A_741 = arith.constant 2 : i32
      %dma_wait3A_742 = arith.constant 1 : i32
      %dma_wait3A_743 = arith.constant 128 : i32
      %dma_wait3A_744 = arith.constant 0 : i32
      %dma_wait3A_745 = tpu.memref_slice %arg14[%dma_wait3A_738, %dma_wait3A_739, %dma_wait3A_743, %dma_wait3A_744] : memref<2x4x512x8xf32, #tpu.memory_space<vmem>> -> memref<1x1x128x8xf32, #tpu.memory_space<vmem>>
      %dma_wait3A_746 = tpu.memref_squeeze %dma_wait3A_745 : memref<1x1x128x8xf32, #tpu.memory_space<vmem>> -> memref<128x8xf32, #tpu.memory_space<vmem>>
      %dma_wait3A_747 = arith.constant 0 : i32
      %dma_wait3A_748 = tpu.memref_slice %arg13[%dma_wait3A_740, %dma_wait3A_741, %dma_wait3A_742, %dma_wait3A_747] : memref<2x4x4x128xi32, #tpu.memory_space<vmem>> -> memref<1x1x1x128xi32, #tpu.memory_space<vmem>>
      %dma_wait3A_749 = tpu.memref_squeeze %dma_wait3A_748 : memref<1x1x1x128xi32, #tpu.memory_space<vmem>> -> memref<128xi32, #tpu.memory_space<vmem>>
      %dma_wait3A_750 = arith.constant 0 : i32
      %dma_wait3A_751 = arith.constant 0 : i32
      %dma_wait3A_752 = tpu.memref_slice %arg8[%dma_wait3A_750, %dma_wait3A_751] : memref<147472x8xf32, #tpu.memory_space<vmem_shared>> -> memref<147472x8xf32, #tpu.memory_space<vmem_shared>>
      tpu.wait_indirect_dma semaphore(%arg17 : memref<!tpu.dma_semaphore, #tpu.memory_space<semaphore_mem>>) src(%dma_wait3A_746 : memref<128x8xf32, #tpu.memory_space<vmem>>) dst(%dma_wait3A_752 : memref<147472x8xf32, #tpu.memory_space<vmem_shared>>)
      %dma_wait3A_753 = arith.constant 0 : i32
      %dma_wait3A_754 = arith.constant 2 : i32
      %dma_wait3A_755 = arith.constant 0 : i32
      %dma_wait3A_756 = arith.constant 2 : i32
      %dma_wait3A_757 = arith.constant 2 : i32
      %dma_wait3A_758 = arith.constant 256 : i32
      %dma_wait3A_759 = arith.constant 0 : i32
      %dma_wait3A_760 = tpu.memref_slice %arg14[%dma_wait3A_753, %dma_wait3A_754, %dma_wait3A_758, %dma_wait3A_759] : memref<2x4x512x8xf32, #tpu.memory_space<vmem>> -> memref<1x1x128x8xf32, #tpu.memory_space<vmem>>
      %dma_wait3A_761 = tpu.memref_squeeze %dma_wait3A_760 : memref<1x1x128x8xf32, #tpu.memory_space<vmem>> -> memref<128x8xf32, #tpu.memory_space<vmem>>
      %dma_wait3A_762 = arith.constant 0 : i32
      %dma_wait3A_763 = tpu.memref_slice %arg13[%dma_wait3A_755, %dma_wait3A_756, %dma_wait3A_757, %dma_wait3A_762] : memref<2x4x4x128xi32, #tpu.memory_space<vmem>> -> memref<1x1x1x128xi32, #tpu.memory_space<vmem>>
      %dma_wait3A_764 = tpu.memref_squeeze %dma_wait3A_763 : memref<1x1x1x128xi32, #tpu.memory_space<vmem>> -> memref<128xi32, #tpu.memory_space<vmem>>
      %dma_wait3A_765 = arith.constant 0 : i32
      %dma_wait3A_766 = arith.constant 0 : i32
      %dma_wait3A_767 = tpu.memref_slice %arg8[%dma_wait3A_765, %dma_wait3A_766] : memref<147472x8xf32, #tpu.memory_space<vmem_shared>> -> memref<147472x8xf32, #tpu.memory_space<vmem_shared>>
      tpu.wait_indirect_dma semaphore(%arg17 : memref<!tpu.dma_semaphore, #tpu.memory_space<semaphore_mem>>) src(%dma_wait3A_761 : memref<128x8xf32, #tpu.memory_space<vmem>>) dst(%dma_wait3A_767 : memref<147472x8xf32, #tpu.memory_space<vmem_shared>>)
      %dma_wait3A_768 = arith.constant 0 : i32
      %dma_wait3A_769 = arith.constant 2 : i32
      %dma_wait3A_770 = arith.constant 0 : i32
      %dma_wait3A_771 = arith.constant 2 : i32
      %dma_wait3A_772 = arith.constant 3 : i32
      %dma_wait3A_773 = arith.constant 384 : i32
      %dma_wait3A_774 = arith.constant 0 : i32
      %dma_wait3A_775 = tpu.memref_slice %arg14[%dma_wait3A_768, %dma_wait3A_769, %dma_wait3A_773, %dma_wait3A_774] : memref<2x4x512x8xf32, #tpu.memory_space<vmem>> -> memref<1x1x128x8xf32, #tpu.memory_space<vmem>>
      %dma_wait3A_776 = tpu.memref_squeeze %dma_wait3A_775 : memref<1x1x128x8xf32, #tpu.memory_space<vmem>> -> memref<128x8xf32, #tpu.memory_space<vmem>>
      %dma_wait3A_777 = arith.constant 0 : i32
      %dma_wait3A_778 = tpu.memref_slice %arg13[%dma_wait3A_770, %dma_wait3A_771, %dma_wait3A_772, %dma_wait3A_777] : memref<2x4x4x128xi32, #tpu.memory_space<vmem>> -> memref<1x1x1x128xi32, #tpu.memory_space<vmem>>
      %dma_wait3A_779 = tpu.memref_squeeze %dma_wait3A_778 : memref<1x1x1x128xi32, #tpu.memory_space<vmem>> -> memref<128xi32, #tpu.memory_space<vmem>>
      %dma_wait3A_780 = arith.constant 0 : i32
      %dma_wait3A_781 = arith.constant 0 : i32
      %dma_wait3A_782 = tpu.memref_slice %arg8[%dma_wait3A_780, %dma_wait3A_781] : memref<147472x8xf32, #tpu.memory_space<vmem_shared>> -> memref<147472x8xf32, #tpu.memory_space<vmem_shared>>
      tpu.wait_indirect_dma semaphore(%arg17 : memref<!tpu.dma_semaphore, #tpu.memory_space<semaphore_mem>>) src(%dma_wait3A_776 : memref<128x8xf32, #tpu.memory_space<vmem>>) dst(%dma_wait3A_782 : memref<147472x8xf32, #tpu.memory_space<vmem_shared>>)
      %dma_wait3A_783 = arith.constant 0 : i32
      %dma_wait3A_784 = arith.constant 3 : i32
      %dma_wait3A_785 = arith.constant 0 : i32
      %dma_wait3A_786 = arith.constant 3 : i32
      %dma_wait3A_787 = arith.constant 0 : i32
      %dma_wait3A_788 = arith.constant 0 : i32
      %dma_wait3A_789 = arith.constant 0 : i32
      %dma_wait3A_790 = tpu.memref_slice %arg14[%dma_wait3A_783, %dma_wait3A_784, %dma_wait3A_788, %dma_wait3A_789] : memref<2x4x512x8xf32, #tpu.memory_space<vmem>> -> memref<1x1x128x8xf32, #tpu.memory_space<vmem>>
      %dma_wait3A_791 = tpu.memref_squeeze %dma_wait3A_790 : memref<1x1x128x8xf32, #tpu.memory_space<vmem>> -> memref<128x8xf32, #tpu.memory_space<vmem>>
      %dma_wait3A_792 = arith.constant 0 : i32
      %dma_wait3A_793 = tpu.memref_slice %arg13[%dma_wait3A_785, %dma_wait3A_786, %dma_wait3A_787, %dma_wait3A_792] : memref<2x4x4x128xi32, #tpu.memory_space<vmem>> -> memref<1x1x1x128xi32, #tpu.memory_space<vmem>>
      %dma_wait3A_794 = tpu.memref_squeeze %dma_wait3A_793 : memref<1x1x1x128xi32, #tpu.memory_space<vmem>> -> memref<128xi32, #tpu.memory_space<vmem>>
      %dma_wait3A_795 = arith.constant 0 : i32
      %dma_wait3A_796 = arith.constant 0 : i32
      %dma_wait3A_797 = tpu.memref_slice %arg8[%dma_wait3A_795, %dma_wait3A_796] : memref<147472x8xf32, #tpu.memory_space<vmem_shared>> -> memref<147472x8xf32, #tpu.memory_space<vmem_shared>>
      tpu.wait_indirect_dma semaphore(%arg17 : memref<!tpu.dma_semaphore, #tpu.memory_space<semaphore_mem>>) src(%dma_wait3A_791 : memref<128x8xf32, #tpu.memory_space<vmem>>) dst(%dma_wait3A_797 : memref<147472x8xf32, #tpu.memory_space<vmem_shared>>)
      %dma_wait3A_798 = arith.constant 0 : i32
      %dma_wait3A_799 = arith.constant 3 : i32
      %dma_wait3A_800 = arith.constant 0 : i32
      %dma_wait3A_801 = arith.constant 3 : i32
      %dma_wait3A_802 = arith.constant 1 : i32
      %dma_wait3A_803 = arith.constant 128 : i32
      %dma_wait3A_804 = arith.constant 0 : i32
      %dma_wait3A_805 = tpu.memref_slice %arg14[%dma_wait3A_798, %dma_wait3A_799, %dma_wait3A_803, %dma_wait3A_804] : memref<2x4x512x8xf32, #tpu.memory_space<vmem>> -> memref<1x1x128x8xf32, #tpu.memory_space<vmem>>
      %dma_wait3A_806 = tpu.memref_squeeze %dma_wait3A_805 : memref<1x1x128x8xf32, #tpu.memory_space<vmem>> -> memref<128x8xf32, #tpu.memory_space<vmem>>
      %dma_wait3A_807 = arith.constant 0 : i32
      %dma_wait3A_808 = tpu.memref_slice %arg13[%dma_wait3A_800, %dma_wait3A_801, %dma_wait3A_802, %dma_wait3A_807] : memref<2x4x4x128xi32, #tpu.memory_space<vmem>> -> memref<1x1x1x128xi32, #tpu.memory_space<vmem>>
      %dma_wait3A_809 = tpu.memref_squeeze %dma_wait3A_808 : memref<1x1x1x128xi32, #tpu.memory_space<vmem>> -> memref<128xi32, #tpu.memory_space<vmem>>
      %dma_wait3A_810 = arith.constant 0 : i32
      %dma_wait3A_811 = arith.constant 0 : i32
      %dma_wait3A_812 = tpu.memref_slice %arg8[%dma_wait3A_810, %dma_wait3A_811] : memref<147472x8xf32, #tpu.memory_space<vmem_shared>> -> memref<147472x8xf32, #tpu.memory_space<vmem_shared>>
      tpu.wait_indirect_dma semaphore(%arg17 : memref<!tpu.dma_semaphore, #tpu.memory_space<semaphore_mem>>) src(%dma_wait3A_806 : memref<128x8xf32, #tpu.memory_space<vmem>>) dst(%dma_wait3A_812 : memref<147472x8xf32, #tpu.memory_space<vmem_shared>>)
      %dma_wait3A_813 = arith.constant 0 : i32
      %dma_wait3A_814 = arith.constant 3 : i32
      %dma_wait3A_815 = arith.constant 0 : i32
      %dma_wait3A_816 = arith.constant 3 : i32
      %dma_wait3A_817 = arith.constant 2 : i32
      %dma_wait3A_818 = arith.constant 256 : i32
      %dma_wait3A_819 = arith.constant 0 : i32
      %dma_wait3A_820 = tpu.memref_slice %arg14[%dma_wait3A_813, %dma_wait3A_814, %dma_wait3A_818, %dma_wait3A_819] : memref<2x4x512x8xf32, #tpu.memory_space<vmem>> -> memref<1x1x128x8xf32, #tpu.memory_space<vmem>>
      %dma_wait3A_821 = tpu.memref_squeeze %dma_wait3A_820 : memref<1x1x128x8xf32, #tpu.memory_space<vmem>> -> memref<128x8xf32, #tpu.memory_space<vmem>>
      %dma_wait3A_822 = arith.constant 0 : i32
      %dma_wait3A_823 = tpu.memref_slice %arg13[%dma_wait3A_815, %dma_wait3A_816, %dma_wait3A_817, %dma_wait3A_822] : memref<2x4x4x128xi32, #tpu.memory_space<vmem>> -> memref<1x1x1x128xi32, #tpu.memory_space<vmem>>
      %dma_wait3A_824 = tpu.memref_squeeze %dma_wait3A_823 : memref<1x1x1x128xi32, #tpu.memory_space<vmem>> -> memref<128xi32, #tpu.memory_space<vmem>>
      %dma_wait3A_825 = arith.constant 0 : i32
      %dma_wait3A_826 = arith.constant 0 : i32
      %dma_wait3A_827 = tpu.memref_slice %arg8[%dma_wait3A_825, %dma_wait3A_826] : memref<147472x8xf32, #tpu.memory_space<vmem_shared>> -> memref<147472x8xf32, #tpu.memory_space<vmem_shared>>
      tpu.wait_indirect_dma semaphore(%arg17 : memref<!tpu.dma_semaphore, #tpu.memory_space<semaphore_mem>>) src(%dma_wait3A_821 : memref<128x8xf32, #tpu.memory_space<vmem>>) dst(%dma_wait3A_827 : memref<147472x8xf32, #tpu.memory_space<vmem_shared>>)
      %dma_wait3A_828 = arith.constant 0 : i32
      %dma_wait3A_829 = arith.constant 3 : i32
      %dma_wait3A_830 = arith.constant 0 : i32
      %dma_wait3A_831 = arith.constant 3 : i32
      %dma_wait3A_832 = arith.constant 3 : i32
      %dma_wait3A_833 = arith.constant 384 : i32
      %dma_wait3A_834 = arith.constant 0 : i32
      %dma_wait3A_835 = tpu.memref_slice %arg14[%dma_wait3A_828, %dma_wait3A_829, %dma_wait3A_833, %dma_wait3A_834] : memref<2x4x512x8xf32, #tpu.memory_space<vmem>> -> memref<1x1x128x8xf32, #tpu.memory_space<vmem>>
      %dma_wait3A_836 = tpu.memref_squeeze %dma_wait3A_835 : memref<1x1x128x8xf32, #tpu.memory_space<vmem>> -> memref<128x8xf32, #tpu.memory_space<vmem>>
      %dma_wait3A_837 = arith.constant 0 : i32
      %dma_wait3A_838 = tpu.memref_slice %arg13[%dma_wait3A_830, %dma_wait3A_831, %dma_wait3A_832, %dma_wait3A_837] : memref<2x4x4x128xi32, #tpu.memory_space<vmem>> -> memref<1x1x1x128xi32, #tpu.memory_space<vmem>>
      %dma_wait3A_839 = tpu.memref_squeeze %dma_wait3A_838 : memref<1x1x1x128xi32, #tpu.memory_space<vmem>> -> memref<128xi32, #tpu.memory_space<vmem>>
      %dma_wait3A_840 = arith.constant 0 : i32
      %dma_wait3A_841 = arith.constant 0 : i32
      %dma_wait3A_842 = tpu.memref_slice %arg8[%dma_wait3A_840, %dma_wait3A_841] : memref<147472x8xf32, #tpu.memory_space<vmem_shared>> -> memref<147472x8xf32, #tpu.memory_space<vmem_shared>>
      tpu.wait_indirect_dma semaphore(%arg17 : memref<!tpu.dma_semaphore, #tpu.memory_space<semaphore_mem>>) src(%dma_wait3A_836 : memref<128x8xf32, #tpu.memory_space<vmem>>) dst(%dma_wait3A_842 : memref<147472x8xf32, #tpu.memory_space<vmem_shared>>)
      %dma_wait3A_843 = arith.constant 1 : i32
      %dma_wait3A_844 = arith.constant 0 : i32
      %dma_wait3A_845 = arith.constant 1 : i32
      %dma_wait3A_846 = arith.constant 0 : i32
      %dma_wait3A_847 = arith.constant 0 : i32
      %dma_wait3A_848 = arith.constant 0 : i32
      %dma_wait3A_849 = arith.constant 0 : i32
      %dma_wait3A_850 = tpu.memref_slice %arg14[%dma_wait3A_843, %dma_wait3A_844, %dma_wait3A_848, %dma_wait3A_849] : memref<2x4x512x8xf32, #tpu.memory_space<vmem>> -> memref<1x1x128x8xf32, #tpu.memory_space<vmem>>
      %dma_wait3A_851 = tpu.memref_squeeze %dma_wait3A_850 : memref<1x1x128x8xf32, #tpu.memory_space<vmem>> -> memref<128x8xf32, #tpu.memory_space<vmem>>
      %dma_wait3A_852 = arith.constant 0 : i32
      %dma_wait3A_853 = tpu.memref_slice %arg13[%dma_wait3A_845, %dma_wait3A_846, %dma_wait3A_847, %dma_wait3A_852] : memref<2x4x4x128xi32, #tpu.memory_space<vmem>> -> memref<1x1x1x128xi32, #tpu.memory_space<vmem>>
      %dma_wait3A_854 = tpu.memref_squeeze %dma_wait3A_853 : memref<1x1x1x128xi32, #tpu.memory_space<vmem>> -> memref<128xi32, #tpu.memory_space<vmem>>
      %dma_wait3A_855 = arith.constant 0 : i32
      %dma_wait3A_856 = arith.constant 0 : i32
      %dma_wait3A_857 = tpu.memref_slice %arg8[%dma_wait3A_855, %dma_wait3A_856] : memref<147472x8xf32, #tpu.memory_space<vmem_shared>> -> memref<147472x8xf32, #tpu.memory_space<vmem_shared>>
      tpu.wait_indirect_dma semaphore(%arg18 : memref<!tpu.dma_semaphore, #tpu.memory_space<semaphore_mem>>) src(%dma_wait3A_851 : memref<128x8xf32, #tpu.memory_space<vmem>>) dst(%dma_wait3A_857 : memref<147472x8xf32, #tpu.memory_space<vmem_shared>>)
      %dma_wait3A_858 = arith.constant 1 : i32
      %dma_wait3A_859 = arith.constant 0 : i32
      %dma_wait3A_860 = arith.constant 1 : i32
      %dma_wait3A_861 = arith.constant 0 : i32
      %dma_wait3A_862 = arith.constant 1 : i32
      %dma_wait3A_863 = arith.constant 128 : i32
      %dma_wait3A_864 = arith.constant 0 : i32
      %dma_wait3A_865 = tpu.memref_slice %arg14[%dma_wait3A_858, %dma_wait3A_859, %dma_wait3A_863, %dma_wait3A_864] : memref<2x4x512x8xf32, #tpu.memory_space<vmem>> -> memref<1x1x128x8xf32, #tpu.memory_space<vmem>>
      %dma_wait3A_866 = tpu.memref_squeeze %dma_wait3A_865 : memref<1x1x128x8xf32, #tpu.memory_space<vmem>> -> memref<128x8xf32, #tpu.memory_space<vmem>>
      %dma_wait3A_867 = arith.constant 0 : i32
      %dma_wait3A_868 = tpu.memref_slice %arg13[%dma_wait3A_860, %dma_wait3A_861, %dma_wait3A_862, %dma_wait3A_867] : memref<2x4x4x128xi32, #tpu.memory_space<vmem>> -> memref<1x1x1x128xi32, #tpu.memory_space<vmem>>
      %dma_wait3A_869 = tpu.memref_squeeze %dma_wait3A_868 : memref<1x1x1x128xi32, #tpu.memory_space<vmem>> -> memref<128xi32, #tpu.memory_space<vmem>>
      %dma_wait3A_870 = arith.constant 0 : i32
      %dma_wait3A_871 = arith.constant 0 : i32
      %dma_wait3A_872 = tpu.memref_slice %arg8[%dma_wait3A_870, %dma_wait3A_871] : memref<147472x8xf32, #tpu.memory_space<vmem_shared>> -> memref<147472x8xf32, #tpu.memory_space<vmem_shared>>
      tpu.wait_indirect_dma semaphore(%arg18 : memref<!tpu.dma_semaphore, #tpu.memory_space<semaphore_mem>>) src(%dma_wait3A_866 : memref<128x8xf32, #tpu.memory_space<vmem>>) dst(%dma_wait3A_872 : memref<147472x8xf32, #tpu.memory_space<vmem_shared>>)
      %dma_wait3A_873 = arith.constant 1 : i32
      %dma_wait3A_874 = arith.constant 0 : i32
      %dma_wait3A_875 = arith.constant 1 : i32
      %dma_wait3A_876 = arith.constant 0 : i32
      %dma_wait3A_877 = arith.constant 2 : i32
      %dma_wait3A_878 = arith.constant 256 : i32
      %dma_wait3A_879 = arith.constant 0 : i32
      %dma_wait3A_880 = tpu.memref_slice %arg14[%dma_wait3A_873, %dma_wait3A_874, %dma_wait3A_878, %dma_wait3A_879] : memref<2x4x512x8xf32, #tpu.memory_space<vmem>> -> memref<1x1x128x8xf32, #tpu.memory_space<vmem>>
      %dma_wait3A_881 = tpu.memref_squeeze %dma_wait3A_880 : memref<1x1x128x8xf32, #tpu.memory_space<vmem>> -> memref<128x8xf32, #tpu.memory_space<vmem>>
      %dma_wait3A_882 = arith.constant 0 : i32
      %dma_wait3A_883 = tpu.memref_slice %arg13[%dma_wait3A_875, %dma_wait3A_876, %dma_wait3A_877, %dma_wait3A_882] : memref<2x4x4x128xi32, #tpu.memory_space<vmem>> -> memref<1x1x1x128xi32, #tpu.memory_space<vmem>>
      %dma_wait3A_884 = tpu.memref_squeeze %dma_wait3A_883 : memref<1x1x1x128xi32, #tpu.memory_space<vmem>> -> memref<128xi32, #tpu.memory_space<vmem>>
      %dma_wait3A_885 = arith.constant 0 : i32
      %dma_wait3A_886 = arith.constant 0 : i32
      %dma_wait3A_887 = tpu.memref_slice %arg8[%dma_wait3A_885, %dma_wait3A_886] : memref<147472x8xf32, #tpu.memory_space<vmem_shared>> -> memref<147472x8xf32, #tpu.memory_space<vmem_shared>>
      tpu.wait_indirect_dma semaphore(%arg18 : memref<!tpu.dma_semaphore, #tpu.memory_space<semaphore_mem>>) src(%dma_wait3A_881 : memref<128x8xf32, #tpu.memory_space<vmem>>) dst(%dma_wait3A_887 : memref<147472x8xf32, #tpu.memory_space<vmem_shared>>)
      %dma_wait3A_888 = arith.constant 1 : i32
      %dma_wait3A_889 = arith.constant 0 : i32
      %dma_wait3A_890 = arith.constant 1 : i32
      %dma_wait3A_891 = arith.constant 0 : i32
      %dma_wait3A_892 = arith.constant 3 : i32
      %dma_wait3A_893 = arith.constant 384 : i32
      %dma_wait3A_894 = arith.constant 0 : i32
      %dma_wait3A_895 = tpu.memref_slice %arg14[%dma_wait3A_888, %dma_wait3A_889, %dma_wait3A_893, %dma_wait3A_894] : memref<2x4x512x8xf32, #tpu.memory_space<vmem>> -> memref<1x1x128x8xf32, #tpu.memory_space<vmem>>
      %dma_wait3A_896 = tpu.memref_squeeze %dma_wait3A_895 : memref<1x1x128x8xf32, #tpu.memory_space<vmem>> -> memref<128x8xf32, #tpu.memory_space<vmem>>
      %dma_wait3A_897 = arith.constant 0 : i32
      %dma_wait3A_898 = tpu.memref_slice %arg13[%dma_wait3A_890, %dma_wait3A_891, %dma_wait3A_892, %dma_wait3A_897] : memref<2x4x4x128xi32, #tpu.memory_space<vmem>> -> memref<1x1x1x128xi32, #tpu.memory_space<vmem>>
      %dma_wait3A_899 = tpu.memref_squeeze %dma_wait3A_898 : memref<1x1x1x128xi32, #tpu.memory_space<vmem>> -> memref<128xi32, #tpu.memory_space<vmem>>
      %dma_wait3A_900 = arith.constant 0 : i32
      %dma_wait3A_901 = arith.constant 0 : i32
      %dma_wait3A_902 = tpu.memref_slice %arg8[%dma_wait3A_900, %dma_wait3A_901] : memref<147472x8xf32, #tpu.memory_space<vmem_shared>> -> memref<147472x8xf32, #tpu.memory_space<vmem_shared>>
      tpu.wait_indirect_dma semaphore(%arg18 : memref<!tpu.dma_semaphore, #tpu.memory_space<semaphore_mem>>) src(%dma_wait3A_896 : memref<128x8xf32, #tpu.memory_space<vmem>>) dst(%dma_wait3A_902 : memref<147472x8xf32, #tpu.memory_space<vmem_shared>>)
      %dma_wait3A_903 = arith.constant 1 : i32
      %dma_wait3A_904 = arith.constant 1 : i32
      %dma_wait3A_905 = arith.constant 1 : i32
      %dma_wait3A_906 = arith.constant 1 : i32
      %dma_wait3A_907 = arith.constant 0 : i32
      %dma_wait3A_908 = arith.constant 0 : i32
      %dma_wait3A_909 = arith.constant 0 : i32
      %dma_wait3A_910 = tpu.memref_slice %arg14[%dma_wait3A_903, %dma_wait3A_904, %dma_wait3A_908, %dma_wait3A_909] : memref<2x4x512x8xf32, #tpu.memory_space<vmem>> -> memref<1x1x128x8xf32, #tpu.memory_space<vmem>>
      %dma_wait3A_911 = tpu.memref_squeeze %dma_wait3A_910 : memref<1x1x128x8xf32, #tpu.memory_space<vmem>> -> memref<128x8xf32, #tpu.memory_space<vmem>>
      %dma_wait3A_912 = arith.constant 0 : i32
      %dma_wait3A_913 = tpu.memref_slice %arg13[%dma_wait3A_905, %dma_wait3A_906, %dma_wait3A_907, %dma_wait3A_912] : memref<2x4x4x128xi32, #tpu.memory_space<vmem>> -> memref<1x1x1x128xi32, #tpu.memory_space<vmem>>
      %dma_wait3A_914 = tpu.memref_squeeze %dma_wait3A_913 : memref<1x1x1x128xi32, #tpu.memory_space<vmem>> -> memref<128xi32, #tpu.memory_space<vmem>>
      %dma_wait3A_915 = arith.constant 0 : i32
      %dma_wait3A_916 = arith.constant 0 : i32
      %dma_wait3A_917 = tpu.memref_slice %arg8[%dma_wait3A_915, %dma_wait3A_916] : memref<147472x8xf32, #tpu.memory_space<vmem_shared>> -> memref<147472x8xf32, #tpu.memory_space<vmem_shared>>
      tpu.wait_indirect_dma semaphore(%arg18 : memref<!tpu.dma_semaphore, #tpu.memory_space<semaphore_mem>>) src(%dma_wait3A_911 : memref<128x8xf32, #tpu.memory_space<vmem>>) dst(%dma_wait3A_917 : memref<147472x8xf32, #tpu.memory_space<vmem_shared>>)
      %dma_wait3A_918 = arith.constant 1 : i32
      %dma_wait3A_919 = arith.constant 1 : i32
      %dma_wait3A_920 = arith.constant 1 : i32
      %dma_wait3A_921 = arith.constant 1 : i32
      %dma_wait3A_922 = arith.constant 1 : i32
      %dma_wait3A_923 = arith.constant 128 : i32
      %dma_wait3A_924 = arith.constant 0 : i32
      %dma_wait3A_925 = tpu.memref_slice %arg14[%dma_wait3A_918, %dma_wait3A_919, %dma_wait3A_923, %dma_wait3A_924] : memref<2x4x512x8xf32, #tpu.memory_space<vmem>> -> memref<1x1x128x8xf32, #tpu.memory_space<vmem>>
      %dma_wait3A_926 = tpu.memref_squeeze %dma_wait3A_925 : memref<1x1x128x8xf32, #tpu.memory_space<vmem>> -> memref<128x8xf32, #tpu.memory_space<vmem>>
      %dma_wait3A_927 = arith.constant 0 : i32
      %dma_wait3A_928 = tpu.memref_slice %arg13[%dma_wait3A_920, %dma_wait3A_921, %dma_wait3A_922, %dma_wait3A_927] : memref<2x4x4x128xi32, #tpu.memory_space<vmem>> -> memref<1x1x1x128xi32, #tpu.memory_space<vmem>>
      %dma_wait3A_929 = tpu.memref_squeeze %dma_wait3A_928 : memref<1x1x1x128xi32, #tpu.memory_space<vmem>> -> memref<128xi32, #tpu.memory_space<vmem>>
      %dma_wait3A_930 = arith.constant 0 : i32
      %dma_wait3A_931 = arith.constant 0 : i32
      %dma_wait3A_932 = tpu.memref_slice %arg8[%dma_wait3A_930, %dma_wait3A_931] : memref<147472x8xf32, #tpu.memory_space<vmem_shared>> -> memref<147472x8xf32, #tpu.memory_space<vmem_shared>>
      tpu.wait_indirect_dma semaphore(%arg18 : memref<!tpu.dma_semaphore, #tpu.memory_space<semaphore_mem>>) src(%dma_wait3A_926 : memref<128x8xf32, #tpu.memory_space<vmem>>) dst(%dma_wait3A_932 : memref<147472x8xf32, #tpu.memory_space<vmem_shared>>)
      %dma_wait3A_933 = arith.constant 1 : i32
      %dma_wait3A_934 = arith.constant 1 : i32
      %dma_wait3A_935 = arith.constant 1 : i32
      %dma_wait3A_936 = arith.constant 1 : i32
      %dma_wait3A_937 = arith.constant 2 : i32
      %dma_wait3A_938 = arith.constant 256 : i32
      %dma_wait3A_939 = arith.constant 0 : i32
      %dma_wait3A_940 = tpu.memref_slice %arg14[%dma_wait3A_933, %dma_wait3A_934, %dma_wait3A_938, %dma_wait3A_939] : memref<2x4x512x8xf32, #tpu.memory_space<vmem>> -> memref<1x1x128x8xf32, #tpu.memory_space<vmem>>
      %dma_wait3A_941 = tpu.memref_squeeze %dma_wait3A_940 : memref<1x1x128x8xf32, #tpu.memory_space<vmem>> -> memref<128x8xf32, #tpu.memory_space<vmem>>
      %dma_wait3A_942 = arith.constant 0 : i32
      %dma_wait3A_943 = tpu.memref_slice %arg13[%dma_wait3A_935, %dma_wait3A_936, %dma_wait3A_937, %dma_wait3A_942] : memref<2x4x4x128xi32, #tpu.memory_space<vmem>> -> memref<1x1x1x128xi32, #tpu.memory_space<vmem>>
      %dma_wait3A_944 = tpu.memref_squeeze %dma_wait3A_943 : memref<1x1x1x128xi32, #tpu.memory_space<vmem>> -> memref<128xi32, #tpu.memory_space<vmem>>
      %dma_wait3A_945 = arith.constant 0 : i32
      %dma_wait3A_946 = arith.constant 0 : i32
      %dma_wait3A_947 = tpu.memref_slice %arg8[%dma_wait3A_945, %dma_wait3A_946] : memref<147472x8xf32, #tpu.memory_space<vmem_shared>> -> memref<147472x8xf32, #tpu.memory_space<vmem_shared>>
      tpu.wait_indirect_dma semaphore(%arg18 : memref<!tpu.dma_semaphore, #tpu.memory_space<semaphore_mem>>) src(%dma_wait3A_941 : memref<128x8xf32, #tpu.memory_space<vmem>>) dst(%dma_wait3A_947 : memref<147472x8xf32, #tpu.memory_space<vmem_shared>>)
      %dma_wait3A_948 = arith.constant 1 : i32
      %dma_wait3A_949 = arith.constant 1 : i32
      %dma_wait3A_950 = arith.constant 1 : i32
      %dma_wait3A_951 = arith.constant 1 : i32
      %dma_wait3A_952 = arith.constant 3 : i32
      %dma_wait3A_953 = arith.constant 384 : i32
      %dma_wait3A_954 = arith.constant 0 : i32
      %dma_wait3A_955 = tpu.memref_slice %arg14[%dma_wait3A_948, %dma_wait3A_949, %dma_wait3A_953, %dma_wait3A_954] : memref<2x4x512x8xf32, #tpu.memory_space<vmem>> -> memref<1x1x128x8xf32, #tpu.memory_space<vmem>>
      %dma_wait3A_956 = tpu.memref_squeeze %dma_wait3A_955 : memref<1x1x128x8xf32, #tpu.memory_space<vmem>> -> memref<128x8xf32, #tpu.memory_space<vmem>>
      %dma_wait3A_957 = arith.constant 0 : i32
      %dma_wait3A_958 = tpu.memref_slice %arg13[%dma_wait3A_950, %dma_wait3A_951, %dma_wait3A_952, %dma_wait3A_957] : memref<2x4x4x128xi32, #tpu.memory_space<vmem>> -> memref<1x1x1x128xi32, #tpu.memory_space<vmem>>
      %dma_wait3A_959 = tpu.memref_squeeze %dma_wait3A_958 : memref<1x1x1x128xi32, #tpu.memory_space<vmem>> -> memref<128xi32, #tpu.memory_space<vmem>>
      %dma_wait3A_960 = arith.constant 0 : i32
      %dma_wait3A_961 = arith.constant 0 : i32
      %dma_wait3A_962 = tpu.memref_slice %arg8[%dma_wait3A_960, %dma_wait3A_961] : memref<147472x8xf32, #tpu.memory_space<vmem_shared>> -> memref<147472x8xf32, #tpu.memory_space<vmem_shared>>
      tpu.wait_indirect_dma semaphore(%arg18 : memref<!tpu.dma_semaphore, #tpu.memory_space<semaphore_mem>>) src(%dma_wait3A_956 : memref<128x8xf32, #tpu.memory_space<vmem>>) dst(%dma_wait3A_962 : memref<147472x8xf32, #tpu.memory_space<vmem_shared>>)
      %dma_wait3A_963 = arith.constant 1 : i32
      %dma_wait3A_964 = arith.constant 2 : i32
      %dma_wait3A_965 = arith.constant 1 : i32
      %dma_wait3A_966 = arith.constant 2 : i32
      %dma_wait3A_967 = arith.constant 0 : i32
      %dma_wait3A_968 = arith.constant 0 : i32
      %dma_wait3A_969 = arith.constant 0 : i32
      %dma_wait3A_970 = tpu.memref_slice %arg14[%dma_wait3A_963, %dma_wait3A_964, %dma_wait3A_968, %dma_wait3A_969] : memref<2x4x512x8xf32, #tpu.memory_space<vmem>> -> memref<1x1x128x8xf32, #tpu.memory_space<vmem>>
      %dma_wait3A_971 = tpu.memref_squeeze %dma_wait3A_970 : memref<1x1x128x8xf32, #tpu.memory_space<vmem>> -> memref<128x8xf32, #tpu.memory_space<vmem>>
      %dma_wait3A_972 = arith.constant 0 : i32
      %dma_wait3A_973 = tpu.memref_slice %arg13[%dma_wait3A_965, %dma_wait3A_966, %dma_wait3A_967, %dma_wait3A_972] : memref<2x4x4x128xi32, #tpu.memory_space<vmem>> -> memref<1x1x1x128xi32, #tpu.memory_space<vmem>>
      %dma_wait3A_974 = tpu.memref_squeeze %dma_wait3A_973 : memref<1x1x1x128xi32, #tpu.memory_space<vmem>> -> memref<128xi32, #tpu.memory_space<vmem>>
      %dma_wait3A_975 = arith.constant 0 : i32
      %dma_wait3A_976 = arith.constant 0 : i32
      %dma_wait3A_977 = tpu.memref_slice %arg8[%dma_wait3A_975, %dma_wait3A_976] : memref<147472x8xf32, #tpu.memory_space<vmem_shared>> -> memref<147472x8xf32, #tpu.memory_space<vmem_shared>>
      tpu.wait_indirect_dma semaphore(%arg18 : memref<!tpu.dma_semaphore, #tpu.memory_space<semaphore_mem>>) src(%dma_wait3A_971 : memref<128x8xf32, #tpu.memory_space<vmem>>) dst(%dma_wait3A_977 : memref<147472x8xf32, #tpu.memory_space<vmem_shared>>)
      %dma_wait3A_978 = arith.constant 1 : i32
      %dma_wait3A_979 = arith.constant 2 : i32
      %dma_wait3A_980 = arith.constant 1 : i32
      %dma_wait3A_981 = arith.constant 2 : i32
      %dma_wait3A_982 = arith.constant 1 : i32
      %dma_wait3A_983 = arith.constant 128 : i32
      %dma_wait3A_984 = arith.constant 0 : i32
      %dma_wait3A_985 = tpu.memref_slice %arg14[%dma_wait3A_978, %dma_wait3A_979, %dma_wait3A_983, %dma_wait3A_984] : memref<2x4x512x8xf32, #tpu.memory_space<vmem>> -> memref<1x1x128x8xf32, #tpu.memory_space<vmem>>
      %dma_wait3A_986 = tpu.memref_squeeze %dma_wait3A_985 : memref<1x1x128x8xf32, #tpu.memory_space<vmem>> -> memref<128x8xf32, #tpu.memory_space<vmem>>
      %dma_wait3A_987 = arith.constant 0 : i32
      %dma_wait3A_988 = tpu.memref_slice %arg13[%dma_wait3A_980, %dma_wait3A_981, %dma_wait3A_982, %dma_wait3A_987] : memref<2x4x4x128xi32, #tpu.memory_space<vmem>> -> memref<1x1x1x128xi32, #tpu.memory_space<vmem>>
      %dma_wait3A_989 = tpu.memref_squeeze %dma_wait3A_988 : memref<1x1x1x128xi32, #tpu.memory_space<vmem>> -> memref<128xi32, #tpu.memory_space<vmem>>
      %dma_wait3A_990 = arith.constant 0 : i32
      %dma_wait3A_991 = arith.constant 0 : i32
      %dma_wait3A_992 = tpu.memref_slice %arg8[%dma_wait3A_990, %dma_wait3A_991] : memref<147472x8xf32, #tpu.memory_space<vmem_shared>> -> memref<147472x8xf32, #tpu.memory_space<vmem_shared>>
      tpu.wait_indirect_dma semaphore(%arg18 : memref<!tpu.dma_semaphore, #tpu.memory_space<semaphore_mem>>) src(%dma_wait3A_986 : memref<128x8xf32, #tpu.memory_space<vmem>>) dst(%dma_wait3A_992 : memref<147472x8xf32, #tpu.memory_space<vmem_shared>>)
      %dma_wait3A_993 = arith.constant 1 : i32
      %dma_wait3A_994 = arith.constant 2 : i32
      %dma_wait3A_995 = arith.constant 1 : i32
      %dma_wait3A_996 = arith.constant 2 : i32
      %dma_wait3A_997 = arith.constant 2 : i32
      %dma_wait3A_998 = arith.constant 256 : i32
      %dma_wait3A_999 = arith.constant 0 : i32
      %dma_wait3A_1000 = tpu.memref_slice %arg14[%dma_wait3A_993, %dma_wait3A_994, %dma_wait3A_998, %dma_wait3A_999] : memref<2x4x512x8xf32, #tpu.memory_space<vmem>> -> memref<1x1x128x8xf32, #tpu.memory_space<vmem>>
      %dma_wait3A_1001 = tpu.memref_squeeze %dma_wait3A_1000 : memref<1x1x128x8xf32, #tpu.memory_space<vmem>> -> memref<128x8xf32, #tpu.memory_space<vmem>>
      %dma_wait3A_1002 = arith.constant 0 : i32
      %dma_wait3A_1003 = tpu.memref_slice %arg13[%dma_wait3A_995, %dma_wait3A_996, %dma_wait3A_997, %dma_wait3A_1002] : memref<2x4x4x128xi32, #tpu.memory_space<vmem>> -> memref<1x1x1x128xi32, #tpu.memory_space<vmem>>
      %dma_wait3A_1004 = tpu.memref_squeeze %dma_wait3A_1003 : memref<1x1x1x128xi32, #tpu.memory_space<vmem>> -> memref<128xi32, #tpu.memory_space<vmem>>
      %dma_wait3A_1005 = arith.constant 0 : i32
      %dma_wait3A_1006 = arith.constant 0 : i32
      %dma_wait3A_1007 = tpu.memref_slice %arg8[%dma_wait3A_1005, %dma_wait3A_1006] : memref<147472x8xf32, #tpu.memory_space<vmem_shared>> -> memref<147472x8xf32, #tpu.memory_space<vmem_shared>>
      tpu.wait_indirect_dma semaphore(%arg18 : memref<!tpu.dma_semaphore, #tpu.memory_space<semaphore_mem>>) src(%dma_wait3A_1001 : memref<128x8xf32, #tpu.memory_space<vmem>>) dst(%dma_wait3A_1007 : memref<147472x8xf32, #tpu.memory_space<vmem_shared>>)
      %dma_wait3A_1008 = arith.constant 1 : i32
      %dma_wait3A_1009 = arith.constant 2 : i32
      %dma_wait3A_1010 = arith.constant 1 : i32
      %dma_wait3A_1011 = arith.constant 2 : i32
      %dma_wait3A_1012 = arith.constant 3 : i32
      %dma_wait3A_1013 = arith.constant 384 : i32
      %dma_wait3A_1014 = arith.constant 0 : i32
      %dma_wait3A_1015 = tpu.memref_slice %arg14[%dma_wait3A_1008, %dma_wait3A_1009, %dma_wait3A_1013, %dma_wait3A_1014] : memref<2x4x512x8xf32, #tpu.memory_space<vmem>> -> memref<1x1x128x8xf32, #tpu.memory_space<vmem>>
      %dma_wait3A_1016 = tpu.memref_squeeze %dma_wait3A_1015 : memref<1x1x128x8xf32, #tpu.memory_space<vmem>> -> memref<128x8xf32, #tpu.memory_space<vmem>>
      %dma_wait3A_1017 = arith.constant 0 : i32
      %dma_wait3A_1018 = tpu.memref_slice %arg13[%dma_wait3A_1010, %dma_wait3A_1011, %dma_wait3A_1012, %dma_wait3A_1017] : memref<2x4x4x128xi32, #tpu.memory_space<vmem>> -> memref<1x1x1x128xi32, #tpu.memory_space<vmem>>
      %dma_wait3A_1019 = tpu.memref_squeeze %dma_wait3A_1018 : memref<1x1x1x128xi32, #tpu.memory_space<vmem>> -> memref<128xi32, #tpu.memory_space<vmem>>
      %dma_wait3A_1020 = arith.constant 0 : i32
      %dma_wait3A_1021 = arith.constant 0 : i32
      %dma_wait3A_1022 = tpu.memref_slice %arg8[%dma_wait3A_1020, %dma_wait3A_1021] : memref<147472x8xf32, #tpu.memory_space<vmem_shared>> -> memref<147472x8xf32, #tpu.memory_space<vmem_shared>>
      tpu.wait_indirect_dma semaphore(%arg18 : memref<!tpu.dma_semaphore, #tpu.memory_space<semaphore_mem>>) src(%dma_wait3A_1016 : memref<128x8xf32, #tpu.memory_space<vmem>>) dst(%dma_wait3A_1022 : memref<147472x8xf32, #tpu.memory_space<vmem_shared>>)
      %dma_wait3A_1023 = arith.constant 1 : i32
      %dma_wait3A_1024 = arith.constant 3 : i32
      %dma_wait3A_1025 = arith.constant 1 : i32
      %dma_wait3A_1026 = arith.constant 3 : i32
      %dma_wait3A_1027 = arith.constant 0 : i32
      %dma_wait3A_1028 = arith.constant 0 : i32
      %dma_wait3A_1029 = arith.constant 0 : i32
      %dma_wait3A_1030 = tpu.memref_slice %arg14[%dma_wait3A_1023, %dma_wait3A_1024, %dma_wait3A_1028, %dma_wait3A_1029] : memref<2x4x512x8xf32, #tpu.memory_space<vmem>> -> memref<1x1x128x8xf32, #tpu.memory_space<vmem>>
      %dma_wait3A_1031 = tpu.memref_squeeze %dma_wait3A_1030 : memref<1x1x128x8xf32, #tpu.memory_space<vmem>> -> memref<128x8xf32, #tpu.memory_space<vmem>>
      %dma_wait3A_1032 = arith.constant 0 : i32
      %dma_wait3A_1033 = tpu.memref_slice %arg13[%dma_wait3A_1025, %dma_wait3A_1026, %dma_wait3A_1027, %dma_wait3A_1032] : memref<2x4x4x128xi32, #tpu.memory_space<vmem>> -> memref<1x1x1x128xi32, #tpu.memory_space<vmem>>
      %dma_wait3A_1034 = tpu.memref_squeeze %dma_wait3A_1033 : memref<1x1x1x128xi32, #tpu.memory_space<vmem>> -> memref<128xi32, #tpu.memory_space<vmem>>
      %dma_wait3A_1035 = arith.constant 0 : i32
      %dma_wait3A_1036 = arith.constant 0 : i32
      %dma_wait3A_1037 = tpu.memref_slice %arg8[%dma_wait3A_1035, %dma_wait3A_1036] : memref<147472x8xf32, #tpu.memory_space<vmem_shared>> -> memref<147472x8xf32, #tpu.memory_space<vmem_shared>>
      tpu.wait_indirect_dma semaphore(%arg18 : memref<!tpu.dma_semaphore, #tpu.memory_space<semaphore_mem>>) src(%dma_wait3A_1031 : memref<128x8xf32, #tpu.memory_space<vmem>>) dst(%dma_wait3A_1037 : memref<147472x8xf32, #tpu.memory_space<vmem_shared>>)
      %dma_wait3A_1038 = arith.constant 1 : i32
      %dma_wait3A_1039 = arith.constant 3 : i32
      %dma_wait3A_1040 = arith.constant 1 : i32
      %dma_wait3A_1041 = arith.constant 3 : i32
      %dma_wait3A_1042 = arith.constant 1 : i32
      %dma_wait3A_1043 = arith.constant 128 : i32
      %dma_wait3A_1044 = arith.constant 0 : i32
      %dma_wait3A_1045 = tpu.memref_slice %arg14[%dma_wait3A_1038, %dma_wait3A_1039, %dma_wait3A_1043, %dma_wait3A_1044] : memref<2x4x512x8xf32, #tpu.memory_space<vmem>> -> memref<1x1x128x8xf32, #tpu.memory_space<vmem>>
      %dma_wait3A_1046 = tpu.memref_squeeze %dma_wait3A_1045 : memref<1x1x128x8xf32, #tpu.memory_space<vmem>> -> memref<128x8xf32, #tpu.memory_space<vmem>>
      %dma_wait3A_1047 = arith.constant 0 : i32
      %dma_wait3A_1048 = tpu.memref_slice %arg13[%dma_wait3A_1040, %dma_wait3A_1041, %dma_wait3A_1042, %dma_wait3A_1047] : memref<2x4x4x128xi32, #tpu.memory_space<vmem>> -> memref<1x1x1x128xi32, #tpu.memory_space<vmem>>
      %dma_wait3A_1049 = tpu.memref_squeeze %dma_wait3A_1048 : memref<1x1x1x128xi32, #tpu.memory_space<vmem>> -> memref<128xi32, #tpu.memory_space<vmem>>
      %dma_wait3A_1050 = arith.constant 0 : i32
      %dma_wait3A_1051 = arith.constant 0 : i32
      %dma_wait3A_1052 = tpu.memref_slice %arg8[%dma_wait3A_1050, %dma_wait3A_1051] : memref<147472x8xf32, #tpu.memory_space<vmem_shared>> -> memref<147472x8xf32, #tpu.memory_space<vmem_shared>>
      tpu.wait_indirect_dma semaphore(%arg18 : memref<!tpu.dma_semaphore, #tpu.memory_space<semaphore_mem>>) src(%dma_wait3A_1046 : memref<128x8xf32, #tpu.memory_space<vmem>>) dst(%dma_wait3A_1052 : memref<147472x8xf32, #tpu.memory_space<vmem_shared>>)
      %dma_wait3A_1053 = arith.constant 1 : i32
      %dma_wait3A_1054 = arith.constant 3 : i32
      %dma_wait3A_1055 = arith.constant 1 : i32
      %dma_wait3A_1056 = arith.constant 3 : i32
      %dma_wait3A_1057 = arith.constant 2 : i32
      %dma_wait3A_1058 = arith.constant 256 : i32
      %dma_wait3A_1059 = arith.constant 0 : i32
      %dma_wait3A_1060 = tpu.memref_slice %arg14[%dma_wait3A_1053, %dma_wait3A_1054, %dma_wait3A_1058, %dma_wait3A_1059] : memref<2x4x512x8xf32, #tpu.memory_space<vmem>> -> memref<1x1x128x8xf32, #tpu.memory_space<vmem>>
      %dma_wait3A_1061 = tpu.memref_squeeze %dma_wait3A_1060 : memref<1x1x128x8xf32, #tpu.memory_space<vmem>> -> memref<128x8xf32, #tpu.memory_space<vmem>>
      %dma_wait3A_1062 = arith.constant 0 : i32
      %dma_wait3A_1063 = tpu.memref_slice %arg13[%dma_wait3A_1055, %dma_wait3A_1056, %dma_wait3A_1057, %dma_wait3A_1062] : memref<2x4x4x128xi32, #tpu.memory_space<vmem>> -> memref<1x1x1x128xi32, #tpu.memory_space<vmem>>
      %dma_wait3A_1064 = tpu.memref_squeeze %dma_wait3A_1063 : memref<1x1x1x128xi32, #tpu.memory_space<vmem>> -> memref<128xi32, #tpu.memory_space<vmem>>
      %dma_wait3A_1065 = arith.constant 0 : i32
      %dma_wait3A_1066 = arith.constant 0 : i32
      %dma_wait3A_1067 = tpu.memref_slice %arg8[%dma_wait3A_1065, %dma_wait3A_1066] : memref<147472x8xf32, #tpu.memory_space<vmem_shared>> -> memref<147472x8xf32, #tpu.memory_space<vmem_shared>>
      tpu.wait_indirect_dma semaphore(%arg18 : memref<!tpu.dma_semaphore, #tpu.memory_space<semaphore_mem>>) src(%dma_wait3A_1061 : memref<128x8xf32, #tpu.memory_space<vmem>>) dst(%dma_wait3A_1067 : memref<147472x8xf32, #tpu.memory_space<vmem_shared>>)
      %dma_wait3A_1068 = arith.constant 1 : i32
      %dma_wait3A_1069 = arith.constant 3 : i32
      %dma_wait3A_1070 = arith.constant 1 : i32
      %dma_wait3A_1071 = arith.constant 3 : i32
      %dma_wait3A_1072 = arith.constant 3 : i32
      %dma_wait3A_1073 = arith.constant 384 : i32
      %dma_wait3A_1074 = arith.constant 0 : i32
      %dma_wait3A_1075 = tpu.memref_slice %arg14[%dma_wait3A_1068, %dma_wait3A_1069, %dma_wait3A_1073, %dma_wait3A_1074] : memref<2x4x512x8xf32, #tpu.memory_space<vmem>> -> memref<1x1x128x8xf32, #tpu.memory_space<vmem>>
      %dma_wait3A_1076 = tpu.memref_squeeze %dma_wait3A_1075 : memref<1x1x128x8xf32, #tpu.memory_space<vmem>> -> memref<128x8xf32, #tpu.memory_space<vmem>>
      %dma_wait3A_1077 = arith.constant 0 : i32
      %dma_wait3A_1078 = tpu.memref_slice %arg13[%dma_wait3A_1070, %dma_wait3A_1071, %dma_wait3A_1072, %dma_wait3A_1077] : memref<2x4x4x128xi32, #tpu.memory_space<vmem>> -> memref<1x1x1x128xi32, #tpu.memory_space<vmem>>
      %dma_wait3A_1079 = tpu.memref_squeeze %dma_wait3A_1078 : memref<1x1x1x128xi32, #tpu.memory_space<vmem>> -> memref<128xi32, #tpu.memory_space<vmem>>
      %dma_wait3A_1080 = arith.constant 0 : i32
      %dma_wait3A_1081 = arith.constant 0 : i32
      %dma_wait3A_1082 = tpu.memref_slice %arg8[%dma_wait3A_1080, %dma_wait3A_1081] : memref<147472x8xf32, #tpu.memory_space<vmem_shared>> -> memref<147472x8xf32, #tpu.memory_space<vmem_shared>>
      tpu.wait_indirect_dma semaphore(%arg18 : memref<!tpu.dma_semaphore, #tpu.memory_space<semaphore_mem>>) src(%dma_wait3A_1076 : memref<128x8xf32, #tpu.memory_space<vmem>>) dst(%dma_wait3A_1082 : memref<147472x8xf32, #tpu.memory_space<vmem_shared>>)
      %barrier3A_1083 = arith.constant 0 : index
      tpu.barrier barrier_id(%barrier3A_1083)
      %mul3A_1084 = arith.constant 9216 : i32
      %mul3A_1085 = arith.muli %arg1, %mul3A_1084 : i32
      %add3A_1086 = arith.constant 8 : i32
      %add3A_1087 = arith.addi %add3A_1086, %mul3A_1085 : i32
      "tpu.region"() ({
        %run_scoped3A = tpu.sem_alloc : memref<!tpu.dma_semaphore, #tpu.memory_space<semaphore_mem>>
        %dma_start3A_1089 = arith.constant 0 : i32
        %dma_start3A_1090 = tpu.memref_slice %arg7[%add3A_17, %mul3A_1085, %dma_start3A_1089] : memref<26x147456x8xf32, #tpu.memory_space<hbm>> -> memref<1x9216x8xf32, #tpu.memory_space<hbm>>
        %dma_start3A_1091 = tpu.memref_squeeze %dma_start3A_1090 : memref<1x9216x8xf32, #tpu.memory_space<hbm>> -> memref<9216x8xf32, #tpu.memory_space<hbm>>
        %dma_start3A_1092 = arith.constant 0 : i32
        %dma_start3A_1093 = tpu.memref_slice %arg8[%add3A_1087, %dma_start3A_1092] : memref<147472x8xf32, #tpu.memory_space<vmem_shared>> -> memref<9216x8xf32, #tpu.memory_space<vmem_shared>>
        tpu.enqueue_dma source(%dma_start3A_1093 : memref<9216x8xf32, #tpu.memory_space<vmem_shared>>) target(%dma_start3A_1091 : memref<9216x8xf32, #tpu.memory_space<hbm>>) target_semaphore(%run_scoped3A : memref<!tpu.dma_semaphore, #tpu.memory_space<semaphore_mem>>)
        %dma_wait3A_1094 = arith.constant 0 : i32
        %dma_wait3A_1095 = tpu.memref_slice %arg7[%add3A_17, %mul3A_1085, %dma_wait3A_1094] : memref<26x147456x8xf32, #tpu.memory_space<hbm>> -> memref<1x9216x8xf32, #tpu.memory_space<hbm>>
        %dma_wait3A_1096 = tpu.memref_squeeze %dma_wait3A_1095 : memref<1x9216x8xf32, #tpu.memory_space<hbm>> -> memref<9216x8xf32, #tpu.memory_space<hbm>>
        %dma_wait3A_1097 = arith.constant 0 : i32
        %dma_wait3A_1098 = tpu.memref_slice %arg8[%add3A_1087, %dma_wait3A_1097] : memref<147472x8xf32, #tpu.memory_space<vmem_shared>> -> memref<9216x8xf32, #tpu.memory_space<vmem_shared>>
        tpu.wait_dma2 semaphore(%run_scoped3A : memref<!tpu.dma_semaphore, #tpu.memory_space<semaphore_mem>>) src(%dma_wait3A_1098 : memref<9216x8xf32, #tpu.memory_space<vmem_shared>>) dst(%dma_wait3A_1096 : memref<9216x8xf32, #tpu.memory_space<hbm>>)
        tpu.yield
      }) : () -> ()
      %barrier3A_1088 = arith.constant 0 : index
      tpu.barrier barrier_id(%barrier3A_1088)
    }
    %scan3A_10 = arith.constant 13 : i32
    return
  }
}

module attributes {stable_mosaic.version = 14 : i64} {
  func.func @_p2_body(%arg0: i32, %arg1: i32, %arg2: memref<1x2x8x384xf32, #tpu.memory_space<vmem>>, %arg3: memref<1x1x8x384xf32, #tpu.memory_space<vmem>>, %arg4: memref<1x4x8x384xi32, #tpu.memory_space<vmem>>, %arg5: memref<1x4x8x384xf32, #tpu.memory_space<vmem>>) attributes {dimension_semantics = [#tpu.dimension_semantics<arbitrary>, #tpu.dimension_semantics<arbitrary>], iteration_bounds = array<i64: 2, 48>, scalar_prefetch = 0 : i64, scratch_operands = 0 : i64, tpu.core_type = #tpu.core_type<tc>, window_params = [{transform_indices = @transform_0, window_bounds = array<i64: 1, 2, 8, 384>}, {transform_indices = @transform_1, window_bounds = array<i64: 1, 1, 8, 384>}, {transform_indices = @transform_2, window_bounds = array<i64: 1, 4, 8, 384>}, {transform_indices = @transform_3, window_bounds = array<i64: 1, 4, 8, 384>}]} {
    %get3A = arith.constant 0 : index
    %get3A_0 = arith.constant 0 : index
    %get3A_1 = arith.constant 0 : index
    %get3A_2 = arith.constant 0 : index
    %get3A_3 = vector.load %arg2[%get3A, %get3A_0, %get3A_1, %get3A_2] : memref<1x2x8x384xf32, #tpu.memory_space<vmem>>, vector<1x1x8x384xf32>
    %get3A_4 = vector.shape_cast %get3A_3 : vector<1x1x8x384xf32> to vector<8x384xf32>
    %get3A_5 = arith.constant 0 : index
    %get3A_6 = arith.constant 1 : index
    %get3A_7 = arith.constant 0 : index
    %get3A_8 = arith.constant 0 : index
    %get3A_9 = vector.load %arg2[%get3A_5, %get3A_6, %get3A_7, %get3A_8] : memref<1x2x8x384xf32, #tpu.memory_space<vmem>>, vector<1x1x8x384xf32>
    %get3A_10 = vector.shape_cast %get3A_9 : vector<1x1x8x384xf32> to vector<8x384xf32>
    %get3A_11 = arith.constant 0 : index
    %get3A_12 = arith.constant 0 : index
    %get3A_13 = arith.constant 0 : index
    %get3A_14 = arith.constant 0 : index
    %get3A_15 = vector.load %arg3[%get3A_11, %get3A_12, %get3A_13, %get3A_14] : memref<1x1x8x384xf32, #tpu.memory_space<vmem>>, vector<1x1x8x384xf32>
    %get3A_16 = vector.shape_cast %get3A_15 : vector<1x1x8x384xf32> to vector<8x384xf32>
    %exp3A = math.exp %get3A_16 : vector<8x384xf32>
    %mul3A = arith.constant 8 : i32
    %mul3A_17 = arith.muli %arg1, %mul3A : i32
    %iota3A = tpu.iota {dimensions = array<i32: 0>} : vector<8x384xi32>
    %add3A = vector.broadcast %mul3A_17 : i32 to vector<8x384xi32>
    %add3A_18 = arith.addi %iota3A, %add3A : vector<8x384xi32>
    %iota3A_19 = tpu.iota {dimensions = array<i32: 1>} : vector<8x384xi32>
    %convert_element_type3A = arith.sitofp %add3A_18 : vector<8x384xi32> to vector<8x384xf32>
    %convert_element_type3A_20 = arith.sitofp %iota3A_19 : vector<8x384xi32> to vector<8x384xf32>
    %add3A_21 = arith.addf %convert_element_type3A_20, %get3A_4 : vector<8x384xf32>
    %add3A_22 = arith.addf %convert_element_type3A, %get3A_10 : vector<8x384xf32>
    %floor3A = math.floor %add3A_21 : vector<8x384xf32>
    %floor3A_23 = math.floor %add3A_22 : vector<8x384xf32>
    %add3A_24 = arith.constant 1.000000e+00 : f32
    %add3A_25 = vector.broadcast %add3A_24 : f32 to vector<8x384xf32>
    %add3A_26 = arith.addf %floor3A, %add3A_25 : vector<8x384xf32>
    %add3A_27 = arith.constant 1.000000e+00 : f32
    %add3A_28 = vector.broadcast %add3A_27 : f32 to vector<8x384xf32>
    %add3A_29 = arith.addf %floor3A_23, %add3A_28 : vector<8x384xf32>
    %sub3A = arith.subf %add3A_26, %add3A_21 : vector<8x384xf32>
    %sub3A_30 = arith.subf %add3A_29, %add3A_22 : vector<8x384xf32>
    %mul3A_31 = arith.mulf %sub3A, %sub3A_30 : vector<8x384xf32>
    %sub3A_32 = arith.subf %add3A_21, %floor3A : vector<8x384xf32>
    %sub3A_33 = arith.subf %add3A_29, %add3A_22 : vector<8x384xf32>
    %mul3A_34 = arith.mulf %sub3A_32, %sub3A_33 : vector<8x384xf32>
    %sub3A_35 = arith.subf %add3A_26, %add3A_21 : vector<8x384xf32>
    %sub3A_36 = arith.subf %add3A_22, %floor3A_23 : vector<8x384xf32>
    %mul3A_37 = arith.mulf %sub3A_35, %sub3A_36 : vector<8x384xf32>
    %sub3A_38 = arith.subf %add3A_21, %floor3A : vector<8x384xf32>
    %sub3A_39 = arith.subf %add3A_22, %floor3A_23 : vector<8x384xf32>
    %mul3A_40 = arith.mulf %sub3A_38, %sub3A_39 : vector<8x384xf32>
    %convert_element_type3A_41 = arith.fptosi %floor3A : vector<8x384xf32> to vector<8x384xi32>
    %convert_element_type3A_42 = arith.fptosi %floor3A_23 : vector<8x384xf32> to vector<8x384xi32>
    %add3A_43 = arith.constant 1 : i32
    %add3A_44 = vector.broadcast %add3A_43 : i32 to vector<8x384xi32>
    %add3A_45 = arith.addi %convert_element_type3A_41, %add3A_44 : vector<8x384xi32>
    %add3A_46 = arith.constant 1 : i32
    %add3A_47 = vector.broadcast %add3A_46 : i32 to vector<8x384xi32>
    %add3A_48 = arith.addi %convert_element_type3A_42, %add3A_47 : vector<8x384xi32>
    %ge3A = arith.constant 0 : i32
    %ge3A_49 = vector.broadcast %ge3A : i32 to vector<8x384xi32>
    %ge3A_50 = arith.cmpi sge, %convert_element_type3A_41, %ge3A_49 : vector<8x384xi32>
    %lt3A = arith.constant 384 : i32
    %lt3A_51 = vector.broadcast %lt3A : i32 to vector<8x384xi32>
    %lt3A_52 = arith.cmpi slt, %convert_element_type3A_41, %lt3A_51 : vector<8x384xi32>
    %and3A = arith.andi %ge3A_50, %lt3A_52 : vector<8x384xi1>
    %convert_element_type3A_53 = arith.extui %and3A : vector<8x384xi1> to vector<8x384xi32>
    %convert_element_type3A_54 = arith.sitofp %convert_element_type3A_53 : vector<8x384xi32> to vector<8x384xf32>
    %ge3A_55 = arith.constant 0 : i32
    %ge3A_56 = vector.broadcast %ge3A_55 : i32 to vector<8x384xi32>
    %ge3A_57 = arith.cmpi sge, %add3A_45, %ge3A_56 : vector<8x384xi32>
    %lt3A_58 = arith.constant 384 : i32
    %lt3A_59 = vector.broadcast %lt3A_58 : i32 to vector<8x384xi32>
    %lt3A_60 = arith.cmpi slt, %add3A_45, %lt3A_59 : vector<8x384xi32>
    %and3A_61 = arith.andi %ge3A_57, %lt3A_60 : vector<8x384xi1>
    %convert_element_type3A_62 = arith.extui %and3A_61 : vector<8x384xi1> to vector<8x384xi32>
    %convert_element_type3A_63 = arith.sitofp %convert_element_type3A_62 : vector<8x384xi32> to vector<8x384xf32>
    %ge3A_64 = arith.constant 0 : i32
    %ge3A_65 = vector.broadcast %ge3A_64 : i32 to vector<8x384xi32>
    %ge3A_66 = arith.cmpi sge, %convert_element_type3A_42, %ge3A_65 : vector<8x384xi32>
    %lt3A_67 = arith.constant 384 : i32
    %lt3A_68 = vector.broadcast %lt3A_67 : i32 to vector<8x384xi32>
    %lt3A_69 = arith.cmpi slt, %convert_element_type3A_42, %lt3A_68 : vector<8x384xi32>
    %and3A_70 = arith.andi %ge3A_66, %lt3A_69 : vector<8x384xi1>
    %ge3A_71 = arith.constant 0 : i32
    %ge3A_72 = vector.broadcast %ge3A_71 : i32 to vector<8x384xi32>
    %ge3A_73 = arith.cmpi sge, %add3A_48, %ge3A_72 : vector<8x384xi32>
    %lt3A_74 = arith.constant 384 : i32
    %lt3A_75 = vector.broadcast %lt3A_74 : i32 to vector<8x384xi32>
    %lt3A_76 = arith.cmpi slt, %add3A_48, %lt3A_75 : vector<8x384xi32>
    %and3A_77 = arith.andi %ge3A_73, %lt3A_76 : vector<8x384xi1>
    %convert_element_type3A_78 = arith.extui %and3A_70 : vector<8x384xi1> to vector<8x384xi32>
    %convert_element_type3A_79 = arith.sitofp %convert_element_type3A_78 : vector<8x384xi32> to vector<8x384xf32>
    %convert_element_type3A_80 = arith.extui %and3A_77 : vector<8x384xi1> to vector<8x384xi32>
    %convert_element_type3A_81 = arith.sitofp %convert_element_type3A_80 : vector<8x384xi32> to vector<8x384xf32>
    %mul3A_82 = arith.constant 384 : i32
    %mul3A_83 = vector.broadcast %mul3A_82 : i32 to vector<8x384xi32>
    %mul3A_84 = arith.muli %add3A_18, %mul3A_83 : vector<8x384xi32>
    %add3A_85 = arith.addi %mul3A_84, %iota3A_19 : vector<8x384xi32>
    %and3A_86 = arith.constant 3 : i32
    %and3A_87 = vector.broadcast %and3A_86 : i32 to vector<8x384xi32>
    %and3A_88 = arith.andi %add3A_85, %and3A_87 : vector<8x384xi32>
    %add3A_89 = arith.constant 1 : i32
    %add3A_90 = vector.broadcast %add3A_89 : i32 to vector<8x384xi32>
    %add3A_91 = arith.addi %and3A_88, %add3A_90 : vector<8x384xi32>
    %ge3A_92 = arith.constant -1 : i32
    %ge3A_93 = vector.broadcast %ge3A_92 : i32 to vector<8x384xi32>
    %ge3A_94 = arith.cmpi sge, %convert_element_type3A_41, %ge3A_93 : vector<8x384xi32>
    %and3A_95 = arith.andi %and3A_70, %ge3A_94 : vector<8x384xi1>
    %le3A = arith.constant 383 : i32
    %le3A_96 = vector.broadcast %le3A : i32 to vector<8x384xi32>
    %le3A_97 = arith.cmpi sle, %convert_element_type3A_41, %le3A_96 : vector<8x384xi32>
    %and3A_98 = arith.andi %and3A_95, %le3A_97 : vector<8x384xi1>
    %ge3A_99 = arith.constant -1 : i32
    %ge3A_100 = vector.broadcast %ge3A_99 : i32 to vector<8x384xi32>
    %ge3A_101 = arith.cmpi sge, %convert_element_type3A_41, %ge3A_100 : vector<8x384xi32>
    %and3A_102 = arith.andi %and3A_77, %ge3A_101 : vector<8x384xi1>
    %le3A_103 = arith.constant 383 : i32
    %le3A_104 = vector.broadcast %le3A_103 : i32 to vector<8x384xi32>
    %le3A_105 = arith.cmpi sle, %convert_element_type3A_41, %le3A_104 : vector<8x384xi32>
    %and3A_106 = arith.andi %and3A_102, %le3A_105 : vector<8x384xi1>
    %mul3A_107 = arith.constant 384 : i32
    %mul3A_108 = vector.broadcast %mul3A_107 : i32 to vector<8x384xi32>
    %mul3A_109 = arith.muli %convert_element_type3A_42, %mul3A_108 : vector<8x384xi32>
    %add3A_110 = arith.addi %mul3A_109, %convert_element_type3A_41 : vector<8x384xi32>
    %add3A_111 = arith.constant 8 : i32
    %add3A_112 = vector.broadcast %add3A_111 : i32 to vector<8x384xi32>
    %add3A_113 = arith.addi %add3A_110, %add3A_112 : vector<8x384xi32>
    %select_n3A = arith.select %and3A_98, %add3A_113, %add3A_91 : vector<8x384xi1>, vector<8x384xi32>
    %mul3A_114 = arith.constant 384 : i32
    %mul3A_115 = vector.broadcast %mul3A_114 : i32 to vector<8x384xi32>
    %mul3A_116 = arith.muli %add3A_48, %mul3A_115 : vector<8x384xi32>
    %add3A_117 = arith.addi %mul3A_116, %convert_element_type3A_41 : vector<8x384xi32>
    %add3A_118 = arith.constant 8 : i32
    %add3A_119 = vector.broadcast %add3A_118 : i32 to vector<8x384xi32>
    %add3A_120 = arith.addi %add3A_117, %add3A_119 : vector<8x384xi32>
    %select_n3A_121 = arith.select %and3A_106, %add3A_120, %add3A_91 : vector<8x384xi1>, vector<8x384xi32>
    %swap3A = arith.constant 0 : index
    %swap3A_122 = arith.constant 0 : index
    %swap3A_123 = arith.constant 0 : index
    %swap3A_124 = arith.constant 0 : index
    %swap3A_125 = vector.load %arg4[%swap3A, %swap3A_122, %swap3A_123, %swap3A_124] : memref<1x4x8x384xi32, #tpu.memory_space<vmem>>, vector<1x1x8x384xi32>
    %swap3A_126 = vector.shape_cast %swap3A_125 : vector<1x1x8x384xi32> to vector<8x384xi32>
    %swap3A_127 = vector.shape_cast %select_n3A : vector<8x384xi32> to vector<1x1x8x384xi32>
    tpu.vector_store %arg4[%swap3A, %swap3A_122, %swap3A_123, %swap3A_124], %swap3A_127 {strides = array<i32>} : memref<1x4x8x384xi32, #tpu.memory_space<vmem>>, vector<1x1x8x384xi32>,
    %add3A_128 = arith.constant 1 : i32
    %add3A_129 = vector.broadcast %add3A_128 : i32 to vector<8x384xi32>
    %add3A_130 = arith.addi %select_n3A, %add3A_129 : vector<8x384xi32>
    %swap3A_131 = arith.constant 0 : index
    %swap3A_132 = arith.constant 1 : index
    %swap3A_133 = arith.constant 0 : index
    %swap3A_134 = arith.constant 0 : index
    %swap3A_135 = vector.load %arg4[%swap3A_131, %swap3A_132, %swap3A_133, %swap3A_134] : memref<1x4x8x384xi32, #tpu.memory_space<vmem>>, vector<1x1x8x384xi32>
    %swap3A_136 = vector.shape_cast %swap3A_135 : vector<1x1x8x384xi32> to vector<8x384xi32>
    %swap3A_137 = vector.shape_cast %add3A_130 : vector<8x384xi32> to vector<1x1x8x384xi32>
    tpu.vector_store %arg4[%swap3A_131, %swap3A_132, %swap3A_133, %swap3A_134], %swap3A_137 {strides = array<i32>} : memref<1x4x8x384xi32, #tpu.memory_space<vmem>>, vector<1x1x8x384xi32>,
    %swap3A_138 = arith.constant 0 : index
    %swap3A_139 = arith.constant 2 : index
    %swap3A_140 = arith.constant 0 : index
    %swap3A_141 = arith.constant 0 : index
    %swap3A_142 = vector.load %arg4[%swap3A_138, %swap3A_139, %swap3A_140, %swap3A_141] : memref<1x4x8x384xi32, #tpu.memory_space<vmem>>, vector<1x1x8x384xi32>
    %swap3A_143 = vector.shape_cast %swap3A_142 : vector<1x1x8x384xi32> to vector<8x384xi32>
    %swap3A_144 = vector.shape_cast %select_n3A_121 : vector<8x384xi32> to vector<1x1x8x384xi32>
    tpu.vector_store %arg4[%swap3A_138, %swap3A_139, %swap3A_140, %swap3A_141], %swap3A_144 {strides = array<i32>} : memref<1x4x8x384xi32, #tpu.memory_space<vmem>>, vector<1x1x8x384xi32>,
    %add3A_145 = arith.constant 1 : i32
    %add3A_146 = vector.broadcast %add3A_145 : i32 to vector<8x384xi32>
    %add3A_147 = arith.addi %select_n3A_121, %add3A_146 : vector<8x384xi32>
    %swap3A_148 = arith.constant 0 : index
    %swap3A_149 = arith.constant 3 : index
    %swap3A_150 = arith.constant 0 : index
    %swap3A_151 = arith.constant 0 : index
    %swap3A_152 = vector.load %arg4[%swap3A_148, %swap3A_149, %swap3A_150, %swap3A_151] : memref<1x4x8x384xi32, #tpu.memory_space<vmem>>, vector<1x1x8x384xi32>
    %swap3A_153 = vector.shape_cast %swap3A_152 : vector<1x1x8x384xi32> to vector<8x384xi32>
    %swap3A_154 = vector.shape_cast %add3A_147 : vector<8x384xi32> to vector<1x1x8x384xi32>
    tpu.vector_store %arg4[%swap3A_148, %swap3A_149, %swap3A_150, %swap3A_151], %swap3A_154 {strides = array<i32>} : memref<1x4x8x384xi32, #tpu.memory_space<vmem>>, vector<1x1x8x384xi32>,
    %mul3A_155 = arith.mulf %convert_element_type3A_79, %convert_element_type3A_54 : vector<8x384xf32>
    %mul3A_156 = arith.mulf %mul3A_31, %mul3A_155 : vector<8x384xf32>
    %mul3A_157 = arith.mulf %mul3A_156, %exp3A : vector<8x384xf32>
    %swap3A_158 = arith.constant 0 : index
    %swap3A_159 = arith.constant 0 : index
    %swap3A_160 = arith.constant 0 : index
    %swap3A_161 = arith.constant 0 : index
    %swap3A_162 = vector.load %arg5[%swap3A_158, %swap3A_159, %swap3A_160, %swap3A_161] : memref<1x4x8x384xf32, #tpu.memory_space<vmem>>, vector<1x1x8x384xf32>
    %swap3A_163 = vector.shape_cast %swap3A_162 : vector<1x1x8x384xf32> to vector<8x384xf32>
    %swap3A_164 = vector.shape_cast %mul3A_157 : vector<8x384xf32> to vector<1x1x8x384xf32>
    tpu.vector_store %arg5[%swap3A_158, %swap3A_159, %swap3A_160, %swap3A_161], %swap3A_164 {strides = array<i32>} : memref<1x4x8x384xf32, #tpu.memory_space<vmem>>, vector<1x1x8x384xf32>,
    %mul3A_165 = arith.mulf %convert_element_type3A_79, %convert_element_type3A_63 : vector<8x384xf32>
    %mul3A_166 = arith.mulf %mul3A_34, %mul3A_165 : vector<8x384xf32>
    %mul3A_167 = arith.mulf %mul3A_166, %exp3A : vector<8x384xf32>
    %swap3A_168 = arith.constant 0 : index
    %swap3A_169 = arith.constant 1 : index
    %swap3A_170 = arith.constant 0 : index
    %swap3A_171 = arith.constant 0 : index
    %swap3A_172 = vector.load %arg5[%swap3A_168, %swap3A_169, %swap3A_170, %swap3A_171] : memref<1x4x8x384xf32, #tpu.memory_space<vmem>>, vector<1x1x8x384xf32>
    %swap3A_173 = vector.shape_cast %swap3A_172 : vector<1x1x8x384xf32> to vector<8x384xf32>
    %swap3A_174 = vector.shape_cast %mul3A_167 : vector<8x384xf32> to vector<1x1x8x384xf32>
    tpu.vector_store %arg5[%swap3A_168, %swap3A_169, %swap3A_170, %swap3A_171], %swap3A_174 {strides = array<i32>} : memref<1x4x8x384xf32, #tpu.memory_space<vmem>>, vector<1x1x8x384xf32>,
    %mul3A_175 = arith.mulf %convert_element_type3A_81, %convert_element_type3A_54 : vector<8x384xf32>
    %mul3A_176 = arith.mulf %mul3A_37, %mul3A_175 : vector<8x384xf32>
    %mul3A_177 = arith.mulf %mul3A_176, %exp3A : vector<8x384xf32>
    %swap3A_178 = arith.constant 0 : index
    %swap3A_179 = arith.constant 2 : index
    %swap3A_180 = arith.constant 0 : index
    %swap3A_181 = arith.constant 0 : index
    %swap3A_182 = vector.load %arg5[%swap3A_178, %swap3A_179, %swap3A_180, %swap3A_181] : memref<1x4x8x384xf32, #tpu.memory_space<vmem>>, vector<1x1x8x384xf32>
    %swap3A_183 = vector.shape_cast %swap3A_182 : vector<1x1x8x384xf32> to vector<8x384xf32>
    %swap3A_184 = vector.shape_cast %mul3A_177 : vector<8x384xf32> to vector<1x1x8x384xf32>
    tpu.vector_store %arg5[%swap3A_178, %swap3A_179, %swap3A_180, %swap3A_181], %swap3A_184 {strides = array<i32>} : memref<1x4x8x384xf32, #tpu.memory_space<vmem>>, vector<1x1x8x384xf32>,
    %mul3A_185 = arith.mulf %convert_element_type3A_81, %convert_element_type3A_63 : vector<8x384xf32>
    %mul3A_186 = arith.mulf %mul3A_40, %mul3A_185 : vector<8x384xf32>
    %mul3A_187 = arith.mulf %mul3A_186, %exp3A : vector<8x384xf32>
    %swap3A_188 = arith.constant 0 : index
    %swap3A_189 = arith.constant 3 : index
    %swap3A_190 = arith.constant 0 : index
    %swap3A_191 = arith.constant 0 : index
    %swap3A_192 = vector.load %arg5[%swap3A_188, %swap3A_189, %swap3A_190, %swap3A_191] : memref<1x4x8x384xf32, #tpu.memory_space<vmem>>, vector<1x1x8x384xf32>
    %swap3A_193 = vector.shape_cast %swap3A_192 : vector<1x1x8x384xf32> to vector<8x384xf32>
    %swap3A_194 = vector.shape_cast %mul3A_187 : vector<8x384xf32> to vector<1x1x8x384xf32>
    tpu.vector_store %arg5[%swap3A_188, %swap3A_189, %swap3A_190, %swap3A_191], %swap3A_194 {strides = array<i32>} : memref<1x4x8x384xf32, #tpu.memory_space<vmem>>, vector<1x1x8x384xf32>,
    return
  }
  func.func @transform_0(%arg0: i32, %arg1: i32) -> (i32, i32, i32, i32) {
    %c0_i32 = arith.constant 0 : i32
    %c0_i32_0 = arith.constant 0 : i32
    %c0_i32_1 = arith.constant 0 : i32
    return %arg0, %c0_i32, %arg1, %c0_i32_0 : i32, i32, i32, i32
  }
  func.func @transform_1(%arg0: i32, %arg1: i32) -> (i32, i32, i32, i32) {
    %c0_i32 = arith.constant 0 : i32
    %c0_i32_0 = arith.constant 0 : i32
    %c0_i32_1 = arith.constant 0 : i32
    return %arg0, %c0_i32, %arg1, %c0_i32_0 : i32, i32, i32, i32
  }
  func.func @transform_2(%arg0: i32, %arg1: i32) -> (i32, i32, i32, i32) {
    %c0_i32 = arith.constant 0 : i32
    %c0_i32_0 = arith.constant 0 : i32
    %c0_i32_1 = arith.constant 0 : i32
    return %arg0, %c0_i32, %arg1, %c0_i32_0 : i32, i32, i32, i32
  }
  func.func @transform_3(%arg0: i32, %arg1: i32) -> (i32, i32, i32, i32) {
    %c0_i32 = arith.constant 0 : i32
    %c0_i32_0 = arith.constant 0 : i32
    %c0_i32_1 = arith.constant 0 : i32
    return %arg0, %c0_i32, %arg1, %c0_i32_0 : i32, i32, i32, i32
  }
}

module attributes {stable_mosaic.version = 14 : i64} {
  func.func @_p3_body(%arg0: i32, %arg1: i32, %arg2: memref<1x12x512x8xf32, #tpu.memory_space<vmem>>, %arg3: memref<1x1x512x8xf32, #tpu.memory_space<vmem>>, %arg4: memref<1x12x512x8xf32, #tpu.memory_space<vmem>>) attributes {dimension_semantics = [#tpu.dimension_semantics<arbitrary>, #tpu.dimension_semantics<arbitrary>], iteration_bounds = array<i64: 2, 288>, scalar_prefetch = 0 : i64, scratch_operands = 0 : i64, tpu.core_type = #tpu.core_type<tc>, window_params = [{transform_indices = @transform_0, window_bounds = array<i64: 1, 12, 512, 8>}, {transform_indices = @transform_1, window_bounds = array<i64: 1, 1, 512, 8>}, {transform_indices = @transform_2, window_bounds = array<i64: 1, 12, 512, 8>}]} {
    %get3A = arith.constant 0 : index
    %get3A_0 = arith.constant 0 : index
    %get3A_1 = arith.constant 0 : index
    %get3A_2 = arith.constant 0 : index
    %get3A_3 = vector.load %arg3[%get3A, %get3A_0, %get3A_1, %get3A_2] : memref<1x1x512x8xf32, #tpu.memory_space<vmem>>, vector<1x1x512x1xf32>
    %get3A_4 = vector.shape_cast %get3A_3 : vector<1x1x512x1xf32> to vector<512x1xf32>
    %get3A_5 = arith.constant 0 : index
    %get3A_6 = arith.constant 0 : index
    %get3A_7 = arith.constant 0 : index
    %get3A_8 = arith.constant 0 : index
    %get3A_9 = vector.load %arg2[%get3A_5, %get3A_6, %get3A_7, %get3A_8] : memref<1x12x512x8xf32, #tpu.memory_space<vmem>>, vector<1x12x512x8xf32>
    %broadcast_in_dim3A = vector.shape_cast %get3A_4 : vector<512x1xf32> to vector<1x1x512x1xf32>
    %add3A = arith.constant 1.000000e-22 : f32
    %add3A_10 = vector.broadcast %add3A : f32 to vector<1x1x512x1xf32>
    %add3A_11 = arith.addf %broadcast_in_dim3A, %add3A_10 : vector<1x1x512x1xf32>
    %div3A = vector.broadcast %add3A_11 : vector<1x1x512x1xf32> to vector<1x12x512x8xf32>
    %div3A_12 = arith.divf %get3A_9, %div3A : vector<1x12x512x8xf32>
    %swap3A = arith.constant 0 : index
    %swap3A_13 = arith.constant 0 : index
    %swap3A_14 = arith.constant 0 : index
    %swap3A_15 = arith.constant 0 : index
    %swap3A_16 = vector.load %arg4[%swap3A, %swap3A_13, %swap3A_14, %swap3A_15] : memref<1x12x512x8xf32, #tpu.memory_space<vmem>>, vector<1x12x512x8xf32>
    tpu.vector_store %arg4[%swap3A, %swap3A_13, %swap3A_14, %swap3A_15], %div3A_12 {strides = array<i32>} : memref<1x12x512x8xf32, #tpu.memory_space<vmem>>, vector<1x12x512x8xf32>,
    return
  }
  func.func @transform_0(%arg0: i32, %arg1: i32) -> (i32, i32, i32, i32) {
    %c0_i32 = arith.constant 0 : i32
    %c0_i32_0 = arith.constant 0 : i32
    %c0_i32_1 = arith.constant 0 : i32
    return %arg0, %c0_i32, %arg1, %c0_i32_0 : i32, i32, i32, i32
  }
  func.func @transform_1(%arg0: i32, %arg1: i32) -> (i32, i32, i32, i32) {
    %c12_i32 = arith.constant 12 : i32
    %c0_i32 = arith.constant 0 : i32
    %c0_i32_0 = arith.constant 0 : i32
    return %arg0, %c12_i32, %arg1, %c0_i32 : i32, i32, i32, i32
  }
  func.func @transform_2(%arg0: i32, %arg1: i32) -> (i32, i32, i32, i32) {
    %c0_i32 = arith.constant 0 : i32
    %c0_i32_0 = arith.constant 0 : i32
    %c0_i32_1 = arith.constant 0 : i32
    return %arg0, %c0_i32, %arg1, %c0_i32_0 : i32, i32, i32, i32
  }
}

</mosaic_0001>

<sc_bundles>
// kernel: kernel.5.cloned.1.call-start
scs
__scs_entry_jumppad:
0x0: {  	(pc) =	sbr.rel $0x88, $3  }
0x1: {  	(tag) =	ssettag $0x0;
	lr =	simm.s32 $0x1  }
0x2: {  	[smem:$0x3F9E] =	sst lr;
	_ =	strace $0xD0000000  }
0x3: {  	_ = 	snop  }
0x4: {  	_ = 	snop  }
0x5: {  	_ = 	snop  }
0x6: {  	_ = 	snop  }
0x7: {  	_ = 	snop  }
__scs_overlays_trampoline_lowered:
0x8: {  	[smem:$0x3FAD] =	sst s0  }
0x9: {  	[smem:$0x3FAE] =	sst s1  }
0xa: {  	[smem:$0x3FAF] =	sst s2  }
0xb: {  	[smem:$0x3FB0] =	sst s3  }
0xc: {  	[smem:$0x3FB1] =	sst s4  }
0xd: {  	[smem:$0x3FB2] =	sst s5  }
0xe: {  	[smem:$0x3FB3] =	sst s6  }
0xf: {  	[smem:$0x3FB4] =	sst s7  }
0x10: {  	[smem:$0x3FB5] =	sst s8  }
0x11: {  	[smem:$0x3FB6] =	sst s9;
	s0 =	simm.s32 @!p0 $0x0  }
0x12: {  	s1 =	sld [smem:$0x3F9C];
	s0 =	simm.s32 @p0 $0x1  }
0x13: {  	[smem:$0x3FB7] =	sst s0;
	s0 =	simm.s32 @!p1 $0x0  }
0x14: {  	s2 =	sld [smem:$0x3F9B];
	s0 =	simm.s32 @p1 $0x1  }
0x15: {  	[smem:$0x3FB8] =	sst s0;
	s0 =	simm.s32 @!p2 $0x0  }
0x16: {  	s3 =	sld [smem:$0x3FDB];
	s0 =	simm.s32 @p2 $0x1  }
0x17: {  	s4 =	simm.s32 $0x1BF5;
	[smem:$0x3FBA] =	sst s0  }
0x18: {  	s0 =	sld [smem:$0x3F9D];
	_ =	swait.ge [sflag:s4], $0x0  }
0x19: {  	s7 =	sld [smem:$0x3F9E]  }
0x1a: {  	s8 =	sadd.s32 $0xFFFFE003, lr  }
0x1b: {  	s9 =	sadd.s32 $0xFFFFFEF7, lr;
	s5 =	simm.s32 $0xFFFFFFFF;
	p2 =	slt.u32 s8, $0xFFFFF086  }
0x1c: {  	p1 =	slt.u32 s9, $0xF7A;
	s5 =	simm.s32 @!p2 $0x0  }
0x1d: {  	s5 =	simm.s32 @p1 $0x1;
	p0 =	seq.s32 s7, s2  }
0x1e: {  	s7 =	smul.u32 @!p0 $0xF7A, s2;
	p2 =	seq.s32 @!p0 s5, $0x0  }
0x1f: {  	s9 =	smul.u32 $0xF7A, s1;
	s8 =	simm.s32 @!p0 $0x1BF5;
	p2 =	por !p2, p0  }
0x20: {  	[sflag:s8] =	ssyncset.s32 @!p0 $0xFFFFF086;
	s6 =	sadd.s32 @!p0 s3, s7;
	s7 =	simm.s32 @!p0 $0x108  }
0x21: {  	s3 =	sadd.s32 s3, s9;
	s6 =	sadd.s32 @!p0 $0x88, s6;
	s7 =	simm.s32 @p2 $0x1082  }
0x22: {  	[simem:s7], [sflag:s8] =	dma.local @!p0 [hbm:s6], $0xF7A  }
0x23: {  	s9 =	sor.u32 $0xD0000000, s2;
	s6 =	simm.s32 $0x108;
	_ =	swait.ge @!p0 [sflag:s8], $0x0  }
0x24: {  	s3 =	sadd.s32 $0x88, s3;
	s6 =	simm.s32 @!p1 $0x1082;
	[sflag:s4] =	ssyncset.s32 $0xFFFFF086  }
0x25: {  	[simem:s6], [sflag:s4] =	dma.local [hbm:s3], $0xF7A  }
0x26: {  	[smem:$0x3F9E] =	sst s1;
	(tag) =	ssettag s2;
	_ =	strace s9  }
0x27: {  	s1 =	sld [smem:$0x3FAE]  }
0x28: {  	s2 =	sld [smem:$0x3FAF]  }
0x29: {  	s4 =	sld [smem:$0x3FB1]  }
0x2a: {  	p0 =	seq.s32 s5, $0x0;
	s5 =	sld [smem:$0x3FB2]  }
0x2b: {  	s6 =	sld [smem:$0x3FB3]  }
0x2c: {  	s7 =	sld [smem:$0x3FB4]  }
0x2d: {  	s3 =	simm.s32 $0x108;
	s8 =	sld [smem:$0x3FB5]  }
0x2e: {  	s3 =	simm.s32 @!p0 $0x1082;
	s9 =	sld [smem:$0x3FB6]  }
0x2f: {  	lr =	sadd.s32 s0, s3;
	s0 =	sld [smem:$0x3FAD]  }
0x30: {  	s3 =	sld [smem:$0x3FB0]  }
0x31: {  	[smem:$0x3FB9] =	sst s10  }
0x32: {  	s10 =	sld [smem:$0x3FB7];
	_ =	sdelay $0x3  }
0x33: {  	p0 =	seq.s32 s10, $0x1;
	s10 =	sld [smem:$0x3FB9];
	_ =	sdelay $0x3  }
0x34: {  	[smem:$0x3FB9] =	sst s10  }
0x35: {  	s10 =	sld [smem:$0x3FB8];
	_ =	sdelay $0x3  }
0x36: {  	p1 =	seq.s32 s10, $0x1;
	s10 =	sld [smem:$0x3FB9];
	_ =	sdelay $0x3  }
0x37: {  	[smem:$0x3FB9] =	sst s10  }
0x38: {  	s10 =	sld [smem:$0x3FBA]  }
0x39: {  	_ = 	snop;
	(pc) =	sbr.ind lr, $3  }
0x3a: {  	_ = 	snop  }
0x3b: {  	_ = 	snop  }
0x3c: {  	p2 =	seq.s32 s10, $0x1;
	s10 =	sld [smem:$0x3FB9]  }
0x3d: {  	_ =	shalt  }
0x3e: {  	_ =	shalt  }
0x3f: {  	_ =	shalt  }
0x40: {  	_ =	shalt  }
0x41: {  	_ =	shalt  }
0x42: {  	_ =	shalt  }
0x43: {  	_ =	shalt  }
0x44: {  	_ =	shalt  }
0x45: {  	_ =	shalt  }
0x46: {  	_ =	shalt  }
0x47: {  	_ =	shalt  }
0x48: {  	_ =	shalt  }
0x49: {  	_ =	shalt  }
0x4a: {  	_ =	shalt  }
0x4b: {  	_ =	shalt  }
0x4c: {  	_ =	shalt  }
0x4d: {  	_ =	shalt  }
0x4e: {  	_ =	shalt  }
0x4f: {  	_ =	shalt  }
0x50: {  	_ =	shalt  }
0x51: {  	_ =	shalt  }
0x52: {  	_ =	shalt  }
0x53: {  	_ =	shalt  }
0x54: {  	_ =	shalt  }
0x55: {  	_ =	shalt  }
0x56: {  	_ =	shalt  }
0x57: {  	_ =	shalt  }
0x58: {  	_ =	shalt  }
0x59: {  	_ =	shalt  }
0x5a: {  	_ =	shalt  }
0x5b: {  	_ =	shalt  }
0x5c: {  	_ =	shalt  }
0x5d: {  	_ =	shalt  }
0x5e: {  	_ =	shalt  }
0x5f: {  	_ =	shalt  }
0x60: {  	_ =	shalt  }
0x61: {  	_ =	shalt  }
0x62: {  	_ =	shalt  }
0x63: {  	_ =	shalt  }
0x64: {  	_ =	shalt  }
0x65: {  	_ =	shalt  }
0x66: {  	_ =	shalt  }
0x67: {  	_ =	shalt  }
0x68: {  	_ =	shalt  }
0x69: {  	_ =	shalt  }
0x6a: {  	_ =	shalt  }
0x6b: {  	_ =	shalt  }
0x6c: {  	_ =	shalt  }
0x6d: {  	_ =	shalt  }
0x6e: {  	_ =	shalt  }
0x6f: {  	_ =	shalt  }
0x70: {  	_ =	shalt  }
0x71: {  	_ =	shalt  }
0x72: {  	_ =	shalt  }
0x73: {  	_ =	shalt  }
0x74: {  	_ =	shalt  }
0x75: {  	_ =	shalt  }
0x76: {  	_ =	shalt  }
0x77: {  	_ =	shalt  }
0x78: {  	_ =	shalt  }
0x79: {  	_ =	shalt  }
0x7a: {  	_ =	shalt  }
0x7b: {  	_ =	shalt  }
0x7c: {  	_ =	shalt  }
0x7d: {  	_ =	shalt  }
0x7e: {  	_ =	shalt  }
0x7f: {  	_ =	shalt  }
0x80: {  	_ =	shalt  }
0x81: {  	_ =	shalt  }
0x82: {  	_ =	shalt  }
0x83: {  	_ =	shalt  }
0x84: {  	_ =	shalt  }
0x85: {  	_ =	shalt  }
0x86: {  	_ =	shalt  }
0x87: {  	_ =	shalt  }
.Lfunc_end0:
.L_simem_size_0:
called_computation.2_lowered:
.L_overlay_start_0:
0x88: {  	s2 =	sld [smem:$0x3FD9]  }
0x89: {  	s3 =	sld [smem:$0x3FFE];
	_ =	sdelay $0x1  }
0x8a: {  	s1 =	srdreg.scid  }
0x8b: {  	s0 =	sand.u32 $0x1, s1  }
0x8c: {  	s17 =	sshll.u32 s0, $0xA;
	s2 =	sadd.s32 s3, s2  }
0x8d: {  	s2 =	sadd.s32 s2, s17  }
0x8e: {  	[smem:$0x3FC5] =	sst s2  }
0x8f: {  	_ = 	snop  }
0x90: {  	s2 =	sld [smem:$0x3FD0];
	(tm) =	ssettm $0x1  }
0x91: {  	s18 =	sld [smem:$0x3FFB];
	_ =	sdelay $0x3  }
0x92: {  	_ =	strace s18  }
0x93: {  	s3 =	sld [smem:$0x3FFC];
	_ =	sdelay $0x3  }
0x94: {  	_ =	strace s3  }
0x95: {  	s3 =	sld [smem:$0x3FFD];
	_ =	sdelay $0x3  }
0x96: {  	_ =	strace s3  }
0x97: {  	_ =	strace $0x8FFFFFFF  }
0x98: {  	s19 =	sld [smem:$0x3FDB];
	_ =	sdelay $0x1  }
0x99: {  	s4 =	simm.s32 $_scs_section_size  }
0x9a: {  	s5 =	simm.s32 $_size__tile_overlayer_lowered;
	s6 =	simm.s32 $_tile_overlayer_lowered  }
0x9b: {  	s22 =	simm.s32 $0x1BFF;
	s21 =	sshll.u32 s6, $0x1;
	s3 =	sadd.s32 s4, s19  }
0x9c: {  	s7 =	simm.s32 $0x0;
	s20 =	sshll.u32 s5, $0x1;
	s5 =	sadd.s32 s21, s3  }
0x9d: {  	[timem:s7], [sflag:s22] =	dma.local [hbm:s5], s20  }
0x9e: {  	_ =	swait.ge [sflag:s22], s20  }
0x9f: {  	s4 =	ssub.s32 $0x0, s20;
	[sflag:s22] =	ssyncset.done $0x0  }
0xa0: {  	[sflag:s22] =	ssyncadd.s32 s4;
	_ =	sdelay $0x1  }
0xa1: {  	s23 =	simm.s32 $0x1B8B  }
0xa2: {  	_ =	swait.ge [sflag:s23], $0x1  }
0xa3: {  	[sflag:s23] =	ssyncset.done $0x0  }
0xa4: {  	s25 =	simm.s32 $0x1B8E;
	s24 =	sld [smem:$0x3FFE];
	[sflag:s23] =	ssyncadd.s32 $0xFFFFFFFF  }
0xa5: {  	s26 =	simm.s32 $execute0_lowered;
	[smem:$0x3FD2] =	sst s25  }
0xa6: {  	s5 =	sshll.u32 s26, $0x1;
	_ =	strace $0x80000046;
	[dreg:$0x1] =	wrdreg $0xFFFFFFFF  }
0xa7: {  	s28 =	simm.s32 $_size_execute0_lowered;
	s3 =	sadd.s32 s3, s5;
	[dreg:$0x0] =	wrdreg $0x0  }
0xa8: {  	s5 =	sshll.u32 s28, $0x1;
	[dreg:$0x2] =	wrdreg s3  }
0xa9: {  	[dreg:$0x3] =	wrdreg s5  }
0xaa: {  	[dreg:$0x4] =	wrdreg $0xC0  }
0xab: {  	_ =	task [dreg:s7], $0x5FFFF  }
0xac: {  	[dreg:$0x1] =	wrdreg $0xFFFFFFFF  }
0xad: {  	[dreg:$0x0] =	wrdreg $0x60  }
0xae: {  	[dreg:$0x2] =	wrdreg s2  }
0xaf: {  	[dreg:$0x3] =	wrdreg s24  }
0xb0: {  	[dreg:$0x4] =	wrdreg $0x0  }
0xb1: {  	[dreg:$0x5] =	wrdreg $0x9  }
0xb2: {  	_ =	task.clear_ibuf [dreg:s7], $0x6FFFF;
	_ =	strace $0x90000046  }
0xb3: {  	s29 =	simm.s32 $0x9;
	_ =	strace $0x80000048  }
0xb4: {  	_ =	swait.ge [sflag:s29], $0x1  }
0xb5: {  	[sflag:s29] =	ssyncadd.s32 $0xFFFFFFFF  }
0xb6: {  	_ =	strace $0x90000048  }
0xb7: {  	_ =	sfence  }
0xb8: {  	s30 =	sld [smem:$0x0];
	_ =	sdelay $0x2  }
0xb9: {  	s31 =	sshll.u32 s1, $0xD;
	s1 =	sshrl.u32 s1, $0x2  }
0xba: {  	s3 =	sand.u32 $0x4000, s31;
	s1 =	sadd.s32 s1, s30  }
0xbb: {  	s0 =	sor.u32 s3, s0;
	s1 =	sshll.u32 s1, $0x11  }
0xbc: {  	s0 =	sor.u32 s1, s0  }
0xbd: {  	s0 =	sadd.s32 $0x8F2B, s0  }
0xbe: {  	[sflag:s0] =	ssyncadd.remote.s32 $0x1  }
0xbf: {  	_ =	sfence.sel $0xFFFF  }
0xc0: {  	[dreg:$0x0] =	wrdreg $0xFFFFFFFF;
	(pc) =	sbr.abs _section_cstart, $3  }
0xc1: {  	[dreg:$0x1] =	wrdreg $0xFFFFFFFF  }
0xc2: {  	_ =	task.clear_ibuf [dreg:s7], $0x2FFFF;
	_ =	strace $0x9FFFFFFF  }
0xc3: {  	(tm) =	ssettm $0x7FFFFFFF  }
tec
execute0_lowered:
.L_overlay_start_1:
0x0: {  	(tag) =	ssettag $0x1  }
0x1: {  	s0 =	rddreg [dreg:$0x1]  }
0x2: {  	s2 =	rddreg [dreg:$0x2];
	s1 =	simm.s32 $0x0;
	s5 =	stileid.u32  }
0x3: {  	s24 =	srdreg.scid;
	[smem:$0x7FF] =	sst s1;
	s8 =	sadd.s32 $0x1200, s0  }
0x4: {  	s6 =	sadd.s32 $0x25200, s0;
	s7 =	sadd.s32 $0x49200, s0;
	s3 =	smul.u32 $0x48020, s5  }
0x5: {  	s4 =	sadd.s32 $0x6D200, s0;
	s0 =	sadd.s32 $0x6D400, s0;
	s25 =	sand.u32 $0x1, s24  }
0x6: {  	s9 =	smul.u32 $0x2400, s5;
	_ =	strace $0x80000047;
	[dreg:$0x5] =	wrdreg s4  }
0x7: {  	[dreg:$0x6] =	wrdreg s0;
	s10 =	smul.u32 $0xD, s25  }
0x8: {  	s11 =	smul.u32 $0xC, s25;
	[dreg:$0x4] =	wrdreg s8  }
0x9: {  	s0 =	smul.u32 $0x90000, s25;
	[dreg:$0x7] =	wrdreg s9  }
0xa: {  	s3 =	sshrl.u32 s3, $0x2;
	s15 =	sshrl.u32 s9, $0x3;
	[dreg:$0x8] =	wrdreg s10  }
0xb: {  	[dreg:$0xb] =	wrdreg s11;
	s19 =	sadd.s32 s9, s0;
	s9 =	sor.u32 $0x200, s9  }
0xc: {  	s10 =	sadd.s32 s3, s2;
	[dreg:$0x10] =	wrdreg s9  }
0xd: {  	s8 =	sadd.s32 s8, s15;
	[dreg:$0x9] =	wrdreg s10  }
0xe: {  	s3 =	sadd.s32 $0x800, s10;
	[dreg:$0xf] =	wrdreg s8  }
0xf: {  	s12 =	sadd.s32 $0x1000, s10;
	[dreg:$0xa] =	wrdreg s3  }
0x10: {  	s1 =	ssub.s32 $0x2, s25;
	s13 =	sadd.s32 $0x1800, s10;
	[dreg:$0xc] =	wrdreg s12  }
0x11: {  	s26 =	sshrl.u32 s1, $0x1;
	s14 =	sadd.s32 $0x2000, s10;
	[dreg:$0xd] =	wrdreg s13  }
0x12: {  	s1 =	ssub.s32 s1, s26;
	s9 =	sadd.s32 s0, s9;
	[dreg:$0xe] =	wrdreg s14  }
0x13: {  	s1 =	smax.u32 s1, $0x1;
	[dreg:$0x11] =	wrdreg s9  }
0x14: {  	s21 =	sadd.s32 $0x2800, s10;
	[dreg:$0x14] =	wrdreg s1  }
0x15: {  	s22 =	sadd.s32 $0x3000, s10;
	[dreg:$0x16] =	wrdreg s21  }
0x16: {  	s23 =	sadd.s32 $0x3800, s10;
	[dreg:$0x17] =	wrdreg s22  }
0x17: {  	s24 =	sadd.s32 $0x4000, s10;
	[dreg:$0x18] =	wrdreg s23  }
0x18: {  	s25 =	sadd.s32 $0x4800, s10;
	[dreg:$0x19] =	wrdreg s24  }
0x19: {  	s26 =	sadd.s32 $0x5000, s10;
	[dreg:$0x1a] =	wrdreg s25  }
0x1a: {  	s16 =	smul.u32 $0x48000, s5;
	s11 =	sadd.s32 $0x6800, s10;
	[dreg:$0x1b] =	wrdreg s26  }
0x1b: {  	s15 =	sadd.s32 $0x8800, s10;
	[dreg:$0x1e] =	wrdreg s11  }
0x1c: {  	s18 =	sshrl.u32 s16, $0x2;
	s16 =	sadd.s32 $0x9000, s10;
	[smem:$0x7E2] =	sst s15  }
0x1d: {  	s0 =	sadd.s32 s18, s2;
	s18 =	sadd.s32 $0xA000, s10;
	[smem:$0x7E3] =	sst s16  }
0x1e: {  	s1 =	sadd.s32 $0x5800, s10;
	[smem:$0x7E5] =	sst s18  }
0x1f: {  	s20 =	sshrl.u32 s9, $0x3;
	s9 =	sadd.s32 $0x6000, s10;
	[dreg:$0x1c] =	wrdreg s1  }
0x20: {  	s12 =	sadd.s32 $0x7000, s10;
	[dreg:$0x1d] =	wrdreg s9  }
0x21: {  	s13 =	sadd.s32 $0x7800, s10;
	[dreg:$0x1f] =	wrdreg s12  }
0x22: {  	s17 =	sshrl.u32 s19, $0x3;
	s14 =	sadd.s32 $0x8000, s10;
	[smem:$0x7E0] =	sst s13  }
0x23: {  	s4 =	sadd.s32 s7, s17;
	s17 =	sadd.s32 $0x9800, s10;
	[smem:$0x7E1] =	sst s14  }
0x24: {  	s21 =	sadd.s32 $0xB000, s10;
	[smem:$0x7E4] =	sst s17  }
0x25: {  	s22 =	sadd.s32 $0xB800, s10;
	[smem:$0x7E7] =	sst s21  }
0x26: {  	s23 =	sadd.s32 $0xC000, s10;
	[smem:$0x7E8] =	sst s22  }
0x27: {  	s24 =	sadd.s32 $0xC800, s10;
	[smem:$0x7E9] =	sst s23  }
0x28: {  	s25 =	sadd.s32 $0xD000, s10;
	[smem:$0x7EA] =	sst s24  }
0x29: {  	s26 =	sadd.s32 $0xD800, s10;
	[smem:$0x7EB] =	sst s25  }
0x2a: {  	s11 =	sadd.s32 $0xF000, s10;
	[smem:$0x7EC] =	sst s26  }
0x2b: {  	s15 =	sadd.s32 $0x11000, s10;
	[smem:$0x7EF] =	sst s11  }
0x2c: {  	s16 =	sadd.s32 $0x11800, s10;
	[smem:$0x7F3] =	sst s15  }
0x2d: {  	s0 =	sadd.s32 $0x40, s0;
	[smem:$0x7F4] =	sst s16  }
0x2e: {  	s0 =	sshrl.u32 s0, $0x3;
	[dreg:$0x12] =	wrdreg s4  }
0x2f: {  	s3 =	sadd.s32 s7, s20;
	s20 =	sadd.s32 $0xA800, s10;
	[dreg:$0x15] =	wrdreg s0  }
0x30: {  	s1 =	sadd.s32 $0xE000, s10;
	[smem:$0x7E6] =	sst s20  }
0x31: {  	v0 =	vimm.s32 $0xE01;
	vm0 =	vcmask $0x300;
	s9 =	sadd.s32 $0xE800, s10;
	[smem:$0x7ED] =	sst s1  }
0x32: {  	s28 =	simm.s32 $0x200;
	vm14 =	vcmask $0x704;
	v0 =	vsel vm0, $0x0, v0;
	s12 =	sadd.s32 $0xF800, s10;
	[smem:$0x7EE] =	sst s9  }
0x33: {  	s29 =	simm.s32 $0x12808;
	vm15 =	vcmask $0xB08;
	v0 =	vsel vm14, $0x200, v0;
	s13 =	sadd.s32 $0x10000, s10;
	[smem:$0x7F0] =	sst s12  }
0x34: {  	s30 =	simm.s32 $0x14808;
	vm4 =	vcmask $0xF0C;
	v0 =	vsel vm15, $0x400, v0;
	s14 =	sadd.s32 $0x10800, s10;
	[smem:$0x7F1] =	sst s13  }
0x35: {  	s31 =	simm.s32 $0x15008;
	vm5 =	vcmask $0x1310;
	v0 =	vsel vm4, $0x600, v0;
	s17 =	sadd.s32 $0x12000, s10;
	[smem:$0x7F2] =	sst s14  }
0x36: {  	vm6 =	vcmask $0x1714;
	v0 =	vsel vm5, $0x800, v0;
	s18 =	sadd.s32 $0x4800, s4;
	s21 =	sadd.s32 $0xD800, s4;
	[smem:$0x7F5] =	sst s17  }
0x37: {  	vm7 =	vcmask $0x1B18;
	v0 =	vsel vm6, $0xA00, v0;
	s22 =	sadd.s32 $0x40, s8;
	s26 =	smul.u32 $0x12000, s5;
	[smem:$0x7F6] =	sst s18  }
0x38: {  	vm8 =	vcmask $0x1F1C;
	s8 =	simm.s32 $0x14C08;
	s5 =	simm.s32 $0x1;
	v0 =	vsel vm7, $0xC00, v0;
	[smem:$0x7F8] =	sst s21  }
0x39: {  	vm9 =	vcmask $0x2320;
	s11 =	simm.s32 $0x17808;
	s15 =	simm.s32 $0x19808;
	[smem:$0x7F9] =	sst s22;
	v0 =	vsel vm8, $0xE00, v0  }
0x3a: {  	vm10 =	vcmask $0x2724;
	s16 =	simm.s32 $0x80;
	s20 =	sadd.s32 $0x9000, s4;
	[dreg:$0x13] =	wrdreg s3;
	v0 =	vsel vm9, $0x1, v0  }
0x3b: {  	vm11 =	vcmask $0x2B28;
	s23 =	sadd.s32 $0x4800, s3;
	s24 =	sadd.s32 $0x9000, s3;
	[smem:$0x7F7] =	sst s20;
	v0 =	vsel vm10, $0x201, v0  }
0x3c: {  	vm12 =	vcmask $0x2F2C;
	s25 =	sadd.s32 $0xD800, s3;
	s0 =	simm.s32 $0x13808;
	[smem:$0x7FA] =	sst s23;
	v0 =	vsel vm11, $0x401, v0  }
0x3d: {  	vm13 =	vcmask $0x3330;
	s9 =	simm.s32 $0x16808;
	s13 =	simm.s32 $0x18808;
	[smem:$0x7FB] =	sst s24;
	v0 =	vsel vm12, $0x601, v0  }
0x3e: {  	v3 =	vlaneseq.u32;
	vm14 =	vcmask $0x3734;
	s18 =	simm.s32 $0x2;
	s22 =	simm.s32 $0x1B808;
	[smem:$0x7FC] =	sst s25;
	v1 =	vsel vm13, $0x801, v0  }
0x3f: {  	vm15 =	vcmask $0x3B38;
	s1 =	simm.s32 $0x1C808;
	s4 =	simm.s32 $0x0;
	[smem:$0x7FD] =	sst s26;
	v0 =	vshrl.u32 v3, $0x3;
	v1 =	vsel vm14, $0xA01, v1  }
0x40: {  	s24 =	simm.s32 $0x15408;
	s20 =	simm.s32 $0x1A808;
	s23 =	simm.s32 $0x1D808;
	v3 =	vand.u32 $0x7, v3;
	v2 =	vor.u32 $0x200, v0;
	v1 =	vsel vm15, $0xC01, v1  }
.LBB2_1:
0x41: {  	[smem:$0x7DF] =	sst s4;
	s3 =	simm.s32 $0x0  }
0x42: {  	s25 =	rddreg [dreg:$0x5];
	s10 =	simm.s32 $0x12008;
	s26 =	simm.s32 $0x6  }
0x43: {  	[tilespmem:s10], [sflag:$0x6] =	stream.linear.gather [hbm4b:s25+s3], $0x800, $0x38;
	[tilespmem:$0x1E808] =	vst v63  }
0x44: {  	_ =	swait.ge [sflag:s26], $0x800  }
0x45: {  	[sflag:s26] =	ssyncset.done $0x0  }
0x46: {  	[sflag:s26] =	ssyncadd.s32 $0xFFFFF800;
	s26 =	simm.s32 $0x0  }
.LBB2_2:
0x47: {  	s3 =	rddreg [dreg:$0x9]  }
0x48: {  	s4 =	simm.s32 $0x12008;
	s21 =	rddreg [dreg:$0xa]  }
0x49: {  	[spmem:s3] =	stream.linear.scatter [tilespmem:s4], [sflag:$0x5], $0x800, $0x38;
	[tilespmem:$0x1E808] =	vst v63  }
0x4a: {  	s25 =	rddreg [dreg:$0xc]  }
0x4b: {  	[spmem:s21] =	stream.linear.scatter [tilespmem:s4], [sflag:$0x5], $0x800, $0x38;
	[tilespmem:$0x1E808] =	vst v63  }
0x4c: {  	s10 =	rddreg [dreg:$0xd]  }
0x4d: {  	[spmem:s25] =	stream.linear.scatter [tilespmem:s4], [sflag:$0x5], $0x800, $0x38;
	[tilespmem:$0x1E808] =	vst v63  }
0x4e: {  	s12 =	rddreg [dreg:$0xe]  }
0x4f: {  	[spmem:s10] =	stream.linear.scatter [tilespmem:s4], [sflag:$0x5], $0x800, $0x38;
	[tilespmem:$0x1E808] =	vst v63  }
0x50: {  	s14 =	rddreg [dreg:$0x16]  }
0x51: {  	[spmem:s12] =	stream.linear.scatter [tilespmem:s4], [sflag:$0x5], $0x800, $0x38;
	[tilespmem:$0x1E808] =	vst v63  }
0x52: {  	s17 =	rddreg [dreg:$0x17]  }
0x53: {  	[spmem:s14] =	stream.linear.scatter [tilespmem:s4], [sflag:$0x5], $0x800, $0x38;
	[tilespmem:$0x1E808] =	vst v63  }
0x54: {  	s21 =	rddreg [dreg:$0x18]  }
0x55: {  	[spmem:s17] =	stream.linear.scatter [tilespmem:s4], [sflag:$0x5], $0x800, $0x38;
	[tilespmem:$0x1E808] =	vst v63  }
0x56: {  	s25 =	rddreg [dreg:$0x19]  }
0x57: {  	[spmem:s21] =	stream.linear.scatter [tilespmem:s4], [sflag:$0x5], $0x800, $0x38;
	[tilespmem:$0x1E808] =	vst v63  }
0x58: {  	s10 =	rddreg [dreg:$0x1a]  }
0x59: {  	[spmem:s25] =	stream.linear.scatter [tilespmem:s4], [sflag:$0x5], $0x800, $0x38;
	[tilespmem:$0x1E808] =	vst v63  }
0x5a: {  	s12 =	rddreg [dreg:$0x1b]  }
0x5b: {  	[spmem:s10] =	stream.linear.scatter [tilespmem:s4], [sflag:$0x5], $0x800, $0x38;
	[tilespmem:$0x1E808] =	vst v63  }
0x5c: {  	s14 =	rddreg [dreg:$0x1c]  }
0x5d: {  	[spmem:s12] =	stream.linear.scatter [tilespmem:s4], [sflag:$0x5], $0x800, $0x38;
	[tilespmem:$0x1E808] =	vst v63  }
0x5e: {  	s17 =	rddreg [dreg:$0x1d]  }
0x5f: {  	[spmem:s14] =	stream.linear.scatter [tilespmem:s4], [sflag:$0x5], $0x800, $0x38;
	[tilespmem:$0x1E808] =	vst v63  }
0x60: {  	s21 =	rddreg [dreg:$0x1e]  }
0x61: {  	[spmem:s17] =	stream.linear.scatter [tilespmem:s4], [sflag:$0x5], $0x800, $0x38;
	[tilespmem:$0x1E808] =	vst v63  }
0x62: {  	s25 =	rddreg [dreg:$0x1f]  }
0x63: {  	[spmem:s21] =	stream.linear.scatter [tilespmem:s4], [sflag:$0x5], $0x800, $0x38;
	[tilespmem:$0x1E808] =	vst v63  }
0x64: {  	s10 =	sld [smem:$0x7E0]  }
0x65: {  	[spmem:s25] =	stream.linear.scatter [tilespmem:s4], [sflag:$0x5], $0x800, $0x38;
	[tilespmem:$0x1E808] =	vst v63  }
0x66: {  	s12 =	sld [smem:$0x7E1]  }
0x67: {  	[spmem:s10] =	stream.linear.scatter [tilespmem:s4], [sflag:$0x5], $0x800, $0x38;
	[tilespmem:$0x1E808] =	vst v63  }
0x68: {  	s14 =	sld [smem:$0x7E2]  }
0x69: {  	[spmem:s12] =	stream.linear.scatter [tilespmem:s4], [sflag:$0x5], $0x800, $0x38;
	[tilespmem:$0x1E808] =	vst v63  }
0x6a: {  	s17 =	sld [smem:$0x7E3]  }
0x6b: {  	[spmem:s14] =	stream.linear.scatter [tilespmem:s4], [sflag:$0x5], $0x800, $0x38;
	[tilespmem:$0x1E808] =	vst v63  }
0x6c: {  	s21 =	sld [smem:$0x7E4]  }
0x6d: {  	[spmem:s17] =	stream.linear.scatter [tilespmem:s4], [sflag:$0x5], $0x800, $0x38;
	[tilespmem:$0x1E808] =	vst v63  }
0x6e: {  	s25 =	sld [smem:$0x7E5]  }
0x6f: {  	[spmem:s21] =	stream.linear.scatter [tilespmem:s4], [sflag:$0x5], $0x800, $0x38;
	[tilespmem:$0x1E808] =	vst v63  }
0x70: {  	s10 =	sld [smem:$0x7E6]  }
0x71: {  	[spmem:s25] =	stream.linear.scatter [tilespmem:s4], [sflag:$0x5], $0x800, $0x38;
	[tilespmem:$0x1E808] =	vst v63  }
0x72: {  	s12 =	sld [smem:$0x7E7]  }
0x73: {  	[spmem:s10] =	stream.linear.scatter [tilespmem:s4], [sflag:$0x5], $0x800, $0x38;
	[tilespmem:$0x1E808] =	vst v63  }
0x74: {  	s14 =	sld [smem:$0x7E8]  }
0x75: {  	[spmem:s12] =	stream.linear.scatter [tilespmem:s4], [sflag:$0x5], $0x800, $0x38;
	[tilespmem:$0x1E808] =	vst v63  }
0x76: {  	s17 =	sld [smem:$0x7E9]  }
0x77: {  	[spmem:s14] =	stream.linear.scatter [tilespmem:s4], [sflag:$0x5], $0x800, $0x38;
	[tilespmem:$0x1E808] =	vst v63  }
0x78: {  	s21 =	sld [smem:$0x7EA]  }
0x79: {  	[spmem:s17] =	stream.linear.scatter [tilespmem:s4], [sflag:$0x5], $0x800, $0x38;
	[tilespmem:$0x1E808] =	vst v63  }
0x7a: {  	s25 =	sld [smem:$0x7EB]  }
0x7b: {  	[spmem:s21] =	stream.linear.scatter [tilespmem:s4], [sflag:$0x5], $0x800, $0x38;
	[tilespmem:$0x1E808] =	vst v63  }
0x7c: {  	s10 =	sld [smem:$0x7EC]  }
0x7d: {  	[spmem:s25] =	stream.linear.scatter [tilespmem:s4], [sflag:$0x5], $0x800, $0x38;
	[tilespmem:$0x1E808] =	vst v63  }
0x7e: {  	s12 =	sld [smem:$0x7ED]  }
0x7f: {  	[spmem:s10] =	stream.linear.scatter [tilespmem:s4], [sflag:$0x5], $0x800, $0x38;
	[tilespmem:$0x1E808] =	vst v63  }
0x80: {  	s14 =	sld [smem:$0x7EE]  }
0x81: {  	[spmem:s12] =	stream.linear.scatter [tilespmem:s4], [sflag:$0x5], $0x800, $0x38;
	[tilespmem:$0x1E808] =	vst v63  }
0x82: {  	s17 =	sld [smem:$0x7EF]  }
0x83: {  	[spmem:s14] =	stream.linear.scatter [tilespmem:s4], [sflag:$0x5], $0x800, $0x38;
	[tilespmem:$0x1E808] =	vst v63  }
0x84: {  	s21 =	sld [smem:$0x7F0]  }
0x85: {  	[spmem:s17] =	stream.linear.scatter [tilespmem:s4], [sflag:$0x5], $0x800, $0x38;
	[tilespmem:$0x1E808] =	vst v63  }
0x86: {  	s25 =	sld [smem:$0x7F1]  }
0x87: {  	[spmem:s21] =	stream.linear.scatter [tilespmem:s4], [sflag:$0x5], $0x800, $0x38;
	[tilespmem:$0x1E808] =	vst v63  }
0x88: {  	s10 =	sld [smem:$0x7F2]  }
0x89: {  	[spmem:s25] =	stream.linear.scatter [tilespmem:s4], [sflag:$0x5], $0x800, $0x38;
	[tilespmem:$0x1E808] =	vst v63  }
0x8a: {  	s12 =	sld [smem:$0x7F3]  }
0x8b: {  	[spmem:s10] =	stream.linear.scatter [tilespmem:s4], [sflag:$0x5], $0x800, $0x38;
	[tilespmem:$0x1E808] =	vst v63  }
0x8c: {  	s14 =	sld [smem:$0x7F4]  }
0x8d: {  	[spmem:s12] =	stream.linear.scatter [tilespmem:s4], [sflag:$0x5], $0x800, $0x38;
	[tilespmem:$0x1E808] =	vst v63  }
0x8e: {  	s17 =	sld [smem:$0x7F5]  }
0x8f: {  	[spmem:s14] =	stream.linear.scatter [tilespmem:s4], [sflag:$0x5], $0x800, $0x38;
	[tilespmem:$0x1E808] =	vst v63  }
0x90: {  	s14 =	simm.s32 $0x5  }
0x91: {  	[spmem:s17] =	stream.linear.scatter [tilespmem:s4], [sflag:$0x5], $0x8, $0x38;
	[tilespmem:$0x1E808] =	vst v63  }
0x92: {  	_ =	swait.ge [sflag:s14], $0x800  }
0x93: {  	[sflag:s14] =	ssyncset.done $0x0  }
0x94: {  	[sflag:s14] =	ssyncadd.s32 $0xFFFFF800  }
0x95: {  	_ =	swait.ge [sflag:s14], $0x800  }
0x96: {  	[sflag:s14] =	ssyncset.done $0x0  }
0x97: {  	[sflag:s14] =	ssyncadd.s32 $0xFFFFF800  }
0x98: {  	_ =	swait.ge [sflag:s14], $0x800  }
0x99: {  	[sflag:s14] =	ssyncset.done $0x0  }
0x9a: {  	[sflag:s14] =	ssyncadd.s32 $0xFFFFF800  }
0x9b: {  	_ =	swait.ge [sflag:s14], $0x800  }
0x9c: {  	[sflag:s14] =	ssyncset.done $0x0  }
0x9d: {  	[sflag:s14] =	ssyncadd.s32 $0xFFFFF800  }
0x9e: {  	_ =	swait.ge [sflag:s14], $0x800  }
0x9f: {  	[sflag:s14] =	ssyncset.done $0x0  }
0xa0: {  	[sflag:s14] =	ssyncadd.s32 $0xFFFFF800  }
0xa1: {  	_ =	swait.ge [sflag:s14], $0x800  }
0xa2: {  	[sflag:s14] =	ssyncset.done $0x0  }
0xa3: {  	[sflag:s14] =	ssyncadd.s32 $0xFFFFF800  }
0xa4: {  	_ =	swait.ge [sflag:s14], $0x800  }
0xa5: {  	[sflag:s14] =	ssyncset.done $0x0  }
0xa6: {  	[sflag:s14] =	ssyncadd.s32 $0xFFFFF800  }
0xa7: {  	_ =	swait.ge [sflag:s14], $0x800  }
0xa8: {  	[sflag:s14] =	ssyncset.done $0x0  }
0xa9: {  	[sflag:s14] =	ssyncadd.s32 $0xFFFFF800  }
0xaa: {  	_ =	swait.ge [sflag:s14], $0x800  }
0xab: {  	[sflag:s14] =	ssyncset.done $0x0  }
0xac: {  	[sflag:s14] =	ssyncadd.s32 $0xFFFFF800  }
0xad: {  	_ =	swait.ge [sflag:s14], $0x800  }
0xae: {  	[sflag:s14] =	ssyncset.done $0x0  }
0xaf: {  	[sflag:s14] =	ssyncadd.s32 $0xFFFFF800  }
0xb0: {  	_ =	swait.ge [sflag:s14], $0x800  }
0xb1: {  	[sflag:s14] =	ssyncset.done $0x0  }
0xb2: {  	[sflag:s14] =	ssyncadd.s32 $0xFFFFF800  }
0xb3: {  	_ =	swait.ge [sflag:s14], $0x800  }
0xb4: {  	[sflag:s14] =	ssyncset.done $0x0  }
0xb5: {  	[sflag:s14] =	ssyncadd.s32 $0xFFFFF800  }
0xb6: {  	_ =	swait.ge [sflag:s14], $0x800  }
0xb7: {  	[sflag:s14] =	ssyncset.done $0x0  }
0xb8: {  	[sflag:s14] =	ssyncadd.s32 $0xFFFFF800  }
0xb9: {  	_ =	swait.ge [sflag:s14], $0x800  }
0xba: {  	[sflag:s14] =	ssyncset.done $0x0  }
0xbb: {  	[sflag:s14] =	ssyncadd.s32 $0xFFFFF800  }
0xbc: {  	_ =	swait.ge [sflag:s14], $0x800  }
0xbd: {  	[sflag:s14] =	ssyncset.done $0x0  }
0xbe: {  	[sflag:s14] =	ssyncadd.s32 $0xFFFFF800  }
0xbf: {  	_ =	swait.ge [sflag:s14], $0x800  }
0xc0: {  	[sflag:s14] =	ssyncset.done $0x0  }
0xc1: {  	[sflag:s14] =	ssyncadd.s32 $0xFFFFF800  }
0xc2: {  	_ =	swait.ge [sflag:s14], $0x800  }
0xc3: {  	[sflag:s14] =	ssyncset.done $0x0  }
0xc4: {  	[sflag:s14] =	ssyncadd.s32 $0xFFFFF800  }
0xc5: {  	_ =	swait.ge [sflag:s14], $0x800  }
0xc6: {  	[sflag:s14] =	ssyncset.done $0x0  }
0xc7: {  	[sflag:s14] =	ssyncadd.s32 $0xFFFFF800  }
0xc8: {  	_ =	swait.ge [sflag:s14], $0x800  }
0xc9: {  	[sflag:s14] =	ssyncset.done $0x0  }
0xca: {  	[sflag:s14] =	ssyncadd.s32 $0xFFFFF800  }
0xcb: {  	_ =	swait.ge [sflag:s14], $0x800  }
0xcc: {  	[sflag:s14] =	ssyncset.done $0x0  }
0xcd: {  	[sflag:s14] =	ssyncadd.s32 $0xFFFFF800  }
0xce: {  	_ =	swait.ge [sflag:s14], $0x800  }
0xcf: {  	[sflag:s14] =	ssyncset.done $0x0  }
0xd0: {  	[sflag:s14] =	ssyncadd.s32 $0xFFFFF800  }
0xd1: {  	_ =	swait.ge [sflag:s14], $0x800  }
0xd2: {  	[sflag:s14] =	ssyncset.done $0x0  }
0xd3: {  	[sflag:s14] =	ssyncadd.s32 $0xFFFFF800  }
0xd4: {  	_ =	swait.ge [sflag:s14], $0x800  }
0xd5: {  	[sflag:s14] =	ssyncset.done $0x0  }
0xd6: {  	[sflag:s14] =	ssyncadd.s32 $0xFFFFF800  }
0xd7: {  	_ =	swait.ge [sflag:s14], $0x800  }
0xd8: {  	[sflag:s14] =	ssyncset.done $0x0  }
0xd9: {  	[sflag:s14] =	ssyncadd.s32 $0xFFFFF800  }
0xda: {  	_ =	swait.ge [sflag:s14], $0x800  }
0xdb: {  	[sflag:s14] =	ssyncset.done $0x0  }
0xdc: {  	[sflag:s14] =	ssyncadd.s32 $0xFFFFF800  }
0xdd: {  	_ =	swait.ge [sflag:s14], $0x800  }
0xde: {  	[sflag:s14] =	ssyncset.done $0x0  }
0xdf: {  	[sflag:s14] =	ssyncadd.s32 $0xFFFFF800  }
0xe0: {  	_ =	swait.ge [sflag:s14], $0x800  }
0xe1: {  	[sflag:s14] =	ssyncset.done $0x0  }
0xe2: {  	[sflag:s14] =	ssyncadd.s32 $0xFFFFF800  }
0xe3: {  	_ =	swait.ge [sflag:s14], $0x800  }
0xe4: {  	[sflag:s14] =	ssyncset.done $0x0  }
0xe5: {  	[sflag:s14] =	ssyncadd.s32 $0xFFFFF800  }
0xe6: {  	_ =	swait.ge [sflag:s14], $0x800  }
0xe7: {  	[sflag:s14] =	ssyncset.done $0x0  }
0xe8: {  	[sflag:s14] =	ssyncadd.s32 $0xFFFFF800  }
0xe9: {  	_ =	swait.ge [sflag:s14], $0x800  }
0xea: {  	[sflag:s14] =	ssyncset.done $0x0  }
0xeb: {  	[sflag:s14] =	ssyncadd.s32 $0xFFFFF800  }
0xec: {  	_ =	swait.ge [sflag:s14], $0x800  }
0xed: {  	[sflag:s14] =	ssyncset.done $0x0  }
0xee: {  	[sflag:s14] =	ssyncadd.s32 $0xFFFFF800  }
0xef: {  	_ =	swait.ge [sflag:s14], $0x800  }
0xf0: {  	[sflag:s14] =	ssyncset.done $0x0  }
0xf1: {  	[sflag:s14] =	ssyncadd.s32 $0xFFFFF800  }
0xf2: {  	_ =	swait.ge [sflag:s14], $0x800  }
0xf3: {  	[sflag:s14] =	ssyncset.done $0x0  }
0xf4: {  	[sflag:s14] =	ssyncadd.s32 $0xFFFFF800  }
0xf5: {  	_ =	swait.ge [sflag:s14], $0x800  }
0xf6: {  	[sflag:s14] =	ssyncset.done $0x0  }
0xf7: {  	[sflag:s14] =	ssyncadd.s32 $0xFFFFF800  }
0xf8: {  	_ =	swait.ge [sflag:s14], $0x800  }
0xf9: {  	[sflag:s14] =	ssyncset.done $0x0  }
0xfa: {  	[sflag:s14] =	ssyncadd.s32 $0xFFFFF800  }
0xfb: {  	_ =	swait.ge [sflag:s14], $0x800  }
0xfc: {  	p0 =	seq.s32 s26, $0xC;
	s12 =	rddreg [dreg:$0xb];
	[sflag:s14] =	ssyncset.done $0x0  }
0xfd: {  	s3 =	sadd.s32 @!p0 s12, s26;
	[sflag:s14] =	ssyncadd.s32 $0xFFFFF800  }
0xfe: {  	s3 =	smul.u32 @!p0 $0x120000, s3;
	_ =	swait.ge [sflag:s14], $0x8  }
0xff: {  	s10 =	rddreg [dreg:$0x7];
	[sflag:s14] =	ssyncset.done $0x0  }
0x100: {  	s4 =	sadd.s32 @!p0 s10, s3;
	[sflag:s14] =	ssyncadd.s32 $0xFFFFFFF8  }
0x101: {  	s4 =	sshrl.u32 @!p0 s4, $0x3;
	s25 =	rddreg [dreg:$0x0];
	[bflag:$0x0] =	sbarrier.arrive $0xFFFF  }
0x102: {  	s4 =	sadd.s32 @!p0 s25, s4;
	s14 =	rddreg [dreg:$0xf]  }
0x103: {  	s17 =	simm.s32 $0x24000;
	s21 =	rddreg [dreg:$0x12];
	s4 =	smov.u32 @p0 s14  }
0x104: {  	[tilespmem:s29], [sflag:$0x1] =	stream.strided.gather [hbm4b:s4+s28], $0x1000, s17, s28, $0x38;
	[tilespmem:$0x1E808] =	vst v63  }
0x105: {  	s14 =	sld [smem:$0x7F6];
	s4 =	simm.s32 $0x0  }
0x106: {  	[tilespmem:s30], [sflag:$0x1] =	stream.linear.gather [hbm4b:s21+s4], $0x200, $0x38;
	[tilespmem:$0x1E808] =	vst v63  }
0x107: {  	s21 =	simm.s32 $0x14A08  }
0x108: {  	[tilespmem:s21], [sflag:$0x1] =	stream.linear.gather [hbm4b:s14+s4], $0x200, $0x38;
	[tilespmem:$0x1E808] =	vst v63  }
0x109: {  	s21 =	sld [smem:$0x7F7];
	_ =	sdelay $0x1  }
0x10a: {  	s14 =	sld [smem:$0x7F8]  }
0x10b: {  	[tilespmem:s31], [sflag:$0x1] =	stream.linear.gather [hbm4b:s21+s4], $0x200, $0x38;
	[tilespmem:$0x1E808] =	vst v63  }
0x10c: {  	s21 =	simm.s32 $0x15208  }
0x10d: {  	[tilespmem:s21], [sflag:$0x1] =	stream.linear.gather [hbm4b:s14+s4], $0x200, $0x38;
	[tilespmem:$0x1E808] =	vst v63  }
0x10e: {  	s4 =	rddreg [dreg:$0x10]  }
0x10f: {  	s3 =	sadd.s32 @!p0 s3, s4;
	s4 =	sld [smem:$0x7F9]  }
0x110: {  	s3 =	sshrl.u32 @!p0 s3, $0x3  }
0x111: {  	[smem:$0x7DE] =	sst s26;
	s3 =	sadd.s32 @!p0 s25, s3  }
0x112: {  	p1 =	slt.s32 s26, $0xB;
	s3 =	smov.u32 @p0 s4;
	s4 =	rddreg [dreg:$0x13]  }
0x113: {  	[tilespmem:s0], [sflag:$0x2] =	stream.strided.gather [hbm4b:s3+s28], $0x1000, s17, s28, $0x38;
	[tilespmem:$0x1E808] =	vst v63  }
0x114: {  	s14 =	simm.s32 $0x0;
	s17 =	sld [smem:$0x7FA];
	s3 =	smov.u32 s26  }
0x115: {  	[tilespmem:s8], [sflag:$0x2] =	stream.linear.gather [hbm4b:s4+s14], $0x200, $0x38;
	[tilespmem:$0x1E808] =	vst v63  }
0x116: {  	s3 =	simm.s32 @!p1 $0xB;
	s4 =	sld [smem:$0x7FB]  }
0x117: {  	s21 =	simm.s32 $0x14E08;
	s3 =	sadd.s32 s12, s3;
	s12 =	sld [smem:$0x7FC]  }
0x118: {  	[tilespmem:s21], [sflag:$0x2] =	stream.linear.gather [hbm4b:s17+s14], $0x200, $0x38;
	[tilespmem:$0x1E808] =	vst v63  }
0x119: {  	s3 =	smul.u32 $0x120000, s3;
	s21 =	rddreg [dreg:$0x8]  }
0x11a: {  	[tilespmem:s24], [sflag:$0x2] =	stream.linear.gather [hbm4b:s4+s14], $0x200, $0x38;
	[tilespmem:$0x1E808] =	vst v63  }
0x11b: {  	s17 =	simm.s32 $0x15608;
	s3 =	simm.s32 @p0 $0x0;
	s4 =	rddreg [dreg:$0x4]  }
0x11c: {  	s26 =	sadd.s32 s21, s26;
	s3 =	sadd.s32 s3, s10;
	s25 =	smov.u32 @p0 s4  }
0x11d: {  	[tilespmem:s17], [sflag:$0x2] =	stream.linear.gather [hbm4b:s12+s14], $0x200, $0x38;
	[tilespmem:$0x1E808] =	vst v63  }
.LBB2_3:
0x11e: {  	p0 =	seq.s32 s14, $0x0  }
0x11f: {  	s4 =	simm.s32 @!p0 $0x3  }
0x120: {  	_ =	swait.ge @!p0 [sflag:s4], $0x400  }
0x121: {  	[sflag:s4] =	ssyncset.done @!p0 $0x0  }
0x122: {  	[sflag:s4] =	ssyncadd.s32 @!p0 $0xFFFFFC00  }
0x123: {  	_ =	swait.ge @!p0 [sflag:s4], $0x400  }
0x124: {  	[sflag:s4] =	ssyncset.done @!p0 $0x0  }
0x125: {  	[sflag:s4] =	ssyncadd.s32 @!p0 $0xFFFFFC00  }
0x126: {  	_ =	swait.ge @!p0 [sflag:s4], $0x400  }
0x127: {  	[sflag:s4] =	ssyncset.done @!p0 $0x0  }
0x128: {  	[sflag:s4] =	ssyncadd.s32 @!p0 $0xFFFFFC00  }
0x129: {  	_ =	swait.ge @!p0 [sflag:s4], $0x400  }
0x12a: {  	[sflag:s4] =	ssyncset.done @!p0 $0x0  }
0x12b: {  	[sflag:s4] =	ssyncadd.s32 @!p0 $0xFFFFFC00  }
0x12c: {  	_ =	swait.ge @!p0 [sflag:s4], $0x400  }
0x12d: {  	[sflag:s4] =	ssyncset.done @!p0 $0x0  }
0x12e: {  	[sflag:s4] =	ssyncadd.s32 @!p0 $0xFFFFFC00  }
0x12f: {  	_ =	swait.ge @!p0 [sflag:s4], $0x400  }
0x130: {  	[sflag:s4] =	ssyncset.done @!p0 $0x0  }
0x131: {  	[sflag:s4] =	ssyncadd.s32 @!p0 $0xFFFFFC00  }
0x132: {  	_ =	swait.ge @!p0 [sflag:s4], $0x400  }
0x133: {  	[sflag:s4] =	ssyncset.done @!p0 $0x0  }
0x134: {  	[sflag:s4] =	ssyncadd.s32 @!p0 $0xFFFFFC00  }
0x135: {  	_ =	swait.ge @!p0 [sflag:s4], $0x400  }
0x136: {  	[sflag:s4] =	ssyncset.done @!p0 $0x0  }
0x137: {  	[sflag:s4] =	ssyncadd.s32 @!p0 $0xFFFFFC00  }
0x138: {  	_ =	swait.ge @!p0 [sflag:s4], $0x400  }
0x139: {  	[sflag:s4] =	ssyncset.done @!p0 $0x0  }
0x13a: {  	[sflag:s4] =	ssyncadd.s32 @!p0 $0xFFFFFC00  }
0x13b: {  	_ =	swait.ge @!p0 [sflag:s4], $0x400  }
0x13c: {  	[sflag:s4] =	ssyncset.done @!p0 $0x0  }
0x13d: {  	[sflag:s4] =	ssyncadd.s32 @!p0 $0xFFFFFC00  }
0x13e: {  	_ =	swait.ge @!p0 [sflag:s4], $0x400  }
0x13f: {  	[sflag:s4] =	ssyncset.done @!p0 $0x0  }
0x140: {  	[sflag:s4] =	ssyncadd.s32 @!p0 $0xFFFFFC00  }
0x141: {  	_ =	swait.ge @!p0 [sflag:s4], $0x400  }
0x142: {  	[sflag:s4] =	ssyncset.done @!p0 $0x0  }
0x143: {  	[sflag:s4] =	ssyncadd.s32 @!p0 $0xFFFFFC00  }
0x144: {  	_ =	swait.ge @!p0 [sflag:s4], $0x400  }
0x145: {  	[sflag:s4] =	ssyncset.done @!p0 $0x0  }
0x146: {  	[sflag:s4] =	ssyncadd.s32 @!p0 $0xFFFFFC00  }
0x147: {  	_ =	swait.ge @!p0 [sflag:s4], $0x400  }
0x148: {  	[sflag:s4] =	ssyncset.done @!p0 $0x0  }
0x149: {  	[sflag:s4] =	ssyncadd.s32 @!p0 $0xFFFFFC00  }
0x14a: {  	_ =	swait.ge @!p0 [sflag:s4], $0x400  }
0x14b: {  	[sflag:s4] =	ssyncset.done @!p0 $0x0  }
0x14c: {  	s10 =	sshll.u32 s14, $0xA;
	[sflag:s4] =	ssyncadd.s32 @!p0 $0xFFFFFC00  }
0x14d: {  	s12 =	simm.s32 $0x24000;
	s21 =	sadd.s32 s10, s19;
	_ =	swait.ge @!p0 [sflag:s4], $0x400  }
0x14e: {  	s17 =	simm.s32 $0x15808;
	s21 =	sshrl.u32 s21, $0x3;
	[sflag:s4] =	ssyncset.done @!p0 $0x0  }
0x14f: {  	s21 =	sadd.s32 s6, s21;
	[sflag:s4] =	ssyncadd.s32 @!p0 $0xFFFFFC00;
	s4 =	simm.s32 $0x6  }
0x150: {  	[tilespmem:s17], [sflag:$0x6] =	stream.strided.gather [hbm4b:s21+s28], $0x800, s12, s28, $0x38;
	[tilespmem:$0x1E808] =	vst v63  }
0x151: {  	_ =	swait.ge [sflag:s4], $0x800  }
0x152: {  	[sflag:s4] =	ssyncset.done $0x0  }
0x153: {  	[sflag:s4] =	ssyncadd.s32 $0xFFFFF800  }
0x154: {  	_ =	swait.ge [sflag:s5], $0x1000  }
0x155: {  	[sflag:s5] =	ssyncset.done $0x0  }
0x156: {  	[sflag:s5] =	ssyncadd.s32 $0xFFFFF000  }
0x157: {  	_ =	swait.ge [sflag:s5], $0x200  }
0x158: {  	[sflag:s5] =	ssyncset.done $0x0  }
0x159: {  	[sflag:s5] =	ssyncadd.s32 $0xFFFFFE00  }
0x15a: {  	_ =	swait.ge [sflag:s5], $0x200  }
0x15b: {  	[sflag:s5] =	ssyncset.done $0x0  }
0x15c: {  	[sflag:s5] =	ssyncadd.s32 $0xFFFFFE00  }
0x15d: {  	s12 =	simm.s32 $0x0;
	_ =	swait.ge [sflag:s5], $0x200  }
0x15e: {  	v4 =	vor.u32 s12, v1;
	[sflag:s5] =	ssyncset.done $0x0  }
0x15f: {  	v5 =	vor.u32 s12, v0;
	[sflag:s5] =	ssyncadd.s32 $0xFFFFFE00  }
0x160: {  	v6 =	vor.u32 s12, v2;
	_ =	swait.ge [sflag:s5], $0x200  }
0x161: {  	[sflag:s5] =	ssyncset.done $0x0  }
0x162: {  	[sflag:s5] =	ssyncadd.s32 $0xFFFFFE00  }
0x163: {  	v4 =	vld.idx.msk [tilespmem:v4+s29+$0x0], $0xffff  }
0x164: {  	v7 =	vld.idx.msk [tilespmem:v5+s30+$0x0], $0xffff  }
0x165: {  	v8 =	vshll.u32 v5, $0x3;
	v9 =	vld.idx.msk [tilespmem:v6+s30+$0x0], $0xffff  }
0x166: {  	v8 =	vor.u32 v3, v8;
	v5 =	vld.idx.msk [tilespmem:v5+s31+$0x0], $0xffff  }
0x167: {  	s17 =	simm.s32 $0x2;
	v6 =	vld.idx.msk [tilespmem:v6+s31+$0x0], $0xffff  }
0x168: {  	v10 =	vmov s17  }
0x169: {  	v10 =	vand.u32 $0x1FB, v10;
	v7 =	vmul.f32 v7, v4  }
0x16a: {  	v10 =	vor.u32 v1, v10;
	v9 =	vmul.f32 v9, v4  }
0x16b: {  	v5 =	vmul.f32 v5, v4;
	[tilespmem:v8+s9+$0x0] =	vst.idx.msk $0xffff, v7;
	v7 =	vor.u32 s17, v0  }
0x16c: {  	v4 =	vmul.f32 v6, v4;
	v6 =	vor.u32 s17, v2;
	[tilespmem:v8+s11+$0x0] =	vst.idx.msk $0xffff, v9  }
0x16d: {  	[tilespmem:v8+s13+$0x0] =	vst.idx.msk $0xffff, v5  }
0x16e: {  	[tilespmem:v8+s15+$0x0] =	vst.idx.msk $0xffff, v4  }
0x16f: {  	v4 =	vld.idx.msk [tilespmem:v10+s29+$0x0], $0xffff  }
0x170: {  	v5 =	vld.idx.msk [tilespmem:v7+s30+$0x0], $0xffff  }
0x171: {  	v8 =	vshll.u32 v7, $0x3;
	v9 =	vld.idx.msk [tilespmem:v6+s30+$0x0], $0xffff  }
0x172: {  	v8 =	vor.u32 v3, v8;
	v7 =	vld.idx.msk [tilespmem:v7+s31+$0x0], $0xffff  }
0x173: {  	s28 =	simm.s32 $0x4;
	v6 =	vld.idx.msk [tilespmem:v6+s31+$0x0], $0xffff  }
0x174: {  	v10 =	vmov s28  }
0x175: {  	v10 =	vand.u32 $0x1FD, v10;
	v5 =	vmul.f32 v5, v4  }
0x176: {  	v10 =	vor.u32 v1, v10;
	v9 =	vmul.f32 v9, v4  }
0x177: {  	[tilespmem:v8+s9+$0x0] =	vst.idx.msk $0xffff, v5;
	v5 =	vmul.f32 v7, v4;
	v7 =	vor.u32 s28, v0  }
0x178: {  	v4 =	vmul.f32 v6, v4;
	v6 =	vor.u32 s28, v2;
	[tilespmem:v8+s11+$0x0] =	vst.idx.msk $0xffff, v9  }
0x179: {  	[tilespmem:v8+s13+$0x0] =	vst.idx.msk $0xffff, v5  }
0x17a: {  	[tilespmem:v8+s15+$0x0] =	vst.idx.msk $0xffff, v4  }
0x17b: {  	v4 =	vld.idx.msk [tilespmem:v10+s29+$0x0], $0xffff  }
0x17c: {  	v5 =	vld.idx.msk [tilespmem:v7+s30+$0x0], $0xffff  }
0x17d: {  	v8 =	vshll.u32 v7, $0x3;
	v9 =	vld.idx.msk [tilespmem:v6+s30+$0x0], $0xffff  }
0x17e: {  	v8 =	vor.u32 v3, v8;
	v7 =	vld.idx.msk [tilespmem:v7+s31+$0x0], $0xffff  }
0x17f: {  	v6 =	vld.idx.msk [tilespmem:v6+s31+$0x0], $0xffff  }
0x180: {  	v10 =	vmov s4  }
0x181: {  	v10 =	vand.u32 $0x1FF, v10;
	v5 =	vmul.f32 v5, v4  }
0x182: {  	v10 =	vor.u32 v1, v10;
	v9 =	vmul.f32 v9, v4  }
0x183: {  	[tilespmem:v8+s9+$0x0] =	vst.idx.msk $0xffff, v5;
	v5 =	vmul.f32 v7, v4;
	v7 =	vor.u32 s4, v0  }
0x184: {  	v4 =	vmul.f32 v6, v4;
	v6 =	vor.u32 s4, v2;
	[tilespmem:v8+s11+$0x0] =	vst.idx.msk $0xffff, v9  }
0x185: {  	[tilespmem:v8+s13+$0x0] =	vst.idx.msk $0xffff, v5  }
0x186: {  	[tilespmem:v8+s15+$0x0] =	vst.idx.msk $0xffff, v4  }
0x187: {  	v4 =	vld.idx.msk [tilespmem:v10+s29+$0x0], $0xffff  }
0x188: {  	v9 =	vld.idx.msk [tilespmem:v7+s30+$0x0], $0xffff  }
0x189: {  	v8 =	vld.idx.msk [tilespmem:v6+s30+$0x0], $0xffff  }
0x18a: {  	v5 =	vshll.u32 v7, $0x3;
	v7 =	vld.idx.msk [tilespmem:v7+s31+$0x0], $0xffff  }
0x18b: {  	s21 =	simm.s32 $0xE;
	s4 =	simm.s32 $0x4;
	v5 =	vor.u32 v3, v5;
	v6 =	vld.idx.msk [tilespmem:v6+s31+$0x0], $0xffff  }
.LBB2_4:
0x18c: {  	s4 =	sadd.s32 $0x4, s4;
	s28 =	sadd.s32 $0xFFFFFFFA, s21  }
0x18d: {  	p1 =	slt.u32 s4, $0xFC;
	v10 =	vor.u32 s28, v0;
	v11 =	vor.u32 s28, v1;
	v12 =	vor.u32 s28, v2  }
0x18e: {  	v9 =	vmul.f32 v9, v4;
	v13 =	vshll.u32 v10, $0x3  }
0x18f: {  	v8 =	vmul.f32 v8, v4  }
0x190: {  	v7 =	vmul.f32 v7, v4;
	[tilespmem:v5+s9+$0x0] =	vst.idx.msk $0xffff, v9  }
0x191: {  	v4 =	vmul.f32 v6, v4;
	[tilespmem:v5+s11+$0x0] =	vst.idx.msk $0xffff, v8  }
0x192: {  	[tilespmem:v5+s13+$0x0] =	vst.idx.msk $0xffff, v7  }
0x193: {  	[tilespmem:v5+s15+$0x0] =	vst.idx.msk $0xffff, v4  }
0x194: {  	v4 =	vld.idx.msk [tilespmem:v12+s30+$0x0], $0xffff  }
0x195: {  	v5 =	vld.idx.msk [tilespmem:v11+s29+$0x0], $0xffff  }
0x196: {  	v6 =	vld.idx.msk [tilespmem:v10+s30+$0x0], $0xffff  }
0x197: {  	v7 =	vld.idx.msk [tilespmem:v10+s31+$0x0], $0xffff  }
0x198: {  	v8 =	vld.idx.msk [tilespmem:v12+s31+$0x0], $0xffff  }
0x199: {  	v9 =	vor.u32 v3, v13  }
0x19a: {  	s28 =	sadd.s32 $0xFFFFFFFC, s21  }
0x19b: {  	v10 =	vmov s28;
	v4 =	vmul.f32 v4, v5  }
0x19c: {  	v10 =	vand.u32 $0x1FB, v10;
	v6 =	vmul.f32 v6, v5  }
0x19d: {  	v10 =	vor.u32 v1, v10  }
0x19e: {  	[tilespmem:v9+s9+$0x0] =	vst.idx.msk $0xffff, v6;
	v6 =	vmul.f32 v7, v5;
	v5 =	vmul.f32 v8, v5;
	v7 =	vor.u32 s28, v0  }
0x19f: {  	[tilespmem:v9+s11+$0x0] =	vst.idx.msk $0xffff, v4;
	v4 =	vor.u32 s28, v2;
	v8 =	vshll.u32 v7, $0x3  }
0x1a0: {  	[tilespmem:v9+s13+$0x0] =	vst.idx.msk $0xffff, v6  }
0x1a1: {  	[tilespmem:v9+s15+$0x0] =	vst.idx.msk $0xffff, v5  }
0x1a2: {  	v5 =	vld.idx.msk [tilespmem:v10+s29+$0x0], $0xffff  }
0x1a3: {  	v6 =	vld.idx.msk [tilespmem:v7+s30+$0x0], $0xffff  }
0x1a4: {  	v9 =	vld.idx.msk [tilespmem:v4+s30+$0x0], $0xffff  }
0x1a5: {  	v7 =	vld.idx.msk [tilespmem:v7+s31+$0x0], $0xffff  }
0x1a6: {  	v8 =	vor.u32 v3, v8;
	v4 =	vld.idx.msk [tilespmem:v4+s31+$0x0], $0xffff  }
0x1a7: {  	s28 =	sadd.s32 $0xFFFFFFFE, s21  }
0x1a8: {  	v10 =	vmov s28  }
0x1a9: {  	v10 =	vand.u32 $0x1FD, v10;
	v6 =	vmul.f32 v6, v5  }
0x1aa: {  	v10 =	vor.u32 v1, v10;
	v9 =	vmul.f32 v9, v5  }
0x1ab: {  	[tilespmem:v8+s9+$0x0] =	vst.idx.msk $0xffff, v6;
	v6 =	vmul.f32 v7, v5;
	v7 =	vor.u32 s28, v0  }
0x1ac: {  	v4 =	vmul.f32 v4, v5;
	v5 =	vor.u32 s28, v2;
	[tilespmem:v8+s11+$0x0] =	vst.idx.msk $0xffff, v9;
	v9 =	vshll.u32 v7, $0x3  }
0x1ad: {  	[tilespmem:v8+s13+$0x0] =	vst.idx.msk $0xffff, v6  }
0x1ae: {  	[tilespmem:v8+s15+$0x0] =	vst.idx.msk $0xffff, v4  }
0x1af: {  	v4 =	vld.idx.msk [tilespmem:v10+s29+$0x0], $0xffff  }
0x1b0: {  	v6 =	vld.idx.msk [tilespmem:v7+s30+$0x0], $0xffff  }
0x1b1: {  	v8 =	vld.idx.msk [tilespmem:v5+s30+$0x0], $0xffff  }
0x1b2: {  	v7 =	vld.idx.msk [tilespmem:v7+s31+$0x0], $0xffff  }
0x1b3: {  	v9 =	vor.u32 v3, v9;
	v5 =	vld.idx.msk [tilespmem:v5+s31+$0x0], $0xffff;
	_ =	sdelay $0x1  }
0x1b4: {  	v10 =	vmov s21  }
0x1b5: {  	v10 =	vand.u32 $0x1FF, v10;
	v6 =	vmul.f32 v6, v4  }
0x1b6: {  	v10 =	vor.u32 v1, v10;
	v8 =	vmul.f32 v8, v4  }
0x1b7: {  	[tilespmem:v9+s9+$0x0] =	vst.idx.msk $0xffff, v6;
	v6 =	vmul.f32 v7, v4;
	v7 =	vor.u32 s21, v0  }
0x1b8: {  	v4 =	vmul.f32 v5, v4;
	v5 =	vor.u32 s21, v2;
	[tilespmem:v9+s11+$0x0] =	vst.idx.msk $0xffff, v8;
	v11 =	vshll.u32 v7, $0x3  }
0x1b9: {  	[tilespmem:v9+s13+$0x0] =	vst.idx.msk $0xffff, v6  }
0x1ba: {  	[tilespmem:v9+s15+$0x0] =	vst.idx.msk $0xffff, v4  }
.Ltmp0:
0x1bb: {  	v4 =	vld.idx.msk [tilespmem:v10+s29+$0x0], $0xffff;
	(pc) =	sbr.rel @p1 .LBB2_4-.Ltmp0, $4  }
0x1bc: {  	v9 =	vld.idx.msk [tilespmem:v7+s30+$0x0], $0xffff  }
0x1bd: {  	v8 =	vld.idx.msk [tilespmem:v5+s30+$0x0], $0xffff  }
0x1be: {  	v7 =	vld.idx.msk [tilespmem:v7+s31+$0x0], $0xffff  }
0x1bf: {  	s21 =	sadd.s32 $0x8, s21;
	v6 =	vld.idx.msk [tilespmem:v5+s31+$0x0], $0xffff;
	v5 =	vor.u32 v3, v11  }
0x1c0: {  	_ =	sdelay $0x1  }
0x1c1: {  	s4 =	sadd.s32 $0xFFFFFFFA, s21;
	v9 =	vmul.f32 v9, v4  }
0x1c2: {  	v10 =	vor.u32 s4, v1;
	v8 =	vmul.f32 v8, v4  }
0x1c3: {  	v11 =	vor.u32 s4, v0;
	[tilespmem:v5+s9+$0x0] =	vst.idx.msk $0xffff, v9;
	v7 =	vmul.f32 v7, v4  }
0x1c4: {  	v9 =	vor.u32 s4, v2;
	[tilespmem:v5+s11+$0x0] =	vst.idx.msk $0xffff, v8;
	v4 =	vmul.f32 v6, v4  }
0x1c5: {  	[tilespmem:v5+s13+$0x0] =	vst.idx.msk $0xffff, v7  }
0x1c6: {  	[tilespmem:v5+s15+$0x0] =	vst.idx.msk $0xffff, v4  }
0x1c7: {  	v4 =	vld.idx.msk [tilespmem:v10+s29+$0x0], $0xffff  }
0x1c8: {  	v5 =	vld.idx.msk [tilespmem:v11+s30+$0x0], $0xffff  }
0x1c9: {  	v6 =	vshll.u32 v11, $0x3;
	v7 =	vld.idx.msk [tilespmem:v9+s30+$0x0], $0xffff  }
0x1ca: {  	v6 =	vor.u32 v3, v6;
	v8 =	vld.idx.msk [tilespmem:v11+s31+$0x0], $0xffff  }
0x1cb: {  	s12 =	sadd.s32 $0xFFFFFFFC, s21;
	v9 =	vld.idx.msk [tilespmem:v9+s31+$0x0], $0xffff  }
0x1cc: {  	v10 =	vmov s12  }
0x1cd: {  	v10 =	vand.u32 $0x1FB, v10;
	v5 =	vmul.f32 v5, v4  }
0x1ce: {  	v10 =	vor.u32 v1, v10;
	v7 =	vmul.f32 v7, v4  }
0x1cf: {  	[tilespmem:v6+s9+$0x0] =	vst.idx.msk $0xffff, v5;
	v5 =	vmul.f32 v8, v4;
	v8 =	vor.u32 s12, v0  }
0x1d0: {  	v4 =	vmul.f32 v9, v4;
	[tilespmem:v6+s11+$0x0] =	vst.idx.msk $0xffff, v7;
	v7 =	vor.u32 s12, v2  }
0x1d1: {  	[tilespmem:v6+s13+$0x0] =	vst.idx.msk $0xffff, v5  }
0x1d2: {  	[tilespmem:v6+s15+$0x0] =	vst.idx.msk $0xffff, v4  }
0x1d3: {  	v4 =	vld.idx.msk [tilespmem:v10+s29+$0x0], $0xffff  }
0x1d4: {  	v5 =	vld.idx.msk [tilespmem:v8+s30+$0x0], $0xffff  }
0x1d5: {  	v6 =	vshll.u32 v8, $0x3;
	v9 =	vld.idx.msk [tilespmem:v7+s30+$0x0], $0xffff  }
0x1d6: {  	v6 =	vor.u32 v3, v6;
	v8 =	vld.idx.msk [tilespmem:v8+s31+$0x0], $0xffff  }
0x1d7: {  	s17 =	sadd.s32 $0xFFFFFFFE, s21;
	v7 =	vld.idx.msk [tilespmem:v7+s31+$0x0], $0xffff  }
0x1d8: {  	v10 =	vmov s17  }
0x1d9: {  	v10 =	vand.u32 $0x1FD, v10;
	v5 =	vmul.f32 v5, v4  }
0x1da: {  	v10 =	vor.u32 v1, v10;
	v9 =	vmul.f32 v9, v4  }
0x1db: {  	[tilespmem:v6+s9+$0x0] =	vst.idx.msk $0xffff, v5;
	v5 =	vmul.f32 v8, v4;
	v8 =	vor.u32 s17, v0  }
0x1dc: {  	v4 =	vmul.f32 v7, v4;
	v7 =	vor.u32 s17, v2;
	[tilespmem:v6+s11+$0x0] =	vst.idx.msk $0xffff, v9  }
0x1dd: {  	[tilespmem:v6+s13+$0x0] =	vst.idx.msk $0xffff, v5  }
0x1de: {  	[tilespmem:v6+s15+$0x0] =	vst.idx.msk $0xffff, v4  }
0x1df: {  	v4 =	vld.idx.msk [tilespmem:v10+s29+$0x0], $0xffff  }
0x1e0: {  	v5 =	vld.idx.msk [tilespmem:v8+s30+$0x0], $0xffff  }
0x1e1: {  	v6 =	vshll.u32 v8, $0x3;
	v9 =	vld.idx.msk [tilespmem:v7+s30+$0x0], $0xffff  }
0x1e2: {  	v6 =	vor.u32 v3, v6;
	v8 =	vld.idx.msk [tilespmem:v8+s31+$0x0], $0xffff  }
0x1e3: {  	v7 =	vld.idx.msk [tilespmem:v7+s31+$0x0], $0xffff  }
0x1e4: {  	v10 =	vmov s21  }
0x1e5: {  	v10 =	vand.u32 $0x1FF, v10;
	v5 =	vmul.f32 v5, v4  }
0x1e6: {  	v10 =	vor.u32 v1, v10;
	v9 =	vmul.f32 v9, v4  }
0x1e7: {  	[tilespmem:v6+s9+$0x0] =	vst.idx.msk $0xffff, v5;
	v5 =	vmul.f32 v8, v4;
	v8 =	vor.u32 s21, v0  }
0x1e8: {  	v4 =	vmul.f32 v7, v4;
	v7 =	vor.u32 s21, v2;
	[tilespmem:v6+s11+$0x0] =	vst.idx.msk $0xffff, v9  }
0x1e9: {  	[tilespmem:v6+s13+$0x0] =	vst.idx.msk $0xffff, v5  }
0x1ea: {  	[tilespmem:v6+s15+$0x0] =	vst.idx.msk $0xffff, v4  }
0x1eb: {  	v4 =	vld.idx.msk [tilespmem:v10+s29+$0x0], $0xffff  }
0x1ec: {  	v5 =	vld.idx.msk [tilespmem:v8+s30+$0x0], $0xffff  }
0x1ed: {  	v6 =	vshll.u32 v8, $0x3;
	v9 =	vld.idx.msk [tilespmem:v7+s30+$0x0], $0xffff  }
0x1ee: {  	v6 =	vor.u32 v3, v6;
	v8 =	vld.idx.msk [tilespmem:v8+s31+$0x0], $0xffff  }
0x1ef: {  	v7 =	vld.idx.msk [tilespmem:v7+s31+$0x0], $0xffff;
	_ =	sdelay $0x1  }
0x1f0: {  	v5 =	vmul.f32 v5, v4  }
0x1f1: {  	p1 =	seq.s32 s14, $0x8;
	v9 =	vmul.f32 v9, v4  }
0x1f2: {  	s4 =	sadd.s32 @!p1 $0x400, s10;
	[tilespmem:v6+s9+$0x0] =	vst.idx.msk $0xffff, v5;
	v5 =	vmul.f32 v8, v4  }
0x1f3: {  	s28 =	simm.s32 @!p1 $0x200;
	s21 =	sadd.s32 @!p1 s3, s4;
	v4 =	vmul.f32 v7, v4;
	[tilespmem:v6+s11+$0x0] =	vst.idx.msk $0xffff, v9  }
0x1f4: {  	s12 =	simm.s32 @!p1 $0x24000;
	s4 =	sadd.s32 @!p1 s4, s19;
	s21 =	sshrl.u32 @!p1 s21, $0x3;
	[tilespmem:v6+s13+$0x0] =	vst.idx.msk $0xffff, v5  }
0x1f5: {  	s17 =	simm.s32 @!p1 $0x12808;
	s4 =	sshrl.u32 @!p1 s4, $0x3;
	s21 =	sadd.s32 @!p1 s25, s21;
	[tilespmem:v6+s15+$0x0] =	vst.idx.msk $0xffff, v4  }
0x1f6: {  	[tilespmem:s17], [sflag:$0x1] =	stream.strided.gather @!p1 [hbm4b:s21+s28], $0x1000, s12, s28, $0x38;
	[tilespmem:$0x1E808] =	vst v63  }
0x1f7: {  	s4 =	sadd.s32 @!p1 s7, s4;
	s12 =	simm.s32 @!p1 $0x0;
	s17 =	simm.s32 @!p1 $0x14808  }
0x1f8: {  	[tilespmem:s17], [sflag:$0x1] =	stream.linear.gather @!p1 [hbm4b:s4+s12], $0x200, $0x38;
	[tilespmem:$0x1E808] =	vst v63  }
0x1f9: {  	s21 =	simm.s32 @!p1 $0x14A08;
	s17 =	sadd.s32 @!p1 $0x4800, s4  }
0x1fa: {  	[tilespmem:s21], [sflag:$0x1] =	stream.linear.gather @!p1 [hbm4b:s17+s12], $0x200, $0x38;
	[tilespmem:$0x1E808] =	vst v63  }
0x1fb: {  	s17 =	sadd.s32 @!p1 $0x9000, s4;
	s21 =	simm.s32 @!p1 $0x15008  }
0x1fc: {  	[tilespmem:s21], [sflag:$0x1] =	stream.linear.gather @!p1 [hbm4b:s17+s12], $0x200, $0x38;
	[tilespmem:$0x1E808] =	vst v63  }
0x1fd: {  	s4 =	sadd.s32 @!p1 $0xD800, s4;
	s17 =	simm.s32 @!p1 $0x15208  }
0x1fe: {  	[tilespmem:s17], [sflag:$0x1] =	stream.linear.gather @!p1 [hbm4b:s4+s12], $0x200, $0x38;
	[tilespmem:$0x1E808] =	vst v63  }
0x1ff: {  	s12 =	simm.s32 $0x15808  }
0x200: {  	[spmem:s2] =	stream.indirect.scatter.add.f32 [tilespmem:s9], [sflag:$0x3], $0x8, s12, s16, $0xb8;
	[tilespmem:$0x1E808] =	vst v63  }
0x201: {  	s21 =	simm.s32 $0x16C08;
	s17 =	simm.s32 $0x15888  }
0x202: {  	[spmem:s2] =	stream.indirect.scatter.add.f32 [tilespmem:s21], [sflag:$0x3], $0x8, s17, s16, $0xb8;
	[tilespmem:$0x1E808] =	vst v63  }
0x203: {  	s17 =	simm.s32 $0x15908;
	s21 =	simm.s32 $0x17008  }
0x204: {  	[spmem:s2] =	stream.indirect.scatter.add.f32 [tilespmem:s21], [sflag:$0x3], $0x8, s17, s16, $0xb8;
	[tilespmem:$0x1E808] =	vst v63  }
0x205: {  	s17 =	simm.s32 $0x15988;
	s21 =	simm.s32 $0x17408  }
0x206: {  	[spmem:s2] =	stream.indirect.scatter.add.f32 [tilespmem:s21], [sflag:$0x3], $0x8, s17, s16, $0xb8;
	[tilespmem:$0x1E808] =	vst v63  }
0x207: {  	s12 =	simm.s32 $0x15A08  }
0x208: {  	[spmem:s2] =	stream.indirect.scatter.add.f32 [tilespmem:s11], [sflag:$0x3], $0x8, s12, s16, $0xb8;
	[tilespmem:$0x1E808] =	vst v63  }
0x209: {  	s17 =	simm.s32 $0x15A88;
	s21 =	simm.s32 $0x17C08  }
0x20a: {  	[spmem:s2] =	stream.indirect.scatter.add.f32 [tilespmem:s21], [sflag:$0x3], $0x8, s17, s16, $0xb8;
	[tilespmem:$0x1E808] =	vst v63  }
0x20b: {  	s17 =	simm.s32 $0x15B08;
	s21 =	simm.s32 $0x18008  }
0x20c: {  	[spmem:s2] =	stream.indirect.scatter.add.f32 [tilespmem:s21], [sflag:$0x3], $0x8, s17, s16, $0xb8;
	[tilespmem:$0x1E808] =	vst v63  }
0x20d: {  	s17 =	simm.s32 $0x15B88;
	s21 =	simm.s32 $0x18408  }
0x20e: {  	[spmem:s2] =	stream.indirect.scatter.add.f32 [tilespmem:s21], [sflag:$0x3], $0x8, s17, s16, $0xb8;
	[tilespmem:$0x1E808] =	vst v63  }
0x20f: {  	s12 =	simm.s32 $0x15C08  }
0x210: {  	[spmem:s2] =	stream.indirect.scatter.add.f32 [tilespmem:s13], [sflag:$0x3], $0x8, s12, s16, $0xb8;
	[tilespmem:$0x1E808] =	vst v63  }
0x211: {  	s17 =	simm.s32 $0x15C88;
	s21 =	simm.s32 $0x18C08  }
0x212: {  	[spmem:s2] =	stream.indirect.scatter.add.f32 [tilespmem:s21], [sflag:$0x3], $0x8, s17, s16, $0xb8;
	[tilespmem:$0x1E808] =	vst v63  }
0x213: {  	s17 =	simm.s32 $0x15D08;
	s21 =	simm.s32 $0x19008  }
0x214: {  	[spmem:s2] =	stream.indirect.scatter.add.f32 [tilespmem:s21], [sflag:$0x3], $0x8, s17, s16, $0xb8;
	[tilespmem:$0x1E808] =	vst v63  }
0x215: {  	s17 =	simm.s32 $0x15D88;
	s21 =	simm.s32 $0x19408  }
0x216: {  	[spmem:s2] =	stream.indirect.scatter.add.f32 [tilespmem:s21], [sflag:$0x3], $0x8, s17, s16, $0xb8;
	[tilespmem:$0x1E808] =	vst v63  }
0x217: {  	s12 =	simm.s32 $0x15E08  }
0x218: {  	[spmem:s2] =	stream.indirect.scatter.add.f32 [tilespmem:s15], [sflag:$0x3], $0x8, s12, s16, $0xb8;
	[tilespmem:$0x1E808] =	vst v63  }
0x219: {  	s17 =	simm.s32 $0x15E88;
	s21 =	simm.s32 $0x19C08  }
0x21a: {  	[spmem:s2] =	stream.indirect.scatter.add.f32 [tilespmem:s21], [sflag:$0x3], $0x8, s17, s16, $0xb8;
	[tilespmem:$0x1E808] =	vst v63  }
0x21b: {  	s17 =	simm.s32 $0x15F08;
	s21 =	simm.s32 $0x1A008  }
0x21c: {  	[spmem:s2] =	stream.indirect.scatter.add.f32 [tilespmem:s21], [sflag:$0x3], $0x8, s17, s16, $0xb8;
	[tilespmem:$0x1E808] =	vst v63  }
0x21d: {  	s4 =	simm.s32 @!p0 $0x4;
	s12 =	simm.s32 $0x15F88;
	s17 =	simm.s32 $0x1A408  }
0x21e: {  	[spmem:s2] =	stream.indirect.scatter.add.f32 [tilespmem:s17], [sflag:$0x3], $0x8, s12, s16, $0xb8;
	[tilespmem:$0x1E808] =	vst v63  }
0x21f: {  	_ =	swait.ge @!p0 [sflag:s4], $0x400  }
0x220: {  	[sflag:s4] =	ssyncset.done @!p0 $0x0  }
0x221: {  	[sflag:s4] =	ssyncadd.s32 @!p0 $0xFFFFFC00  }
0x222: {  	_ =	swait.ge @!p0 [sflag:s4], $0x400  }
0x223: {  	[sflag:s4] =	ssyncset.done @!p0 $0x0  }
0x224: {  	[sflag:s4] =	ssyncadd.s32 @!p0 $0xFFFFFC00  }
0x225: {  	_ =	swait.ge @!p0 [sflag:s4], $0x400  }
0x226: {  	[sflag:s4] =	ssyncset.done @!p0 $0x0  }
0x227: {  	[sflag:s4] =	ssyncadd.s32 @!p0 $0xFFFFFC00  }
0x228: {  	_ =	swait.ge @!p0 [sflag:s4], $0x400  }
0x229: {  	[sflag:s4] =	ssyncset.done @!p0 $0x0  }
0x22a: {  	[sflag:s4] =	ssyncadd.s32 @!p0 $0xFFFFFC00  }
0x22b: {  	_ =	swait.ge @!p0 [sflag:s4], $0x400  }
0x22c: {  	[sflag:s4] =	ssyncset.done @!p0 $0x0  }
0x22d: {  	[sflag:s4] =	ssyncadd.s32 @!p0 $0xFFFFFC00  }
0x22e: {  	_ =	swait.ge @!p0 [sflag:s4], $0x400  }
0x22f: {  	[sflag:s4] =	ssyncset.done @!p0 $0x0  }
0x230: {  	[sflag:s4] =	ssyncadd.s32 @!p0 $0xFFFFFC00  }
0x231: {  	_ =	swait.ge @!p0 [sflag:s4], $0x400  }
0x232: {  	[sflag:s4] =	ssyncset.done @!p0 $0x0  }
0x233: {  	[sflag:s4] =	ssyncadd.s32 @!p0 $0xFFFFFC00  }
0x234: {  	_ =	swait.ge @!p0 [sflag:s4], $0x400  }
0x235: {  	[sflag:s4] =	ssyncset.done @!p0 $0x0  }
0x236: {  	[sflag:s4] =	ssyncadd.s32 @!p0 $0xFFFFFC00  }
0x237: {  	_ =	swait.ge @!p0 [sflag:s4], $0x400  }
0x238: {  	[sflag:s4] =	ssyncset.done @!p0 $0x0  }
0x239: {  	[sflag:s4] =	ssyncadd.s32 @!p0 $0xFFFFFC00  }
0x23a: {  	_ =	swait.ge @!p0 [sflag:s4], $0x400  }
0x23b: {  	[sflag:s4] =	ssyncset.done @!p0 $0x0  }
0x23c: {  	[sflag:s4] =	ssyncadd.s32 @!p0 $0xFFFFFC00  }
0x23d: {  	_ =	swait.ge @!p0 [sflag:s4], $0x400  }
0x23e: {  	[sflag:s4] =	ssyncset.done @!p0 $0x0  }
0x23f: {  	[sflag:s4] =	ssyncadd.s32 @!p0 $0xFFFFFC00  }
0x240: {  	_ =	swait.ge @!p0 [sflag:s4], $0x400  }
0x241: {  	[sflag:s4] =	ssyncset.done @!p0 $0x0  }
0x242: {  	[sflag:s4] =	ssyncadd.s32 @!p0 $0xFFFFFC00  }
0x243: {  	_ =	swait.ge @!p0 [sflag:s4], $0x400  }
0x244: {  	[sflag:s4] =	ssyncset.done @!p0 $0x0  }
0x245: {  	[sflag:s4] =	ssyncadd.s32 @!p0 $0xFFFFFC00  }
0x246: {  	_ =	swait.ge @!p0 [sflag:s4], $0x400  }
0x247: {  	[sflag:s4] =	ssyncset.done @!p0 $0x0  }
0x248: {  	[sflag:s4] =	ssyncadd.s32 @!p0 $0xFFFFFC00  }
0x249: {  	_ =	swait.ge @!p0 [sflag:s4], $0x400  }
0x24a: {  	[sflag:s4] =	ssyncset.done @!p0 $0x0  }
0x24b: {  	[sflag:s4] =	ssyncadd.s32 @!p0 $0xFFFFFC00  }
0x24c: {  	_ =	swait.ge @!p0 [sflag:s4], $0x400  }
0x24d: {  	s21 =	rddreg [dreg:$0x11]  }
0x24e: {  	s28 =	simm.s32 $0x200;
	[sflag:s4] =	ssyncset.done @!p0 $0x0;
	s12 =	sadd.s32 s21, s10  }
0x24f: {  	s17 =	simm.s32 $0x24000;
	[sflag:s4] =	ssyncadd.s32 @!p0 $0xFFFFFC00;
	s12 =	sshrl.u32 s12, $0x3  }
0x250: {  	s21 =	simm.s32 $0x16008;
	s4 =	simm.s32 $0x6;
	s12 =	sadd.s32 s6, s12  }
0x251: {  	[tilespmem:s21], [sflag:$0x6] =	stream.strided.gather [hbm4b:s12+s28], $0x800, s17, s28, $0x38;
	[tilespmem:$0x1E808] =	vst v63  }
0x252: {  	_ =	swait.ge [sflag:s4], $0x800  }
0x253: {  	[sflag:s4] =	ssyncset.done $0x0  }
0x254: {  	[sflag:s4] =	ssyncadd.s32 $0xFFFFF800  }
0x255: {  	_ =	swait.ge [sflag:s18], $0x1000  }
0x256: {  	[sflag:s18] =	ssyncset.done $0x0  }
0x257: {  	[sflag:s18] =	ssyncadd.s32 $0xFFFFF000  }
0x258: {  	_ =	swait.ge [sflag:s18], $0x200  }
0x259: {  	[sflag:s18] =	ssyncset.done $0x0  }
0x25a: {  	[sflag:s18] =	ssyncadd.s32 $0xFFFFFE00  }
0x25b: {  	_ =	swait.ge [sflag:s18], $0x200  }
0x25c: {  	[sflag:s18] =	ssyncset.done $0x0  }
0x25d: {  	[sflag:s18] =	ssyncadd.s32 $0xFFFFFE00  }
0x25e: {  	s21 =	simm.s32 $0x0;
	_ =	swait.ge [sflag:s18], $0x200  }
0x25f: {  	v4 =	vor.u32 s21, v1;
	[sflag:s18] =	ssyncset.done $0x0  }
0x260: {  	v5 =	vor.u32 s21, v0;
	[sflag:s18] =	ssyncadd.s32 $0xFFFFFE00  }
0x261: {  	v6 =	vor.u32 s21, v2;
	_ =	swait.ge [sflag:s18], $0x200  }
0x262: {  	[sflag:s18] =	ssyncset.done $0x0  }
0x263: {  	[sflag:s18] =	ssyncadd.s32 $0xFFFFFE00  }
0x264: {  	v4 =	vld.idx.msk [tilespmem:v4+s0+$0x0], $0xffff  }
0x265: {  	v7 =	vld.idx.msk [tilespmem:v5+s8+$0x0], $0xffff  }
0x266: {  	v8 =	vshll.u32 v5, $0x3;
	v9 =	vld.idx.msk [tilespmem:v6+s8+$0x0], $0xffff  }
0x267: {  	v8 =	vor.u32 v3, v8;
	v5 =	vld.idx.msk [tilespmem:v5+s24+$0x0], $0xffff  }
0x268: {  	s17 =	simm.s32 $0x2;
	v6 =	vld.idx.msk [tilespmem:v6+s24+$0x0], $0xffff  }
0x269: {  	v10 =	vmov s17  }
0x26a: {  	v10 =	vand.u32 $0x1FB, v10;
	v7 =	vmul.f32 v7, v4  }
0x26b: {  	v10 =	vor.u32 v1, v10;
	v9 =	vmul.f32 v9, v4  }
0x26c: {  	v5 =	vmul.f32 v5, v4;
	[tilespmem:v8+s20+$0x0] =	vst.idx.msk $0xffff, v7;
	v7 =	vor.u32 s17, v0  }
0x26d: {  	v4 =	vmul.f32 v6, v4;
	v6 =	vor.u32 s17, v2;
	[tilespmem:v8+s22+$0x0] =	vst.idx.msk $0xffff, v9  }
0x26e: {  	[tilespmem:v8+s1+$0x0] =	vst.idx.msk $0xffff, v5  }
0x26f: {  	[tilespmem:v8+s23+$0x0] =	vst.idx.msk $0xffff, v4  }
0x270: {  	v4 =	vld.idx.msk [tilespmem:v10+s0+$0x0], $0xffff  }
0x271: {  	v5 =	vld.idx.msk [tilespmem:v7+s8+$0x0], $0xffff  }
0x272: {  	v8 =	vshll.u32 v7, $0x3;
	v9 =	vld.idx.msk [tilespmem:v6+s8+$0x0], $0xffff  }
0x273: {  	v8 =	vor.u32 v3, v8;
	v7 =	vld.idx.msk [tilespmem:v7+s24+$0x0], $0xffff  }
0x274: {  	s21 =	simm.s32 $0x4;
	v6 =	vld.idx.msk [tilespmem:v6+s24+$0x0], $0xffff  }
0x275: {  	v10 =	vmov s21  }
0x276: {  	v10 =	vand.u32 $0x1FD, v10;
	v5 =	vmul.f32 v5, v4  }
0x277: {  	v10 =	vor.u32 v1, v10;
	v9 =	vmul.f32 v9, v4  }
0x278: {  	[tilespmem:v8+s20+$0x0] =	vst.idx.msk $0xffff, v5;
	v5 =	vmul.f32 v7, v4;
	v7 =	vor.u32 s21, v0  }
0x279: {  	v4 =	vmul.f32 v6, v4;
	v6 =	vor.u32 s21, v2;
	[tilespmem:v8+s22+$0x0] =	vst.idx.msk $0xffff, v9  }
0x27a: {  	[tilespmem:v8+s1+$0x0] =	vst.idx.msk $0xffff, v5  }
0x27b: {  	[tilespmem:v8+s23+$0x0] =	vst.idx.msk $0xffff, v4  }
0x27c: {  	v4 =	vld.idx.msk [tilespmem:v10+s0+$0x0], $0xffff  }
0x27d: {  	v5 =	vld.idx.msk [tilespmem:v7+s8+$0x0], $0xffff  }
0x27e: {  	v8 =	vshll.u32 v7, $0x3;
	v9 =	vld.idx.msk [tilespmem:v6+s8+$0x0], $0xffff  }
0x27f: {  	v8 =	vor.u32 v3, v8;
	v7 =	vld.idx.msk [tilespmem:v7+s24+$0x0], $0xffff  }
0x280: {  	v6 =	vld.idx.msk [tilespmem:v6+s24+$0x0], $0xffff  }
0x281: {  	v10 =	vmov s4  }
0x282: {  	v10 =	vand.u32 $0x1FF, v10;
	v5 =	vmul.f32 v5, v4  }
0x283: {  	v10 =	vor.u32 v1, v10;
	v9 =	vmul.f32 v9, v4  }
0x284: {  	[tilespmem:v8+s20+$0x0] =	vst.idx.msk $0xffff, v5;
	v5 =	vmul.f32 v7, v4;
	v7 =	vor.u32 s4, v0  }
0x285: {  	v4 =	vmul.f32 v6, v4;
	v6 =	vor.u32 s4, v2;
	[tilespmem:v8+s22+$0x0] =	vst.idx.msk $0xffff, v9  }
0x286: {  	[tilespmem:v8+s1+$0x0] =	vst.idx.msk $0xffff, v5  }
0x287: {  	[tilespmem:v8+s23+$0x0] =	vst.idx.msk $0xffff, v4  }
0x288: {  	v4 =	vld.idx.msk [tilespmem:v10+s0+$0x0], $0xffff  }
0x289: {  	v9 =	vld.idx.msk [tilespmem:v7+s8+$0x0], $0xffff  }
0x28a: {  	v8 =	vld.idx.msk [tilespmem:v6+s8+$0x0], $0xffff  }
0x28b: {  	v5 =	vshll.u32 v7, $0x3;
	v7 =	vld.idx.msk [tilespmem:v7+s24+$0x0], $0xffff  }
0x28c: {  	s21 =	simm.s32 $0xE;
	s4 =	simm.s32 $0x4;
	v5 =	vor.u32 v3, v5;
	v6 =	vld.idx.msk [tilespmem:v6+s24+$0x0], $0xffff  }
.LBB2_6:
0x28d: {  	s4 =	sadd.s32 $0x4, s4;
	s12 =	sadd.s32 $0xFFFFFFFA, s21  }
0x28e: {  	p0 =	slt.u32 s4, $0xFC;
	v10 =	vor.u32 s12, v0;
	v11 =	vor.u32 s12, v1;
	v12 =	vor.u32 s12, v2  }
0x28f: {  	v9 =	vmul.f32 v9, v4;
	v13 =	vshll.u32 v10, $0x3  }
0x290: {  	v8 =	vmul.f32 v8, v4  }
0x291: {  	v7 =	vmul.f32 v7, v4;
	[tilespmem:v5+s20+$0x0] =	vst.idx.msk $0xffff, v9  }
0x292: {  	v4 =	vmul.f32 v6, v4;
	[tilespmem:v5+s22+$0x0] =	vst.idx.msk $0xffff, v8  }
0x293: {  	[tilespmem:v5+s1+$0x0] =	vst.idx.msk $0xffff, v7  }
0x294: {  	[tilespmem:v5+s23+$0x0] =	vst.idx.msk $0xffff, v4  }
0x295: {  	v4 =	vld.idx.msk [tilespmem:v12+s8+$0x0], $0xffff  }
0x296: {  	v5 =	vld.idx.msk [tilespmem:v11+s0+$0x0], $0xffff  }
0x297: {  	v6 =	vld.idx.msk [tilespmem:v10+s8+$0x0], $0xffff  }
0x298: {  	v7 =	vld.idx.msk [tilespmem:v10+s24+$0x0], $0xffff  }
0x299: {  	v8 =	vld.idx.msk [tilespmem:v12+s24+$0x0], $0xffff  }
0x29a: {  	v9 =	vor.u32 v3, v13  }
0x29b: {  	s12 =	sadd.s32 $0xFFFFFFFC, s21  }
0x29c: {  	v10 =	vmov s12;
	v4 =	vmul.f32 v4, v5  }
0x29d: {  	v10 =	vand.u32 $0x1FB, v10;
	v6 =	vmul.f32 v6, v5  }
0x29e: {  	v10 =	vor.u32 v1, v10  }
0x29f: {  	[tilespmem:v9+s20+$0x0] =	vst.idx.msk $0xffff, v6;
	v6 =	vmul.f32 v7, v5;
	v5 =	vmul.f32 v8, v5;
	v7 =	vor.u32 s12, v0  }
0x2a0: {  	[tilespmem:v9+s22+$0x0] =	vst.idx.msk $0xffff, v4;
	v4 =	vor.u32 s12, v2;
	v8 =	vshll.u32 v7, $0x3  }
0x2a1: {  	[tilespmem:v9+s1+$0x0] =	vst.idx.msk $0xffff, v6  }
0x2a2: {  	[tilespmem:v9+s23+$0x0] =	vst.idx.msk $0xffff, v5  }
0x2a3: {  	v5 =	vld.idx.msk [tilespmem:v10+s0+$0x0], $0xffff  }
0x2a4: {  	v6 =	vld.idx.msk [tilespmem:v7+s8+$0x0], $0xffff  }
0x2a5: {  	v9 =	vld.idx.msk [tilespmem:v4+s8+$0x0], $0xffff  }
0x2a6: {  	v7 =	vld.idx.msk [tilespmem:v7+s24+$0x0], $0xffff  }
0x2a7: {  	v8 =	vor.u32 v3, v8;
	v4 =	vld.idx.msk [tilespmem:v4+s24+$0x0], $0xffff  }
0x2a8: {  	s12 =	sadd.s32 $0xFFFFFFFE, s21  }
0x2a9: {  	v10 =	vmov s12  }
0x2aa: {  	v10 =	vand.u32 $0x1FD, v10;
	v6 =	vmul.f32 v6, v5  }
0x2ab: {  	v10 =	vor.u32 v1, v10;
	v9 =	vmul.f32 v9, v5  }
0x2ac: {  	[tilespmem:v8+s20+$0x0] =	vst.idx.msk $0xffff, v6;
	v6 =	vmul.f32 v7, v5;
	v7 =	vor.u32 s12, v0  }
0x2ad: {  	v4 =	vmul.f32 v4, v5;
	v5 =	vor.u32 s12, v2;
	[tilespmem:v8+s22+$0x0] =	vst.idx.msk $0xffff, v9;
	v9 =	vshll.u32 v7, $0x3  }
0x2ae: {  	[tilespmem:v8+s1+$0x0] =	vst.idx.msk $0xffff, v6  }
0x2af: {  	[tilespmem:v8+s23+$0x0] =	vst.idx.msk $0xffff, v4  }
0x2b0: {  	v4 =	vld.idx.msk [tilespmem:v10+s0+$0x0], $0xffff  }
0x2b1: {  	v6 =	vld.idx.msk [tilespmem:v7+s8+$0x0], $0xffff  }
0x2b2: {  	v8 =	vld.idx.msk [tilespmem:v5+s8+$0x0], $0xffff  }
0x2b3: {  	v7 =	vld.idx.msk [tilespmem:v7+s24+$0x0], $0xffff  }
0x2b4: {  	v9 =	vor.u32 v3, v9;
	v5 =	vld.idx.msk [tilespmem:v5+s24+$0x0], $0xffff;
	_ =	sdelay $0x1  }
0x2b5: {  	v10 =	vmov s21  }
0x2b6: {  	v10 =	vand.u32 $0x1FF, v10;
	v6 =	vmul.f32 v6, v4  }
0x2b7: {  	v10 =	vor.u32 v1, v10;
	v8 =	vmul.f32 v8, v4  }
0x2b8: {  	[tilespmem:v9+s20+$0x0] =	vst.idx.msk $0xffff, v6;
	v6 =	vmul.f32 v7, v4;
	v7 =	vor.u32 s21, v0  }
0x2b9: {  	v4 =	vmul.f32 v5, v4;
	v5 =	vor.u32 s21, v2;
	[tilespmem:v9+s22+$0x0] =	vst.idx.msk $0xffff, v8;
	v11 =	vshll.u32 v7, $0x3  }
0x2ba: {  	[tilespmem:v9+s1+$0x0] =	vst.idx.msk $0xffff, v6  }
0x2bb: {  	[tilespmem:v9+s23+$0x0] =	vst.idx.msk $0xffff, v4  }
.Ltmp1:
0x2bc: {  	v4 =	vld.idx.msk [tilespmem:v10+s0+$0x0], $0xffff;
	(pc) =	sbr.rel @p0 .LBB2_6-.Ltmp1, $4  }
0x2bd: {  	v9 =	vld.idx.msk [tilespmem:v7+s8+$0x0], $0xffff  }
0x2be: {  	v8 =	vld.idx.msk [tilespmem:v5+s8+$0x0], $0xffff  }
0x2bf: {  	v7 =	vld.idx.msk [tilespmem:v7+s24+$0x0], $0xffff  }
0x2c0: {  	s21 =	sadd.s32 $0x8, s21;
	v6 =	vld.idx.msk [tilespmem:v5+s24+$0x0], $0xffff;
	v5 =	vor.u32 v3, v11  }
0x2c1: {  	_ =	sdelay $0x1  }
0x2c2: {  	s4 =	sadd.s32 $0xFFFFFFFA, s21;
	v9 =	vmul.f32 v9, v4  }
0x2c3: {  	v10 =	vor.u32 s4, v1;
	v8 =	vmul.f32 v8, v4  }
0x2c4: {  	v11 =	vor.u32 s4, v0;
	[tilespmem:v5+s20+$0x0] =	vst.idx.msk $0xffff, v9;
	v7 =	vmul.f32 v7, v4  }
0x2c5: {  	v49 =	vor.u32 s4, v2;
	[tilespmem:v5+s22+$0x0] =	vst.idx.msk $0xffff, v8;
	v4 =	vmul.f32 v6, v4  }
0x2c6: {  	[tilespmem:v5+s1+$0x0] =	vst.idx.msk $0xffff, v7  }
0x2c7: {  	[tilespmem:v5+s23+$0x0] =	vst.idx.msk $0xffff, v4  }
0x2c8: {  	v4 =	vld.idx.msk [tilespmem:v10+s0+$0x0], $0xffff  }
0x2c9: {  	v5 =	vld.idx.msk [tilespmem:v11+s8+$0x0], $0xffff  }
0x2ca: {  	v50 =	vshll.u32 v11, $0x3;
	v7 =	vld.idx.msk [tilespmem:v49+s8+$0x0], $0xffff  }
0x2cb: {  	v6 =	vor.u32 v3, v50;
	v8 =	vld.idx.msk [tilespmem:v11+s24+$0x0], $0xffff  }
0x2cc: {  	s12 =	sadd.s32 $0xFFFFFFFC, s21;
	v9 =	vld.idx.msk [tilespmem:v49+s24+$0x0], $0xffff  }
0x2cd: {  	v51 =	vmov s12  }
0x2ce: {  	v10 =	vand.u32 $0x1FB, v51;
	v5 =	vmul.f32 v5, v4  }
0x2cf: {  	v10 =	vor.u32 v1, v10;
	v7 =	vmul.f32 v7, v4  }
0x2d0: {  	v52 =	vor.u32 s12, v0;
	[tilespmem:v6+s20+$0x0] =	vst.idx.msk $0xffff, v5;
	v5 =	vmul.f32 v8, v4  }
0x2d1: {  	v53 =	vor.u32 s12, v2;
	v4 =	vmul.f32 v9, v4;
	[tilespmem:v6+s22+$0x0] =	vst.idx.msk $0xffff, v7  }
0x2d2: {  	[tilespmem:v6+s1+$0x0] =	vst.idx.msk $0xffff, v5  }
0x2d3: {  	[tilespmem:v6+s23+$0x0] =	vst.idx.msk $0xffff, v4  }
0x2d4: {  	v4 =	vld.idx.msk [tilespmem:v10+s0+$0x0], $0xffff  }
0x2d5: {  	v5 =	vld.idx.msk [tilespmem:v52+s8+$0x0], $0xffff  }
0x2d6: {  	v54 =	vshll.u32 v52, $0x3;
	v55 =	vld.idx.msk [tilespmem:v53+s8+$0x0], $0xffff  }
0x2d7: {  	v6 =	vor.u32 v3, v54;
	v8 =	vld.idx.msk [tilespmem:v52+s24+$0x0], $0xffff  }
0x2d8: {  	s17 =	sadd.s32 $0xFFFFFFFE, s21;
	v7 =	vld.idx.msk [tilespmem:v53+s24+$0x0], $0xffff  }
0x2d9: {  	v56 =	vmov s17  }
0x2da: {  	v10 =	vand.u32 $0x1FD, v56;
	v5 =	vmul.f32 v5, v4  }
0x2db: {  	v10 =	vor.u32 v1, v10;
	v9 =	vmul.f32 v55, v4  }
0x2dc: {  	v57 =	vor.u32 s17, v0;
	[tilespmem:v6+s20+$0x0] =	vst.idx.msk $0xffff, v5;
	v5 =	vmul.f32 v8, v4  }
0x2dd: {  	v58 =	vor.u32 s17, v2;
	v4 =	vmul.f32 v7, v4;
	[tilespmem:v6+s22+$0x0] =	vst.idx.msk $0xffff, v9  }
0x2de: {  	[tilespmem:v6+s1+$0x0] =	vst.idx.msk $0xffff, v5  }
0x2df: {  	[tilespmem:v6+s23+$0x0] =	vst.idx.msk $0xffff, v4  }
0x2e0: {  	v4 =	vld.idx.msk [tilespmem:v10+s0+$0x0], $0xffff  }
0x2e1: {  	v5 =	vld.idx.msk [tilespmem:v57+s8+$0x0], $0xffff  }
0x2e2: {  	v59 =	vshll.u32 v57, $0x3;
	v9 =	vld.idx.msk [tilespmem:v58+s8+$0x0], $0xffff  }
0x2e3: {  	v6 =	vor.u32 v3, v59;
	v8 =	vld.idx.msk [tilespmem:v57+s24+$0x0], $0xffff  }
0x2e4: {  	v7 =	vld.idx.msk [tilespmem:v58+s24+$0x0], $0xffff  }
0x2e5: {  	v60 =	vmov s21  }
0x2e6: {  	v10 =	vand.u32 $0x1FF, v60;
	v5 =	vmul.f32 v5, v4  }
0x2e7: {  	v10 =	vor.u32 v1, v10;
	v9 =	vmul.f32 v9, v4  }
0x2e8: {  	v61 =	vor.u32 s21, v0;
	[tilespmem:v6+s20+$0x0] =	vst.idx.msk $0xffff, v5;
	v5 =	vmul.f32 v8, v4  }
0x2e9: {  	v62 =	vor.u32 s21, v2;
	v4 =	vmul.f32 v7, v4;
	[tilespmem:v6+s22+$0x0] =	vst.idx.msk $0xffff, v9  }
0x2ea: {  	[tilespmem:v6+s1+$0x0] =	vst.idx.msk $0xffff, v5  }
0x2eb: {  	[tilespmem:v6+s23+$0x0] =	vst.idx.msk $0xffff, v4  }
0x2ec: {  	v4 =	vld.idx.msk [tilespmem:v10+s0+$0x0], $0xffff  }
0x2ed: {  	v5 =	vld.idx.msk [tilespmem:v61+s8+$0x0], $0xffff  }
0x2ee: {  	v63 =	vshll.u32 v61, $0x3;
	v9 =	vld.idx.msk [tilespmem:v62+s8+$0x0], $0xffff  }
0x2ef: {  	v6 =	vor.u32 v3, v63;
	v8 =	vld.idx.msk [tilespmem:v61+s24+$0x0], $0xffff  }
0x2f0: {  	v7 =	vld.idx.msk [tilespmem:v62+s24+$0x0], $0xffff;
	_ =	sdelay $0x1  }
0x2f1: {  	v5 =	vmul.f32 v5, v4  }
0x2f2: {  	v9 =	vmul.f32 v9, v4  }
0x2f3: {  	s4 =	sadd.s32 @!p1 $0x600, s10;
	[tilespmem:v6+s20+$0x0] =	vst.idx.msk $0xffff, v5;
	v5 =	vmul.f32 v8, v4  }
0x2f4: {  	s21 =	simm.s32 @!p1 $0x13808;
	s10 =	sadd.s32 @!p1 s3, s4;
	v4 =	vmul.f32 v7, v4;
	[tilespmem:v6+s22+$0x0] =	vst.idx.msk $0xffff, v9  }
0x2f5: {  	s12 =	simm.s32 @!p1 $0x200;
	s4 =	sadd.s32 @!p1 s4, s19;
	s10 =	sshrl.u32 @!p1 s10, $0x3;
	[tilespmem:v6+s1+$0x0] =	vst.idx.msk $0xffff, v5  }
0x2f6: {  	s17 =	simm.s32 @!p1 $0x24000;
	s4 =	sshrl.u32 @!p1 s4, $0x3;
	s10 =	sadd.s32 @!p1 s25, s10;
	[tilespmem:v6+s23+$0x0] =	vst.idx.msk $0xffff, v4  }
0x2f7: {  	[tilespmem:s21], [sflag:$0x2] =	stream.strided.gather @!p1 [hbm4b:s10+s12], $0x1000, s17, s12, $0x38;
	[tilespmem:$0x1E808] =	vst v63  }
0x2f8: {  	s4 =	sadd.s32 @!p1 s7, s4;
	s10 =	simm.s32 @!p1 $0x0;
	s12 =	simm.s32 @!p1 $0x14C08  }
0x2f9: {  	[tilespmem:s12], [sflag:$0x2] =	stream.linear.gather @!p1 [hbm4b:s4+s10], $0x200, $0x38;
	[tilespmem:$0x1E808] =	vst v63  }
0x2fa: {  	s17 =	simm.s32 @!p1 $0x14E08;
	s12 =	sadd.s32 @!p1 $0x4800, s4  }
0x2fb: {  	[tilespmem:s17], [sflag:$0x2] =	stream.linear.gather @!p1 [hbm4b:s12+s10], $0x200, $0x38;
	[tilespmem:$0x1E808] =	vst v63  }
0x2fc: {  	s12 =	sadd.s32 @!p1 $0x9000, s4;
	s17 =	simm.s32 @!p1 $0x15408  }
0x2fd: {  	[tilespmem:s17], [sflag:$0x2] =	stream.linear.gather @!p1 [hbm4b:s12+s10], $0x200, $0x38;
	[tilespmem:$0x1E808] =	vst v63  }
0x2fe: {  	s4 =	sadd.s32 @!p1 $0xD800, s4;
	s12 =	simm.s32 @!p1 $0x15608  }
0x2ff: {  	[tilespmem:s12], [sflag:$0x2] =	stream.linear.gather @!p1 [hbm4b:s4+s10], $0x200, $0x38;
	[tilespmem:$0x1E808] =	vst v63  }
0x300: {  	s12 =	simm.s32 $0x16008  }
0x301: {  	[spmem:s2] =	stream.indirect.scatter.add.f32 [tilespmem:s20], [sflag:$0x4], $0x8, s12, s16, $0xb8;
	[tilespmem:$0x1E808] =	vst v63  }
0x302: {  	s21 =	simm.s32 $0x1AC08;
	s17 =	simm.s32 $0x16088  }
0x303: {  	[spmem:s2] =	stream.indirect.scatter.add.f32 [tilespmem:s21], [sflag:$0x4], $0x8, s17, s16, $0xb8;
	[tilespmem:$0x1E808] =	vst v63  }
0x304: {  	s10 =	simm.s32 $0x16108;
	s12 =	simm.s32 $0x1B008  }
0x305: {  	[spmem:s2] =	stream.indirect.scatter.add.f32 [tilespmem:s12], [sflag:$0x4], $0x8, s10, s16, $0xb8;
	[tilespmem:$0x1E808] =	vst v63  }
0x306: {  	s17 =	simm.s32 $0x16188;
	s21 =	simm.s32 $0x1B408  }
0x307: {  	[spmem:s2] =	stream.indirect.scatter.add.f32 [tilespmem:s21], [sflag:$0x4], $0x8, s17, s16, $0xb8;
	[tilespmem:$0x1E808] =	vst v63  }
0x308: {  	s12 =	simm.s32 $0x16208  }
0x309: {  	[spmem:s2] =	stream.indirect.scatter.add.f32 [tilespmem:s22], [sflag:$0x4], $0x8, s12, s16, $0xb8;
	[tilespmem:$0x1E808] =	vst v63  }
0x30a: {  	s17 =	simm.s32 $0x16288;
	s21 =	simm.s32 $0x1BC08  }
0x30b: {  	[spmem:s2] =	stream.indirect.scatter.add.f32 [tilespmem:s21], [sflag:$0x4], $0x8, s17, s16, $0xb8;
	[tilespmem:$0x1E808] =	vst v63  }
0x30c: {  	s10 =	simm.s32 $0x16308;
	s12 =	simm.s32 $0x1C008  }
0x30d: {  	[spmem:s2] =	stream.indirect.scatter.add.f32 [tilespmem:s12], [sflag:$0x4], $0x8, s10, s16, $0xb8;
	[tilespmem:$0x1E808] =	vst v63  }
0x30e: {  	s17 =	simm.s32 $0x16388;
	s21 =	simm.s32 $0x1C408  }
0x30f: {  	[spmem:s2] =	stream.indirect.scatter.add.f32 [tilespmem:s21], [sflag:$0x4], $0x8, s17, s16, $0xb8;
	[tilespmem:$0x1E808] =	vst v63  }
0x310: {  	s12 =	simm.s32 $0x16408  }
0x311: {  	[spmem:s2] =	stream.indirect.scatter.add.f32 [tilespmem:s1], [sflag:$0x4], $0x8, s12, s16, $0xb8;
	[tilespmem:$0x1E808] =	vst v63  }
0x312: {  	s17 =	simm.s32 $0x16488;
	s21 =	simm.s32 $0x1CC08  }
0x313: {  	[spmem:s2] =	stream.indirect.scatter.add.f32 [tilespmem:s21], [sflag:$0x4], $0x8, s17, s16, $0xb8;
	[tilespmem:$0x1E808] =	vst v63  }
0x314: {  	s10 =	simm.s32 $0x16508;
	s12 =	simm.s32 $0x1D008  }
0x315: {  	[spmem:s2] =	stream.indirect.scatter.add.f32 [tilespmem:s12], [sflag:$0x4], $0x8, s10, s16, $0xb8;
	[tilespmem:$0x1E808] =	vst v63  }
0x316: {  	s17 =	simm.s32 $0x16588;
	s21 =	simm.s32 $0x1D408  }
0x317: {  	[spmem:s2] =	stream.indirect.scatter.add.f32 [tilespmem:s21], [sflag:$0x4], $0x8, s17, s16, $0xb8;
	[tilespmem:$0x1E808] =	vst v63  }
0x318: {  	s14 =	sadd.s32 $0x1, s14;
	s12 =	simm.s32 $0x16608  }
0x319: {  	[spmem:s2] =	stream.indirect.scatter.add.f32 [tilespmem:s23], [sflag:$0x4], $0x8, s12, s16, $0xb8;
	[tilespmem:$0x1E808] =	vst v63  }
0x31a: {  	p0 =	sne.s32 s14, $0x9;
	s17 =	simm.s32 $0x16688;
	s21 =	simm.s32 $0x1DC08  }
0x31b: {  	[spmem:s2] =	stream.indirect.scatter.add.f32 [tilespmem:s21], [sflag:$0x4], $0x8, s17, s16, $0xb8;
	[tilespmem:$0x1E808] =	vst v63  }
.Ltmp2:
0x31c: {  	_ = 	snop;
	(pc) =	sbr.rel @p0 .LBB2_3-.Ltmp2, $4  }
0x31d: {  	s10 =	simm.s32 $0x16708;
	s12 =	simm.s32 $0x1E008  }
0x31e: {  	[spmem:s2] =	stream.indirect.scatter.add.f32 [tilespmem:s12], [sflag:$0x4], $0x8, s10, s16, $0xb8;
	[tilespmem:$0x1E808] =	vst v63  }
0x31f: {  	s17 =	simm.s32 $0x16788;
	s21 =	simm.s32 $0x1E408  }
0x320: {  	[spmem:s2] =	stream.indirect.scatter.add.f32 [tilespmem:s21], [sflag:$0x4], $0x8, s17, s16, $0xb8;
	[tilespmem:$0x1E808] =	vst v63  }
0x321: {  	s3 =	simm.s32 $0x3  }
0x322: {  	_ =	swait.ge [sflag:s3], $0x400  }
0x323: {  	[sflag:s3] =	ssyncset.done $0x0  }
0x324: {  	[sflag:s3] =	ssyncadd.s32 $0xFFFFFC00  }
0x325: {  	_ =	swait.ge [sflag:s3], $0x400  }
0x326: {  	[sflag:s3] =	ssyncset.done $0x0  }
0x327: {  	[sflag:s3] =	ssyncadd.s32 $0xFFFFFC00  }
0x328: {  	_ =	swait.ge [sflag:s3], $0x400  }
0x329: {  	[sflag:s3] =	ssyncset.done $0x0  }
0x32a: {  	[sflag:s3] =	ssyncadd.s32 $0xFFFFFC00  }
0x32b: {  	_ =	swait.ge [sflag:s3], $0x400  }
0x32c: {  	[sflag:s3] =	ssyncset.done $0x0  }
0x32d: {  	[sflag:s3] =	ssyncadd.s32 $0xFFFFFC00  }
0x32e: {  	_ =	swait.ge [sflag:s3], $0x400  }
0x32f: {  	[sflag:s3] =	ssyncset.done $0x0  }
0x330: {  	[sflag:s3] =	ssyncadd.s32 $0xFFFFFC00  }
0x331: {  	_ =	swait.ge [sflag:s3], $0x400  }
0x332: {  	[sflag:s3] =	ssyncset.done $0x0  }
0x333: {  	[sflag:s3] =	ssyncadd.s32 $0xFFFFFC00  }
0x334: {  	_ =	swait.ge [sflag:s3], $0x400  }
0x335: {  	[sflag:s3] =	ssyncset.done $0x0  }
0x336: {  	[sflag:s3] =	ssyncadd.s32 $0xFFFFFC00  }
0x337: {  	_ =	swait.ge [sflag:s3], $0x400  }
0x338: {  	[sflag:s3] =	ssyncset.done $0x0  }
0x339: {  	[sflag:s3] =	ssyncadd.s32 $0xFFFFFC00  }
0x33a: {  	_ =	swait.ge [sflag:s3], $0x400  }
0x33b: {  	[sflag:s3] =	ssyncset.done $0x0  }
0x33c: {  	[sflag:s3] =	ssyncadd.s32 $0xFFFFFC00  }
0x33d: {  	_ =	swait.ge [sflag:s3], $0x400  }
0x33e: {  	[sflag:s3] =	ssyncset.done $0x0  }
0x33f: {  	[sflag:s3] =	ssyncadd.s32 $0xFFFFFC00  }
0x340: {  	_ =	swait.ge [sflag:s3], $0x400  }
0x341: {  	[sflag:s3] =	ssyncset.done $0x0  }
0x342: {  	[sflag:s3] =	ssyncadd.s32 $0xFFFFFC00  }
0x343: {  	_ =	swait.ge [sflag:s3], $0x400  }
0x344: {  	[sflag:s3] =	ssyncset.done $0x0  }
0x345: {  	[sflag:s3] =	ssyncadd.s32 $0xFFFFFC00  }
0x346: {  	_ =	swait.ge [sflag:s3], $0x400  }
0x347: {  	[sflag:s3] =	ssyncset.done $0x0  }
0x348: {  	[sflag:s3] =	ssyncadd.s32 $0xFFFFFC00  }
0x349: {  	_ =	swait.ge [sflag:s3], $0x400  }
0x34a: {  	[sflag:s3] =	ssyncset.done $0x0  }
0x34b: {  	[sflag:s3] =	ssyncadd.s32 $0xFFFFFC00  }
0x34c: {  	_ =	swait.ge [sflag:s3], $0x400  }
0x34d: {  	[sflag:s3] =	ssyncset.done $0x0  }
0x34e: {  	[sflag:s3] =	ssyncadd.s32 $0xFFFFFC00  }
0x34f: {  	_ =	swait.ge [sflag:s3], $0x400  }
0x350: {  	[sflag:s3] =	ssyncset.done $0x0  }
0x351: {  	s10 =	simm.s32 $0x4;
	[sflag:s3] =	ssyncadd.s32 $0xFFFFFC00  }
0x352: {  	_ =	swait.ge [sflag:s10], $0x400  }
0x353: {  	[sflag:s10] =	ssyncset.done $0x0  }
0x354: {  	[sflag:s10] =	ssyncadd.s32 $0xFFFFFC00  }
0x355: {  	_ =	swait.ge [sflag:s10], $0x400  }
0x356: {  	[sflag:s10] =	ssyncset.done $0x0  }
0x357: {  	[sflag:s10] =	ssyncadd.s32 $0xFFFFFC00  }
0x358: {  	_ =	swait.ge [sflag:s10], $0x400  }
0x359: {  	[sflag:s10] =	ssyncset.done $0x0  }
0x35a: {  	[sflag:s10] =	ssyncadd.s32 $0xFFFFFC00  }
0x35b: {  	_ =	swait.ge [sflag:s10], $0x400  }
0x35c: {  	[sflag:s10] =	ssyncset.done $0x0  }
0x35d: {  	[sflag:s10] =	ssyncadd.s32 $0xFFFFFC00  }
0x35e: {  	_ =	swait.ge [sflag:s10], $0x400  }
0x35f: {  	[sflag:s10] =	ssyncset.done $0x0  }
0x360: {  	[sflag:s10] =	ssyncadd.s32 $0xFFFFFC00  }
0x361: {  	_ =	swait.ge [sflag:s10], $0x400  }
0x362: {  	[sflag:s10] =	ssyncset.done $0x0  }
0x363: {  	[sflag:s10] =	ssyncadd.s32 $0xFFFFFC00  }
0x364: {  	_ =	swait.ge [sflag:s10], $0x400  }
0x365: {  	[sflag:s10] =	ssyncset.done $0x0  }
0x366: {  	[sflag:s10] =	ssyncadd.s32 $0xFFFFFC00  }
0x367: {  	_ =	swait.ge [sflag:s10], $0x400  }
0x368: {  	[sflag:s10] =	ssyncset.done $0x0  }
0x369: {  	[sflag:s10] =	ssyncadd.s32 $0xFFFFFC00  }
0x36a: {  	_ =	swait.ge [sflag:s10], $0x400  }
0x36b: {  	[sflag:s10] =	ssyncset.done $0x0  }
0x36c: {  	[sflag:s10] =	ssyncadd.s32 $0xFFFFFC00  }
0x36d: {  	_ =	swait.ge [sflag:s10], $0x400  }
0x36e: {  	[sflag:s10] =	ssyncset.done $0x0  }
0x36f: {  	[sflag:s10] =	ssyncadd.s32 $0xFFFFFC00  }
0x370: {  	_ =	swait.ge [sflag:s10], $0x400  }
0x371: {  	[sflag:s10] =	ssyncset.done $0x0  }
0x372: {  	[sflag:s10] =	ssyncadd.s32 $0xFFFFFC00  }
0x373: {  	_ =	swait.ge [sflag:s10], $0x400  }
0x374: {  	[sflag:s10] =	ssyncset.done $0x0  }
0x375: {  	[sflag:s10] =	ssyncadd.s32 $0xFFFFFC00  }
0x376: {  	_ =	swait.ge [sflag:s10], $0x400  }
0x377: {  	[sflag:s10] =	ssyncset.done $0x0  }
0x378: {  	[sflag:s10] =	ssyncadd.s32 $0xFFFFFC00  }
0x379: {  	_ =	swait.ge [sflag:s10], $0x400  }
0x37a: {  	[sflag:s10] =	ssyncset.done $0x0  }
0x37b: {  	[sflag:s10] =	ssyncadd.s32 $0xFFFFFC00  }
0x37c: {  	_ =	swait.ge [sflag:s10], $0x400  }
0x37d: {  	[sflag:s10] =	ssyncset.done $0x0  }
0x37e: {  	[sflag:s10] =	ssyncadd.s32 $0xFFFFFC00  }
0x37f: {  	_ =	swait.ge [sflag:s10], $0x400  }
0x380: {  	s4 =	sld [smem:$0x7FD]  }
0x381: {  	s26 =	smul.u32 $0x120000, s26;
	[sflag:s10] =	ssyncset.done $0x0  }
0x382: {  	s12 =	stileid.u32;
	[sflag:s10] =	ssyncadd.s32 $0xFFFFFC00  }
0x383: {  	s21 =	simm.s32 $0x6;
	[bflag:$0x0] =	sbarrier.arrive $0xFFFF;
	s3 =	sadd.s32 s4, s26  }
0x384: {  	s4 =	sshll.u32 s12, $0x6;
	s14 =	rddreg [dreg:$0x6];
	s3 =	sshrl.u32 s3, $0x3  }
0x385: {  	s17 =	rddreg [dreg:$0x15];
	s4 =	sor.u32 $0x1C06, s4;
	s3 =	sadd.s32 s14, s3  }
0x386: {  	[hbm:s3], [sflag:s4] =	dma.local [spmem:s17], $0x2400  }
0x387: {  	_ =	swait.ge [sflag:s21], $0x2400  }
0x388: {  	s25 =	sld [smem:$0x7DE];
	_ =	sdelay $0x2  }
0x389: {  	s26 =	sadd.s32 $0x1, s25  }
0x38a: {  	p0 =	sne.s32 s26, $0xD  }
.Ltmp3:
0x38b: {  	_ = 	snop;
	(pc) =	sbr.rel @p0 .LBB2_2-.Ltmp3, $3  }
0x38c: {  	[sflag:s21] =	ssyncset.done $0x0  }
0x38d: {  	[sflag:s21] =	ssyncadd.s32 $0xFFFFDC00  }
0x38e: {  	[bflag:$0x0] =	sbarrier.arrive $0xFFFF;
	_ =	sdelay $0x1  }
0x38f: {  	s4 =	sld [smem:$0x7DF];
	_ =	sdelay $0x2  }
0x390: {  	s3 =	rddreg [dreg:$0x14];
	s4 =	sadd.s32 $0x1, s4  }
0x391: {  	p0 =	sne.s32 s4, s3  }
.Ltmp4:
0x392: {  	_ = 	snop;
	(pc) =	sbr.rel @p0 .LBB2_1-.Ltmp4, $1  }
0x393: {  	_ =	sdelay $0x3  }
0x394: {  	_ =	sfence.sel $0x180000  }
0x395: {  	[bflag:$0x0] =	sbarrier.arrive $0xFFFF  }
0x396: {  	_ =	strace $0x90000047  }
0x397: {  	s0 =	stileid.u32;
	[bflag:$0x2] =	sbarrier.arrive $0xFFFF  }
0x398: {  	p0 =	sne.s32 s0, $0x0;
	s0 =	rddreg [dreg:$0x3]  }
0x399: {  	s0 =	sadd.s32 @!p0 $0x100000, s0  }
0x39a: {  	[sflag:s0] =	ssyncadd.tile.s32 @!p0 $0x1;
	_ =	shalt  }
.Lfunc_end2:
_tile_overlayer_lowered:
.L_overlay_start_2:
0x39b: {  	(tag) =	ssettag $0x2  }
0x39c: {  	s0 =	rddreg [dreg:$0x0];
	s2 =	stileid.u32  }
0x39d: {  	s1 =	rddreg [dreg:$0x1];
	p0 =	sne.s32 s2, $0x0  }
0x39e: {  	s3 =	rddreg [dreg:$0x2];
	[bflag:$0x3] =	sbarrier.arrive $0xFFFF;
	s2 =	simm.s32 @!p0 $0x1C06  }
0x39f: {  	[timem:s3], [sflag:s2] =	dma.local @!p0 [hbm:s0], s1  }
0x3a0: {  	s0 =	simm.s32 @!p0 $0x6  }
0x3a1: {  	_ =	swait.ge @!p0 [sflag:s0], s1  }
0x3a2: {  	s1 =	ssub.s32 @!p0 $0x0, s1;
	[sflag:s0] =	ssyncset.done @!p0 $0x0  }
0x3a3: {  	[sflag:s0] =	ssyncadd.s32 @!p0 s1  }
0x3a4: {  	[bflag:$0x3] =	sbarrier.arrive $0xFFFF  }
0x3a5: {  	_ =	shalt  }

// kernel: sparse-core-data-format-call.1.cloned.1.call-start
scs
called_computation.1_lowered:
.L_overlay_start_0:
0x0: {  	s1 =	sld [smem:$0x3FD9]  }
0x1: {  	s2 =	sld [smem:$0x3FFE];
	_ =	sdelay $0x1  }
0x2: {  	s3 =	srdreg.scid  }
0x3: {  	s0 =	sand.u32 $0x1, s3  }
0x4: {  	s17 =	sshll.u32 s0, $0xA;
	s1 =	sadd.s32 s2, s1  }
0x5: {  	s1 =	sadd.s32 s1, s17  }
0x6: {  	[smem:$0x3FC5] =	sst s1  }
0x7: {  	_ = 	snop  }
0x8: {  	(tm) =	ssettm $0x1  }
0x9: {  	s18 =	sld [smem:$0x3FFB];
	_ =	sdelay $0x3  }
0xa: {  	_ =	strace s18  }
0xb: {  	s1 =	sld [smem:$0x3FFC];
	_ =	sdelay $0x3  }
0xc: {  	_ =	strace s1  }
0xd: {  	s1 =	sld [smem:$0x3FFD];
	_ =	sdelay $0x3  }
0xe: {  	_ =	strace s1  }
0xf: {  	_ =	strace $0x8FFFFFFF  }
0x10: {  	s19 =	sld [smem:$0x3FDB];
	_ =	sdelay $0x1  }
0x11: {  	s20 =	simm.s32 $_scs_section_size  }
0x12: {  	s4 =	simm.s32 $_size__tile_overlayer_lowered;
	s5 =	simm.s32 $_tile_overlayer_lowered  }
0x13: {  	s23 =	simm.s32 $0x1BFF;
	s22 =	sshll.u32 s5, $0x1;
	s1 =	sadd.s32 s20, s19  }
0x14: {  	s6 =	simm.s32 $0x0;
	s21 =	sshll.u32 s4, $0x1;
	s4 =	sadd.s32 s22, s1  }
0x15: {  	[timem:s6], [sflag:s23] =	dma.local [hbm:s4], s21  }
0x16: {  	_ =	swait.ge [sflag:s23], s21  }
0x17: {  	s2 =	ssub.s32 $0x0, s21;
	[sflag:s23] =	ssyncset.done $0x0  }
0x18: {  	[sflag:s23] =	ssyncadd.s32 s2;
	_ =	sdelay $0x1  }
0x19: {  	s24 =	simm.s32 $0x1B8B  }
0x1a: {  	_ =	swait.ge [sflag:s24], $0x1  }
0x1b: {  	[sflag:s24] =	ssyncset.done $0x0  }
0x1c: {  	s26 =	simm.s32 $0x1B8E;
	s25 =	sld [smem:$0x3FFE];
	[sflag:s24] =	ssyncadd.s32 $0xFFFFFFFF  }
0x1d: {  	s27 =	simm.s32 $execute0_lowered;
	[smem:$0x3FD2] =	sst s26  }
0x1e: {  	s4 =	sshll.u32 s27, $0x1;
	_ =	strace $0x80000049;
	[dreg:$0x1] =	wrdreg $0xFFFFFFFF  }
0x1f: {  	s28 =	simm.s32 $_size_execute0_lowered;
	s1 =	sadd.s32 s1, s4;
	[dreg:$0x0] =	wrdreg $0x0  }
0x20: {  	s4 =	sshll.u32 s28, $0x1;
	[dreg:$0x2] =	wrdreg s1  }
0x21: {  	[dreg:$0x3] =	wrdreg s4  }
0x22: {  	[dreg:$0x4] =	wrdreg $0xC0  }
0x23: {  	_ =	task [dreg:s6], $0x5FFFF  }
0x24: {  	[dreg:$0x1] =	wrdreg $0xFFFFFFFF  }
0x25: {  	[dreg:$0x0] =	wrdreg $0x60  }
0x26: {  	[dreg:$0x2] =	wrdreg s25  }
0x27: {  	[dreg:$0x3] =	wrdreg $0x9  }
0x28: {  	_ =	task.clear_ibuf [dreg:s6], $0x4FFFF;
	_ =	strace $0x90000049  }
0x29: {  	s29 =	simm.s32 $0x9;
	_ =	strace $0x8000004B  }
0x2a: {  	_ =	swait.ge [sflag:s29], $0x1  }
0x2b: {  	[sflag:s29] =	ssyncadd.s32 $0xFFFFFFFF  }
0x2c: {  	_ =	strace $0x9000004B  }
0x2d: {  	_ =	sfence  }
0x2e: {  	s30 =	sld [smem:$0x0];
	_ =	sdelay $0x2  }
0x2f: {  	s31 =	sshll.u32 s3, $0xD;
	s3 =	sshrl.u32 s3, $0x2  }
0x30: {  	s2 =	sand.u32 $0x4000, s31;
	s1 =	sadd.s32 s3, s30  }
0x31: {  	s0 =	sor.u32 s2, s0;
	s1 =	sshll.u32 s1, $0x11  }
0x32: {  	s0 =	sor.u32 s1, s0  }
0x33: {  	s0 =	sadd.s32 $0x8F2B, s0  }
0x34: {  	[sflag:s0] =	ssyncadd.remote.s32 $0x1  }
0x35: {  	_ =	sfence.sel $0xFFFF  }
0x36: {  	[dreg:$0x0] =	wrdreg $0xFFFFFFFF;
	(pc) =	sbr.abs _section_cstart, $3  }
0x37: {  	[dreg:$0x1] =	wrdreg $0xFFFFFFFF  }
0x38: {  	_ =	task.clear_ibuf [dreg:s6], $0x2FFFF;
	_ =	strace $0x9FFFFFFF  }
0x39: {  	(tm) =	ssettm $0x7FFFFFFF  }
tec
execute0_lowered:
.L_overlay_start_1:
0x0: {  	(tag) =	ssettag $0x1  }
0x1: {  	s2 =	stileid.u32;
	s0 =	srdreg.scid  }
0x2: {  	s1 =	sshll.u32 s2, $0x6;
	s0 =	sshll.u32 s0, $0xA  }
0x3: {  	s3 =	rddreg [dreg:$0x0];
	s0 =	sor.u32 s1, s0  }
0x4: {  	_ =	strace $0x8000004A;
	s30 =	simm.s32 $0x1;
	s1 =	sand.u32 $0x780, s0  }
0x5: {  	s31 =	simm.s32 $0x2;
	s2 =	sand.u32 $0x1, s2;
	s0 =	ssub.s32 $0x24000, s1  }
0x6: {  	s19 =	simm.s32 $0x0;
	s4 =	ssub.s32 $0x2, s2;
	s5 =	sand.u32 $0x780, s0  }
0x7: {  	s6 =	sshrl.u32 s4, $0x1;
	p0 =	sne.s32 s5, $0x0;
	s5 =	simm.s32 $0x1  }
0x8: {  	s4 =	sand.u32 $0x1, s4;
	s0 =	sshrl.u32 s0, $0xB;
	s5 =	simm.s32 @!p0 $0x0  }
0x9: {  	s17 =	simm.s32 $0x0;
	s4 =	sadd.s32 s4, s6;
	s0 =	sadd.s32 s5, s0  }
0xa: {  	s18 =	simm.s32 $0x0;
	s14 =	simm.s32 $0x0;
	s0 =	smul.u32 s0, s4  }
.Ltmp0:
0xb: {  	s16 =	simm.s32 $0x0;
	s29 =	sadd.s32 $0x1200, s3;
	(pc) =	sbr.rel .LBB1_1-.Ltmp0, $4  }
0xc: {  	[sflag:s30] =	ssyncpa.u1 $0x0;
	s8 =	sadd.s32 $0x40D5400, s3;
	s9 =	sadd.s32 $0x4315400, s3  }
0xd: {  	s10 =	sadd.s32 $0x4555400, s3;
	[dreg:$0x2] =	wrdreg s29;
	s7 =	smul.u32 $0x3, s0  }
0xe: {  	[sflag:s31] =	ssyncpa.u1 $0x0;
	s15 =	smov.u32 s2;
	s13 =	smov.u32 s1  }
0xf: {  	p0 =	por $0x0, $0x0;
	s4 =	sadd.s32 $0x3E95400, s3;
	s11 =	sadd.s32 $0x1, s7  }
.LBB1_7:
0x10: {  	s0 =	sadd.s32 $0x800, s13  }
0x11: {  	s3 =	sadd.s32 $0x4, s14;
	s5 =	smov.u32 s14;
	p2 =	sgt.s32 s0, $0x23FFF  }
0x12: {  	s5 =	smov.u32 @p2 s3  }
0x13: {  	s6 =	sadd.s32 $0x2, s15;
	s12 =	smov.u32 s15;
	p3 =	sgt.s32 s5, $0xB  }
0x14: {  	s12 =	smov.u32 @p3 s6  }
0x15: {  	s0 =	smov.u32 @p2 s1;
	p2 =	sgt.s32 s12, $0x1  }
0x16: {  	p1 =	slt.u32 s16, $0x2;
	s12 =	smov.u32 @p2 s2;
	p2 =	sne.s32 s16, s11  }
.Ltmp1:
0x17: {  	s3 =	simm.s32 @!p1 $0x2;
	(pc) =	sbr.rel @!p2 .LBB1_8-.Ltmp1, $4  }
0x18: {  	s19 =	smov.u32 s13;
	s17 =	smov.u32 s14;
	_ =	swait.ge @!p1 [sflag:s3], $0x1000  }
0x19: {  	s18 =	smov.u32 s15;
	p0 =	por !p0, !p0;
	[sflag:s3] =	ssyncset.done @!p1 $0x0  }
0x1a: {  	s13 =	smov.u32 s0;
	s5 =	simm.s32 @p3 $0x0;
	[sflag:s3] =	ssyncadd.s32 @!p1 $0xFFFFF000  }
0x1b: {  	s14 =	smov.u32 s5;
	s16 =	sadd.s32 $0x1, s16;
	s15 =	smov.u32 s12  }
.LBB1_1:
0x1c: {  	p1 =	sge.u32 s16, s7  }
0x1d: {  	s0 =	sand.u32 @!p1 $0x1FFFFFF, s13  }
0x1e: {  	s3 =	smulhi.u32 @!p1 $0xE38E39, s0;
	_ =	sdelay $0x1  }
0x1f: {  	s5 =	smul.u32 @!p1 $0x1B00000, s15;
	s3 =	sshrl.u32 @!p1 s3, $0x9  }
0x20: {  	s3 =	smul.u32 @!p1 $0x24000, s3  }
0x21: {  	s6 =	sxor.u32 @!p1 $0xFFFFFFFF, s16;
	s12 =	smul.u32 @!p1 $0x240000, s14  }
0x22: {  	s20 =	simm.s32 @!p1 $0x8;
	s0 =	ssub.s32 @!p1 s0, s3;
	s3 =	sadd.s32 @!p1 s4, s5  }
0x23: {  	s6 =	sshll.u32 @!p1 s6, $0xC;
	s0 =	sshll.u32 @!p1 s0, $0x4;
	s3 =	sadd.s32 @!p1 s12, s3  }
0x24: {  	s21 =	simm.s32 @!p1 $0x80;
	s6 =	sand.u32 @!p1 $0x1000, s6;
	s3 =	sadd.s32 @!p1 s0, s3  }
0x25: {  	[tilespmem:s6], [sflag:$0x1] =	stream.strided.gather @!p1 [hbm4b:s3+s20], $0x400, s21, s20, $0x38;
	[tilespmem:$0x4040] =	vst v63  }
0x26: {  	s3 =	sadd.s32 @!p1 s5, s8  }
0x27: {  	s3 =	sadd.s32 @!p1 s12, s3  }
0x28: {  	s22 =	sor.u32 @!p1 $0x400, s6;
	s3 =	sadd.s32 @!p1 s0, s3  }
0x29: {  	[tilespmem:s22], [sflag:$0x1] =	stream.strided.gather @!p1 [hbm4b:s3+s20], $0x400, s21, s20, $0x38;
	[tilespmem:$0x4040] =	vst v63  }
0x2a: {  	s3 =	sadd.s32 @!p1 s5, s9  }
0x2b: {  	s3 =	sadd.s32 @!p1 s12, s3  }
0x2c: {  	s22 =	sor.u32 @!p1 $0x800, s6;
	s3 =	sadd.s32 @!p1 s0, s3  }
0x2d: {  	[tilespmem:s22], [sflag:$0x1] =	stream.strided.gather @!p1 [hbm4b:s3+s20], $0x400, s21, s20, $0x38;
	[tilespmem:$0x4040] =	vst v63  }
0x2e: {  	s3 =	sadd.s32 @!p1 s5, s10  }
0x2f: {  	s3 =	sadd.s32 @!p1 s12, s3  }
0x30: {  	s31 =	sadd.s32 $0xFFFFFFFF, s16;
	s0 =	sadd.s32 @!p1 s0, s3;
	s3 =	sor.u32 @!p1 $0xC00, s6  }
0x31: {  	[tilespmem:s3], [sflag:$0x1] =	stream.strided.gather @!p1 [hbm4b:s0+s20], $0x400, s21, s20, $0x38;
	[tilespmem:$0x4040] =	vst v63  }
0x32: {  	p1 =	sge.u32 s31, s7  }
.Ltmp2:
0x33: {  	_ = 	snop;
	(pc) =	sbr.rel @p1 .LBB1_7-.Ltmp2, $1  }
0x34: {  	_ =	sdelay $0x3  }
0x35: {  	s0 =	simm.s32 $0x1;
	s5 =	sand.u32 $0x1, s16  }
0x36: {  	s30 =	simm.s32 $0x1;
	s0 =	simm.s32 @!p0 $0x0;
	s5 =	smul.u32 $0x4080, s5  }
0x37: {  	_ =	swait.ge [sflag:s30], $0x1000;
	s3 =	smul.u32 $0x4080, s0  }
0x38: {  	s23 =	simm.s32 $0x0;
	s0 =	sshll.u32 s0, $0xC;
	[sflag:s30] =	ssyncset.done $0x0  }
0x39: {  	s22 =	sor.u32 $0x20, s0;
	s31 =	sshrl.u32 s5, $0x2;
	s3 =	sshrl.u32 s3, $0x2  }
0x3a: {  	[sflag:s30] =	ssyncadd.s32 $0xFFFFF000;
	s20 =	sor.u32 $0x2000, s31;
	s12 =	sor.u32 $0x2007, s3  }
.LBB1_3:
0x3b: {  	v0 =	vld.msk [tilespmem:s22+$0xFFFFFFE0], $0xff;
	_ =	sdelay $0x4  }
0x3c: {  	[tilespmem:s12+$0xFFFFFFF9 ss:$0x81] =	vst.msk $0xff, v0  }
0x3d: {  	v0 =	vld.msk [tilespmem:s22+$0xFFFFFFE8], $0xff  }
0x3e: {  	s25 =	sadd.s32 $0x40, s22  }
0x3f: {  	v1 =	vld.msk [tilespmem:s25+$0xFFFFFFE0], $0xff;
	_ =	sdelay $0x2  }
0x40: {  	[tilespmem:s12+$0xFFFFFFFA ss:$0x81] =	vst.msk $0xff, v0  }
0x41: {  	s24 =	sadd.s32 $0x8, s12;
	v0 =	vld.msk [tilespmem:s22+$0xFFFFFFF0], $0xff  }
0x42: {  	[tilespmem:s24+$0xFFFFFFF9 ss:$0x81] =	vst.msk $0xff, v1  }
0x43: {  	v1 =	vld.msk [tilespmem:s25+$0xFFFFFFE8], $0xff  }
0x44: {  	s27 =	sadd.s32 $0x40, s25  }
0x45: {  	v2 =	vld.msk [tilespmem:s27+$0xFFFFFFE0], $0xff  }
0x46: {  	[tilespmem:s12+$0xFFFFFFFB ss:$0x81] =	vst.msk $0xff, v0  }
0x47: {  	v0 =	vld.msk [tilespmem:s22+$0xFFFFFFF8], $0xff  }
0x48: {  	[tilespmem:s24+$0xFFFFFFFA ss:$0x81] =	vst.msk $0xff, v1  }
0x49: {  	s26 =	sadd.s32 $0x8, s24;
	v1 =	vld.msk [tilespmem:s25+$0xFFFFFFF0], $0xff  }
0x4a: {  	[tilespmem:s26+$0xFFFFFFF9 ss:$0x81] =	vst.msk $0xff, v2  }
0x4b: {  	s29 =	sadd.s32 $0x40, s27;
	v2 =	vld.msk [tilespmem:s27+$0xFFFFFFE8], $0xff  }
0x4c: {  	[tilespmem:s12+$0xFFFFFFFC ss:$0x81] =	vst.msk $0xff, v0;
	v0 =	vld.msk [tilespmem:s29+$0xFFFFFFE0], $0xff  }
0x4d: {  	v3 =	vld.msk [tilespmem:s22+$0x0], $0xff  }
0x4e: {  	[tilespmem:s24+$0xFFFFFFFB ss:$0x81] =	vst.msk $0xff, v1  }
0x4f: {  	v1 =	vld.msk [tilespmem:s25+$0xFFFFFFF8], $0xff  }
0x50: {  	s28 =	sadd.s32 $0x8, s26;
	[tilespmem:s26+$0xFFFFFFFA ss:$0x81] =	vst.msk $0xff, v2  }
0x51: {  	v2 =	vld.msk [tilespmem:s27+$0xFFFFFFF0], $0xff;
	[tilespmem:s28+$0xFFFFFFF9 ss:$0x81] =	vst.msk $0xff, v0  }
0x52: {  	v0 =	vld.msk [tilespmem:s29+$0xFFFFFFE8], $0xff;
	[tilespmem:s12+$0xFFFFFFFD ss:$0x81] =	vst.msk $0xff, v3  }
0x53: {  	s30 =	sadd.s32 $0x40, s29;
	v3 =	vld.msk [tilespmem:s22+$0x8], $0xff  }
0x54: {  	[tilespmem:s24+$0xFFFFFFFC ss:$0x81] =	vst.msk $0xff, v1;
	v1 =	vld.msk [tilespmem:s30+$0xFFFFFFE0], $0xff  }
0x55: {  	v4 =	vld.msk [tilespmem:s25+$0x0], $0xff  }
0x56: {  	[tilespmem:s26+$0xFFFFFFFB ss:$0x81] =	vst.msk $0xff, v2  }
0x57: {  	v2 =	vld.msk [tilespmem:s27+$0xFFFFFFF8], $0xff;
	[tilespmem:s28+$0xFFFFFFFA ss:$0x81] =	vst.msk $0xff, v0  }
0x58: {  	s31 =	sadd.s32 $0x8, s28;
	v0 =	vld.msk [tilespmem:s29+$0xFFFFFFF0], $0xff;
	[tilespmem:s12+$0xFFFFFFFE ss:$0x81] =	vst.msk $0xff, v3  }
0x59: {  	[tilespmem:s31+$0xFFFFFFF9 ss:$0x81] =	vst.msk $0xff, v1;
	v1 =	vld.msk [tilespmem:s22+$0x10], $0xff  }
0x5a: {  	[tilespmem:s24+$0xFFFFFFFD ss:$0x81] =	vst.msk $0xff, v4;
	v3 =	vld.msk [tilespmem:s30+$0xFFFFFFE8], $0xff  }
0x5b: {  	s3 =	sadd.s32 $0x40, s30;
	v4 =	vld.msk [tilespmem:s25+$0x8], $0xff  }
0x5c: {  	[tilespmem:s26+$0xFFFFFFFC ss:$0x81] =	vst.msk $0xff, v2;
	v2 =	vld.msk [tilespmem:s3+$0xFFFFFFE0], $0xff  }
0x5d: {  	v5 =	vld.msk [tilespmem:s27+$0x0], $0xff;
	[tilespmem:s28+$0xFFFFFFFB ss:$0x81] =	vst.msk $0xff, v0  }
0x5e: {  	v6 =	vld.msk [tilespmem:s29+$0xFFFFFFF8], $0xff;
	[tilespmem:s12+$0xFFFFFFFF ss:$0x81] =	vst.msk $0xff, v1  }
0x5f: {  	[tilespmem:s31+$0xFFFFFFFA ss:$0x81] =	vst.msk $0xff, v3;
	v0 =	vld.msk [tilespmem:s22+$0x18], $0xff  }
0x60: {  	s0 =	sadd.s32 $0x8, s31;
	[tilespmem:s24+$0xFFFFFFFE ss:$0x81] =	vst.msk $0xff, v4;
	v3 =	vld.msk [tilespmem:s30+$0xFFFFFFF0], $0xff  }
0x61: {  	[tilespmem:s0+$0xFFFFFFF9 ss:$0x81] =	vst.msk $0xff, v2;
	v1 =	vld.msk [tilespmem:s25+$0x10], $0xff  }
0x62: {  	[tilespmem:s26+$0xFFFFFFFD ss:$0x81] =	vst.msk $0xff, v5;
	v4 =	vld.msk [tilespmem:s3+$0xFFFFFFE8], $0xff  }
0x63: {  	s5 =	simm.s32 $0x28;
	s21 =	smov.u32 s12;
	s6 =	sadd.s32 $0x40, s3;
	v2 =	vld.msk [tilespmem:s27+$0x8], $0xff;
	[tilespmem:s28+$0xFFFFFFFC ss:$0x81] =	vst.msk $0xff, v6  }
.LBB1_4:
0x64: {  	v5 =	vld.msk [tilespmem:s6+$0xFFFFFFE0], $0xff;
	[tilespmem:s21+$0x0 ss:$0x81] =	vst.msk $0xff, v0;
	s21 =	smov.u32 s24;
	s24 =	smov.u32 s26;
	s26 =	smov.u32 s28  }
0x65: {  	s5 =	sadd.s32 $0x8, s5;
	s28 =	smov.u32 s31;
	[tilespmem:s31+$0xFFFFFFFB ss:$0x81] =	vst.msk $0xff, v3;
	v6 =	vld.msk [tilespmem:s29+$0x0], $0xff;
	s31 =	smov.u32 s0  }
0x66: {  	p1 =	slt.u32 s5, $0x78;
	v7 =	vld.msk [tilespmem:s30+$0xFFFFFFF8], $0xff;
	[tilespmem:s21+$0xFFFFFFFF ss:$0x81] =	vst.msk $0xff, v1  }
.Ltmp3:
0x67: {  	[tilespmem:s0+$0xFFFFFFFA ss:$0x81] =	vst.msk $0xff, v4;
	v0 =	vld.msk [tilespmem:s25+$0x18], $0xff;
	s25 =	smov.u32 s27;
	s27 =	smov.u32 s29;
	(pc) =	sbr.rel @p1 .LBB1_4-.Ltmp3, $4  }
0x68: {  	s0 =	sadd.s32 $0x8, s0;
	s29 =	smov.u32 s30;
	s30 =	smov.u32 s3;
	v3 =	vld.msk [tilespmem:s3+$0xFFFFFFF0], $0xff;
	[tilespmem:s24+$0xFFFFFFFE ss:$0x81] =	vst.msk $0xff, v2  }
0x69: {  	s3 =	smov.u32 s6;
	[tilespmem:s0+$0xFFFFFFF9 ss:$0x81] =	vst.msk $0xff, v5;
	v1 =	vld.msk [tilespmem:s25+$0x10], $0xff  }
0x6a: {  	v4 =	vld.msk [tilespmem:s6+$0xFFFFFFE8], $0xff;
	[tilespmem:s26+$0xFFFFFFFD ss:$0x81] =	vst.msk $0xff, v6  }
0x6b: {  	s6 =	sadd.s32 $0x40, s6;
	[tilespmem:s28+$0xFFFFFFFC ss:$0x81] =	vst.msk $0xff, v7;
	v2 =	vld.msk [tilespmem:s27+$0x8], $0xff  }
0x6c: {  	_ =	sdelay $0x2  }
0x6d: {  	[tilespmem:s0+$0xFFFFFFFA ss:$0x81] =	vst.msk $0xff, v4  }
0x6e: {  	v4 =	vld.msk [tilespmem:s3+$0xFFFFFFF0], $0xff;
	_ =	sdelay $0x3  }
0x6f: {  	[tilespmem:s31+$0xFFFFFFFB ss:$0x81] =	vst.msk $0xff, v3  }
0x70: {  	v3 =	vld.msk [tilespmem:s30+$0xFFFFFFF8], $0xff;
	[tilespmem:s0+$0xFFFFFFFB ss:$0x81] =	vst.msk $0xff, v4  }
0x71: {  	v4 =	vld.msk [tilespmem:s3+$0xFFFFFFF8], $0xff;
	_ =	sdelay $0x3  }
0x72: {  	v5 =	vld.msk [tilespmem:s29+$0x0], $0xff;
	[tilespmem:s31+$0xFFFFFFFC ss:$0x81] =	vst.msk $0xff, v3  }
0x73: {  	v3 =	vld.msk [tilespmem:s30+$0x0], $0xff;
	[tilespmem:s0+$0xFFFFFFFC ss:$0x81] =	vst.msk $0xff, v4  }
0x74: {  	v4 =	vld.msk [tilespmem:s3+$0x0], $0xff;
	_ =	sdelay $0x2  }
0x75: {  	[tilespmem:s28+$0xFFFFFFFD ss:$0x81] =	vst.msk $0xff, v5  }
0x76: {  	v5 =	vld.msk [tilespmem:s29+$0x8], $0xff;
	[tilespmem:s31+$0xFFFFFFFD ss:$0x81] =	vst.msk $0xff, v3  }
0x77: {  	v3 =	vld.msk [tilespmem:s30+$0x8], $0xff;
	[tilespmem:s0+$0xFFFFFFFD ss:$0x81] =	vst.msk $0xff, v4  }
0x78: {  	v4 =	vld.msk [tilespmem:s3+$0x8], $0xff;
	_ =	sdelay $0x1  }
0x79: {  	[tilespmem:s26+$0xFFFFFFFE ss:$0x81] =	vst.msk $0xff, v2  }
0x7a: {  	v2 =	vld.msk [tilespmem:s27+$0x10], $0xff;
	[tilespmem:s28+$0xFFFFFFFE ss:$0x81] =	vst.msk $0xff, v5  }
0x7b: {  	v5 =	vld.msk [tilespmem:s29+$0x10], $0xff;
	[tilespmem:s31+$0xFFFFFFFE ss:$0x81] =	vst.msk $0xff, v3  }
0x7c: {  	v3 =	vld.msk [tilespmem:s30+$0x10], $0xff;
	[tilespmem:s0+$0xFFFFFFFE ss:$0x81] =	vst.msk $0xff, v4  }
0x7d: {  	v4 =	vld.msk [tilespmem:s3+$0x10], $0xff  }
0x7e: {  	[tilespmem:s24+$0xFFFFFFFF ss:$0x81] =	vst.msk $0xff, v1  }
0x7f: {  	v1 =	vld.msk [tilespmem:s25+$0x18], $0xff;
	[tilespmem:s26+$0xFFFFFFFF ss:$0x81] =	vst.msk $0xff, v2  }
0x80: {  	v2 =	vld.msk [tilespmem:s27+$0x18], $0xff;
	[tilespmem:s28+$0xFFFFFFFF ss:$0x81] =	vst.msk $0xff, v5  }
0x81: {  	v61 =	vld.msk [tilespmem:s29+$0x18], $0xff;
	[tilespmem:s31+$0xFFFFFFFF ss:$0x81] =	vst.msk $0xff, v3  }
0x82: {  	s23 =	sadd.s32 $0x1, s23;
	v62 =	vld.msk [tilespmem:s30+$0x18], $0xff;
	[tilespmem:s0+$0xFFFFFFFF ss:$0x81] =	vst.msk $0xff, v4  }
0x83: {  	[tilespmem:s21+$0x0 ss:$0x81] =	vst.msk $0xff, v0;
	p1 =	sne.s32 s23, $0x4;
	v63 =	vld.msk [tilespmem:s3+$0x18], $0xff  }
.Ltmp4:
0x84: {  	[tilespmem:s24+$0x0 ss:$0x81] =	vst.msk $0xff, v1;
	(pc) =	sbr.rel @p1 .LBB1_3-.Ltmp4, $4  }
0x85: {  	[tilespmem:s26+$0x0 ss:$0x81] =	vst.msk $0xff, v2  }
0x86: {  	[tilespmem:s28+$0x0 ss:$0x81] =	vst.msk $0xff, v61  }
0x87: {  	[tilespmem:s31+$0x0 ss:$0x81] =	vst.msk $0xff, v62  }
0x88: {  	s12 =	sadd.s32 $0x408, s12;
	s22 =	sadd.s32 $0x400, s22;
	[tilespmem:s0+$0x0 ss:$0x81] =	vst.msk $0xff, v63  }
0x89: {  	s0 =	sshll.u32 s19, $0x3  }
0x8a: {  	s3 =	sand.u32 $0x7F, s19;
	s5 =	sand.u32 $0xFFFFFC00, s0  }
0x8b: {  	s0 =	smulhi.u32 $0x38E38E39, s0;
	s3 =	sor.u32 s3, s5  }
0x8c: {  	s5 =	smulhi.u32 $0x38E38E39, s3  }
0x8d: {  	s6 =	smul.u32 $0x1B0000, s18  }
0x8e: {  	s12 =	smul.u32 $0x24000, s17;
	s0 =	sshrl.u32 s0, $0xF;
	s5 =	sshrl.u32 s5, $0xF  }
0x8f: {  	s0 =	sand.u32 $0x7, s0;
	s5 =	smul.u32 $0x24000, s5  }
0x90: {  	s27 =	rddreg [dreg:$0x2];
	s0 =	smul.u32 $0x4800, s0  }
.Ltmp5:
0x91: {  	s3 =	ssub.s32 s3, s5;
	s5 =	sadd.s32 s27, s6;
	(pc) =	sbr.rel .LBB1_7-.Ltmp5, $4  }
0x92: {  	s5 =	sadd.s32 s12, s5;
	s28 =	sand.u32 $0x7, s3  }
0x93: {  	s3 =	sshrl.u32 s3, $0x3;
	s0 =	sadd.s32 s0, s5;
	s29 =	sshll.u32 s28, $0x12  }
0x94: {  	s31 =	simm.s32 $0x120000;
	s0 =	sadd.s32 s3, s0;
	s30 =	sor.u32 $0x400, s29  }
0x95: {  	[hbm4b:s0+s30] =	stream.strided.scatter [tilespmem:s20], [sflag:$0x2], $0x1000, s31, s30, $0x20;
	[tilespmem:$0x4040] =	vst v63  }
.LBB1_8:
0x96: {  	_ =	sfence.sel $0x180000  }
0x97: {  	s0 =	simm.s32 $0x1;
	[bflag:$0x0] =	sbarrier.arrive $0xFFFF  }
0x98: {  	s30 =	simm.s32 $0x2;
	[sflag:s0] =	ssyncpa.u1 $0x1  }
0x99: {  	[sflag:s30] =	ssyncpa.u1 $0x1  }
0x9a: {  	_ =	strace $0x9000004A  }
0x9b: {  	s31 =	stileid.u32;
	[bflag:$0x2] =	sbarrier.arrive $0xFFFF  }
0x9c: {  	p0 =	sne.s32 s31, $0x0;
	s0 =	rddreg [dreg:$0x1]  }
0x9d: {  	s0 =	sadd.s32 @!p0 $0x100000, s0  }
0x9e: {  	[sflag:s0] =	ssyncadd.tile.s32 @!p0 $0x1;
	_ =	shalt  }
.Lfunc_end1:
_tile_overlayer_lowered:
.L_overlay_start_2:
0x9f: {  	(tag) =	ssettag $0x2  }
0xa0: {  	s0 =	rddreg [dreg:$0x0];
	s2 =	stileid.u32  }
0xa1: {  	s1 =	rddreg [dreg:$0x1];
	p0 =	sne.s32 s2, $0x0  }
0xa2: {  	s3 =	rddreg [dreg:$0x2];
	[bflag:$0x3] =	sbarrier.arrive $0xFFFF;
	s2 =	simm.s32 @!p0 $0x1C01  }
0xa3: {  	[timem:s3], [sflag:s2] =	dma.local @!p0 [hbm:s0], s1  }
0xa4: {  	s0 =	simm.s32 @!p0 $0x1  }
0xa5: {  	_ =	swait.ge @!p0 [sflag:s0], s1  }
0xa6: {  	s1 =	ssub.s32 @!p0 $0x0, s1;
	[sflag:s0] =	ssyncset.done @!p0 $0x0  }
0xa7: {  	[sflag:s0] =	ssyncadd.s32 @!p0 s1  }
0xa8: {  	[bflag:$0x3] =	sbarrier.arrive $0xFFFF  }
0xa9: {  	_ =	shalt  }

// kernel: sparse-core-data-format-call.cloned.1.call-start
scs
called_computation_lowered:
.L_overlay_start_0:
0x0: {  	s2 =	sld [smem:$0x3FD9]  }
0x1: {  	s3 =	sld [smem:$0x3FFE];
	_ =	sdelay $0x1  }
0x2: {  	s1 =	srdreg.scid  }
0x3: {  	s0 =	sand.u32 $0x1, s1  }
0x4: {  	s18 =	sshll.u32 s0, $0xA;
	s2 =	sadd.s32 s3, s2  }
0x5: {  	s2 =	sadd.s32 s2, s18  }
0x6: {  	[smem:$0x3FC5] =	sst s2  }
0x7: {  	_ = 	snop  }
0x8: {  	s2 =	sld [smem:$0x3FD0];
	(tm) =	ssettm $0x1  }
0x9: {  	s19 =	sld [smem:$0x3FFB];
	_ =	sdelay $0x3  }
0xa: {  	_ =	strace s19  }
0xb: {  	s3 =	sld [smem:$0x3FFC];
	_ =	sdelay $0x3  }
0xc: {  	_ =	strace s3  }
0xd: {  	s3 =	sld [smem:$0x3FFD];
	_ =	sdelay $0x3  }
0xe: {  	_ =	strace s3  }
0xf: {  	_ =	strace $0x8FFFFFFF  }
0x10: {  	s20 =	sld [smem:$0x3FDB];
	_ =	sdelay $0x1  }
0x11: {  	s4 =	simm.s32 $_scs_section_size  }
0x12: {  	s5 =	simm.s32 $_size__tile_overlayer_lowered;
	s6 =	simm.s32 $_tile_overlayer_lowered  }
0x13: {  	s23 =	simm.s32 $0x1BFF;
	s22 =	sshll.u32 s6, $0x1;
	s3 =	sadd.s32 s4, s20  }
0x14: {  	s7 =	simm.s32 $0x0;
	s21 =	sshll.u32 s5, $0x1;
	s5 =	sadd.s32 s22, s3  }
0x15: {  	[timem:s7], [sflag:s23] =	dma.local [hbm:s5], s21  }
0x16: {  	_ =	swait.ge [sflag:s23], s21  }
0x17: {  	s4 =	ssub.s32 $0x0, s21;
	[sflag:s23] =	ssyncset.done $0x0  }
0x18: {  	[sflag:s23] =	ssyncadd.s32 s4;
	_ =	sdelay $0x1  }
0x19: {  	s24 =	simm.s32 $0x1B8B  }
0x1a: {  	_ =	swait.ge [sflag:s24], $0x1  }
0x1b: {  	[sflag:s24] =	ssyncset.done $0x0  }
0x1c: {  	s26 =	simm.s32 $0x1B8E;
	s25 =	sld [smem:$0x3FFE];
	[sflag:s24] =	ssyncadd.s32 $0xFFFFFFFF  }
0x1d: {  	s27 =	simm.s32 $execute0_lowered;
	[smem:$0x3FD2] =	sst s26  }
0x1e: {  	s5 =	sshll.u32 s27, $0x1;
	_ =	strace $0x8000004C;
	[dreg:$0x1] =	wrdreg $0xFFFFFFFF  }
0x1f: {  	s28 =	simm.s32 $_size_execute0_lowered;
	s3 =	sadd.s32 s3, s5;
	[dreg:$0x0] =	wrdreg $0x0  }
0x20: {  	s5 =	sshll.u32 s28, $0x1;
	[dreg:$0x2] =	wrdreg s3  }
0x21: {  	[dreg:$0x3] =	wrdreg s5  }
0x22: {  	[dreg:$0x4] =	wrdreg $0xC0  }
0x23: {  	_ =	task [dreg:s7], $0x5FFFF  }
0x24: {  	[dreg:$0x1] =	wrdreg $0xFFFFFFFF  }
0x25: {  	[dreg:$0x0] =	wrdreg $0x60  }
0x26: {  	[dreg:$0x2] =	wrdreg s25  }
0x27: {  	[dreg:$0x3] =	wrdreg s2  }
0x28: {  	[dreg:$0x4] =	wrdreg $0x9  }
0x29: {  	_ =	task.clear_ibuf [dreg:s7], $0x5FFFF;
	_ =	strace $0x9000004C  }
0x2a: {  	s29 =	simm.s32 $0x9;
	_ =	strace $0x8000004E  }
0x2b: {  	_ =	swait.ge [sflag:s29], $0x1  }
0x2c: {  	[sflag:s29] =	ssyncadd.s32 $0xFFFFFFFF  }
0x2d: {  	_ =	strace $0x9000004E  }
0x2e: {  	_ =	sfence  }
0x2f: {  	s30 =	sld [smem:$0x0];
	_ =	sdelay $0x2  }
0x30: {  	s31 =	sshll.u32 s1, $0xD;
	s1 =	sshrl.u32 s1, $0x2  }
0x31: {  	s3 =	sand.u32 $0x4000, s31;
	s1 =	sadd.s32 s1, s30  }
0x32: {  	s0 =	sor.u32 s3, s0;
	s1 =	sshll.u32 s1, $0x11  }
0x33: {  	s0 =	sor.u32 s1, s0  }
0x34: {  	s0 =	sadd.s32 $0x8F2B, s0  }
0x35: {  	[sflag:s0] =	ssyncadd.remote.s32 $0x1  }
0x36: {  	_ =	sfence.sel $0xFFFF  }
0x37: {  	[dreg:$0x0] =	wrdreg $0xFFFFFFFF;
	(pc) =	sbr.abs _section_cstart, $3  }
0x38: {  	[dreg:$0x1] =	wrdreg $0xFFFFFFFF  }
0x39: {  	_ =	task.clear_ibuf [dreg:s7], $0x2FFFF;
	_ =	strace $0x9FFFFFFF  }
0x3a: {  	(tm) =	ssettm $0x7FFFFFFF  }
0x3b: {  	_ =	shalt  }
tec
execute0_lowered:
.L_overlay_start_1:
0x0: {  	(tag) =	ssettag $0x1  }
0x1: {  	s1 =	rddreg [dreg:$0x0]  }
0x2: {  	s2 =	rddreg [dreg:$0x1]  }
0x3: {  	s0 =	rddreg [dreg:$0x2];
	s4 =	srdreg.scid  }
0x4: {  	_ =	strace $0x8000004D;
	s7 =	simm.s32 $0x2;
	s15 =	simm.s32 $0x0  }
0x5: {  	p0 =	por $0x0, $0x0;
	s13 =	simm.s32 $0x0;
	s16 =	simm.s32 $0x0  }
0x6: {  	s14 =	simm.s32 $0x0;
	s9 =	simm.s32 $0x0;
	s11 =	simm.s32 $0x0  }
.Ltmp0:
0x7: {  	s3 =	sadd.s32 $0x1200, s1;
	s4 =	sshll.u32 s4, $0x4;
	(pc) =	sbr.rel .LBB1_1-.Ltmp0, $4  }
0x8: {  	s1 =	stileid.u32;
	s5 =	sand.u32 $0x10, s4;
	s4 =	simm.s32 $0x1  }
0x9: {  	s8 =	simm.s32 $0x0;
	s6 =	sor.u32 s1, s5;
	[sflag:s4] =	ssyncpa.u1 $0x0  }
0xa: {  	s5 =	sand.u32 $0x3, s1;
	s6 =	sshrl.u32 s6, $0x2;
	[sflag:s7] =	ssyncpa.u1 $0x0  }
0xb: {  	s7 =	simm.s32 $0xC00;
	s12 =	smov.u32 s5;
	s10 =	smov.u32 s6  }
.LBB1_5:
0xc: {  	s17 =	sadd.s32 $0x80, s9  }
0xd: {  	s13 =	sadd.s32 $0x8, s10;
	s18 =	smov.u32 s10;
	p2 =	sgt.s32 s17, $0x17F  }
0xe: {  	s18 =	smov.u32 @p2 s13  }
0xf: {  	s19 =	smov.u32 s11;
	s13 =	sadd.s32 $0x80, s11;
	p3 =	sgt.s32 s18, $0x7  }
0x10: {  	s19 =	smov.u32 @p3 s13  }
0x11: {  	s20 =	smov.u32 s12;
	s13 =	sadd.s32 $0x4, s12;
	p4 =	sgt.s32 s19, $0x17F  }
0x12: {  	p1 =	slt.u32 s8, $0x2;
	s20 =	smov.u32 @p4 s13  }
0x13: {  	s8 =	sadd.s32 $0x1, s8;
	s17 =	simm.s32 @p2 $0x0;
	p2 =	sgt.s32 s20, $0x17  }
0x14: {  	s15 =	smov.u32 s9;
	s20 =	smov.u32 @p2 s5;
	p2 =	sne.s32 s8, $0x38  }
.Ltmp1:
0x15: {  	s16 =	smov.u32 s11;
	s21 =	simm.s32 @!p1 $0x2;
	(pc) =	sbr.rel @!p2 .LBB1_6-.Ltmp1, $4  }
0x16: {  	s14 =	smov.u32 s12;
	p0 =	por !p0, !p0;
	_ =	swait.ge @!p1 [sflag:s21], $0x4000  }
0x17: {  	[sflag:s21] =	ssyncset.done @!p1 $0x0;
	s9 =	smov.u32 s17;
	s18 =	smov.u32 @p3 s6  }
0x18: {  	[sflag:s21] =	ssyncadd.s32 @!p1 $0xFFFFC000;
	s19 =	simm.s32 @p4 $0x0;
	s13 =	smov.u32 s10  }
0x19: {  	s10 =	smov.u32 s18;
	s11 =	smov.u32 s19;
	s12 =	smov.u32 s20  }
.LBB1_1:
0x1a: {  	p1 =	sgt.u32 s8, $0x35  }
0x1b: {  	s17 =	sshrl.u32 @!p1 s10, $0x3  }
0x1c: {  	s18 =	sshll.u32 @!p1 s9, $0x3;
	s17 =	smul.u32 @!p1 $0xC00, s17  }
0x1d: {  	s19 =	sshll.u32 @!p1 s10, $0x7;
	s18 =	sand.u32 @!p1 $0xFFFFFC00, s18  }
0x1e: {  	s17 =	sadd.s32 @!p1 s17, s18;
	s18 =	sand.u32 @!p1 $0x380, s19  }
0x1f: {  	s19 =	sand.u32 @!p1 $0x7F, s9;
	s17 =	sor.u32 @!p1 s18, s17  }
0x20: {  	s18 =	sor.u32 @!p1 s19, s17  }
0x21: {  	s19 =	smulhi.u32 @!p1 $0xAAAAAAAB, s18  }
0x22: {  	s17 =	smulhi.u32 @!p1 $0xAAAAAAAB, s17  }
0x23: {  	s21 =	smul.u32 @!p1 $0x24000, s12;
	s19 =	sshrl.u32 @!p1 s19, $0x8  }
0x24: {  	s20 =	sxor.u32 @!p1 $0xFFFFFFFF, s8;
	s17 =	sshrl.u32 @!p1 s17, $0x8;
	s19 =	smul.u32 @!p1 $0x180, s19  }
0x25: {  	s22 =	smul.u32 @!p1 $0x180, s11;
	s20 =	sshll.u32 @!p1 s20, $0xE;
	s17 =	sand.u32 @!p1 $0x7, s17  }
0x26: {  	s17 =	smul.u32 @!p1 $0x30, s17;
	s18 =	ssub.s32 @!p1 s18, s19;
	s19 =	sadd.s32 @!p1 s3, s21  }
0x27: {  	s20 =	sand.u32 @!p1 $0x4000, s20;
	s19 =	sadd.s32 @!p1 s22, s19;
	s21 =	sand.u32 @!p1 $0x7, s18  }
0x28: {  	s18 =	sshrl.u32 @!p1 s18, $0x3;
	s17 =	sadd.s32 @!p1 s17, s19;
	s19 =	sshll.u32 @!p1 s21, $0x12  }
0x29: {  	s17 =	sadd.s32 @!p1 s18, s17;
	s18 =	sor.u32 @!p1 $0x80, s19;
	s19 =	simm.s32 @!p1 $0xC00  }
0x2a: {  	[tilespmem:s20], [sflag:$0x1] =	stream.strided.gather @!p1 [hbm4b:s17+s18], $0x4000, s19, s18, $0x38;
	[tilespmem:$0x10000] =	vst v63  }
0x2b: {  	p1 =	seq.s32 s8, $0x0  }
0x2c: {  	p2 =	seq.s32 @!p1 s8, $0x37  }
0x2d: {  	p1 =	por p1, p2  }
.Ltmp2:
0x2e: {  	_ = 	snop;
	(pc) =	sbr.rel @p1 .LBB1_5-.Ltmp2, $1  }
0x2f: {  	_ =	sdelay $0x3  }
0x30: {  	s17 =	simm.s32 $0x1  }
0x31: {  	s17 =	simm.s32 @!p0 $0x0  }
0x32: {  	s17 =	sshll.u32 s17, $0xE  }
0x33: {  	s18 =	sor.u32 $0x70, s17  }
0x34: {  	v1 =	vmov s18;
	_ =	sdelay $0x1  }
0x35: {  	_ =	swait.ge [sflag:s4], $0x4000  }
0x36: {  	[sflag:s4] =	ssyncset.done $0x0  }
0x37: {  	s19 =	simm.s32 $0x0;
	[sflag:s4] =	ssyncadd.s32 $0xFFFFC000  }
0x38: {  	s17 =	sor.u32 $0x8040, s17;
	v6 =	vld.idx.msk [tilespmem:v1+s19+$0x0 ss:$0x1], $0xffff  }
0x39: {  	v0 =	vmov s17;
	v8 =	vld.idx.msk [tilespmem:v1+s19+$0xFFFFFF90 ss:$0x1], $0xffff  }
0x3a: {  	v7 =	vld.idx.msk [tilespmem:v1+s19+$0xFFFFFFA0 ss:$0x1], $0xffff  }
0x3b: {  	v5 =	vld.idx.msk [tilespmem:v1+s19+$0xFFFFFFB0 ss:$0x1], $0xffff  }
0x3c: {  	v4 =	vld.idx.msk [tilespmem:v1+s19+$0xFFFFFFC0 ss:$0x1], $0xffff  }
0x3d: {  	s31 =	sshll.u32 s8, $0xE;
	v2 =	vld.idx.msk [tilespmem:v1+s19+$0xFFFFFFD0 ss:$0x1], $0xffff  }
0x3e: {  	s17 =	sand.u32 $0x4000, s31;
	v3 =	vld.idx.msk [tilespmem:v1+s19+$0xFFFFFFE0 ss:$0x1], $0xffff;
	[tilespmem:v0+s19+$0x30 ss:$0x1] =	vst.idx.msk $0xffff, v6  }
0x3f: {  	s20 =	simm.s32 $0x400;
	s18 =	simm.s32 $0x80;
	s17 =	sor.u32 $0x8000, s17;
	[tilespmem:v0+s19+$0xFFFFFFC0 ss:$0x1] =	vst.idx.msk $0xffff, v8;
	v6 =	vld.idx.msk [tilespmem:v1+s19+$0xFFFFFFF0 ss:$0x1], $0xffff  }
.LBB1_3:
0x40: {  	p1 =	sne.s32 s20, $0xFE00;
	v8 =	vld.idx.msk [tilespmem:v1+s18+$0x0 ss:$0x1], $0xffff;
	[tilespmem:v0+s19+$0xFFFFFFD0 ss:$0x1] =	vst.idx.msk $0xffff, v7  }
0x41: {  	v9 =	vld.idx.msk [tilespmem:v1+s18+$0xFFFFFF90 ss:$0x1], $0xffff;
	[tilespmem:v0+s19+$0xFFFFFFE0 ss:$0x1] =	vst.idx.msk $0xffff, v5  }
0x42: {  	v7 =	vld.idx.msk [tilespmem:v1+s18+$0xFFFFFFA0 ss:$0x1], $0xffff;
	[tilespmem:v0+s19+$0xFFFFFFF0 ss:$0x1] =	vst.idx.msk $0xffff, v4  }
.Ltmp3:
0x43: {  	v5 =	vld.idx.msk [tilespmem:v1+s18+$0xFFFFFFB0 ss:$0x1], $0xffff;
	[tilespmem:v0+s19+$0x0 ss:$0x1] =	vst.idx.msk $0xffff, v2;
	(pc) =	sbr.rel @p1 .LBB1_3-.Ltmp3, $4  }
0x44: {  	v4 =	vld.idx.msk [tilespmem:v1+s18+$0xFFFFFFC0 ss:$0x1], $0xffff;
	[tilespmem:v0+s19+$0x10 ss:$0x1] =	vst.idx.msk $0xffff, v3  }
0x45: {  	v2 =	vld.idx.msk [tilespmem:v1+s18+$0xFFFFFFD0 ss:$0x1], $0xffff;
	[tilespmem:v0+s19+$0x20 ss:$0x1] =	vst.idx.msk $0xffff, v6;
	s19 =	smov.u32 s18  }
0x46: {  	v3 =	vld.idx.msk [tilespmem:v1+s19+$0xFFFFFFE0 ss:$0x1], $0xffff;
	[tilespmem:v0+s19+$0x30 ss:$0x1] =	vst.idx.msk $0xffff, v8  }
0x47: {  	s18 =	sshra.s32 s20, $0x2;
	s20 =	sadd.s32 $0x200, s20;
	[tilespmem:v0+s19+$0xFFFFFFC0 ss:$0x1] =	vst.idx.msk $0xffff, v9;
	v6 =	vld.idx.msk [tilespmem:v1+s19+$0xFFFFFFF0 ss:$0x1], $0xffff  }
0x48: {  	s20 =	sshrl.u32 s16, $0x3  }
0x49: {  	s21 =	sshll.u32 s15, $0x3;
	s20 =	smul.u32 $0xC00, s20  }
0x4a: {  	s26 =	sshll.u32 s16, $0x7;
	s21 =	sand.u32 $0xFFFFFC00, s21  }
0x4b: {  	s16 =	sand.u32 $0x380, s26;
	s20 =	sadd.s32 s20, s21  }
0x4c: {  	[tilespmem:v0+s19+$0xFFFFFFD0 ss:$0x1] =	vst.idx.msk $0xffff, v7;
	s27 =	sand.u32 $0x7F, s15;
	s16 =	sor.u32 s16, s20  }
0x4d: {  	v56 =	vld.idx.msk [tilespmem:v1+s18+$0x0 ss:$0x1], $0xffff;
	[tilespmem:v0+s19+$0xFFFFFFE0 ss:$0x1] =	vst.idx.msk $0xffff, v5;
	s15 =	sor.u32 s27, s16;
	s16 =	smulhi.u32 $0xAAAAAAAB, s16  }
0x4e: {  	v57 =	vld.idx.msk [tilespmem:v1+s18+$0xFFFFFF90 ss:$0x1], $0xffff;
	[tilespmem:v0+s19+$0xFFFFFFF0 ss:$0x1] =	vst.idx.msk $0xffff, v4  }
0x4f: {  	v58 =	vld.idx.msk [tilespmem:v1+s18+$0xFFFFFFA0 ss:$0x1], $0xffff;
	s14 =	smul.u32 $0x24000, s14;
	[tilespmem:v0+s19+$0x0 ss:$0x1] =	vst.idx.msk $0xffff, v2;
	s16 =	sshrl.u32 s16, $0x8  }
0x50: {  	v59 =	vld.idx.msk [tilespmem:v1+s18+$0xFFFFFFB0 ss:$0x1], $0xffff;
	[tilespmem:v0+s19+$0x10 ss:$0x1] =	vst.idx.msk $0xffff, v3;
	s30 =	smulhi.u32 $0xAAAAAB, s16  }
0x51: {  	v60 =	vld.idx.msk [tilespmem:v1+s18+$0xFFFFFFC0 ss:$0x1], $0xffff;
	[tilespmem:v0+s19+$0x20 ss:$0x1] =	vst.idx.msk $0xffff, v6;
	s28 =	smulhi.u32 $0xAAAAAAAB, s15  }
0x52: {  	v61 =	vld.idx.msk [tilespmem:v1+s18+$0xFFFFFFD0 ss:$0x1], $0xffff;
	[tilespmem:v0+s18+$0x30 ss:$0x1] =	vst.idx.msk $0xffff, v56;
	s20 =	smul.u32 $0x180, s30  }
0x53: {  	v62 =	vld.idx.msk [tilespmem:v1+s18+$0xFFFFFFE0 ss:$0x1], $0xffff;
	s13 =	smul.u32 $0x4800, s13;
	[tilespmem:v0+s18+$0xFFFFFFC0 ss:$0x1] =	vst.idx.msk $0xffff, v57;
	s29 =	sshrl.u32 s28, $0x8  }
0x54: {  	v63 =	vld.idx.msk [tilespmem:v1+s18+$0xFFFFFFF0 ss:$0x1], $0xffff;
	[tilespmem:v0+s18+$0xFFFFFFD0 ss:$0x1] =	vst.idx.msk $0xffff, v58;
	s19 =	smul.u32 $0x180, s29;
	s16 =	ssub.s32 s16, s20  }
0x55: {  	[tilespmem:v0+s18+$0xFFFFFFE0 ss:$0x1] =	vst.idx.msk $0xffff, v59;
	s16 =	smul.u32 $0x30, s16  }
.Ltmp4:
0x56: {  	s14 =	sadd.s32 s2, s14;
	[tilespmem:v0+s18+$0xFFFFFFF0 ss:$0x1] =	vst.idx.msk $0xffff, v60;
	s15 =	ssub.s32 s15, s19;
	(pc) =	sbr.rel .LBB1_5-.Ltmp4, $4  }
0x57: {  	s13 =	sadd.s32 s13, s14;
	[tilespmem:v0+s18+$0x0 ss:$0x1] =	vst.idx.msk $0xffff, v61;
	s31 =	sand.u32 $0x7, s15  }
0x58: {  	[tilespmem:v0+s18+$0x10 ss:$0x1] =	vst.idx.msk $0xffff, v62;
	s15 =	sshrl.u32 s15, $0x3;
	s14 =	sshll.u32 s31, $0x12;
	s13 =	sadd.s32 s16, s13  }
0x59: {  	[tilespmem:v0+s18+$0x20 ss:$0x1] =	vst.idx.msk $0xffff, v63;
	s14 =	sor.u32 $0x400, s14;
	s13 =	sadd.s32 s15, s13  }
0x5a: {  	[hbm4b:s13+s14] =	stream.strided.scatter [tilespmem:s17], [sflag:$0x2], $0x4000, s7, s14, $0x38;
	[tilespmem:$0x10000] =	vst v63  }
.LBB1_6:
0x5b: {  	_ =	sfence.sel $0x180000  }
0x5c: {  	s2 =	simm.s32 $0x1;
	[bflag:$0x0] =	sbarrier.arrive $0xFFFF  }
0x5d: {  	s31 =	simm.s32 $0x2;
	[sflag:s2] =	ssyncpa.u1 $0x1  }
0x5e: {  	[sflag:s31] =	ssyncpa.u1 $0x1  }
0x5f: {  	p0 =	sne.s32 s1, $0x0;
	_ =	strace $0x9000004D  }
0x60: {  	s0 =	sadd.s32 @!p0 $0x100000, s0;
	[bflag:$0x2] =	sbarrier.arrive $0xFFFF  }
0x61: {  	[sflag:s0] =	ssyncadd.tile.s32 @!p0 $0x1;
	_ =	shalt  }
.Lfunc_end1:
_tile_overlayer_lowered:
.L_overlay_start_2:
0x62: {  	(tag) =	ssettag $0x2  }
0x63: {  	s0 =	rddreg [dreg:$0x0];
	s2 =	stileid.u32  }
0x64: {  	s1 =	rddreg [dreg:$0x1];
	p0 =	sne.s32 s2, $0x0  }
0x65: {  	s3 =	rddreg [dreg:$0x2];
	[bflag:$0x3] =	sbarrier.arrive $0xFFFF;
	s2 =	simm.s32 @!p0 $0x1C01  }
0x66: {  	[timem:s3], [sflag:s2] =	dma.local @!p0 [hbm:s0], s1  }
0x67: {  	s0 =	simm.s32 @!p0 $0x1  }
0x68: {  	_ =	swait.ge @!p0 [sflag:s0], s1  }
0x69: {  	s1 =	ssub.s32 @!p0 $0x0, s1;
	[sflag:s0] =	ssyncset.done @!p0 $0x0  }
0x6a: {  	[sflag:s0] =	ssyncadd.s32 @!p0 s1  }
0x6b: {  	[bflag:$0x3] =	sbarrier.arrive $0xFFFF  }
0x6c: {  	_ =	shalt  }

</sc_bundles>
